<compile_context>
chip_gen: v7x
topology: tpu7x:2x2x1
jax: 0.10.2.dev20260603
libtpu: 0.0.44.dev20260713+nightly
codegen_flags: <defaults>
</compile_context>

<pallas_src>
import functools

import jax
import jax.numpy as jnp
from jax import lax
from jax.experimental import pallas as pl
from jax.experimental.pallas import tpu as pltpu
from jax.experimental.pallas import tpu_sc as plsc

N = 10000
D_IN = 128
H1, C1 = 4, 128
H2, C2 = 4, 32
E = 320000

NC, NS, L = 2, 16, 16

CHUNK = 64
DEPTH = 3
EDGES_PER_TEC = ((E + NS * CHUNK * DEPTH - 1) // (NS * CHUNK * DEPTH)) * (CHUNK * DEPTH)
E_PAD = EDGES_PER_TEC * NS
N_CHUNKS = EDGES_PER_TEC // CHUNK
N_GROUPS = N_CHUNKS // DEPTH

NROWS = 10240
W1ACC = 144
W2ACC = 96
ZROWS = NROWS // NS

_SC_MESH = plsc.VectorSubcoreMesh(core_axis_name="c", subcore_axis_name="s", num_cores=2, num_subcores=16)


def _leaky(z):
    return jnp.where(z > 0, z, 0.2 * z)


def _elu(z):
    return jnp.where(z > 0, z, jnp.exp(jnp.minimum(z, 0.0)) - 1.0)


def _zero_accum(outb, accum, sid, width, rows=CHUNK):

    def zrow(r, _):
        for i in range(width // L):
            outb[r, pl.ds(i * L, L)] = jnp.zeros((L,), jnp.float32)
        return 0

    lax.fori_loop(0, rows, zrow, 0)
    for k in range(ZROWS // rows):
        pltpu.sync_copy(outb, accum.at[pl.ds(sid * ZROWS + k * rows, rows)])


C1CH = 32
C1GRP = EDGES_PER_TEC // (2 * C1CH)


def _edge1_body(xl_h, xr_h, src_h, dst_h, att_h, out_h,
                accum, outb, attb,
                srcb0, dstb0, idxl0, idxr0, xlb0, xrb0, sem0,
                srcb1, dstb1, idxl1, idxr1, xlb1, xrb1, sem1):
    srcb = [srcb0, srcb1]
    dstb = [dstb0, dstb1]
    idxl = [idxl0, idxl1]
    idxr = [idxr0, idxr1]
    xlb = [xlb0, xlb1]
    xrb = [xrb0, xrb1]
    sem = [sem0, sem1]
    cid = lax.axis_index("c")
    sid = lax.axis_index("s")
    e0 = jnp.where(lax.iota(jnp.int32, L) == 0, 1.0, 0.0).astype(jnp.float32)
    base = sid * EDGES_PER_TEC

    for r in range(2):
        head = 2 * cid + r
        _zero_accum(outb, accum, sid, W1ACC, C1CH)
        pltpu.sync_copy(att_h, attb)
        plsc.subcore_barrier()

        def group_body(j, _):
            offg = base + j * (2 * C1CH)
            gs = []
            for b in range(2):
                off = offg + b * C1CH
                pltpu.sync_copy(src_h.at[pl.ds(off, C1CH)], srcb[b])
                pltpu.sync_copy(dst_h.at[pl.ds(off, C1CH)], dstb[b])
                for i in range(C1CH // L):
                    sl = pl.ds(i * L, L)
                    idxl[b][sl] = srcb[b][sl] * H1 + head
                    idxr[b][sl] = dstb[b][sl] * H1 + head
                g1 = pltpu.async_copy(xl_h.at[idxl[b]], xlb[b], sem[b])
                g2 = pltpu.async_copy(xr_h.at[idxr[b]], xrb[b], sem[b])
                gs.append((g1, g2))
            for b in range(2):
                gs[b][0].wait()
                gs[b][1].wait()
                xlc, xrc = xlb[b], xrb[b]

                def edge_body(e, _):
                    acc = jnp.zeros((L,), jnp.float32)
                    for i in range(C1 // L):
                        sl = pl.ds(i * L, L)
                        z = _leaky(xlc[e, sl] + xrc[e, sl])
                        acc = acc + z * attb[head, sl]
                    av = jnp.exp(jnp.broadcast_to(jnp.sum(acc), (L,)))
                    for i in range(C1 // L):
                        sl = pl.ds(i * L, L)
                        outb[e, sl] = xlc[e, sl] * av
                    outb[e, pl.ds(C1, L)] = av * e0
                    return 0

                lax.fori_loop(0, C1CH, edge_body, 0)
                pltpu.sync_copy(outb, accum.at[dstb[b]], add=True)
            return 0

        lax.fori_loop(0, C1GRP, group_body, 0)
        plsc.subcore_barrier()
        pltpu.sync_copy(
            accum.at[pl.ds(sid * ZROWS, ZROWS)],
            out_h.at[pl.ds(head * NROWS + sid * ZROWS, ZROWS)])
        plsc.subcore_barrier()


def _edge_phase1(xl, xr, src_p, dst_p, att):
    buf = [
        pltpu.VMEM((C1CH,), jnp.int32),
        pltpu.VMEM((C1CH,), jnp.int32),
        pltpu.VMEM((C1CH,), jnp.int32),
        pltpu.VMEM((C1CH,), jnp.int32),
        pltpu.VMEM((C1CH, C1), jnp.float32),
        pltpu.VMEM((C1CH, C1), jnp.float32),
        pltpu.SemaphoreType.DMA,
    ]
    k = pl.kernel(
        _edge1_body,
        out_type=jax.ShapeDtypeStruct((H1 * NROWS, W1ACC), jnp.float32),
        mesh=_SC_MESH,
        scratch_types=[
            pltpu.VMEM_SHARED((NROWS, W1ACC), jnp.float32),
            pltpu.VMEM((C1CH, W1ACC), jnp.float32),
            pltpu.VMEM((H1, C1), jnp.float32),
        ] + buf * 2,
        compiler_params=pltpu.CompilerParams(needs_layout_passes=False, use_tc_tiling_on_sc=False),
    )
    return k(xl, xr, src_p, dst_p, att)


def _edge2_body(xl_h, xr_h, src_h, dst_h, att_h, out_h,
                accum, outb, attb,
                srcb0, dstb0, idxl0, idxr0, xlb0, xrb0, sem0,
                srcb1, dstb1, idxl1, idxr1, xlb1, xrb1, sem1,
                srcb2, dstb2, idxl2, idxr2, xlb2, xrb2, sem2):
    srcb = [srcb0, srcb1, srcb2]
    dstb = [dstb0, dstb1, dstb2]
    idxl = [idxl0, idxl1, idxl2]
    idxr = [idxr0, idxr1, idxr2]
    xlb = [xlb0, xlb1, xlb2]
    xrb = [xrb0, xrb1, xrb2]
    sem = [sem0, sem1, sem2]
    cid = lax.axis_index("c")
    sid = lax.axis_index("s")
    e0 = jnp.where(lax.iota(jnp.int32, L) == 0, 1.0, 0.0).astype(jnp.float32)
    base = sid * EDGES_PER_TEC

    _zero_accum(outb, accum, sid, W2ACC)
    pltpu.sync_copy(att_h, attb)
    plsc.subcore_barrier()

    def group_body(j, _):
        offg = base + j * (DEPTH * CHUNK)
        gs = []
        for b in range(DEPTH):
            off = offg + b * CHUNK
            pltpu.sync_copy(src_h.at[pl.ds(off, CHUNK)], srcb[b])
            pltpu.sync_copy(dst_h.at[pl.ds(off, CHUNK)], dstb[b])
            for i in range(CHUNK // L):
                sl = pl.ds(i * L, L)
                idxl[b][sl] = srcb[b][sl] * 2 + cid
                idxr[b][sl] = dstb[b][sl] * 2 + cid
            g1 = pltpu.async_copy(xl_h.at[idxl[b]], xlb[b], sem[b])
            g2 = pltpu.async_copy(xr_h.at[idxr[b]], xrb[b], sem[b])
            gs.append((g1, g2))
        for b in range(DEPTH):
            gs[b][0].wait()
            gs[b][1].wait()
            xlc, xrc = xlb[b], xrb[b]

            def edge_body(e, _):
                for hh in range(2):
                    acc = jnp.zeros((L,), jnp.float32)
                    for i in range(C2 // L):
                        sl = pl.ds(hh * C2 + i * L, L)
                        z = _leaky(xlc[e, sl] + xrc[e, sl])
                        acc = acc + z * attb[cid, sl]
                    av = jnp.exp(jnp.broadcast_to(jnp.sum(acc), (L,)))
                    for i in range(C2 // L):
                        outb[e, pl.ds(hh * 48 + i * L, L)] = (
                            xlc[e, pl.ds(hh * C2 + i * L, L)] * av)
                    outb[e, pl.ds(hh * 48 + C2, L)] = av * e0
                return 0

            lax.fori_loop(0, CHUNK, edge_body, 0)
            pltpu.sync_copy(outb, accum.at[dstb[b]], add=True)
        return 0

    lax.fori_loop(0, N_GROUPS, group_body, 0)
    plsc.subcore_barrier()
    pltpu.sync_copy(
        accum.at[pl.ds(sid * ZROWS, ZROWS)],
        out_h.at[pl.ds(cid * NROWS + sid * ZROWS, ZROWS)])


def _edge_phase2(xl, xr, src_p, dst_p, att):
    buf = [
        pltpu.VMEM((CHUNK,), jnp.int32),
        pltpu.VMEM((CHUNK,), jnp.int32),
        pltpu.VMEM((CHUNK,), jnp.int32),
        pltpu.VMEM((CHUNK,), jnp.int32),
        pltpu.VMEM((CHUNK, 2 * C2), jnp.float32),
        pltpu.VMEM((CHUNK, 2 * C2), jnp.float32),
        pltpu.SemaphoreType.DMA,
    ]
    k = pl.kernel(
        _edge2_body,
        out_type=jax.ShapeDtypeStruct((2 * NROWS, W2ACC), jnp.float32),
        mesh=_SC_MESH,
        scratch_types=[
            pltpu.VMEM_SHARED((NROWS, W2ACC), jnp.float32),
            pltpu.VMEM((CHUNK, W2ACC), jnp.float32),
            pltpu.VMEM((2, 2 * C2), jnp.float32),
        ] + buf * DEPTH,
        compiler_params=pltpu.CompilerParams(needs_layout_passes=False, use_tc_tiling_on_sc=False),
    )
    return k(xl, xr, src_p, dst_p, att)



RB = 512


def _mm1_body(h_ref, wl_ref, wr_ref, ol_ref, or_ref):
    hv = h_ref[...]
    ol_ref[...] = jnp.dot(hv, wl_ref[...], preferred_element_type=jnp.float32)
    or_ref[...] = jnp.dot(hv, wr_ref[...], preferred_element_type=jnp.float32)


def _project1(h, Wl, Wr):
    return pl.pallas_call(
        _mm1_body,
        grid=(NROWS // RB,),
        in_specs=[
            pl.BlockSpec((RB, D_IN), lambda i: (i, 0)),
            pl.BlockSpec((D_IN, H1 * C1), lambda i: (0, 0)),
            pl.BlockSpec((D_IN, H1 * C1), lambda i: (0, 0)),
        ],
        out_specs=[
            pl.BlockSpec((RB, H1 * C1), lambda i: (i, 0)),
            pl.BlockSpec((RB, H1 * C1), lambda i: (i, 0)),
        ],
        out_shape=[
            jax.ShapeDtypeStruct((NROWS, H1 * C1), jnp.float32),
            jax.ShapeDtypeStruct((NROWS, H1 * C1), jnp.float32),
        ],
    )(h, Wl, Wr)


def _mm2_body(acc_ref, b_ref, wl_ref, wr_ref, ol_ref, or_ref):
    parts = []
    for hh in range(H1):
        a = acc_ref[hh]
        num = a[:, :C1]
        den = a[:, C1:C1 + 1]
        parts.append(num / (den + 1e-16) + b_ref[hh][None, :])
    h2 = _elu(jnp.concatenate(parts, axis=1))
    ol_ref[...] = jnp.dot(h2, wl_ref[...], preferred_element_type=jnp.float32)
    or_ref[...] = jnp.dot(h2, wr_ref[...], preferred_element_type=jnp.float32)


def _project2(acc1, b1, Wl2, Wr2):
    return pl.pallas_call(
        _mm2_body,
        grid=(NROWS // RB,),
        in_specs=[
            pl.BlockSpec((H1, RB, W1ACC), lambda i: (0, i, 0)),
            pl.BlockSpec((H1, C1), lambda i: (0, 0)),
            pl.BlockSpec((H1 * C1, H2 * C2), lambda i: (0, 0)),
            pl.BlockSpec((H1 * C1, H2 * C2), lambda i: (0, 0)),
        ],
        out_specs=[
            pl.BlockSpec((RB, H2 * C2), lambda i: (i, 0)),
            pl.BlockSpec((RB, H2 * C2), lambda i: (i, 0)),
        ],
        out_shape=[
            jax.ShapeDtypeStruct((NROWS, H2 * C2), jnp.float32),
            jax.ShapeDtypeStruct((NROWS, H2 * C2), jnp.float32),
        ],
    )(acc1, b1, Wl2, Wr2)


def _final_body(acc_ref, b_ref, o_ref):
    parts = []
    for cid in range(2):
        a = acc_ref[cid]
        for hh in range(2):
            num = a[:, hh * 48:hh * 48 + C2]
            den = a[:, hh * 48 + C2:hh * 48 + C2 + 1]
            parts.append(num / (den + 1e-16) + b_ref[2 * cid + hh][None, :])
    o_ref[...] = _elu(jnp.concatenate(parts, axis=1))


def _finalize(acc2, b2):
    return pl.pallas_call(
        _final_body,
        grid=(NROWS // RB,),
        in_specs=[
            pl.BlockSpec((2, RB, W2ACC), lambda i: (0, i, 0)),
            pl.BlockSpec((H2, C2), lambda i: (0, 0)),
        ],
        out_specs=pl.BlockSpec((RB, H2 * C2), lambda i: (i, 0)),
        out_shape=jax.ShapeDtypeStruct((NROWS, H2 * C2), jnp.float32),
    )(acc2, b2)


def kernel(x, edge_index, Wl1, Wr1, att1, b1, Wl2, Wr2, att2, b2):
    h = jnp.concatenate(
        [x.reshape(N, D_IN), jnp.zeros((NROWS - N, D_IN), jnp.float32)])
    pad = E_PAD - E
    src_p = jnp.concatenate([edge_index[0], jnp.zeros((pad,), jnp.int32)])
    dst_p = jnp.concatenate([edge_index[1], jnp.full((pad,), N, jnp.int32)])

    xl1, xr1 = _project1(h, Wl1, Wr1)
    acc1 = _edge_phase1(
        xl1.reshape(NROWS * H1, C1), xr1.reshape(NROWS * H1, C1),
        src_p, dst_p, att1)
    acc1 = acc1.reshape(H1, NROWS, W1ACC)

    xl2, xr2 = _project2(acc1, b1.reshape(H1, C1), Wl2, Wr2)
    acc2 = _edge_phase2(
        xl2.reshape(2 * NROWS, 2 * C2), xr2.reshape(2 * NROWS, 2 * C2),
        src_p, dst_p, att2.reshape(2, 2 * C2))
    acc2 = acc2.reshape(2, NROWS, W2ACC)

    out = _finalize(acc2, b2.reshape(H2, C2))
    return out[:N].reshape(x.shape[0], x.shape[1], H2 * C2)

# --- scband reference (transcript-rebuilt; emitter-appended) ---
"""Pipeline reference for scband-gatnet-6751688589607 (READ-ONLY COPY).

The authoritative reference and input builder live on the scoring server;
editing this copy changes nothing except your own understanding.
"""

import jax, jax.numpy as jnp
import numpy as np

H1, C1 = 4, 128
H2, C2 = 4, 32
N_NODES = 10000
D_IN = 128


def _gatv2(x, edge_index, Wl, Wr, att, bias, heads, out_ch):
    src = edge_index[0]
    dst = edge_index[1]
    N = x.shape[0]
    xl = (x @ Wl).reshape(N, heads, out_ch)
    xr = (x @ Wr).reshape(N, heads, out_ch)
    e = jax.nn.leaky_relu(xl[src] + xr[dst], negative_slope=0.2)
    logits = jnp.sum(e * att[None, :, :], axis=-1)  # [E, H]
    m = jax.ops.segment_max(logits, dst, num_segments=N)
    m = jnp.where(jnp.isfinite(m), m, 0.0)
    m = jax.lax.stop_gradient(m)
    a = jnp.exp(logits - m[dst])
    denom = jax.ops.segment_sum(a, dst, num_segments=N)
    alpha = a / (denom[dst] + 1e-16)
    out = jax.ops.segment_sum(xl[src] * alpha[:, :, None], dst, num_segments=N)
    return out.reshape(N, heads * out_ch) + bias


def setup_inputs(seed: int = 0):
    key = jax.random.key(seed)
    ks = jax.random.split(key, 12)
    x = jax.random.normal(ks[0], (10, 1000, 128), dtype=jnp.float32)
    edge_index = jax.random.randint(ks[1], (2, 320000), 0, N_NODES, dtype=jnp.int32)
    Wl1 = jax.random.normal(ks[2], (D_IN, H1 * C1), dtype=jnp.float32) * (1.0 / np.sqrt(D_IN))
    Wr1 = jax.random.normal(ks[3], (D_IN, H1 * C1), dtype=jnp.float32) * (1.0 / np.sqrt(D_IN))
    att1 = jax.random.normal(ks[4], (H1, C1), dtype=jnp.float32) * 0.1
    b1 = jnp.zeros((H1 * C1,), dtype=jnp.float32)
    d2_in = H1 * C1
    Wl2 = jax.random.normal(ks[5], (d2_in, H2 * C2), dtype=jnp.float32) * (1.0 / np.sqrt(d2_in))
    Wr2 = jax.random.normal(ks[6], (d2_in, H2 * C2), dtype=jnp.float32) * (1.0 / np.sqrt(d2_in))
    att2 = jax.random.normal(ks[7], (H2, C2), dtype=jnp.float32) * 0.1
    b2 = jnp.zeros((H2 * C2,), dtype=jnp.float32)
    return {"x": x, "edge_index": edge_index, "Wl1": Wl1, "Wr1": Wr1, "att1": att1, "b1": b1, "Wl2": Wl2, "Wr2": Wr2, "att2": att2, "b2": b2}


def reference(x, edge_index, Wl1, Wr1, att1, b1, Wl2, Wr2, att2, b2):
    B, Np, d = x.shape
    h = x.reshape(B * Np, d)
    h = jax.nn.elu(_gatv2(h, edge_index, Wl1, Wr1, att1, b1, H1, C1))
    h = jax.nn.elu(_gatv2(h, edge_index, Wl2, Wr2, att2, b2, H2, C2))
    return h.reshape(B, Np, -1)

if __name__ == "__main__":
    import jax
    _d = setup_inputs()
    print(jax.jit(kernel)(*tuple(_d.values())))

</pallas_src>

<mosaic_0001>
#map = affine_map<(d0, d1) -> (0, 0)>
#map1 = affine_map<(d0, d1) -> (0)>
module attributes {stable_mosaic.version = 14 : i64} {
  func.func @_edge1_body(%arg0: i32, %arg1: i32, %arg2: memref<40960x128xf32, #tpu.memory_space<hbm>>, %arg3: memref<40960x128xf32, #tpu.memory_space<hbm>>, %arg4: memref<322560xi32, #tpu.memory_space<hbm>>, %arg5: memref<322560xi32, #tpu.memory_space<hbm>>, %arg6: memref<4x128xf32, #tpu.memory_space<hbm>>, %arg7: memref<40960x144xf32, #tpu.memory_space<hbm>>, %arg8: memref<10240x144xf32, #tpu.memory_space<vmem_shared>>, %arg9: memref<32x144xf32, #tpu.memory_space<vmem>>, %arg10: memref<4x128xf32, #tpu.memory_space<vmem>>, %arg11: memref<32xi32, #tpu.memory_space<vmem>>, %arg12: memref<32xi32, #tpu.memory_space<vmem>>, %arg13: memref<32xi32, #tpu.memory_space<vmem>>, %arg14: memref<32xi32, #tpu.memory_space<vmem>>, %arg15: memref<32x128xf32, #tpu.memory_space<vmem>>, %arg16: memref<32x128xf32, #tpu.memory_space<vmem>>, %arg17: memref<!tpu.dma_semaphore, #tpu.memory_space<semaphore_mem>>, %arg18: memref<32xi32, #tpu.memory_space<vmem>>, %arg19: memref<32xi32, #tpu.memory_space<vmem>>, %arg20: memref<32xi32, #tpu.memory_space<vmem>>, %arg21: memref<32xi32, #tpu.memory_space<vmem>>, %arg22: memref<32x128xf32, #tpu.memory_space<vmem>>, %arg23: memref<32x128xf32, #tpu.memory_space<vmem>>, %arg24: memref<!tpu.dma_semaphore, #tpu.memory_space<semaphore_mem>>) attributes {dimension_semantics = [#tpu.dimension_semantics<core_parallel>, #tpu.dimension_semantics<subcore_parallel>], iteration_bounds = array<i64: 2, 16>, scalar_prefetch = 0 : i64, scratch_operands = 17 : i64, tpu.core_type = #tpu.core_type<sc_vector_subcore>, window_params = [{transform_indices = #map}, {transform_indices = #map}, {transform_indices = #map1}, {transform_indices = #map1}, {transform_indices = #map}, {transform_indices = #map}]} {
    %iota3A = tpu.iota {dimensions = array<i32: 0>} : vector<16xi32>
    %eq3A = arith.constant 0 : i32
    %eq3A_0 = vector.broadcast %eq3A : i32 to vector<16xi32>
    %eq3A_1 = arith.cmpi eq, %iota3A, %eq3A_0 : vector<16xi32>
    %jit3A = arith.constant 1.000000e+00 : f32
    %jit3A_2 = arith.constant 0.000000e+00 : f32
    %broadcast_in_dim3A = vector.broadcast %jit3A : f32 to vector<16xf32>
    %broadcast_in_dim3A_3 = vector.broadcast %jit3A_2 : f32 to vector<16xf32>
    %select_n3A = arith.select %eq3A_1, %broadcast_in_dim3A, %broadcast_in_dim3A_3 : vector<16xi1>, vector<16xf32>
    %mul3A = arith.constant 20160 : i32
    %mul3A_4 = arith.muli %arg1, %mul3A : i32
    %mul3A_5 = arith.constant 2 : i32
    %mul3A_6 = arith.muli %mul3A_5, %arg0 : i32
    %add3A = arith.constant 0 : i32
    %add3A_7 = arith.addi %mul3A_6, %add3A : i32
    %scan3A = arith.constant 0 : i32
    %scan3A_8 = arith.constant 0 : i32
    %scan3A_9 = arith.constant 32 : i32
    %scan3A_10 = arith.addi %scan3A_8, %scan3A_9 : i32
    %scan3A_11 = arith.constant 1 : i32
    %scan3A_12 = scf.for %scan3A_218 = %scan3A_8 to %scan3A_10 step %scan3A_11 iter_args(%scan3A_219 = %scan3A) -> (i32)  : i32 {
      %broadcast_in_dim3A_220 = arith.constant 0.000000e+00 : f32
      %broadcast_in_dim3A_221 = vector.broadcast %broadcast_in_dim3A_220 : f32 to vector<16xf32>
      %swap3A = arith.index_cast %scan3A_218 : i32 to index
      %swap3A_222 = arith.constant 0 : index
      %swap3A_223 = tpu.vector_load %arg9[%swap3A, %swap3A_222] {strides = array<i32>} : memref<32x144xf32, #tpu.memory_space<vmem>>, vector<16xf32>,
      tpu.vector_store %arg9[%swap3A, %swap3A_222], %broadcast_in_dim3A_221 {strides = array<i32>} : memref<32x144xf32, #tpu.memory_space<vmem>>, vector<16xf32>,
      %broadcast_in_dim3A_224 = arith.constant 0.000000e+00 : f32
      %broadcast_in_dim3A_225 = vector.broadcast %broadcast_in_dim3A_224 : f32 to vector<16xf32>
      %swap3A_226 = arith.index_cast %scan3A_218 : i32 to index
      %swap3A_227 = arith.constant 16 : index
      %swap3A_228 = tpu.vector_load %arg9[%swap3A_226, %swap3A_227] {strides = array<i32>} : memref<32x144xf32, #tpu.memory_space<vmem>>, vector<16xf32>,
      tpu.vector_store %arg9[%swap3A_226, %swap3A_227], %broadcast_in_dim3A_225 {strides = array<i32>} : memref<32x144xf32, #tpu.memory_space<vmem>>, vector<16xf32>,
      %broadcast_in_dim3A_229 = arith.constant 0.000000e+00 : f32
      %broadcast_in_dim3A_230 = vector.broadcast %broadcast_in_dim3A_229 : f32 to vector<16xf32>
      %swap3A_231 = arith.index_cast %scan3A_218 : i32 to index
      %swap3A_232 = arith.constant 32 : index
      %swap3A_233 = tpu.vector_load %arg9[%swap3A_231, %swap3A_232] {strides = array<i32>} : memref<32x144xf32, #tpu.memory_space<vmem>>, vector<16xf32>,
      tpu.vector_store %arg9[%swap3A_231, %swap3A_232], %broadcast_in_dim3A_230 {strides = array<i32>} : memref<32x144xf32, #tpu.memory_space<vmem>>, vector<16xf32>,
      %broadcast_in_dim3A_234 = arith.constant 0.000000e+00 : f32
      %broadcast_in_dim3A_235 = vector.broadcast %broadcast_in_dim3A_234 : f32 to vector<16xf32>
      %swap3A_236 = arith.index_cast %scan3A_218 : i32 to index
      %swap3A_237 = arith.constant 48 : index
      %swap3A_238 = tpu.vector_load %arg9[%swap3A_236, %swap3A_237] {strides = array<i32>} : memref<32x144xf32, #tpu.memory_space<vmem>>, vector<16xf32>,
      tpu.vector_store %arg9[%swap3A_236, %swap3A_237], %broadcast_in_dim3A_235 {strides = array<i32>} : memref<32x144xf32, #tpu.memory_space<vmem>>, vector<16xf32>,
      %broadcast_in_dim3A_239 = arith.constant 0.000000e+00 : f32
      %broadcast_in_dim3A_240 = vector.broadcast %broadcast_in_dim3A_239 : f32 to vector<16xf32>
      %swap3A_241 = arith.index_cast %scan3A_218 : i32 to index
      %swap3A_242 = arith.constant 64 : index
      %swap3A_243 = tpu.vector_load %arg9[%swap3A_241, %swap3A_242] {strides = array<i32>} : memref<32x144xf32, #tpu.memory_space<vmem>>, vector<16xf32>,
      tpu.vector_store %arg9[%swap3A_241, %swap3A_242], %broadcast_in_dim3A_240 {strides = array<i32>} : memref<32x144xf32, #tpu.memory_space<vmem>>, vector<16xf32>,
      %broadcast_in_dim3A_244 = arith.constant 0.000000e+00 : f32
      %broadcast_in_dim3A_245 = vector.broadcast %broadcast_in_dim3A_244 : f32 to vector<16xf32>
      %swap3A_246 = arith.index_cast %scan3A_218 : i32 to index
      %swap3A_247 = arith.constant 80 : index
      %swap3A_248 = tpu.vector_load %arg9[%swap3A_246, %swap3A_247] {strides = array<i32>} : memref<32x144xf32, #tpu.memory_space<vmem>>, vector<16xf32>,
      tpu.vector_store %arg9[%swap3A_246, %swap3A_247], %broadcast_in_dim3A_245 {strides = array<i32>} : memref<32x144xf32, #tpu.memory_space<vmem>>, vector<16xf32>,
      %broadcast_in_dim3A_249 = arith.constant 0.000000e+00 : f32
      %broadcast_in_dim3A_250 = vector.broadcast %broadcast_in_dim3A_249 : f32 to vector<16xf32>
      %swap3A_251 = arith.index_cast %scan3A_218 : i32 to index
      %swap3A_252 = arith.constant 96 : index
      %swap3A_253 = tpu.vector_load %arg9[%swap3A_251, %swap3A_252] {strides = array<i32>} : memref<32x144xf32, #tpu.memory_space<vmem>>, vector<16xf32>,
      tpu.vector_store %arg9[%swap3A_251, %swap3A_252], %broadcast_in_dim3A_250 {strides = array<i32>} : memref<32x144xf32, #tpu.memory_space<vmem>>, vector<16xf32>,
      %broadcast_in_dim3A_254 = arith.constant 0.000000e+00 : f32
      %broadcast_in_dim3A_255 = vector.broadcast %broadcast_in_dim3A_254 : f32 to vector<16xf32>
      %swap3A_256 = arith.index_cast %scan3A_218 : i32 to index
      %swap3A_257 = arith.constant 112 : index
      %swap3A_258 = tpu.vector_load %arg9[%swap3A_256, %swap3A_257] {strides = array<i32>} : memref<32x144xf32, #tpu.memory_space<vmem>>, vector<16xf32>,
      tpu.vector_store %arg9[%swap3A_256, %swap3A_257], %broadcast_in_dim3A_255 {strides = array<i32>} : memref<32x144xf32, #tpu.memory_space<vmem>>, vector<16xf32>,
      %broadcast_in_dim3A_259 = arith.constant 0.000000e+00 : f32
      %broadcast_in_dim3A_260 = vector.broadcast %broadcast_in_dim3A_259 : f32 to vector<16xf32>
      %swap3A_261 = arith.index_cast %scan3A_218 : i32 to index
      %swap3A_262 = arith.constant 128 : index
      %swap3A_263 = tpu.vector_load %arg9[%swap3A_261, %swap3A_262] {strides = array<i32>} : memref<32x144xf32, #tpu.memory_space<vmem>>, vector<16xf32>,
      tpu.vector_store %arg9[%swap3A_261, %swap3A_262], %broadcast_in_dim3A_260 {strides = array<i32>} : memref<32x144xf32, #tpu.memory_space<vmem>>, vector<16xf32>,
      %scan3A_264 = arith.constant 0 : i32
      scf.yield %scan3A_264 : i32
    }
    %scan3A_13 = arith.constant 32 : i32
    %mul3A_14 = arith.constant 640 : i32
    %mul3A_15 = arith.muli %arg1, %mul3A_14 : i32
    %add3A_16 = arith.constant 0 : i32
    %add3A_17 = arith.addi %mul3A_15, %add3A_16 : i32
    "tpu.region"() ({
      %run_scoped3A = tpu.sem_alloc : memref<!tpu.dma_semaphore, #tpu.memory_space<semaphore_mem>>
      %dma_start3A = arith.constant 0 : i32
      %dma_start3A_218 = tpu.memref_slice %arg8[%add3A_17, %dma_start3A] : memref<10240x144xf32, #tpu.memory_space<vmem_shared>> -> memref<32x144xf32, #tpu.memory_space<vmem_shared>>
      %dma_start3A_219 = arith.constant 0 : i32
      %dma_start3A_220 = tpu.memref_slice %arg8[%add3A_17, %dma_start3A_219] : memref<10240x144xf32, #tpu.memory_space<vmem_shared>> -> memref<32x144xf32, #tpu.memory_space<vmem_shared>>
      tpu.enqueue_dma source(%arg9 : memref<32x144xf32, #tpu.memory_space<vmem>>) target(%dma_start3A_220 : memref<32x144xf32, #tpu.memory_space<vmem_shared>>) target_semaphore(%run_scoped3A : memref<!tpu.dma_semaphore, #tpu.memory_space<semaphore_mem>>)
      %dma_wait3A = arith.constant 0 : i32
      %dma_wait3A_221 = tpu.memref_slice %arg8[%add3A_17, %dma_wait3A] : memref<10240x144xf32, #tpu.memory_space<vmem_shared>> -> memref<32x144xf32, #tpu.memory_space<vmem_shared>>
      %dma_wait3A_222 = arith.constant 0 : i32
      %dma_wait3A_223 = tpu.memref_slice %arg8[%add3A_17, %dma_wait3A_222] : memref<10240x144xf32, #tpu.memory_space<vmem_shared>> -> memref<32x144xf32, #tpu.memory_space<vmem_shared>>
      tpu.wait_dma2 semaphore(%run_scoped3A : memref<!tpu.dma_semaphore, #tpu.memory_space<semaphore_mem>>) src(%arg9 : memref<32x144xf32, #tpu.memory_space<vmem>>) dst(%dma_wait3A_223 : memref<32x144xf32, #tpu.memory_space<vmem_shared>>)
      tpu.yield
    }) : () -> ()
    %mul3A_18 = arith.constant 640 : i32
    %mul3A_19 = arith.muli %arg1, %mul3A_18 : i32
    %add3A_20 = arith.constant 32 : i32
    %add3A_21 = arith.addi %mul3A_19, %add3A_20 : i32
    "tpu.region"() ({
      %run_scoped3A = tpu.sem_alloc : memref<!tpu.dma_semaphore, #tpu.memory_space<semaphore_mem>>
      %dma_start3A = arith.constant 0 : i32
      %dma_start3A_218 = tpu.memref_slice %arg8[%add3A_21, %dma_start3A] : memref<10240x144xf32, #tpu.memory_space<vmem_shared>> -> memref<32x144xf32, #tpu.memory_space<vmem_shared>>
      %dma_start3A_219 = arith.constant 0 : i32
      %dma_start3A_220 = tpu.memref_slice %arg8[%add3A_21, %dma_start3A_219] : memref<10240x144xf32, #tpu.memory_space<vmem_shared>> -> memref<32x144xf32, #tpu.memory_space<vmem_shared>>
      tpu.enqueue_dma source(%arg9 : memref<32x144xf32, #tpu.memory_space<vmem>>) target(%dma_start3A_220 : memref<32x144xf32, #tpu.memory_space<vmem_shared>>) target_semaphore(%run_scoped3A : memref<!tpu.dma_semaphore, #tpu.memory_space<semaphore_mem>>)
      %dma_wait3A = arith.constant 0 : i32
      %dma_wait3A_221 = tpu.memref_slice %arg8[%add3A_21, %dma_wait3A] : memref<10240x144xf32, #tpu.memory_space<vmem_shared>> -> memref<32x144xf32, #tpu.memory_space<vmem_shared>>
      %dma_wait3A_222 = arith.constant 0 : i32
      %dma_wait3A_223 = tpu.memref_slice %arg8[%add3A_21, %dma_wait3A_222] : memref<10240x144xf32, #tpu.memory_space<vmem_shared>> -> memref<32x144xf32, #tpu.memory_space<vmem_shared>>
      tpu.wait_dma2 semaphore(%run_scoped3A : memref<!tpu.dma_semaphore, #tpu.memory_space<semaphore_mem>>) src(%arg9 : memref<32x144xf32, #tpu.memory_space<vmem>>) dst(%dma_wait3A_223 : memref<32x144xf32, #tpu.memory_space<vmem_shared>>)
      tpu.yield
    }) : () -> ()
    %mul3A_22 = arith.constant 640 : i32
    %mul3A_23 = arith.muli %arg1, %mul3A_22 : i32
    %add3A_24 = arith.constant 64 : i32
    %add3A_25 = arith.addi %mul3A_23, %add3A_24 : i32
    "tpu.region"() ({
      %run_scoped3A = tpu.sem_alloc : memref<!tpu.dma_semaphore, #tpu.memory_space<semaphore_mem>>
      %dma_start3A = arith.constant 0 : i32
      %dma_start3A_218 = tpu.memref_slice %arg8[%add3A_25, %dma_start3A] : memref<10240x144xf32, #tpu.memory_space<vmem_shared>> -> memref<32x144xf32, #tpu.memory_space<vmem_shared>>
      %dma_start3A_219 = arith.constant 0 : i32
      %dma_start3A_220 = tpu.memref_slice %arg8[%add3A_25, %dma_start3A_219] : memref<10240x144xf32, #tpu.memory_space<vmem_shared>> -> memref<32x144xf32, #tpu.memory_space<vmem_shared>>
      tpu.enqueue_dma source(%arg9 : memref<32x144xf32, #tpu.memory_space<vmem>>) target(%dma_start3A_220 : memref<32x144xf32, #tpu.memory_space<vmem_shared>>) target_semaphore(%run_scoped3A : memref<!tpu.dma_semaphore, #tpu.memory_space<semaphore_mem>>)
      %dma_wait3A = arith.constant 0 : i32
      %dma_wait3A_221 = tpu.memref_slice %arg8[%add3A_25, %dma_wait3A] : memref<10240x144xf32, #tpu.memory_space<vmem_shared>> -> memref<32x144xf32, #tpu.memory_space<vmem_shared>>
      %dma_wait3A_222 = arith.constant 0 : i32
      %dma_wait3A_223 = tpu.memref_slice %arg8[%add3A_25, %dma_wait3A_222] : memref<10240x144xf32, #tpu.memory_space<vmem_shared>> -> memref<32x144xf32, #tpu.memory_space<vmem_shared>>
      tpu.wait_dma2 semaphore(%run_scoped3A : memref<!tpu.dma_semaphore, #tpu.memory_space<semaphore_mem>>) src(%arg9 : memref<32x144xf32, #tpu.memory_space<vmem>>) dst(%dma_wait3A_223 : memref<32x144xf32, #tpu.memory_space<vmem_shared>>)
      tpu.yield
    }) : () -> ()
    %mul3A_26 = arith.constant 640 : i32
    %mul3A_27 = arith.muli %arg1, %mul3A_26 : i32
    %add3A_28 = arith.constant 96 : i32
    %add3A_29 = arith.addi %mul3A_27, %add3A_28 : i32
    "tpu.region"() ({
      %run_scoped3A = tpu.sem_alloc : memref<!tpu.dma_semaphore, #tpu.memory_space<semaphore_mem>>
      %dma_start3A = arith.constant 0 : i32
      %dma_start3A_218 = tpu.memref_slice %arg8[%add3A_29, %dma_start3A] : memref<10240x144xf32, #tpu.memory_space<vmem_shared>> -> memref<32x144xf32, #tpu.memory_space<vmem_shared>>
      %dma_start3A_219 = arith.constant 0 : i32
      %dma_start3A_220 = tpu.memref_slice %arg8[%add3A_29, %dma_start3A_219] : memref<10240x144xf32, #tpu.memory_space<vmem_shared>> -> memref<32x144xf32, #tpu.memory_space<vmem_shared>>
      tpu.enqueue_dma source(%arg9 : memref<32x144xf32, #tpu.memory_space<vmem>>) target(%dma_start3A_220 : memref<32x144xf32, #tpu.memory_space<vmem_shared>>) target_semaphore(%run_scoped3A : memref<!tpu.dma_semaphore, #tpu.memory_space<semaphore_mem>>)
      %dma_wait3A = arith.constant 0 : i32
      %dma_wait3A_221 = tpu.memref_slice %arg8[%add3A_29, %dma_wait3A] : memref<10240x144xf32, #tpu.memory_space<vmem_shared>> -> memref<32x144xf32, #tpu.memory_space<vmem_shared>>
      %dma_wait3A_222 = arith.constant 0 : i32
      %dma_wait3A_223 = tpu.memref_slice %arg8[%add3A_29, %dma_wait3A_222] : memref<10240x144xf32, #tpu.memory_space<vmem_shared>> -> memref<32x144xf32, #tpu.memory_space<vmem_shared>>
      tpu.wait_dma2 semaphore(%run_scoped3A : memref<!tpu.dma_semaphore, #tpu.memory_space<semaphore_mem>>) src(%arg9 : memref<32x144xf32, #tpu.memory_space<vmem>>) dst(%dma_wait3A_223 : memref<32x144xf32, #tpu.memory_space<vmem_shared>>)
      tpu.yield
    }) : () -> ()
    %mul3A_30 = arith.constant 640 : i32
    %mul3A_31 = arith.muli %arg1, %mul3A_30 : i32
    %add3A_32 = arith.constant 128 : i32
    %add3A_33 = arith.addi %mul3A_31, %add3A_32 : i32
    "tpu.region"() ({
      %run_scoped3A = tpu.sem_alloc : memref<!tpu.dma_semaphore, #tpu.memory_space<semaphore_mem>>
      %dma_start3A = arith.constant 0 : i32
      %dma_start3A_218 = tpu.memref_slice %arg8[%add3A_33, %dma_start3A] : memref<10240x144xf32, #tpu.memory_space<vmem_shared>> -> memref<32x144xf32, #tpu.memory_space<vmem_shared>>
      %dma_start3A_219 = arith.constant 0 : i32
      %dma_start3A_220 = tpu.memref_slice %arg8[%add3A_33, %dma_start3A_219] : memref<10240x144xf32, #tpu.memory_space<vmem_shared>> -> memref<32x144xf32, #tpu.memory_space<vmem_shared>>
      tpu.enqueue_dma source(%arg9 : memref<32x144xf32, #tpu.memory_space<vmem>>) target(%dma_start3A_220 : memref<32x144xf32, #tpu.memory_space<vmem_shared>>) target_semaphore(%run_scoped3A : memref<!tpu.dma_semaphore, #tpu.memory_space<semaphore_mem>>)
      %dma_wait3A = arith.constant 0 : i32
      %dma_wait3A_221 = tpu.memref_slice %arg8[%add3A_33, %dma_wait3A] : memref<10240x144xf32, #tpu.memory_space<vmem_shared>> -> memref<32x144xf32, #tpu.memory_space<vmem_shared>>
      %dma_wait3A_222 = arith.constant 0 : i32
      %dma_wait3A_223 = tpu.memref_slice %arg8[%add3A_33, %dma_wait3A_222] : memref<10240x144xf32, #tpu.memory_space<vmem_shared>> -> memref<32x144xf32, #tpu.memory_space<vmem_shared>>
      tpu.wait_dma2 semaphore(%run_scoped3A : memref<!tpu.dma_semaphore, #tpu.memory_space<semaphore_mem>>) src(%arg9 : memref<32x144xf32, #tpu.memory_space<vmem>>) dst(%dma_wait3A_223 : memref<32x144xf32, #tpu.memory_space<vmem_shared>>)
      tpu.yield
    }) : () -> ()
    %mul3A_34 = arith.constant 640 : i32
    %mul3A_35 = arith.muli %arg1, %mul3A_34 : i32
    %add3A_36 = arith.constant 160 : i32
    %add3A_37 = arith.addi %mul3A_35, %add3A_36 : i32
    "tpu.region"() ({
      %run_scoped3A = tpu.sem_alloc : memref<!tpu.dma_semaphore, #tpu.memory_space<semaphore_mem>>
      %dma_start3A = arith.constant 0 : i32
      %dma_start3A_218 = tpu.memref_slice %arg8[%add3A_37, %dma_start3A] : memref<10240x144xf32, #tpu.memory_space<vmem_shared>> -> memref<32x144xf32, #tpu.memory_space<vmem_shared>>
      %dma_start3A_219 = arith.constant 0 : i32
      %dma_start3A_220 = tpu.memref_slice %arg8[%add3A_37, %dma_start3A_219] : memref<10240x144xf32, #tpu.memory_space<vmem_shared>> -> memref<32x144xf32, #tpu.memory_space<vmem_shared>>
      tpu.enqueue_dma source(%arg9 : memref<32x144xf32, #tpu.memory_space<vmem>>) target(%dma_start3A_220 : memref<32x144xf32, #tpu.memory_space<vmem_shared>>) target_semaphore(%run_scoped3A : memref<!tpu.dma_semaphore, #tpu.memory_space<semaphore_mem>>)
      %dma_wait3A = arith.constant 0 : i32
      %dma_wait3A_221 = tpu.memref_slice %arg8[%add3A_37, %dma_wait3A] : memref<10240x144xf32, #tpu.memory_space<vmem_shared>> -> memref<32x144xf32, #tpu.memory_space<vmem_shared>>
      %dma_wait3A_222 = arith.constant 0 : i32
      %dma_wait3A_223 = tpu.memref_slice %arg8[%add3A_37, %dma_wait3A_222] : memref<10240x144xf32, #tpu.memory_space<vmem_shared>> -> memref<32x144xf32, #tpu.memory_space<vmem_shared>>
      tpu.wait_dma2 semaphore(%run_scoped3A : memref<!tpu.dma_semaphore, #tpu.memory_space<semaphore_mem>>) src(%arg9 : memref<32x144xf32, #tpu.memory_space<vmem>>) dst(%dma_wait3A_223 : memref<32x144xf32, #tpu.memory_space<vmem_shared>>)
      tpu.yield
    }) : () -> ()
    %mul3A_38 = arith.constant 640 : i32
    %mul3A_39 = arith.muli %arg1, %mul3A_38 : i32
    %add3A_40 = arith.constant 192 : i32
    %add3A_41 = arith.addi %mul3A_39, %add3A_40 : i32
    "tpu.region"() ({
      %run_scoped3A = tpu.sem_alloc : memref<!tpu.dma_semaphore, #tpu.memory_space<semaphore_mem>>
      %dma_start3A = arith.constant 0 : i32
      %dma_start3A_218 = tpu.memref_slice %arg8[%add3A_41, %dma_start3A] : memref<10240x144xf32, #tpu.memory_space<vmem_shared>> -> memref<32x144xf32, #tpu.memory_space<vmem_shared>>
      %dma_start3A_219 = arith.constant 0 : i32
      %dma_start3A_220 = tpu.memref_slice %arg8[%add3A_41, %dma_start3A_219] : memref<10240x144xf32, #tpu.memory_space<vmem_shared>> -> memref<32x144xf32, #tpu.memory_space<vmem_shared>>
      tpu.enqueue_dma source(%arg9 : memref<32x144xf32, #tpu.memory_space<vmem>>) target(%dma_start3A_220 : memref<32x144xf32, #tpu.memory_space<vmem_shared>>) target_semaphore(%run_scoped3A : memref<!tpu.dma_semaphore, #tpu.memory_space<semaphore_mem>>)
      %dma_wait3A = arith.constant 0 : i32
      %dma_wait3A_221 = tpu.memref_slice %arg8[%add3A_41, %dma_wait3A] : memref<10240x144xf32, #tpu.memory_space<vmem_shared>> -> memref<32x144xf32, #tpu.memory_space<vmem_shared>>
      %dma_wait3A_222 = arith.constant 0 : i32
      %dma_wait3A_223 = tpu.memref_slice %arg8[%add3A_41, %dma_wait3A_222] : memref<10240x144xf32, #tpu.memory_space<vmem_shared>> -> memref<32x144xf32, #tpu.memory_space<vmem_shared>>
      tpu.wait_dma2 semaphore(%run_scoped3A : memref<!tpu.dma_semaphore, #tpu.memory_space<semaphore_mem>>) src(%arg9 : memref<32x144xf32, #tpu.memory_space<vmem>>) dst(%dma_wait3A_223 : memref<32x144xf32, #tpu.memory_space<vmem_shared>>)
      tpu.yield
    }) : () -> ()
    %mul3A_42 = arith.constant 640 : i32
    %mul3A_43 = arith.muli %arg1, %mul3A_42 : i32
    %add3A_44 = arith.constant 224 : i32
    %add3A_45 = arith.addi %mul3A_43, %add3A_44 : i32
    "tpu.region"() ({
      %run_scoped3A = tpu.sem_alloc : memref<!tpu.dma_semaphore, #tpu.memory_space<semaphore_mem>>
      %dma_start3A = arith.constant 0 : i32
      %dma_start3A_218 = tpu.memref_slice %arg8[%add3A_45, %dma_start3A] : memref<10240x144xf32, #tpu.memory_space<vmem_shared>> -> memref<32x144xf32, #tpu.memory_space<vmem_shared>>
      %dma_start3A_219 = arith.constant 0 : i32
      %dma_start3A_220 = tpu.memref_slice %arg8[%add3A_45, %dma_start3A_219] : memref<10240x144xf32, #tpu.memory_space<vmem_shared>> -> memref<32x144xf32, #tpu.memory_space<vmem_shared>>
      tpu.enqueue_dma source(%arg9 : memref<32x144xf32, #tpu.memory_space<vmem>>) target(%dma_start3A_220 : memref<32x144xf32, #tpu.memory_space<vmem_shared>>) target_semaphore(%run_scoped3A : memref<!tpu.dma_semaphore, #tpu.memory_space<semaphore_mem>>)
      %dma_wait3A = arith.constant 0 : i32
      %dma_wait3A_221 = tpu.memref_slice %arg8[%add3A_45, %dma_wait3A] : memref<10240x144xf32, #tpu.memory_space<vmem_shared>> -> memref<32x144xf32, #tpu.memory_space<vmem_shared>>
      %dma_wait3A_222 = arith.constant 0 : i32
      %dma_wait3A_223 = tpu.memref_slice %arg8[%add3A_45, %dma_wait3A_222] : memref<10240x144xf32, #tpu.memory_space<vmem_shared>> -> memref<32x144xf32, #tpu.memory_space<vmem_shared>>
      tpu.wait_dma2 semaphore(%run_scoped3A : memref<!tpu.dma_semaphore, #tpu.memory_space<semaphore_mem>>) src(%arg9 : memref<32x144xf32, #tpu.memory_space<vmem>>) dst(%dma_wait3A_223 : memref<32x144xf32, #tpu.memory_space<vmem_shared>>)
      tpu.yield
    }) : () -> ()
    %mul3A_46 = arith.constant 640 : i32
    %mul3A_47 = arith.muli %arg1, %mul3A_46 : i32
    %add3A_48 = arith.constant 256 : i32
    %add3A_49 = arith.addi %mul3A_47, %add3A_48 : i32
    "tpu.region"() ({
      %run_scoped3A = tpu.sem_alloc : memref<!tpu.dma_semaphore, #tpu.memory_space<semaphore_mem>>
      %dma_start3A = arith.constant 0 : i32
      %dma_start3A_218 = tpu.memref_slice %arg8[%add3A_49, %dma_start3A] : memref<10240x144xf32, #tpu.memory_space<vmem_shared>> -> memref<32x144xf32, #tpu.memory_space<vmem_shared>>
      %dma_start3A_219 = arith.constant 0 : i32
      %dma_start3A_220 = tpu.memref_slice %arg8[%add3A_49, %dma_start3A_219] : memref<10240x144xf32, #tpu.memory_space<vmem_shared>> -> memref<32x144xf32, #tpu.memory_space<vmem_shared>>
      tpu.enqueue_dma source(%arg9 : memref<32x144xf32, #tpu.memory_space<vmem>>) target(%dma_start3A_220 : memref<32x144xf32, #tpu.memory_space<vmem_shared>>) target_semaphore(%run_scoped3A : memref<!tpu.dma_semaphore, #tpu.memory_space<semaphore_mem>>)
      %dma_wait3A = arith.constant 0 : i32
      %dma_wait3A_221 = tpu.memref_slice %arg8[%add3A_49, %dma_wait3A] : memref<10240x144xf32, #tpu.memory_space<vmem_shared>> -> memref<32x144xf32, #tpu.memory_space<vmem_shared>>
      %dma_wait3A_222 = arith.constant 0 : i32
      %dma_wait3A_223 = tpu.memref_slice %arg8[%add3A_49, %dma_wait3A_222] : memref<10240x144xf32, #tpu.memory_space<vmem_shared>> -> memref<32x144xf32, #tpu.memory_space<vmem_shared>>
      tpu.wait_dma2 semaphore(%run_scoped3A : memref<!tpu.dma_semaphore, #tpu.memory_space<semaphore_mem>>) src(%arg9 : memref<32x144xf32, #tpu.memory_space<vmem>>) dst(%dma_wait3A_223 : memref<32x144xf32, #tpu.memory_space<vmem_shared>>)
      tpu.yield
    }) : () -> ()
    %mul3A_50 = arith.constant 640 : i32
    %mul3A_51 = arith.muli %arg1, %mul3A_50 : i32
    %add3A_52 = arith.constant 288 : i32
    %add3A_53 = arith.addi %mul3A_51, %add3A_52 : i32
    "tpu.region"() ({
      %run_scoped3A = tpu.sem_alloc : memref<!tpu.dma_semaphore, #tpu.memory_space<semaphore_mem>>
      %dma_start3A = arith.constant 0 : i32
      %dma_start3A_218 = tpu.memref_slice %arg8[%add3A_53, %dma_start3A] : memref<10240x144xf32, #tpu.memory_space<vmem_shared>> -> memref<32x144xf32, #tpu.memory_space<vmem_shared>>
      %dma_start3A_219 = arith.constant 0 : i32
      %dma_start3A_220 = tpu.memref_slice %arg8[%add3A_53, %dma_start3A_219] : memref<10240x144xf32, #tpu.memory_space<vmem_shared>> -> memref<32x144xf32, #tpu.memory_space<vmem_shared>>
      tpu.enqueue_dma source(%arg9 : memref<32x144xf32, #tpu.memory_space<vmem>>) target(%dma_start3A_220 : memref<32x144xf32, #tpu.memory_space<vmem_shared>>) target_semaphore(%run_scoped3A : memref<!tpu.dma_semaphore, #tpu.memory_space<semaphore_mem>>)
      %dma_wait3A = arith.constant 0 : i32
      %dma_wait3A_221 = tpu.memref_slice %arg8[%add3A_53, %dma_wait3A] : memref<10240x144xf32, #tpu.memory_space<vmem_shared>> -> memref<32x144xf32, #tpu.memory_space<vmem_shared>>
      %dma_wait3A_222 = arith.constant 0 : i32
      %dma_wait3A_223 = tpu.memref_slice %arg8[%add3A_53, %dma_wait3A_222] : memref<10240x144xf32, #tpu.memory_space<vmem_shared>> -> memref<32x144xf32, #tpu.memory_space<vmem_shared>>
      tpu.wait_dma2 semaphore(%run_scoped3A : memref<!tpu.dma_semaphore, #tpu.memory_space<semaphore_mem>>) src(%arg9 : memref<32x144xf32, #tpu.memory_space<vmem>>) dst(%dma_wait3A_223 : memref<32x144xf32, #tpu.memory_space<vmem_shared>>)
      tpu.yield
    }) : () -> ()
    %mul3A_54 = arith.constant 640 : i32
    %mul3A_55 = arith.muli %arg1, %mul3A_54 : i32
    %add3A_56 = arith.constant 320 : i32
    %add3A_57 = arith.addi %mul3A_55, %add3A_56 : i32
    "tpu.region"() ({
      %run_scoped3A = tpu.sem_alloc : memref<!tpu.dma_semaphore, #tpu.memory_space<semaphore_mem>>
      %dma_start3A = arith.constant 0 : i32
      %dma_start3A_218 = tpu.memref_slice %arg8[%add3A_57, %dma_start3A] : memref<10240x144xf32, #tpu.memory_space<vmem_shared>> -> memref<32x144xf32, #tpu.memory_space<vmem_shared>>
      %dma_start3A_219 = arith.constant 0 : i32
      %dma_start3A_220 = tpu.memref_slice %arg8[%add3A_57, %dma_start3A_219] : memref<10240x144xf32, #tpu.memory_space<vmem_shared>> -> memref<32x144xf32, #tpu.memory_space<vmem_shared>>
      tpu.enqueue_dma source(%arg9 : memref<32x144xf32, #tpu.memory_space<vmem>>) target(%dma_start3A_220 : memref<32x144xf32, #tpu.memory_space<vmem_shared>>) target_semaphore(%run_scoped3A : memref<!tpu.dma_semaphore, #tpu.memory_space<semaphore_mem>>)
      %dma_wait3A = arith.constant 0 : i32
      %dma_wait3A_221 = tpu.memref_slice %arg8[%add3A_57, %dma_wait3A] : memref<10240x144xf32, #tpu.memory_space<vmem_shared>> -> memref<32x144xf32, #tpu.memory_space<vmem_shared>>
      %dma_wait3A_222 = arith.constant 0 : i32
      %dma_wait3A_223 = tpu.memref_slice %arg8[%add3A_57, %dma_wait3A_222] : memref<10240x144xf32, #tpu.memory_space<vmem_shared>> -> memref<32x144xf32, #tpu.memory_space<vmem_shared>>
      tpu.wait_dma2 semaphore(%run_scoped3A : memref<!tpu.dma_semaphore, #tpu.memory_space<semaphore_mem>>) src(%arg9 : memref<32x144xf32, #tpu.memory_space<vmem>>) dst(%dma_wait3A_223 : memref<32x144xf32, #tpu.memory_space<vmem_shared>>)
      tpu.yield
    }) : () -> ()
    %mul3A_58 = arith.constant 640 : i32
    %mul3A_59 = arith.muli %arg1, %mul3A_58 : i32
    %add3A_60 = arith.constant 352 : i32
    %add3A_61 = arith.addi %mul3A_59, %add3A_60 : i32
    "tpu.region"() ({
      %run_scoped3A = tpu.sem_alloc : memref<!tpu.dma_semaphore, #tpu.memory_space<semaphore_mem>>
      %dma_start3A = arith.constant 0 : i32
      %dma_start3A_218 = tpu.memref_slice %arg8[%add3A_61, %dma_start3A] : memref<10240x144xf32, #tpu.memory_space<vmem_shared>> -> memref<32x144xf32, #tpu.memory_space<vmem_shared>>
      %dma_start3A_219 = arith.constant 0 : i32
      %dma_start3A_220 = tpu.memref_slice %arg8[%add3A_61, %dma_start3A_219] : memref<10240x144xf32, #tpu.memory_space<vmem_shared>> -> memref<32x144xf32, #tpu.memory_space<vmem_shared>>
      tpu.enqueue_dma source(%arg9 : memref<32x144xf32, #tpu.memory_space<vmem>>) target(%dma_start3A_220 : memref<32x144xf32, #tpu.memory_space<vmem_shared>>) target_semaphore(%run_scoped3A : memref<!tpu.dma_semaphore, #tpu.memory_space<semaphore_mem>>)
      %dma_wait3A = arith.constant 0 : i32
      %dma_wait3A_221 = tpu.memref_slice %arg8[%add3A_61, %dma_wait3A] : memref<10240x144xf32, #tpu.memory_space<vmem_shared>> -> memref<32x144xf32, #tpu.memory_space<vmem_shared>>
      %dma_wait3A_222 = arith.constant 0 : i32
      %dma_wait3A_223 = tpu.memref_slice %arg8[%add3A_61, %dma_wait3A_222] : memref<10240x144xf32, #tpu.memory_space<vmem_shared>> -> memref<32x144xf32, #tpu.memory_space<vmem_shared>>
      tpu.wait_dma2 semaphore(%run_scoped3A : memref<!tpu.dma_semaphore, #tpu.memory_space<semaphore_mem>>) src(%arg9 : memref<32x144xf32, #tpu.memory_space<vmem>>) dst(%dma_wait3A_223 : memref<32x144xf32, #tpu.memory_space<vmem_shared>>)
      tpu.yield
    }) : () -> ()
    %mul3A_62 = arith.constant 640 : i32
    %mul3A_63 = arith.muli %arg1, %mul3A_62 : i32
    %add3A_64 = arith.constant 384 : i32
    %add3A_65 = arith.addi %mul3A_63, %add3A_64 : i32
    "tpu.region"() ({
      %run_scoped3A = tpu.sem_alloc : memref<!tpu.dma_semaphore, #tpu.memory_space<semaphore_mem>>
      %dma_start3A = arith.constant 0 : i32
      %dma_start3A_218 = tpu.memref_slice %arg8[%add3A_65, %dma_start3A] : memref<10240x144xf32, #tpu.memory_space<vmem_shared>> -> memref<32x144xf32, #tpu.memory_space<vmem_shared>>
      %dma_start3A_219 = arith.constant 0 : i32
      %dma_start3A_220 = tpu.memref_slice %arg8[%add3A_65, %dma_start3A_219] : memref<10240x144xf32, #tpu.memory_space<vmem_shared>> -> memref<32x144xf32, #tpu.memory_space<vmem_shared>>
      tpu.enqueue_dma source(%arg9 : memref<32x144xf32, #tpu.memory_space<vmem>>) target(%dma_start3A_220 : memref<32x144xf32, #tpu.memory_space<vmem_shared>>) target_semaphore(%run_scoped3A : memref<!tpu.dma_semaphore, #tpu.memory_space<semaphore_mem>>)
      %dma_wait3A = arith.constant 0 : i32
      %dma_wait3A_221 = tpu.memref_slice %arg8[%add3A_65, %dma_wait3A] : memref<10240x144xf32, #tpu.memory_space<vmem_shared>> -> memref<32x144xf32, #tpu.memory_space<vmem_shared>>
      %dma_wait3A_222 = arith.constant 0 : i32
      %dma_wait3A_223 = tpu.memref_slice %arg8[%add3A_65, %dma_wait3A_222] : memref<10240x144xf32, #tpu.memory_space<vmem_shared>> -> memref<32x144xf32, #tpu.memory_space<vmem_shared>>
      tpu.wait_dma2 semaphore(%run_scoped3A : memref<!tpu.dma_semaphore, #tpu.memory_space<semaphore_mem>>) src(%arg9 : memref<32x144xf32, #tpu.memory_space<vmem>>) dst(%dma_wait3A_223 : memref<32x144xf32, #tpu.memory_space<vmem_shared>>)
      tpu.yield
    }) : () -> ()
    %mul3A_66 = arith.constant 640 : i32
    %mul3A_67 = arith.muli %arg1, %mul3A_66 : i32
    %add3A_68 = arith.constant 416 : i32
    %add3A_69 = arith.addi %mul3A_67, %add3A_68 : i32
    "tpu.region"() ({
      %run_scoped3A = tpu.sem_alloc : memref<!tpu.dma_semaphore, #tpu.memory_space<semaphore_mem>>
      %dma_start3A = arith.constant 0 : i32
      %dma_start3A_218 = tpu.memref_slice %arg8[%add3A_69, %dma_start3A] : memref<10240x144xf32, #tpu.memory_space<vmem_shared>> -> memref<32x144xf32, #tpu.memory_space<vmem_shared>>
      %dma_start3A_219 = arith.constant 0 : i32
      %dma_start3A_220 = tpu.memref_slice %arg8[%add3A_69, %dma_start3A_219] : memref<10240x144xf32, #tpu.memory_space<vmem_shared>> -> memref<32x144xf32, #tpu.memory_space<vmem_shared>>
      tpu.enqueue_dma source(%arg9 : memref<32x144xf32, #tpu.memory_space<vmem>>) target(%dma_start3A_220 : memref<32x144xf32, #tpu.memory_space<vmem_shared>>) target_semaphore(%run_scoped3A : memref<!tpu.dma_semaphore, #tpu.memory_space<semaphore_mem>>)
      %dma_wait3A = arith.constant 0 : i32
      %dma_wait3A_221 = tpu.memref_slice %arg8[%add3A_69, %dma_wait3A] : memref<10240x144xf32, #tpu.memory_space<vmem_shared>> -> memref<32x144xf32, #tpu.memory_space<vmem_shared>>
      %dma_wait3A_222 = arith.constant 0 : i32
      %dma_wait3A_223 = tpu.memref_slice %arg8[%add3A_69, %dma_wait3A_222] : memref<10240x144xf32, #tpu.memory_space<vmem_shared>> -> memref<32x144xf32, #tpu.memory_space<vmem_shared>>
      tpu.wait_dma2 semaphore(%run_scoped3A : memref<!tpu.dma_semaphore, #tpu.memory_space<semaphore_mem>>) src(%arg9 : memref<32x144xf32, #tpu.memory_space<vmem>>) dst(%dma_wait3A_223 : memref<32x144xf32, #tpu.memory_space<vmem_shared>>)
      tpu.yield
    }) : () -> ()
    %mul3A_70 = arith.constant 640 : i32
    %mul3A_71 = arith.muli %arg1, %mul3A_70 : i32
    %add3A_72 = arith.constant 448 : i32
    %add3A_73 = arith.addi %mul3A_71, %add3A_72 : i32
    "tpu.region"() ({
      %run_scoped3A = tpu.sem_alloc : memref<!tpu.dma_semaphore, #tpu.memory_space<semaphore_mem>>
      %dma_start3A = arith.constant 0 : i32
      %dma_start3A_218 = tpu.memref_slice %arg8[%add3A_73, %dma_start3A] : memref<10240x144xf32, #tpu.memory_space<vmem_shared>> -> memref<32x144xf32, #tpu.memory_space<vmem_shared>>
      %dma_start3A_219 = arith.constant 0 : i32
      %dma_start3A_220 = tpu.memref_slice %arg8[%add3A_73, %dma_start3A_219] : memref<10240x144xf32, #tpu.memory_space<vmem_shared>> -> memref<32x144xf32, #tpu.memory_space<vmem_shared>>
      tpu.enqueue_dma source(%arg9 : memref<32x144xf32, #tpu.memory_space<vmem>>) target(%dma_start3A_220 : memref<32x144xf32, #tpu.memory_space<vmem_shared>>) target_semaphore(%run_scoped3A : memref<!tpu.dma_semaphore, #tpu.memory_space<semaphore_mem>>)
      %dma_wait3A = arith.constant 0 : i32
      %dma_wait3A_221 = tpu.memref_slice %arg8[%add3A_73, %dma_wait3A] : memref<10240x144xf32, #tpu.memory_space<vmem_shared>> -> memref<32x144xf32, #tpu.memory_space<vmem_shared>>
      %dma_wait3A_222 = arith.constant 0 : i32
      %dma_wait3A_223 = tpu.memref_slice %arg8[%add3A_73, %dma_wait3A_222] : memref<10240x144xf32, #tpu.memory_space<vmem_shared>> -> memref<32x144xf32, #tpu.memory_space<vmem_shared>>
      tpu.wait_dma2 semaphore(%run_scoped3A : memref<!tpu.dma_semaphore, #tpu.memory_space<semaphore_mem>>) src(%arg9 : memref<32x144xf32, #tpu.memory_space<vmem>>) dst(%dma_wait3A_223 : memref<32x144xf32, #tpu.memory_space<vmem_shared>>)
      tpu.yield
    }) : () -> ()
    %mul3A_74 = arith.constant 640 : i32
    %mul3A_75 = arith.muli %arg1, %mul3A_74 : i32
    %add3A_76 = arith.constant 480 : i32
    %add3A_77 = arith.addi %mul3A_75, %add3A_76 : i32
    "tpu.region"() ({
      %run_scoped3A = tpu.sem_alloc : memref<!tpu.dma_semaphore, #tpu.memory_space<semaphore_mem>>
      %dma_start3A = arith.constant 0 : i32
      %dma_start3A_218 = tpu.memref_slice %arg8[%add3A_77, %dma_start3A] : memref<10240x144xf32, #tpu.memory_space<vmem_shared>> -> memref<32x144xf32, #tpu.memory_space<vmem_shared>>
      %dma_start3A_219 = arith.constant 0 : i32
      %dma_start3A_220 = tpu.memref_slice %arg8[%add3A_77, %dma_start3A_219] : memref<10240x144xf32, #tpu.memory_space<vmem_shared>> -> memref<32x144xf32, #tpu.memory_space<vmem_shared>>
      tpu.enqueue_dma source(%arg9 : memref<32x144xf32, #tpu.memory_space<vmem>>) target(%dma_start3A_220 : memref<32x144xf32, #tpu.memory_space<vmem_shared>>) target_semaphore(%run_scoped3A : memref<!tpu.dma_semaphore, #tpu.memory_space<semaphore_mem>>)
      %dma_wait3A = arith.constant 0 : i32
      %dma_wait3A_221 = tpu.memref_slice %arg8[%add3A_77, %dma_wait3A] : memref<10240x144xf32, #tpu.memory_space<vmem_shared>> -> memref<32x144xf32, #tpu.memory_space<vmem_shared>>
      %dma_wait3A_222 = arith.constant 0 : i32
      %dma_wait3A_223 = tpu.memref_slice %arg8[%add3A_77, %dma_wait3A_222] : memref<10240x144xf32, #tpu.memory_space<vmem_shared>> -> memref<32x144xf32, #tpu.memory_space<vmem_shared>>
      tpu.wait_dma2 semaphore(%run_scoped3A : memref<!tpu.dma_semaphore, #tpu.memory_space<semaphore_mem>>) src(%arg9 : memref<32x144xf32, #tpu.memory_space<vmem>>) dst(%dma_wait3A_223 : memref<32x144xf32, #tpu.memory_space<vmem_shared>>)
      tpu.yield
    }) : () -> ()
    %mul3A_78 = arith.constant 640 : i32
    %mul3A_79 = arith.muli %arg1, %mul3A_78 : i32
    %add3A_80 = arith.constant 512 : i32
    %add3A_81 = arith.addi %mul3A_79, %add3A_80 : i32
    "tpu.region"() ({
      %run_scoped3A = tpu.sem_alloc : memref<!tpu.dma_semaphore, #tpu.memory_space<semaphore_mem>>
      %dma_start3A = arith.constant 0 : i32
      %dma_start3A_218 = tpu.memref_slice %arg8[%add3A_81, %dma_start3A] : memref<10240x144xf32, #tpu.memory_space<vmem_shared>> -> memref<32x144xf32, #tpu.memory_space<vmem_shared>>
      %dma_start3A_219 = arith.constant 0 : i32
      %dma_start3A_220 = tpu.memref_slice %arg8[%add3A_81, %dma_start3A_219] : memref<10240x144xf32, #tpu.memory_space<vmem_shared>> -> memref<32x144xf32, #tpu.memory_space<vmem_shared>>
      tpu.enqueue_dma source(%arg9 : memref<32x144xf32, #tpu.memory_space<vmem>>) target(%dma_start3A_220 : memref<32x144xf32, #tpu.memory_space<vmem_shared>>) target_semaphore(%run_scoped3A : memref<!tpu.dma_semaphore, #tpu.memory_space<semaphore_mem>>)
      %dma_wait3A = arith.constant 0 : i32
      %dma_wait3A_221 = tpu.memref_slice %arg8[%add3A_81, %dma_wait3A] : memref<10240x144xf32, #tpu.memory_space<vmem_shared>> -> memref<32x144xf32, #tpu.memory_space<vmem_shared>>
      %dma_wait3A_222 = arith.constant 0 : i32
      %dma_wait3A_223 = tpu.memref_slice %arg8[%add3A_81, %dma_wait3A_222] : memref<10240x144xf32, #tpu.memory_space<vmem_shared>> -> memref<32x144xf32, #tpu.memory_space<vmem_shared>>
      tpu.wait_dma2 semaphore(%run_scoped3A : memref<!tpu.dma_semaphore, #tpu.memory_space<semaphore_mem>>) src(%arg9 : memref<32x144xf32, #tpu.memory_space<vmem>>) dst(%dma_wait3A_223 : memref<32x144xf32, #tpu.memory_space<vmem_shared>>)
      tpu.yield
    }) : () -> ()
    %mul3A_82 = arith.constant 640 : i32
    %mul3A_83 = arith.muli %arg1, %mul3A_82 : i32
    %add3A_84 = arith.constant 544 : i32
    %add3A_85 = arith.addi %mul3A_83, %add3A_84 : i32
    "tpu.region"() ({
      %run_scoped3A = tpu.sem_alloc : memref<!tpu.dma_semaphore, #tpu.memory_space<semaphore_mem>>
      %dma_start3A = arith.constant 0 : i32
      %dma_start3A_218 = tpu.memref_slice %arg8[%add3A_85, %dma_start3A] : memref<10240x144xf32, #tpu.memory_space<vmem_shared>> -> memref<32x144xf32, #tpu.memory_space<vmem_shared>>
      %dma_start3A_219 = arith.constant 0 : i32
      %dma_start3A_220 = tpu.memref_slice %arg8[%add3A_85, %dma_start3A_219] : memref<10240x144xf32, #tpu.memory_space<vmem_shared>> -> memref<32x144xf32, #tpu.memory_space<vmem_shared>>
      tpu.enqueue_dma source(%arg9 : memref<32x144xf32, #tpu.memory_space<vmem>>) target(%dma_start3A_220 : memref<32x144xf32, #tpu.memory_space<vmem_shared>>) target_semaphore(%run_scoped3A : memref<!tpu.dma_semaphore, #tpu.memory_space<semaphore_mem>>)
      %dma_wait3A = arith.constant 0 : i32
      %dma_wait3A_221 = tpu.memref_slice %arg8[%add3A_85, %dma_wait3A] : memref<10240x144xf32, #tpu.memory_space<vmem_shared>> -> memref<32x144xf32, #tpu.memory_space<vmem_shared>>
      %dma_wait3A_222 = arith.constant 0 : i32
      %dma_wait3A_223 = tpu.memref_slice %arg8[%add3A_85, %dma_wait3A_222] : memref<10240x144xf32, #tpu.memory_space<vmem_shared>> -> memref<32x144xf32, #tpu.memory_space<vmem_shared>>
      tpu.wait_dma2 semaphore(%run_scoped3A : memref<!tpu.dma_semaphore, #tpu.memory_space<semaphore_mem>>) src(%arg9 : memref<32x144xf32, #tpu.memory_space<vmem>>) dst(%dma_wait3A_223 : memref<32x144xf32, #tpu.memory_space<vmem_shared>>)
      tpu.yield
    }) : () -> ()
    %mul3A_86 = arith.constant 640 : i32
    %mul3A_87 = arith.muli %arg1, %mul3A_86 : i32
    %add3A_88 = arith.constant 576 : i32
    %add3A_89 = arith.addi %mul3A_87, %add3A_88 : i32
    "tpu.region"() ({
      %run_scoped3A = tpu.sem_alloc : memref<!tpu.dma_semaphore, #tpu.memory_space<semaphore_mem>>
      %dma_start3A = arith.constant 0 : i32
      %dma_start3A_218 = tpu.memref_slice %arg8[%add3A_89, %dma_start3A] : memref<10240x144xf32, #tpu.memory_space<vmem_shared>> -> memref<32x144xf32, #tpu.memory_space<vmem_shared>>
      %dma_start3A_219 = arith.constant 0 : i32
      %dma_start3A_220 = tpu.memref_slice %arg8[%add3A_89, %dma_start3A_219] : memref<10240x144xf32, #tpu.memory_space<vmem_shared>> -> memref<32x144xf32, #tpu.memory_space<vmem_shared>>
      tpu.enqueue_dma source(%arg9 : memref<32x144xf32, #tpu.memory_space<vmem>>) target(%dma_start3A_220 : memref<32x144xf32, #tpu.memory_space<vmem_shared>>) target_semaphore(%run_scoped3A : memref<!tpu.dma_semaphore, #tpu.memory_space<semaphore_mem>>)
      %dma_wait3A = arith.constant 0 : i32
      %dma_wait3A_221 = tpu.memref_slice %arg8[%add3A_89, %dma_wait3A] : memref<10240x144xf32, #tpu.memory_space<vmem_shared>> -> memref<32x144xf32, #tpu.memory_space<vmem_shared>>
      %dma_wait3A_222 = arith.constant 0 : i32
      %dma_wait3A_223 = tpu.memref_slice %arg8[%add3A_89, %dma_wait3A_222] : memref<10240x144xf32, #tpu.memory_space<vmem_shared>> -> memref<32x144xf32, #tpu.memory_space<vmem_shared>>
      tpu.wait_dma2 semaphore(%run_scoped3A : memref<!tpu.dma_semaphore, #tpu.memory_space<semaphore_mem>>) src(%arg9 : memref<32x144xf32, #tpu.memory_space<vmem>>) dst(%dma_wait3A_223 : memref<32x144xf32, #tpu.memory_space<vmem_shared>>)
      tpu.yield
    }) : () -> ()
    %mul3A_90 = arith.constant 640 : i32
    %mul3A_91 = arith.muli %arg1, %mul3A_90 : i32
    %add3A_92 = arith.constant 608 : i32
    %add3A_93 = arith.addi %mul3A_91, %add3A_92 : i32
    "tpu.region"() ({
      %run_scoped3A = tpu.sem_alloc : memref<!tpu.dma_semaphore, #tpu.memory_space<semaphore_mem>>
      %dma_start3A = arith.constant 0 : i32
      %dma_start3A_218 = tpu.memref_slice %arg8[%add3A_93, %dma_start3A] : memref<10240x144xf32, #tpu.memory_space<vmem_shared>> -> memref<32x144xf32, #tpu.memory_space<vmem_shared>>
      %dma_start3A_219 = arith.constant 0 : i32
      %dma_start3A_220 = tpu.memref_slice %arg8[%add3A_93, %dma_start3A_219] : memref<10240x144xf32, #tpu.memory_space<vmem_shared>> -> memref<32x144xf32, #tpu.memory_space<vmem_shared>>
      tpu.enqueue_dma source(%arg9 : memref<32x144xf32, #tpu.memory_space<vmem>>) target(%dma_start3A_220 : memref<32x144xf32, #tpu.memory_space<vmem_shared>>) target_semaphore(%run_scoped3A : memref<!tpu.dma_semaphore, #tpu.memory_space<semaphore_mem>>)
      %dma_wait3A = arith.constant 0 : i32
      %dma_wait3A_221 = tpu.memref_slice %arg8[%add3A_93, %dma_wait3A] : memref<10240x144xf32, #tpu.memory_space<vmem_shared>> -> memref<32x144xf32, #tpu.memory_space<vmem_shared>>
      %dma_wait3A_222 = arith.constant 0 : i32
      %dma_wait3A_223 = tpu.memref_slice %arg8[%add3A_93, %dma_wait3A_222] : memref<10240x144xf32, #tpu.memory_space<vmem_shared>> -> memref<32x144xf32, #tpu.memory_space<vmem_shared>>
      tpu.wait_dma2 semaphore(%run_scoped3A : memref<!tpu.dma_semaphore, #tpu.memory_space<semaphore_mem>>) src(%arg9 : memref<32x144xf32, #tpu.memory_space<vmem>>) dst(%dma_wait3A_223 : memref<32x144xf32, #tpu.memory_space<vmem_shared>>)
      tpu.yield
    }) : () -> ()
    "tpu.region"() ({
      %run_scoped3A = tpu.sem_alloc : memref<!tpu.dma_semaphore, #tpu.memory_space<semaphore_mem>>
      tpu.enqueue_dma source(%arg6 : memref<4x128xf32, #tpu.memory_space<hbm>>) target(%arg10 : memref<4x128xf32, #tpu.memory_space<vmem>>) target_semaphore(%run_scoped3A : memref<!tpu.dma_semaphore, #tpu.memory_space<semaphore_mem>>)
      tpu.wait_dma2 semaphore(%run_scoped3A : memref<!tpu.dma_semaphore, #tpu.memory_space<semaphore_mem>>) src(%arg6 : memref<4x128xf32, #tpu.memory_space<hbm>>) dst(%arg10 : memref<4x128xf32, #tpu.memory_space<vmem>>)
      tpu.yield
    }) : () -> ()
    %barrier3A = arith.constant 0 : index
    tpu.barrier barrier_id(%barrier3A)
    %scan3A_94 = arith.constant 0 : i32
    %scan3A_95 = arith.constant 0 : i32
    %scan3A_96 = arith.constant 315 : i32
    %scan3A_97 = arith.addi %scan3A_95, %scan3A_96 : i32
    %scan3A_98 = arith.constant 1 : i32
    %scan3A_99 = scf.for %scan3A_218 = %scan3A_95 to %scan3A_97 step %scan3A_98 iter_args(%scan3A_219 = %scan3A_94) -> (i32)  : i32 {
      %mul3A_220 = arith.constant 64 : i32
      %mul3A_221 = arith.muli %scan3A_218, %mul3A_220 : i32
      %add3A_222 = arith.addi %mul3A_4, %mul3A_221 : i32
      %add3A_223 = arith.constant 0 : i32
      %add3A_224 = arith.addi %add3A_222, %add3A_223 : i32
      "tpu.region"() ({
        %run_scoped3A = tpu.sem_alloc : memref<!tpu.dma_semaphore, #tpu.memory_space<semaphore_mem>>
        %dma_start3A_334 = tpu.memref_slice %arg4[%add3A_224] : memref<322560xi32, #tpu.memory_space<hbm>> -> memref<32xi32, #tpu.memory_space<hbm>>
        %dma_start3A_335 = tpu.memref_slice %arg4[%add3A_224] : memref<322560xi32, #tpu.memory_space<hbm>> -> memref<32xi32, #tpu.memory_space<hbm>>
        tpu.enqueue_dma source(%dma_start3A_335 : memref<32xi32, #tpu.memory_space<hbm>>) target(%arg11 : memref<32xi32, #tpu.memory_space<vmem>>) target_semaphore(%run_scoped3A : memref<!tpu.dma_semaphore, #tpu.memory_space<semaphore_mem>>)
        %dma_wait3A_336 = tpu.memref_slice %arg4[%add3A_224] : memref<322560xi32, #tpu.memory_space<hbm>> -> memref<32xi32, #tpu.memory_space<hbm>>
        %dma_wait3A_337 = tpu.memref_slice %arg4[%add3A_224] : memref<322560xi32, #tpu.memory_space<hbm>> -> memref<32xi32, #tpu.memory_space<hbm>>
        tpu.wait_dma2 semaphore(%run_scoped3A : memref<!tpu.dma_semaphore, #tpu.memory_space<semaphore_mem>>) src(%dma_wait3A_337 : memref<32xi32, #tpu.memory_space<hbm>>) dst(%arg11 : memref<32xi32, #tpu.memory_space<vmem>>)
        tpu.yield
      }) : () -> ()
      "tpu.region"() ({
        %run_scoped3A = tpu.sem_alloc : memref<!tpu.dma_semaphore, #tpu.memory_space<semaphore_mem>>
        %dma_start3A_334 = tpu.memref_slice %arg5[%add3A_224] : memref<322560xi32, #tpu.memory_space<hbm>> -> memref<32xi32, #tpu.memory_space<hbm>>
        %dma_start3A_335 = tpu.memref_slice %arg5[%add3A_224] : memref<322560xi32, #tpu.memory_space<hbm>> -> memref<32xi32, #tpu.memory_space<hbm>>
        tpu.enqueue_dma source(%dma_start3A_335 : memref<32xi32, #tpu.memory_space<hbm>>) target(%arg12 : memref<32xi32, #tpu.memory_space<vmem>>) target_semaphore(%run_scoped3A : memref<!tpu.dma_semaphore, #tpu.memory_space<semaphore_mem>>)
        %dma_wait3A_336 = tpu.memref_slice %arg5[%add3A_224] : memref<322560xi32, #tpu.memory_space<hbm>> -> memref<32xi32, #tpu.memory_space<hbm>>
        %dma_wait3A_337 = tpu.memref_slice %arg5[%add3A_224] : memref<322560xi32, #tpu.memory_space<hbm>> -> memref<32xi32, #tpu.memory_space<hbm>>
        tpu.wait_dma2 semaphore(%run_scoped3A : memref<!tpu.dma_semaphore, #tpu.memory_space<semaphore_mem>>) src(%dma_wait3A_337 : memref<32xi32, #tpu.memory_space<hbm>>) dst(%arg12 : memref<32xi32, #tpu.memory_space<vmem>>)
        tpu.yield
      }) : () -> ()
      %get3A = arith.constant 0 : index
      %get3A_225 = tpu.vector_load %arg11[%get3A] {strides = array<i32>} : memref<32xi32, #tpu.memory_space<vmem>>, vector<16xi32>,
      %mul3A_226 = arith.constant 4 : i32
      %mul3A_227 = vector.broadcast %mul3A_226 : i32 to vector<16xi32>
      %mul3A_228 = arith.muli %get3A_225, %mul3A_227 : vector<16xi32>
      %add3A_229 = vector.broadcast %add3A_7 : i32 to vector<16xi32>
      %add3A_230 = arith.addi %mul3A_228, %add3A_229 : vector<16xi32>
      %swap3A = arith.constant 0 : index
      %swap3A_231 = tpu.vector_load %arg13[%swap3A] {strides = array<i32>} : memref<32xi32, #tpu.memory_space<vmem>>, vector<16xi32>,
      tpu.vector_store %arg13[%swap3A], %add3A_230 {strides = array<i32>} : memref<32xi32, #tpu.memory_space<vmem>>, vector<16xi32>,
      %get3A_232 = arith.constant 0 : index
      %get3A_233 = tpu.vector_load %arg12[%get3A_232] {strides = array<i32>} : memref<32xi32, #tpu.memory_space<vmem>>, vector<16xi32>,
      %mul3A_234 = arith.constant 4 : i32
      %mul3A_235 = vector.broadcast %mul3A_234 : i32 to vector<16xi32>
      %mul3A_236 = arith.muli %get3A_233, %mul3A_235 : vector<16xi32>
      %add3A_237 = vector.broadcast %add3A_7 : i32 to vector<16xi32>
      %add3A_238 = arith.addi %mul3A_236, %add3A_237 : vector<16xi32>
      %swap3A_239 = arith.constant 0 : index
      %swap3A_240 = tpu.vector_load %arg14[%swap3A_239] {strides = array<i32>} : memref<32xi32, #tpu.memory_space<vmem>>, vector<16xi32>,
      tpu.vector_store %arg14[%swap3A_239], %add3A_238 {strides = array<i32>} : memref<32xi32, #tpu.memory_space<vmem>>, vector<16xi32>,
      %get3A_241 = arith.constant 16 : index
      %get3A_242 = tpu.vector_load %arg11[%get3A_241] {strides = array<i32>} : memref<32xi32, #tpu.memory_space<vmem>>, vector<16xi32>,
      %mul3A_243 = arith.constant 4 : i32
      %mul3A_244 = vector.broadcast %mul3A_243 : i32 to vector<16xi32>
      %mul3A_245 = arith.muli %get3A_242, %mul3A_244 : vector<16xi32>
      %add3A_246 = vector.broadcast %add3A_7 : i32 to vector<16xi32>
      %add3A_247 = arith.addi %mul3A_245, %add3A_246 : vector<16xi32>
      %swap3A_248 = arith.constant 16 : index
      %swap3A_249 = tpu.vector_load %arg13[%swap3A_248] {strides = array<i32>} : memref<32xi32, #tpu.memory_space<vmem>>, vector<16xi32>,
      tpu.vector_store %arg13[%swap3A_248], %add3A_247 {strides = array<i32>} : memref<32xi32, #tpu.memory_space<vmem>>, vector<16xi32>,
      %get3A_250 = arith.constant 16 : index
      %get3A_251 = tpu.vector_load %arg12[%get3A_250] {strides = array<i32>} : memref<32xi32, #tpu.memory_space<vmem>>, vector<16xi32>,
      %mul3A_252 = arith.constant 4 : i32
      %mul3A_253 = vector.broadcast %mul3A_252 : i32 to vector<16xi32>
      %mul3A_254 = arith.muli %get3A_251, %mul3A_253 : vector<16xi32>
      %add3A_255 = vector.broadcast %add3A_7 : i32 to vector<16xi32>
      %add3A_256 = arith.addi %mul3A_254, %add3A_255 : vector<16xi32>
      %swap3A_257 = arith.constant 16 : index
      %swap3A_258 = tpu.vector_load %arg14[%swap3A_257] {strides = array<i32>} : memref<32xi32, #tpu.memory_space<vmem>>, vector<16xi32>,
      tpu.vector_store %arg14[%swap3A_257], %add3A_256 {strides = array<i32>} : memref<32xi32, #tpu.memory_space<vmem>>, vector<16xi32>,
      %dma_start3A = arith.constant 0 : i32
      %dma_start3A_259 = arith.constant 0 : i32
      %dma_start3A_260 = tpu.memref_slice %arg2[%dma_start3A, %dma_start3A_259] : memref<40960x128xf32, #tpu.memory_space<hbm>> -> memref<40960x128xf32, #tpu.memory_space<hbm>>
      tpu.enqueue_indirect_dma source(%dma_start3A_260 : memref<40960x128xf32, #tpu.memory_space<hbm>>) target(%arg15 : memref<32x128xf32, #tpu.memory_space<vmem>>) offsets(%arg13 : memref<32xi32, #tpu.memory_space<vmem>>) semaphore(%arg17 : memref<!tpu.dma_semaphore, #tpu.memory_space<semaphore_mem>>)
      %dma_start3A_261 = arith.constant 0 : i32
      %dma_start3A_262 = arith.constant 0 : i32
      %dma_start3A_263 = tpu.memref_slice %arg3[%dma_start3A_261, %dma_start3A_262] : memref<40960x128xf32, #tpu.memory_space<hbm>> -> memref<40960x128xf32, #tpu.memory_space<hbm>>
      tpu.enqueue_indirect_dma source(%dma_start3A_263 : memref<40960x128xf32, #tpu.memory_space<hbm>>) target(%arg16 : memref<32x128xf32, #tpu.memory_space<vmem>>) offsets(%arg14 : memref<32xi32, #tpu.memory_space<vmem>>) semaphore(%arg17 : memref<!tpu.dma_semaphore, #tpu.memory_space<semaphore_mem>>)
      %add3A_264 = arith.constant 32 : i32
      %add3A_265 = arith.addi %add3A_222, %add3A_264 : i32
      "tpu.region"() ({
        %run_scoped3A = tpu.sem_alloc : memref<!tpu.dma_semaphore, #tpu.memory_space<semaphore_mem>>
        %dma_start3A_334 = tpu.memref_slice %arg4[%add3A_265] : memref<322560xi32, #tpu.memory_space<hbm>> -> memref<32xi32, #tpu.memory_space<hbm>>
        %dma_start3A_335 = tpu.memref_slice %arg4[%add3A_265] : memref<322560xi32, #tpu.memory_space<hbm>> -> memref<32xi32, #tpu.memory_space<hbm>>
        tpu.enqueue_dma source(%dma_start3A_335 : memref<32xi32, #tpu.memory_space<hbm>>) target(%arg18 : memref<32xi32, #tpu.memory_space<vmem>>) target_semaphore(%run_scoped3A : memref<!tpu.dma_semaphore, #tpu.memory_space<semaphore_mem>>)
        %dma_wait3A_336 = tpu.memref_slice %arg4[%add3A_265] : memref<322560xi32, #tpu.memory_space<hbm>> -> memref<32xi32, #tpu.memory_space<hbm>>
        %dma_wait3A_337 = tpu.memref_slice %arg4[%add3A_265] : memref<322560xi32, #tpu.memory_space<hbm>> -> memref<32xi32, #tpu.memory_space<hbm>>
        tpu.wait_dma2 semaphore(%run_scoped3A : memref<!tpu.dma_semaphore, #tpu.memory_space<semaphore_mem>>) src(%dma_wait3A_337 : memref<32xi32, #tpu.memory_space<hbm>>) dst(%arg18 : memref<32xi32, #tpu.memory_space<vmem>>)
        tpu.yield
      }) : () -> ()
      "tpu.region"() ({
        %run_scoped3A = tpu.sem_alloc : memref<!tpu.dma_semaphore, #tpu.memory_space<semaphore_mem>>
        %dma_start3A_334 = tpu.memref_slice %arg5[%add3A_265] : memref<322560xi32, #tpu.memory_space<hbm>> -> memref<32xi32, #tpu.memory_space<hbm>>
        %dma_start3A_335 = tpu.memref_slice %arg5[%add3A_265] : memref<322560xi32, #tpu.memory_space<hbm>> -> memref<32xi32, #tpu.memory_space<hbm>>
        tpu.enqueue_dma source(%dma_start3A_335 : memref<32xi32, #tpu.memory_space<hbm>>) target(%arg19 : memref<32xi32, #tpu.memory_space<vmem>>) target_semaphore(%run_scoped3A : memref<!tpu.dma_semaphore, #tpu.memory_space<semaphore_mem>>)
        %dma_wait3A_336 = tpu.memref_slice %arg5[%add3A_265] : memref<322560xi32, #tpu.memory_space<hbm>> -> memref<32xi32, #tpu.memory_space<hbm>>
        %dma_wait3A_337 = tpu.memref_slice %arg5[%add3A_265] : memref<322560xi32, #tpu.memory_space<hbm>> -> memref<32xi32, #tpu.memory_space<hbm>>
        tpu.wait_dma2 semaphore(%run_scoped3A : memref<!tpu.dma_semaphore, #tpu.memory_space<semaphore_mem>>) src(%dma_wait3A_337 : memref<32xi32, #tpu.memory_space<hbm>>) dst(%arg19 : memref<32xi32, #tpu.memory_space<vmem>>)
        tpu.yield
      }) : () -> ()
      %get3A_266 = arith.constant 0 : index
      %get3A_267 = tpu.vector_load %arg18[%get3A_266] {strides = array<i32>} : memref<32xi32, #tpu.memory_space<vmem>>, vector<16xi32>,
      %mul3A_268 = arith.constant 4 : i32
      %mul3A_269 = vector.broadcast %mul3A_268 : i32 to vector<16xi32>
      %mul3A_270 = arith.muli %get3A_267, %mul3A_269 : vector<16xi32>
      %add3A_271 = vector.broadcast %add3A_7 : i32 to vector<16xi32>
      %add3A_272 = arith.addi %mul3A_270, %add3A_271 : vector<16xi32>
      %swap3A_273 = arith.constant 0 : index
      %swap3A_274 = tpu.vector_load %arg20[%swap3A_273] {strides = array<i32>} : memref<32xi32, #tpu.memory_space<vmem>>, vector<16xi32>,
      tpu.vector_store %arg20[%swap3A_273], %add3A_272 {strides = array<i32>} : memref<32xi32, #tpu.memory_space<vmem>>, vector<16xi32>,
      %get3A_275 = arith.constant 0 : index
      %get3A_276 = tpu.vector_load %arg19[%get3A_275] {strides = array<i32>} : memref<32xi32, #tpu.memory_space<vmem>>, vector<16xi32>,
      %mul3A_277 = arith.constant 4 : i32
      %mul3A_278 = vector.broadcast %mul3A_277 : i32 to vector<16xi32>
      %mul3A_279 = arith.muli %get3A_276, %mul3A_278 : vector<16xi32>
      %add3A_280 = vector.broadcast %add3A_7 : i32 to vector<16xi32>
      %add3A_281 = arith.addi %mul3A_279, %add3A_280 : vector<16xi32>
      %swap3A_282 = arith.constant 0 : index
      %swap3A_283 = tpu.vector_load %arg21[%swap3A_282] {strides = array<i32>} : memref<32xi32, #tpu.memory_space<vmem>>, vector<16xi32>,
      tpu.vector_store %arg21[%swap3A_282], %add3A_281 {strides = array<i32>} : memref<32xi32, #tpu.memory_space<vmem>>, vector<16xi32>,
      %get3A_284 = arith.constant 16 : index
      %get3A_285 = tpu.vector_load %arg18[%get3A_284] {strides = array<i32>} : memref<32xi32, #tpu.memory_space<vmem>>, vector<16xi32>,
      %mul3A_286 = arith.constant 4 : i32
      %mul3A_287 = vector.broadcast %mul3A_286 : i32 to vector<16xi32>
      %mul3A_288 = arith.muli %get3A_285, %mul3A_287 : vector<16xi32>
      %add3A_289 = vector.broadcast %add3A_7 : i32 to vector<16xi32>
      %add3A_290 = arith.addi %mul3A_288, %add3A_289 : vector<16xi32>
      %swap3A_291 = arith.constant 16 : index
      %swap3A_292 = tpu.vector_load %arg20[%swap3A_291] {strides = array<i32>} : memref<32xi32, #tpu.memory_space<vmem>>, vector<16xi32>,
      tpu.vector_store %arg20[%swap3A_291], %add3A_290 {strides = array<i32>} : memref<32xi32, #tpu.memory_space<vmem>>, vector<16xi32>,
      %get3A_293 = arith.constant 16 : index
      %get3A_294 = tpu.vector_load %arg19[%get3A_293] {strides = array<i32>} : memref<32xi32, #tpu.memory_space<vmem>>, vector<16xi32>,
      %mul3A_295 = arith.constant 4 : i32
      %mul3A_296 = vector.broadcast %mul3A_295 : i32 to vector<16xi32>
      %mul3A_297 = arith.muli %get3A_294, %mul3A_296 : vector<16xi32>
      %add3A_298 = vector.broadcast %add3A_7 : i32 to vector<16xi32>
      %add3A_299 = arith.addi %mul3A_297, %add3A_298 : vector<16xi32>
      %swap3A_300 = arith.constant 16 : index
      %swap3A_301 = tpu.vector_load %arg21[%swap3A_300] {strides = array<i32>} : memref<32xi32, #tpu.memory_space<vmem>>, vector<16xi32>,
      tpu.vector_store %arg21[%swap3A_300], %add3A_299 {strides = array<i32>} : memref<32xi32, #tpu.memory_space<vmem>>, vector<16xi32>,
      %dma_start3A_302 = arith.constant 0 : i32
      %dma_start3A_303 = arith.constant 0 : i32
      %dma_start3A_304 = tpu.memref_slice %arg2[%dma_start3A_302, %dma_start3A_303] : memref<40960x128xf32, #tpu.memory_space<hbm>> -> memref<40960x128xf32, #tpu.memory_space<hbm>>
      tpu.enqueue_indirect_dma source(%dma_start3A_304 : memref<40960x128xf32, #tpu.memory_space<hbm>>) target(%arg22 : memref<32x128xf32, #tpu.memory_space<vmem>>) offsets(%arg20 : memref<32xi32, #tpu.memory_space<vmem>>) semaphore(%arg24 : memref<!tpu.dma_semaphore, #tpu.memory_space<semaphore_mem>>)
      %dma_start3A_305 = arith.constant 0 : i32
      %dma_start3A_306 = arith.constant 0 : i32
      %dma_start3A_307 = tpu.memref_slice %arg3[%dma_start3A_305, %dma_start3A_306] : memref<40960x128xf32, #tpu.memory_space<hbm>> -> memref<40960x128xf32, #tpu.memory_space<hbm>>
      tpu.enqueue_indirect_dma source(%dma_start3A_307 : memref<40960x128xf32, #tpu.memory_space<hbm>>) target(%arg23 : memref<32x128xf32, #tpu.memory_space<vmem>>) offsets(%arg21 : memref<32xi32, #tpu.memory_space<vmem>>) semaphore(%arg24 : memref<!tpu.dma_semaphore, #tpu.memory_space<semaphore_mem>>)
      %dma_wait3A = arith.constant 0 : i32
      %dma_wait3A_308 = arith.constant 0 : i32
      %dma_wait3A_309 = tpu.memref_slice %arg2[%dma_wait3A, %dma_wait3A_308] : memref<40960x128xf32, #tpu.memory_space<hbm>> -> memref<40960x128xf32, #tpu.memory_space<hbm>>
      tpu.wait_indirect_dma semaphore(%arg17 : memref<!tpu.dma_semaphore, #tpu.memory_space<semaphore_mem>>) src(%dma_wait3A_309 : memref<40960x128xf32, #tpu.memory_space<hbm>>) dst(%arg15 : memref<32x128xf32, #tpu.memory_space<vmem>>)
      %dma_wait3A_310 = arith.constant 0 : i32
      %dma_wait3A_311 = arith.constant 0 : i32
      %dma_wait3A_312 = tpu.memref_slice %arg3[%dma_wait3A_310, %dma_wait3A_311] : memref<40960x128xf32, #tpu.memory_space<hbm>> -> memref<40960x128xf32, #tpu.memory_space<hbm>>
      tpu.wait_indirect_dma semaphore(%arg17 : memref<!tpu.dma_semaphore, #tpu.memory_space<semaphore_mem>>) src(%dma_wait3A_312 : memref<40960x128xf32, #tpu.memory_space<hbm>>) dst(%arg16 : memref<32x128xf32, #tpu.memory_space<vmem>>)
      %scan3A_313 = arith.constant 0 : i32
      %scan3A_314 = arith.constant 0 : i32
      %scan3A_315 = arith.constant 32 : i32
      %scan3A_316 = arith.addi %scan3A_314, %scan3A_315 : i32
      %scan3A_317 = arith.constant 1 : i32
      %scan3A_318 = scf.for %scan3A_334 = %scan3A_314 to %scan3A_316 step %scan3A_317 iter_args(%scan3A_335 = %scan3A_313) -> (i32)  : i32 {
        %broadcast_in_dim3A_336 = arith.constant 0.000000e+00 : f32
        %broadcast_in_dim3A_337 = vector.broadcast %broadcast_in_dim3A_336 : f32 to vector<16xf32>
        %get3A_338 = arith.index_cast %scan3A_334 : i32 to index
        %get3A_339 = arith.constant 0 : index
        %get3A_340 = tpu.vector_load %arg15[%get3A_338, %get3A_339] {strides = array<i32>} : memref<32x128xf32, #tpu.memory_space<vmem>>, vector<16xf32>,
        %get3A_341 = arith.index_cast %scan3A_334 : i32 to index
        %get3A_342 = arith.constant 0 : index
        %get3A_343 = tpu.vector_load %arg16[%get3A_341, %get3A_342] {strides = array<i32>} : memref<32x128xf32, #tpu.memory_space<vmem>>, vector<16xf32>,
        %add3A_344 = arith.addf %get3A_340, %get3A_343 : vector<16xf32>
        %gt3A = arith.constant 0.000000e+00 : f32
        %gt3A_345 = vector.broadcast %gt3A : f32 to vector<16xf32>
        %gt3A_346 = arith.cmpf ogt, %add3A_344, %gt3A_345 : vector<16xf32>
        %mul3A_347 = arith.constant 2.000000e-01 : f32
        %mul3A_348 = vector.broadcast %mul3A_347 : f32 to vector<16xf32>
        %mul3A_349 = arith.mulf %mul3A_348, %add3A_344 : vector<16xf32>
        %select_n3A_350 = arith.select %gt3A_346, %add3A_344, %mul3A_349 : vector<16xi1>, vector<16xf32>
        %get3A_351 = arith.index_cast %add3A_7 : i32 to index
        %get3A_352 = arith.constant 0 : index
        %get3A_353 = tpu.vector_load %arg10[%get3A_351, %get3A_352] {strides = array<i32>} : memref<4x128xf32, #tpu.memory_space<vmem>>, vector<16xf32>,
        %mul3A_354 = arith.mulf %select_n3A_350, %get3A_353 : vector<16xf32>
        %add3A_355 = arith.addf %broadcast_in_dim3A_337, %mul3A_354 : vector<16xf32>
        %get3A_356 = arith.index_cast %scan3A_334 : i32 to index
        %get3A_357 = arith.constant 16 : index
        %get3A_358 = tpu.vector_load %arg15[%get3A_356, %get3A_357] {strides = array<i32>} : memref<32x128xf32, #tpu.memory_space<vmem>>, vector<16xf32>,
        %get3A_359 = arith.index_cast %scan3A_334 : i32 to index
        %get3A_360 = arith.constant 16 : index
        %get3A_361 = tpu.vector_load %arg16[%get3A_359, %get3A_360] {strides = array<i32>} : memref<32x128xf32, #tpu.memory_space<vmem>>, vector<16xf32>,
        %add3A_362 = arith.addf %get3A_358, %get3A_361 : vector<16xf32>
        %gt3A_363 = arith.constant 0.000000e+00 : f32
        %gt3A_364 = vector.broadcast %gt3A_363 : f32 to vector<16xf32>
        %gt3A_365 = arith.cmpf ogt, %add3A_362, %gt3A_364 : vector<16xf32>
        %mul3A_366 = arith.constant 2.000000e-01 : f32
        %mul3A_367 = vector.broadcast %mul3A_366 : f32 to vector<16xf32>
        %mul3A_368 = arith.mulf %mul3A_367, %add3A_362 : vector<16xf32>
        %select_n3A_369 = arith.select %gt3A_365, %add3A_362, %mul3A_368 : vector<16xi1>, vector<16xf32>
        %get3A_370 = arith.index_cast %add3A_7 : i32 to index
        %get3A_371 = arith.constant 16 : index
        %get3A_372 = tpu.vector_load %arg10[%get3A_370, %get3A_371] {strides = array<i32>} : memref<4x128xf32, #tpu.memory_space<vmem>>, vector<16xf32>,
        %mul3A_373 = arith.mulf %select_n3A_369, %get3A_372 : vector<16xf32>
        %add3A_374 = arith.addf %add3A_355, %mul3A_373 : vector<16xf32>
        %get3A_375 = arith.index_cast %scan3A_334 : i32 to index
        %get3A_376 = arith.constant 32 : index
        %get3A_377 = tpu.vector_load %arg15[%get3A_375, %get3A_376] {strides = array<i32>} : memref<32x128xf32, #tpu.memory_space<vmem>>, vector<16xf32>,
        %get3A_378 = arith.index_cast %scan3A_334 : i32 to index
        %get3A_379 = arith.constant 32 : index
        %get3A_380 = tpu.vector_load %arg16[%get3A_378, %get3A_379] {strides = array<i32>} : memref<32x128xf32, #tpu.memory_space<vmem>>, vector<16xf32>,
        %add3A_381 = arith.addf %get3A_377, %get3A_380 : vector<16xf32>
        %gt3A_382 = arith.constant 0.000000e+00 : f32
        %gt3A_383 = vector.broadcast %gt3A_382 : f32 to vector<16xf32>
        %gt3A_384 = arith.cmpf ogt, %add3A_381, %gt3A_383 : vector<16xf32>
        %mul3A_385 = arith.constant 2.000000e-01 : f32
        %mul3A_386 = vector.broadcast %mul3A_385 : f32 to vector<16xf32>
        %mul3A_387 = arith.mulf %mul3A_386, %add3A_381 : vector<16xf32>
        %select_n3A_388 = arith.select %gt3A_384, %add3A_381, %mul3A_387 : vector<16xi1>, vector<16xf32>
        %get3A_389 = arith.index_cast %add3A_7 : i32 to index
        %get3A_390 = arith.constant 32 : index
        %get3A_391 = tpu.vector_load %arg10[%get3A_389, %get3A_390] {strides = array<i32>} : memref<4x128xf32, #tpu.memory_space<vmem>>, vector<16xf32>,
        %mul3A_392 = arith.mulf %select_n3A_388, %get3A_391 : vector<16xf32>
        %add3A_393 = arith.addf %add3A_374, %mul3A_392 : vector<16xf32>
        %get3A_394 = arith.index_cast %scan3A_334 : i32 to index
        %get3A_395 = arith.constant 48 : index
        %get3A_396 = tpu.vector_load %arg15[%get3A_394, %get3A_395] {strides = array<i32>} : memref<32x128xf32, #tpu.memory_space<vmem>>, vector<16xf32>,
        %get3A_397 = arith.index_cast %scan3A_334 : i32 to index
        %get3A_398 = arith.constant 48 : index
        %get3A_399 = tpu.vector_load %arg16[%get3A_397, %get3A_398] {strides = array<i32>} : memref<32x128xf32, #tpu.memory_space<vmem>>, vector<16xf32>,
        %add3A_400 = arith.addf %get3A_396, %get3A_399 : vector<16xf32>
        %gt3A_401 = arith.constant 0.000000e+00 : f32
        %gt3A_402 = vector.broadcast %gt3A_401 : f32 to vector<16xf32>
        %gt3A_403 = arith.cmpf ogt, %add3A_400, %gt3A_402 : vector<16xf32>
        %mul3A_404 = arith.constant 2.000000e-01 : f32
        %mul3A_405 = vector.broadcast %mul3A_404 : f32 to vector<16xf32>
        %mul3A_406 = arith.mulf %mul3A_405, %add3A_400 : vector<16xf32>
        %select_n3A_407 = arith.select %gt3A_403, %add3A_400, %mul3A_406 : vector<16xi1>, vector<16xf32>
        %get3A_408 = arith.index_cast %add3A_7 : i32 to index
        %get3A_409 = arith.constant 48 : index
        %get3A_410 = tpu.vector_load %arg10[%get3A_408, %get3A_409] {strides = array<i32>} : memref<4x128xf32, #tpu.memory_space<vmem>>, vector<16xf32>,
        %mul3A_411 = arith.mulf %select_n3A_407, %get3A_410 : vector<16xf32>
        %add3A_412 = arith.addf %add3A_393, %mul3A_411 : vector<16xf32>
        %get3A_413 = arith.index_cast %scan3A_334 : i32 to index
        %get3A_414 = arith.constant 64 : index
        %get3A_415 = tpu.vector_load %arg15[%get3A_413, %get3A_414] {strides = array<i32>} : memref<32x128xf32, #tpu.memory_space<vmem>>, vector<16xf32>,
        %get3A_416 = arith.index_cast %scan3A_334 : i32 to index
        %get3A_417 = arith.constant 64 : index
        %get3A_418 = tpu.vector_load %arg16[%get3A_416, %get3A_417] {strides = array<i32>} : memref<32x128xf32, #tpu.memory_space<vmem>>, vector<16xf32>,
        %add3A_419 = arith.addf %get3A_415, %get3A_418 : vector<16xf32>
        %gt3A_420 = arith.constant 0.000000e+00 : f32
        %gt3A_421 = vector.broadcast %gt3A_420 : f32 to vector<16xf32>
        %gt3A_422 = arith.cmpf ogt, %add3A_419, %gt3A_421 : vector<16xf32>
        %mul3A_423 = arith.constant 2.000000e-01 : f32
        %mul3A_424 = vector.broadcast %mul3A_423 : f32 to vector<16xf32>
        %mul3A_425 = arith.mulf %mul3A_424, %add3A_419 : vector<16xf32>
        %select_n3A_426 = arith.select %gt3A_422, %add3A_419, %mul3A_425 : vector<16xi1>, vector<16xf32>
        %get3A_427 = arith.index_cast %add3A_7 : i32 to index
        %get3A_428 = arith.constant 64 : index
        %get3A_429 = tpu.vector_load %arg10[%get3A_427, %get3A_428] {strides = array<i32>} : memref<4x128xf32, #tpu.memory_space<vmem>>, vector<16xf32>,
        %mul3A_430 = arith.mulf %select_n3A_426, %get3A_429 : vector<16xf32>
        %add3A_431 = arith.addf %add3A_412, %mul3A_430 : vector<16xf32>
        %get3A_432 = arith.index_cast %scan3A_334 : i32 to index
        %get3A_433 = arith.constant 80 : index
        %get3A_434 = tpu.vector_load %arg15[%get3A_432, %get3A_433] {strides = array<i32>} : memref<32x128xf32, #tpu.memory_space<vmem>>, vector<16xf32>,
        %get3A_435 = arith.index_cast %scan3A_334 : i32 to index
        %get3A_436 = arith.constant 80 : index
        %get3A_437 = tpu.vector_load %arg16[%get3A_435, %get3A_436] {strides = array<i32>} : memref<32x128xf32, #tpu.memory_space<vmem>>, vector<16xf32>,
        %add3A_438 = arith.addf %get3A_434, %get3A_437 : vector<16xf32>
        %gt3A_439 = arith.constant 0.000000e+00 : f32
        %gt3A_440 = vector.broadcast %gt3A_439 : f32 to vector<16xf32>
        %gt3A_441 = arith.cmpf ogt, %add3A_438, %gt3A_440 : vector<16xf32>
        %mul3A_442 = arith.constant 2.000000e-01 : f32
        %mul3A_443 = vector.broadcast %mul3A_442 : f32 to vector<16xf32>
        %mul3A_444 = arith.mulf %mul3A_443, %add3A_438 : vector<16xf32>
        %select_n3A_445 = arith.select %gt3A_441, %add3A_438, %mul3A_444 : vector<16xi1>, vector<16xf32>
        %get3A_446 = arith.index_cast %add3A_7 : i32 to index
        %get3A_447 = arith.constant 80 : index
        %get3A_448 = tpu.vector_load %arg10[%get3A_446, %get3A_447] {strides = array<i32>} : memref<4x128xf32, #tpu.memory_space<vmem>>, vector<16xf32>,
        %mul3A_449 = arith.mulf %select_n3A_445, %get3A_448 : vector<16xf32>
        %add3A_450 = arith.addf %add3A_431, %mul3A_449 : vector<16xf32>
        %get3A_451 = arith.index_cast %scan3A_334 : i32 to index
        %get3A_452 = arith.constant 96 : index
        %get3A_453 = tpu.vector_load %arg15[%get3A_451, %get3A_452] {strides = array<i32>} : memref<32x128xf32, #tpu.memory_space<vmem>>, vector<16xf32>,
        %get3A_454 = arith.index_cast %scan3A_334 : i32 to index
        %get3A_455 = arith.constant 96 : index
        %get3A_456 = tpu.vector_load %arg16[%get3A_454, %get3A_455] {strides = array<i32>} : memref<32x128xf32, #tpu.memory_space<vmem>>, vector<16xf32>,
        %add3A_457 = arith.addf %get3A_453, %get3A_456 : vector<16xf32>
        %gt3A_458 = arith.constant 0.000000e+00 : f32
        %gt3A_459 = vector.broadcast %gt3A_458 : f32 to vector<16xf32>
        %gt3A_460 = arith.cmpf ogt, %add3A_457, %gt3A_459 : vector<16xf32>
        %mul3A_461 = arith.constant 2.000000e-01 : f32
        %mul3A_462 = vector.broadcast %mul3A_461 : f32 to vector<16xf32>
        %mul3A_463 = arith.mulf %mul3A_462, %add3A_457 : vector<16xf32>
        %select_n3A_464 = arith.select %gt3A_460, %add3A_457, %mul3A_463 : vector<16xi1>, vector<16xf32>
        %get3A_465 = arith.index_cast %add3A_7 : i32 to index
        %get3A_466 = arith.constant 96 : index
        %get3A_467 = tpu.vector_load %arg10[%get3A_465, %get3A_466] {strides = array<i32>} : memref<4x128xf32, #tpu.memory_space<vmem>>, vector<16xf32>,
        %mul3A_468 = arith.mulf %select_n3A_464, %get3A_467 : vector<16xf32>
        %add3A_469 = arith.addf %add3A_450, %mul3A_468 : vector<16xf32>
        %get3A_470 = arith.index_cast %scan3A_334 : i32 to index
        %get3A_471 = arith.constant 112 : index
        %get3A_472 = tpu.vector_load %arg15[%get3A_470, %get3A_471] {strides = array<i32>} : memref<32x128xf32, #tpu.memory_space<vmem>>, vector<16xf32>,
        %get3A_473 = arith.index_cast %scan3A_334 : i32 to index
        %get3A_474 = arith.constant 112 : index
        %get3A_475 = tpu.vector_load %arg16[%get3A_473, %get3A_474] {strides = array<i32>} : memref<32x128xf32, #tpu.memory_space<vmem>>, vector<16xf32>,
        %add3A_476 = arith.addf %get3A_472, %get3A_475 : vector<16xf32>
        %gt3A_477 = arith.constant 0.000000e+00 : f32
        %gt3A_478 = vector.broadcast %gt3A_477 : f32 to vector<16xf32>
        %gt3A_479 = arith.cmpf ogt, %add3A_476, %gt3A_478 : vector<16xf32>
        %mul3A_480 = arith.constant 2.000000e-01 : f32
        %mul3A_481 = vector.broadcast %mul3A_480 : f32 to vector<16xf32>
        %mul3A_482 = arith.mulf %mul3A_481, %add3A_476 : vector<16xf32>
        %select_n3A_483 = arith.select %gt3A_479, %add3A_476, %mul3A_482 : vector<16xi1>, vector<16xf32>
        %get3A_484 = arith.index_cast %add3A_7 : i32 to index
        %get3A_485 = arith.constant 112 : index
        %get3A_486 = tpu.vector_load %arg10[%get3A_484, %get3A_485] {strides = array<i32>} : memref<4x128xf32, #tpu.memory_space<vmem>>, vector<16xf32>,
        %mul3A_487 = arith.mulf %select_n3A_483, %get3A_486 : vector<16xf32>
        %add3A_488 = arith.addf %add3A_469, %mul3A_487 : vector<16xf32>
        %reduce_sum3A = arith.constant true
        %reduce_sum3A_489 = vector.broadcast %reduce_sum3A : i1 to vector<16xi1>
        %reduce_sum3A_490 = tpu.scan <sum>, %add3A_488 masked %reduce_sum3A_489 : vector<16xf32>, vector<16xi1> -> vector<16xf32>
        %reduce_sum3A_491 = vector.extract %reduce_sum3A_490[15] : f32 from vector<16xf32>
        %broadcast_in_dim3A_492 = vector.broadcast %reduce_sum3A_491 : f32 to vector<16xf32>
        %exp3A = math.exp %broadcast_in_dim3A_492 : vector<16xf32>
        %get3A_493 = arith.index_cast %scan3A_334 : i32 to index
        %get3A_494 = arith.constant 0 : index
        %get3A_495 = tpu.vector_load %arg15[%get3A_493, %get3A_494] {strides = array<i32>} : memref<32x128xf32, #tpu.memory_space<vmem>>, vector<16xf32>,
        %mul3A_496 = arith.mulf %get3A_495, %exp3A : vector<16xf32>
        %swap3A_497 = arith.index_cast %scan3A_334 : i32 to index
        %swap3A_498 = arith.constant 0 : index
        %swap3A_499 = tpu.vector_load %arg9[%swap3A_497, %swap3A_498] {strides = array<i32>} : memref<32x144xf32, #tpu.memory_space<vmem>>, vector<16xf32>,
        tpu.vector_store %arg9[%swap3A_497, %swap3A_498], %mul3A_496 {strides = array<i32>} : memref<32x144xf32, #tpu.memory_space<vmem>>, vector<16xf32>,
        %get3A_500 = arith.index_cast %scan3A_334 : i32 to index
        %get3A_501 = arith.constant 16 : index
        %get3A_502 = tpu.vector_load %arg15[%get3A_500, %get3A_501] {strides = array<i32>} : memref<32x128xf32, #tpu.memory_space<vmem>>, vector<16xf32>,
        %mul3A_503 = arith.mulf %get3A_502, %exp3A : vector<16xf32>
        %swap3A_504 = arith.index_cast %scan3A_334 : i32 to index
        %swap3A_505 = arith.constant 16 : index
        %swap3A_506 = tpu.vector_load %arg9[%swap3A_504, %swap3A_505] {strides = array<i32>} : memref<32x144xf32, #tpu.memory_space<vmem>>, vector<16xf32>,
        tpu.vector_store %arg9[%swap3A_504, %swap3A_505], %mul3A_503 {strides = array<i32>} : memref<32x144xf32, #tpu.memory_space<vmem>>, vector<16xf32>,
        %get3A_507 = arith.index_cast %scan3A_334 : i32 to index
        %get3A_508 = arith.constant 32 : index
        %get3A_509 = tpu.vector_load %arg15[%get3A_507, %get3A_508] {strides = array<i32>} : memref<32x128xf32, #tpu.memory_space<vmem>>, vector<16xf32>,
        %mul3A_510 = arith.mulf %get3A_509, %exp3A : vector<16xf32>
        %swap3A_511 = arith.index_cast %scan3A_334 : i32 to index
        %swap3A_512 = arith.constant 32 : index
        %swap3A_513 = tpu.vector_load %arg9[%swap3A_511, %swap3A_512] {strides = array<i32>} : memref<32x144xf32, #tpu.memory_space<vmem>>, vector<16xf32>,
        tpu.vector_store %arg9[%swap3A_511, %swap3A_512], %mul3A_510 {strides = array<i32>} : memref<32x144xf32, #tpu.memory_space<vmem>>, vector<16xf32>,
        %get3A_514 = arith.index_cast %scan3A_334 : i32 to index
        %get3A_515 = arith.constant 48 : index
        %get3A_516 = tpu.vector_load %arg15[%get3A_514, %get3A_515] {strides = array<i32>} : memref<32x128xf32, #tpu.memory_space<vmem>>, vector<16xf32>,
        %mul3A_517 = arith.mulf %get3A_516, %exp3A : vector<16xf32>
        %swap3A_518 = arith.index_cast %scan3A_334 : i32 to index
        %swap3A_519 = arith.constant 48 : index
        %swap3A_520 = tpu.vector_load %arg9[%swap3A_518, %swap3A_519] {strides = array<i32>} : memref<32x144xf32, #tpu.memory_space<vmem>>, vector<16xf32>,
        tpu.vector_store %arg9[%swap3A_518, %swap3A_519], %mul3A_517 {strides = array<i32>} : memref<32x144xf32, #tpu.memory_space<vmem>>, vector<16xf32>,
        %get3A_521 = arith.index_cast %scan3A_334 : i32 to index
        %get3A_522 = arith.constant 64 : index
        %get3A_523 = tpu.vector_load %arg15[%get3A_521, %get3A_522] {strides = array<i32>} : memref<32x128xf32, #tpu.memory_space<vmem>>, vector<16xf32>,
        %mul3A_524 = arith.mulf %get3A_523, %exp3A : vector<16xf32>
        %swap3A_525 = arith.index_cast %scan3A_334 : i32 to index
        %swap3A_526 = arith.constant 64 : index
        %swap3A_527 = tpu.vector_load %arg9[%swap3A_525, %swap3A_526] {strides = array<i32>} : memref<32x144xf32, #tpu.memory_space<vmem>>, vector<16xf32>,
        tpu.vector_store %arg9[%swap3A_525, %swap3A_526], %mul3A_524 {strides = array<i32>} : memref<32x144xf32, #tpu.memory_space<vmem>>, vector<16xf32>,
        %get3A_528 = arith.index_cast %scan3A_334 : i32 to index
        %get3A_529 = arith.constant 80 : index
        %get3A_530 = tpu.vector_load %arg15[%get3A_528, %get3A_529] {strides = array<i32>} : memref<32x128xf32, #tpu.memory_space<vmem>>, vector<16xf32>,
        %mul3A_531 = arith.mulf %get3A_530, %exp3A : vector<16xf32>
        %swap3A_532 = arith.index_cast %scan3A_334 : i32 to index
        %swap3A_533 = arith.constant 80 : index
        %swap3A_534 = tpu.vector_load %arg9[%swap3A_532, %swap3A_533] {strides = array<i32>} : memref<32x144xf32, #tpu.memory_space<vmem>>, vector<16xf32>,
        tpu.vector_store %arg9[%swap3A_532, %swap3A_533], %mul3A_531 {strides = array<i32>} : memref<32x144xf32, #tpu.memory_space<vmem>>, vector<16xf32>,
        %get3A_535 = arith.index_cast %scan3A_334 : i32 to index
        %get3A_536 = arith.constant 96 : index
        %get3A_537 = tpu.vector_load %arg15[%get3A_535, %get3A_536] {strides = array<i32>} : memref<32x128xf32, #tpu.memory_space<vmem>>, vector<16xf32>,
        %mul3A_538 = arith.mulf %get3A_537, %exp3A : vector<16xf32>
        %swap3A_539 = arith.index_cast %scan3A_334 : i32 to index
        %swap3A_540 = arith.constant 96 : index
        %swap3A_541 = tpu.vector_load %arg9[%swap3A_539, %swap3A_540] {strides = array<i32>} : memref<32x144xf32, #tpu.memory_space<vmem>>, vector<16xf32>,
        tpu.vector_store %arg9[%swap3A_539, %swap3A_540], %mul3A_538 {strides = array<i32>} : memref<32x144xf32, #tpu.memory_space<vmem>>, vector<16xf32>,
        %get3A_542 = arith.index_cast %scan3A_334 : i32 to index
        %get3A_543 = arith.constant 112 : index
        %get3A_544 = tpu.vector_load %arg15[%get3A_542, %get3A_543] {strides = array<i32>} : memref<32x128xf32, #tpu.memory_space<vmem>>, vector<16xf32>,
        %mul3A_545 = arith.mulf %get3A_544, %exp3A : vector<16xf32>
        %swap3A_546 = arith.index_cast %scan3A_334 : i32 to index
        %swap3A_547 = arith.constant 112 : index
        %swap3A_548 = tpu.vector_load %arg9[%swap3A_546, %swap3A_547] {strides = array<i32>} : memref<32x144xf32, #tpu.memory_space<vmem>>, vector<16xf32>,
        tpu.vector_store %arg9[%swap3A_546, %swap3A_547], %mul3A_545 {strides = array<i32>} : memref<32x144xf32, #tpu.memory_space<vmem>>, vector<16xf32>,
        %mul3A_549 = arith.mulf %exp3A, %select_n3A : vector<16xf32>
        %swap3A_550 = arith.index_cast %scan3A_334 : i32 to index
        %swap3A_551 = arith.constant 128 : index
        %swap3A_552 = tpu.vector_load %arg9[%swap3A_550, %swap3A_551] {strides = array<i32>} : memref<32x144xf32, #tpu.memory_space<vmem>>, vector<16xf32>,
        tpu.vector_store %arg9[%swap3A_550, %swap3A_551], %mul3A_549 {strides = array<i32>} : memref<32x144xf32, #tpu.memory_space<vmem>>, vector<16xf32>,
        %scan3A_553 = arith.constant 0 : i32
        scf.yield %scan3A_553 : i32
      }
      %scan3A_319 = arith.constant 32 : i32
      "tpu.region"() ({
        %run_scoped3A = tpu.sem_alloc : memref<!tpu.dma_semaphore, #tpu.memory_space<semaphore_mem>>
        %dma_start3A_334 = arith.constant 0 : i32
        %dma_start3A_335 = arith.constant 0 : i32
        %dma_start3A_336 = tpu.memref_slice %arg8[%dma_start3A_334, %dma_start3A_335] : memref<10240x144xf32, #tpu.memory_space<vmem_shared>> -> memref<10240x144xf32, #tpu.memory_space<vmem_shared>>
        tpu.enqueue_indirect_dma source(%arg9 : memref<32x144xf32, #tpu.memory_space<vmem>>) target(%dma_start3A_336 : memref<10240x144xf32, #tpu.memory_space<vmem_shared>>) offsets(%arg12 : memref<32xi32, #tpu.memory_space<vmem>>) semaphore(%run_scoped3A : memref<!tpu.dma_semaphore, #tpu.memory_space<semaphore_mem>>) {add = true}
        %dma_wait3A_337 = arith.constant 0 : i32
        %dma_wait3A_338 = arith.constant 0 : i32
        %dma_wait3A_339 = tpu.memref_slice %arg8[%dma_wait3A_337, %dma_wait3A_338] : memref<10240x144xf32, #tpu.memory_space<vmem_shared>> -> memref<10240x144xf32, #tpu.memory_space<vmem_shared>>
        tpu.wait_indirect_dma semaphore(%run_scoped3A : memref<!tpu.dma_semaphore, #tpu.memory_space<semaphore_mem>>) src(%arg9 : memref<32x144xf32, #tpu.memory_space<vmem>>) dst(%dma_wait3A_339 : memref<10240x144xf32, #tpu.memory_space<vmem_shared>>)
        tpu.yield
      }) : () -> ()
      %dma_wait3A_320 = arith.constant 0 : i32
      %dma_wait3A_321 = arith.constant 0 : i32
      %dma_wait3A_322 = tpu.memref_slice %arg2[%dma_wait3A_320, %dma_wait3A_321] : memref<40960x128xf32, #tpu.memory_space<hbm>> -> memref<40960x128xf32, #tpu.memory_space<hbm>>
      tpu.wait_indirect_dma semaphore(%arg24 : memref<!tpu.dma_semaphore, #tpu.memory_space<semaphore_mem>>) src(%dma_wait3A_322 : memref<40960x128xf32, #tpu.memory_space<hbm>>) dst(%arg22 : memref<32x128xf32, #tpu.memory_space<vmem>>)
      %dma_wait3A_323 = arith.constant 0 : i32
      %dma_wait3A_324 = arith.constant 0 : i32
      %dma_wait3A_325 = tpu.memref_slice %arg3[%dma_wait3A_323, %dma_wait3A_324] : memref<40960x128xf32, #tpu.memory_space<hbm>> -> memref<40960x128xf32, #tpu.memory_space<hbm>>
      tpu.wait_indirect_dma semaphore(%arg24 : memref<!tpu.dma_semaphore, #tpu.memory_space<semaphore_mem>>) src(%dma_wait3A_325 : memref<40960x128xf32, #tpu.memory_space<hbm>>) dst(%arg23 : memref<32x128xf32, #tpu.memory_space<vmem>>)
      %scan3A_326 = arith.constant 0 : i32
      %scan3A_327 = arith.constant 0 : i32
      %scan3A_328 = arith.constant 32 : i32
      %scan3A_329 = arith.addi %scan3A_327, %scan3A_328 : i32
      %scan3A_330 = arith.constant 1 : i32
      %scan3A_331 = scf.for %scan3A_334 = %scan3A_327 to %scan3A_329 step %scan3A_330 iter_args(%scan3A_335 = %scan3A_326) -> (i32)  : i32 {
        %broadcast_in_dim3A_336 = arith.constant 0.000000e+00 : f32
        %broadcast_in_dim3A_337 = vector.broadcast %broadcast_in_dim3A_336 : f32 to vector<16xf32>
        %get3A_338 = arith.index_cast %scan3A_334 : i32 to index
        %get3A_339 = arith.constant 0 : index
        %get3A_340 = tpu.vector_load %arg22[%get3A_338, %get3A_339] {strides = array<i32>} : memref<32x128xf32, #tpu.memory_space<vmem>>, vector<16xf32>,
        %get3A_341 = arith.index_cast %scan3A_334 : i32 to index
        %get3A_342 = arith.constant 0 : index
        %get3A_343 = tpu.vector_load %arg23[%get3A_341, %get3A_342] {strides = array<i32>} : memref<32x128xf32, #tpu.memory_space<vmem>>, vector<16xf32>,
        %add3A_344 = arith.addf %get3A_340, %get3A_343 : vector<16xf32>
        %gt3A = arith.constant 0.000000e+00 : f32
        %gt3A_345 = vector.broadcast %gt3A : f32 to vector<16xf32>
        %gt3A_346 = arith.cmpf ogt, %add3A_344, %gt3A_345 : vector<16xf32>
        %mul3A_347 = arith.constant 2.000000e-01 : f32
        %mul3A_348 = vector.broadcast %mul3A_347 : f32 to vector<16xf32>
        %mul3A_349 = arith.mulf %mul3A_348, %add3A_344 : vector<16xf32>
        %select_n3A_350 = arith.select %gt3A_346, %add3A_344, %mul3A_349 : vector<16xi1>, vector<16xf32>
        %get3A_351 = arith.index_cast %add3A_7 : i32 to index
        %get3A_352 = arith.constant 0 : index
        %get3A_353 = tpu.vector_load %arg10[%get3A_351, %get3A_352] {strides = array<i32>} : memref<4x128xf32, #tpu.memory_space<vmem>>, vector<16xf32>,
        %mul3A_354 = arith.mulf %select_n3A_350, %get3A_353 : vector<16xf32>
        %add3A_355 = arith.addf %broadcast_in_dim3A_337, %mul3A_354 : vector<16xf32>
        %get3A_356 = arith.index_cast %scan3A_334 : i32 to index
        %get3A_357 = arith.constant 16 : index
        %get3A_358 = tpu.vector_load %arg22[%get3A_356, %get3A_357] {strides = array<i32>} : memref<32x128xf32, #tpu.memory_space<vmem>>, vector<16xf32>,
        %get3A_359 = arith.index_cast %scan3A_334 : i32 to index
        %get3A_360 = arith.constant 16 : index
        %get3A_361 = tpu.vector_load %arg23[%get3A_359, %get3A_360] {strides = array<i32>} : memref<32x128xf32, #tpu.memory_space<vmem>>, vector<16xf32>,
        %add3A_362 = arith.addf %get3A_358, %get3A_361 : vector<16xf32>
        %gt3A_363 = arith.constant 0.000000e+00 : f32
        %gt3A_364 = vector.broadcast %gt3A_363 : f32 to vector<16xf32>
        %gt3A_365 = arith.cmpf ogt, %add3A_362, %gt3A_364 : vector<16xf32>
        %mul3A_366 = arith.constant 2.000000e-01 : f32
        %mul3A_367 = vector.broadcast %mul3A_366 : f32 to vector<16xf32>
        %mul3A_368 = arith.mulf %mul3A_367, %add3A_362 : vector<16xf32>
        %select_n3A_369 = arith.select %gt3A_365, %add3A_362, %mul3A_368 : vector<16xi1>, vector<16xf32>
        %get3A_370 = arith.index_cast %add3A_7 : i32 to index
        %get3A_371 = arith.constant 16 : index
        %get3A_372 = tpu.vector_load %arg10[%get3A_370, %get3A_371] {strides = array<i32>} : memref<4x128xf32, #tpu.memory_space<vmem>>, vector<16xf32>,
        %mul3A_373 = arith.mulf %select_n3A_369, %get3A_372 : vector<16xf32>
        %add3A_374 = arith.addf %add3A_355, %mul3A_373 : vector<16xf32>
        %get3A_375 = arith.index_cast %scan3A_334 : i32 to index
        %get3A_376 = arith.constant 32 : index
        %get3A_377 = tpu.vector_load %arg22[%get3A_375, %get3A_376] {strides = array<i32>} : memref<32x128xf32, #tpu.memory_space<vmem>>, vector<16xf32>,
        %get3A_378 = arith.index_cast %scan3A_334 : i32 to index
        %get3A_379 = arith.constant 32 : index
        %get3A_380 = tpu.vector_load %arg23[%get3A_378, %get3A_379] {strides = array<i32>} : memref<32x128xf32, #tpu.memory_space<vmem>>, vector<16xf32>,
        %add3A_381 = arith.addf %get3A_377, %get3A_380 : vector<16xf32>
        %gt3A_382 = arith.constant 0.000000e+00 : f32
        %gt3A_383 = vector.broadcast %gt3A_382 : f32 to vector<16xf32>
        %gt3A_384 = arith.cmpf ogt, %add3A_381, %gt3A_383 : vector<16xf32>
        %mul3A_385 = arith.constant 2.000000e-01 : f32
        %mul3A_386 = vector.broadcast %mul3A_385 : f32 to vector<16xf32>
        %mul3A_387 = arith.mulf %mul3A_386, %add3A_381 : vector<16xf32>
        %select_n3A_388 = arith.select %gt3A_384, %add3A_381, %mul3A_387 : vector<16xi1>, vector<16xf32>
        %get3A_389 = arith.index_cast %add3A_7 : i32 to index
        %get3A_390 = arith.constant 32 : index
        %get3A_391 = tpu.vector_load %arg10[%get3A_389, %get3A_390] {strides = array<i32>} : memref<4x128xf32, #tpu.memory_space<vmem>>, vector<16xf32>,
        %mul3A_392 = arith.mulf %select_n3A_388, %get3A_391 : vector<16xf32>
        %add3A_393 = arith.addf %add3A_374, %mul3A_392 : vector<16xf32>
        %get3A_394 = arith.index_cast %scan3A_334 : i32 to index
        %get3A_395 = arith.constant 48 : index
        %get3A_396 = tpu.vector_load %arg22[%get3A_394, %get3A_395] {strides = array<i32>} : memref<32x128xf32, #tpu.memory_space<vmem>>, vector<16xf32>,
        %get3A_397 = arith.index_cast %scan3A_334 : i32 to index
        %get3A_398 = arith.constant 48 : index
        %get3A_399 = tpu.vector_load %arg23[%get3A_397, %get3A_398] {strides = array<i32>} : memref<32x128xf32, #tpu.memory_space<vmem>>, vector<16xf32>,
        %add3A_400 = arith.addf %get3A_396, %get3A_399 : vector<16xf32>
        %gt3A_401 = arith.constant 0.000000e+00 : f32
        %gt3A_402 = vector.broadcast %gt3A_401 : f32 to vector<16xf32>
        %gt3A_403 = arith.cmpf ogt, %add3A_400, %gt3A_402 : vector<16xf32>
        %mul3A_404 = arith.constant 2.000000e-01 : f32
        %mul3A_405 = vector.broadcast %mul3A_404 : f32 to vector<16xf32>
        %mul3A_406 = arith.mulf %mul3A_405, %add3A_400 : vector<16xf32>
        %select_n3A_407 = arith.select %gt3A_403, %add3A_400, %mul3A_406 : vector<16xi1>, vector<16xf32>
        %get3A_408 = arith.index_cast %add3A_7 : i32 to index
        %get3A_409 = arith.constant 48 : index
        %get3A_410 = tpu.vector_load %arg10[%get3A_408, %get3A_409] {strides = array<i32>} : memref<4x128xf32, #tpu.memory_space<vmem>>, vector<16xf32>,
        %mul3A_411 = arith.mulf %select_n3A_407, %get3A_410 : vector<16xf32>
        %add3A_412 = arith.addf %add3A_393, %mul3A_411 : vector<16xf32>
        %get3A_413 = arith.index_cast %scan3A_334 : i32 to index
        %get3A_414 = arith.constant 64 : index
        %get3A_415 = tpu.vector_load %arg22[%get3A_413, %get3A_414] {strides = array<i32>} : memref<32x128xf32, #tpu.memory_space<vmem>>, vector<16xf32>,
        %get3A_416 = arith.index_cast %scan3A_334 : i32 to index
        %get3A_417 = arith.constant 64 : index
        %get3A_418 = tpu.vector_load %arg23[%get3A_416, %get3A_417] {strides = array<i32>} : memref<32x128xf32, #tpu.memory_space<vmem>>, vector<16xf32>,
        %add3A_419 = arith.addf %get3A_415, %get3A_418 : vector<16xf32>
        %gt3A_420 = arith.constant 0.000000e+00 : f32
        %gt3A_421 = vector.broadcast %gt3A_420 : f32 to vector<16xf32>
        %gt3A_422 = arith.cmpf ogt, %add3A_419, %gt3A_421 : vector<16xf32>
        %mul3A_423 = arith.constant 2.000000e-01 : f32
        %mul3A_424 = vector.broadcast %mul3A_423 : f32 to vector<16xf32>
        %mul3A_425 = arith.mulf %mul3A_424, %add3A_419 : vector<16xf32>
        %select_n3A_426 = arith.select %gt3A_422, %add3A_419, %mul3A_425 : vector<16xi1>, vector<16xf32>
        %get3A_427 = arith.index_cast %add3A_7 : i32 to index
        %get3A_428 = arith.constant 64 : index
        %get3A_429 = tpu.vector_load %arg10[%get3A_427, %get3A_428] {strides = array<i32>} : memref<4x128xf32, #tpu.memory_space<vmem>>, vector<16xf32>,
        %mul3A_430 = arith.mulf %select_n3A_426, %get3A_429 : vector<16xf32>
        %add3A_431 = arith.addf %add3A_412, %mul3A_430 : vector<16xf32>
        %get3A_432 = arith.index_cast %scan3A_334 : i32 to index
        %get3A_433 = arith.constant 80 : index
        %get3A_434 = tpu.vector_load %arg22[%get3A_432, %get3A_433] {strides = array<i32>} : memref<32x128xf32, #tpu.memory_space<vmem>>, vector<16xf32>,
        %get3A_435 = arith.index_cast %scan3A_334 : i32 to index
        %get3A_436 = arith.constant 80 : index
        %get3A_437 = tpu.vector_load %arg23[%get3A_435, %get3A_436] {strides = array<i32>} : memref<32x128xf32, #tpu.memory_space<vmem>>, vector<16xf32>,
        %add3A_438 = arith.addf %get3A_434, %get3A_437 : vector<16xf32>
        %gt3A_439 = arith.constant 0.000000e+00 : f32
        %gt3A_440 = vector.broadcast %gt3A_439 : f32 to vector<16xf32>
        %gt3A_441 = arith.cmpf ogt, %add3A_438, %gt3A_440 : vector<16xf32>
        %mul3A_442 = arith.constant 2.000000e-01 : f32
        %mul3A_443 = vector.broadcast %mul3A_442 : f32 to vector<16xf32>
        %mul3A_444 = arith.mulf %mul3A_443, %add3A_438 : vector<16xf32>
        %select_n3A_445 = arith.select %gt3A_441, %add3A_438, %mul3A_444 : vector<16xi1>, vector<16xf32>
        %get3A_446 = arith.index_cast %add3A_7 : i32 to index
        %get3A_447 = arith.constant 80 : index
        %get3A_448 = tpu.vector_load %arg10[%get3A_446, %get3A_447] {strides = array<i32>} : memref<4x128xf32, #tpu.memory_space<vmem>>, vector<16xf32>,
        %mul3A_449 = arith.mulf %select_n3A_445, %get3A_448 : vector<16xf32>
        %add3A_450 = arith.addf %add3A_431, %mul3A_449 : vector<16xf32>
        %get3A_451 = arith.index_cast %scan3A_334 : i32 to index
        %get3A_452 = arith.constant 96 : index
        %get3A_453 = tpu.vector_load %arg22[%get3A_451, %get3A_452] {strides = array<i32>} : memref<32x128xf32, #tpu.memory_space<vmem>>, vector<16xf32>,
        %get3A_454 = arith.index_cast %scan3A_334 : i32 to index
        %get3A_455 = arith.constant 96 : index
        %get3A_456 = tpu.vector_load %arg23[%get3A_454, %get3A_455] {strides = array<i32>} : memref<32x128xf32, #tpu.memory_space<vmem>>, vector<16xf32>,
        %add3A_457 = arith.addf %get3A_453, %get3A_456 : vector<16xf32>
        %gt3A_458 = arith.constant 0.000000e+00 : f32
        %gt3A_459 = vector.broadcast %gt3A_458 : f32 to vector<16xf32>
        %gt3A_460 = arith.cmpf ogt, %add3A_457, %gt3A_459 : vector<16xf32>
        %mul3A_461 = arith.constant 2.000000e-01 : f32
        %mul3A_462 = vector.broadcast %mul3A_461 : f32 to vector<16xf32>
        %mul3A_463 = arith.mulf %mul3A_462, %add3A_457 : vector<16xf32>
        %select_n3A_464 = arith.select %gt3A_460, %add3A_457, %mul3A_463 : vector<16xi1>, vector<16xf32>
        %get3A_465 = arith.index_cast %add3A_7 : i32 to index
        %get3A_466 = arith.constant 96 : index
        %get3A_467 = tpu.vector_load %arg10[%get3A_465, %get3A_466] {strides = array<i32>} : memref<4x128xf32, #tpu.memory_space<vmem>>, vector<16xf32>,
        %mul3A_468 = arith.mulf %select_n3A_464, %get3A_467 : vector<16xf32>
        %add3A_469 = arith.addf %add3A_450, %mul3A_468 : vector<16xf32>
        %get3A_470 = arith.index_cast %scan3A_334 : i32 to index
        %get3A_471 = arith.constant 112 : index
        %get3A_472 = tpu.vector_load %arg22[%get3A_470, %get3A_471] {strides = array<i32>} : memref<32x128xf32, #tpu.memory_space<vmem>>, vector<16xf32>,
        %get3A_473 = arith.index_cast %scan3A_334 : i32 to index
        %get3A_474 = arith.constant 112 : index
        %get3A_475 = tpu.vector_load %arg23[%get3A_473, %get3A_474] {strides = array<i32>} : memref<32x128xf32, #tpu.memory_space<vmem>>, vector<16xf32>,
        %add3A_476 = arith.addf %get3A_472, %get3A_475 : vector<16xf32>
        %gt3A_477 = arith.constant 0.000000e+00 : f32
        %gt3A_478 = vector.broadcast %gt3A_477 : f32 to vector<16xf32>
        %gt3A_479 = arith.cmpf ogt, %add3A_476, %gt3A_478 : vector<16xf32>
        %mul3A_480 = arith.constant 2.000000e-01 : f32
        %mul3A_481 = vector.broadcast %mul3A_480 : f32 to vector<16xf32>
        %mul3A_482 = arith.mulf %mul3A_481, %add3A_476 : vector<16xf32>
        %select_n3A_483 = arith.select %gt3A_479, %add3A_476, %mul3A_482 : vector<16xi1>, vector<16xf32>
        %get3A_484 = arith.index_cast %add3A_7 : i32 to index
        %get3A_485 = arith.constant 112 : index
        %get3A_486 = tpu.vector_load %arg10[%get3A_484, %get3A_485] {strides = array<i32>} : memref<4x128xf32, #tpu.memory_space<vmem>>, vector<16xf32>,
        %mul3A_487 = arith.mulf %select_n3A_483, %get3A_486 : vector<16xf32>
        %add3A_488 = arith.addf %add3A_469, %mul3A_487 : vector<16xf32>
        %reduce_sum3A = arith.constant true
        %reduce_sum3A_489 = vector.broadcast %reduce_sum3A : i1 to vector<16xi1>
        %reduce_sum3A_490 = tpu.scan <sum>, %add3A_488 masked %reduce_sum3A_489 : vector<16xf32>, vector<16xi1> -> vector<16xf32>
        %reduce_sum3A_491 = vector.extract %reduce_sum3A_490[15] : f32 from vector<16xf32>
        %broadcast_in_dim3A_492 = vector.broadcast %reduce_sum3A_491 : f32 to vector<16xf32>
        %exp3A = math.exp %broadcast_in_dim3A_492 : vector<16xf32>
        %get3A_493 = arith.index_cast %scan3A_334 : i32 to index
        %get3A_494 = arith.constant 0 : index
        %get3A_495 = tpu.vector_load %arg22[%get3A_493, %get3A_494] {strides = array<i32>} : memref<32x128xf32, #tpu.memory_space<vmem>>, vector<16xf32>,
        %mul3A_496 = arith.mulf %get3A_495, %exp3A : vector<16xf32>
        %swap3A_497 = arith.index_cast %scan3A_334 : i32 to index
        %swap3A_498 = arith.constant 0 : index
        %swap3A_499 = tpu.vector_load %arg9[%swap3A_497, %swap3A_498] {strides = array<i32>} : memref<32x144xf32, #tpu.memory_space<vmem>>, vector<16xf32>,
        tpu.vector_store %arg9[%swap3A_497, %swap3A_498], %mul3A_496 {strides = array<i32>} : memref<32x144xf32, #tpu.memory_space<vmem>>, vector<16xf32>,
        %get3A_500 = arith.index_cast %scan3A_334 : i32 to index
        %get3A_501 = arith.constant 16 : index
        %get3A_502 = tpu.vector_load %arg22[%get3A_500, %get3A_501] {strides = array<i32>} : memref<32x128xf32, #tpu.memory_space<vmem>>, vector<16xf32>,
        %mul3A_503 = arith.mulf %get3A_502, %exp3A : vector<16xf32>
        %swap3A_504 = arith.index_cast %scan3A_334 : i32 to index
        %swap3A_505 = arith.constant 16 : index
        %swap3A_506 = tpu.vector_load %arg9[%swap3A_504, %swap3A_505] {strides = array<i32>} : memref<32x144xf32, #tpu.memory_space<vmem>>, vector<16xf32>,
        tpu.vector_store %arg9[%swap3A_504, %swap3A_505], %mul3A_503 {strides = array<i32>} : memref<32x144xf32, #tpu.memory_space<vmem>>, vector<16xf32>,
        %get3A_507 = arith.index_cast %scan3A_334 : i32 to index
        %get3A_508 = arith.constant 32 : index
        %get3A_509 = tpu.vector_load %arg22[%get3A_507, %get3A_508] {strides = array<i32>} : memref<32x128xf32, #tpu.memory_space<vmem>>, vector<16xf32>,
        %mul3A_510 = arith.mulf %get3A_509, %exp3A : vector<16xf32>
        %swap3A_511 = arith.index_cast %scan3A_334 : i32 to index
        %swap3A_512 = arith.constant 32 : index
        %swap3A_513 = tpu.vector_load %arg9[%swap3A_511, %swap3A_512] {strides = array<i32>} : memref<32x144xf32, #tpu.memory_space<vmem>>, vector<16xf32>,
        tpu.vector_store %arg9[%swap3A_511, %swap3A_512], %mul3A_510 {strides = array<i32>} : memref<32x144xf32, #tpu.memory_space<vmem>>, vector<16xf32>,
        %get3A_514 = arith.index_cast %scan3A_334 : i32 to index
        %get3A_515 = arith.constant 48 : index
        %get3A_516 = tpu.vector_load %arg22[%get3A_514, %get3A_515] {strides = array<i32>} : memref<32x128xf32, #tpu.memory_space<vmem>>, vector<16xf32>,
        %mul3A_517 = arith.mulf %get3A_516, %exp3A : vector<16xf32>
        %swap3A_518 = arith.index_cast %scan3A_334 : i32 to index
        %swap3A_519 = arith.constant 48 : index
        %swap3A_520 = tpu.vector_load %arg9[%swap3A_518, %swap3A_519] {strides = array<i32>} : memref<32x144xf32, #tpu.memory_space<vmem>>, vector<16xf32>,
        tpu.vector_store %arg9[%swap3A_518, %swap3A_519], %mul3A_517 {strides = array<i32>} : memref<32x144xf32, #tpu.memory_space<vmem>>, vector<16xf32>,
        %get3A_521 = arith.index_cast %scan3A_334 : i32 to index
        %get3A_522 = arith.constant 64 : index
        %get3A_523 = tpu.vector_load %arg22[%get3A_521, %get3A_522] {strides = array<i32>} : memref<32x128xf32, #tpu.memory_space<vmem>>, vector<16xf32>,
        %mul3A_524 = arith.mulf %get3A_523, %exp3A : vector<16xf32>
        %swap3A_525 = arith.index_cast %scan3A_334 : i32 to index
        %swap3A_526 = arith.constant 64 : index
        %swap3A_527 = tpu.vector_load %arg9[%swap3A_525, %swap3A_526] {strides = array<i32>} : memref<32x144xf32, #tpu.memory_space<vmem>>, vector<16xf32>,
        tpu.vector_store %arg9[%swap3A_525, %swap3A_526], %mul3A_524 {strides = array<i32>} : memref<32x144xf32, #tpu.memory_space<vmem>>, vector<16xf32>,
        %get3A_528 = arith.index_cast %scan3A_334 : i32 to index
        %get3A_529 = arith.constant 80 : index
        %get3A_530 = tpu.vector_load %arg22[%get3A_528, %get3A_529] {strides = array<i32>} : memref<32x128xf32, #tpu.memory_space<vmem>>, vector<16xf32>,
        %mul3A_531 = arith.mulf %get3A_530, %exp3A : vector<16xf32>
        %swap3A_532 = arith.index_cast %scan3A_334 : i32 to index
        %swap3A_533 = arith.constant 80 : index
        %swap3A_534 = tpu.vector_load %arg9[%swap3A_532, %swap3A_533] {strides = array<i32>} : memref<32x144xf32, #tpu.memory_space<vmem>>, vector<16xf32>,
        tpu.vector_store %arg9[%swap3A_532, %swap3A_533], %mul3A_531 {strides = array<i32>} : memref<32x144xf32, #tpu.memory_space<vmem>>, vector<16xf32>,
        %get3A_535 = arith.index_cast %scan3A_334 : i32 to index
        %get3A_536 = arith.constant 96 : index
        %get3A_537 = tpu.vector_load %arg22[%get3A_535, %get3A_536] {strides = array<i32>} : memref<32x128xf32, #tpu.memory_space<vmem>>, vector<16xf32>,
        %mul3A_538 = arith.mulf %get3A_537, %exp3A : vector<16xf32>
        %swap3A_539 = arith.index_cast %scan3A_334 : i32 to index
        %swap3A_540 = arith.constant 96 : index
        %swap3A_541 = tpu.vector_load %arg9[%swap3A_539, %swap3A_540] {strides = array<i32>} : memref<32x144xf32, #tpu.memory_space<vmem>>, vector<16xf32>,
        tpu.vector_store %arg9[%swap3A_539, %swap3A_540], %mul3A_538 {strides = array<i32>} : memref<32x144xf32, #tpu.memory_space<vmem>>, vector<16xf32>,
        %get3A_542 = arith.index_cast %scan3A_334 : i32 to index
        %get3A_543 = arith.constant 112 : index
        %get3A_544 = tpu.vector_load %arg22[%get3A_542, %get3A_543] {strides = array<i32>} : memref<32x128xf32, #tpu.memory_space<vmem>>, vector<16xf32>,
        %mul3A_545 = arith.mulf %get3A_544, %exp3A : vector<16xf32>
        %swap3A_546 = arith.index_cast %scan3A_334 : i32 to index
        %swap3A_547 = arith.constant 112 : index
        %swap3A_548 = tpu.vector_load %arg9[%swap3A_546, %swap3A_547] {strides = array<i32>} : memref<32x144xf32, #tpu.memory_space<vmem>>, vector<16xf32>,
        tpu.vector_store %arg9[%swap3A_546, %swap3A_547], %mul3A_545 {strides = array<i32>} : memref<32x144xf32, #tpu.memory_space<vmem>>, vector<16xf32>,
        %mul3A_549 = arith.mulf %exp3A, %select_n3A : vector<16xf32>
        %swap3A_550 = arith.index_cast %scan3A_334 : i32 to index
        %swap3A_551 = arith.constant 128 : index
        %swap3A_552 = tpu.vector_load %arg9[%swap3A_550, %swap3A_551] {strides = array<i32>} : memref<32x144xf32, #tpu.memory_space<vmem>>, vector<16xf32>,
        tpu.vector_store %arg9[%swap3A_550, %swap3A_551], %mul3A_549 {strides = array<i32>} : memref<32x144xf32, #tpu.memory_space<vmem>>, vector<16xf32>,
        %scan3A_553 = arith.constant 0 : i32
        scf.yield %scan3A_553 : i32
      }
      %scan3A_332 = arith.constant 32 : i32
      "tpu.region"() ({
        %run_scoped3A = tpu.sem_alloc : memref<!tpu.dma_semaphore, #tpu.memory_space<semaphore_mem>>
        %dma_start3A_334 = arith.constant 0 : i32
        %dma_start3A_335 = arith.constant 0 : i32
        %dma_start3A_336 = tpu.memref_slice %arg8[%dma_start3A_334, %dma_start3A_335] : memref<10240x144xf32, #tpu.memory_space<vmem_shared>> -> memref<10240x144xf32, #tpu.memory_space<vmem_shared>>
        tpu.enqueue_indirect_dma source(%arg9 : memref<32x144xf32, #tpu.memory_space<vmem>>) target(%dma_start3A_336 : memref<10240x144xf32, #tpu.memory_space<vmem_shared>>) offsets(%arg19 : memref<32xi32, #tpu.memory_space<vmem>>) semaphore(%run_scoped3A : memref<!tpu.dma_semaphore, #tpu.memory_space<semaphore_mem>>) {add = true}
        %dma_wait3A_337 = arith.constant 0 : i32
        %dma_wait3A_338 = arith.constant 0 : i32
        %dma_wait3A_339 = tpu.memref_slice %arg8[%dma_wait3A_337, %dma_wait3A_338] : memref<10240x144xf32, #tpu.memory_space<vmem_shared>> -> memref<10240x144xf32, #tpu.memory_space<vmem_shared>>
        tpu.wait_indirect_dma semaphore(%run_scoped3A : memref<!tpu.dma_semaphore, #tpu.memory_space<semaphore_mem>>) src(%arg9 : memref<32x144xf32, #tpu.memory_space<vmem>>) dst(%dma_wait3A_339 : memref<10240x144xf32, #tpu.memory_space<vmem_shared>>)
        tpu.yield
      }) : () -> ()
      %scan3A_333 = arith.constant 0 : i32
      scf.yield %scan3A_333 : i32
    }
    %scan3A_100 = arith.constant 315 : i32
    %barrier3A_101 = arith.constant 0 : index
    tpu.barrier barrier_id(%barrier3A_101)
    %mul3A_102 = arith.constant 640 : i32
    %mul3A_103 = arith.muli %arg1, %mul3A_102 : i32
    %mul3A_104 = arith.constant 10240 : i32
    %mul3A_105 = arith.muli %add3A_7, %mul3A_104 : i32
    %mul3A_106 = arith.constant 640 : i32
    %mul3A_107 = arith.muli %arg1, %mul3A_106 : i32
    %add3A_108 = arith.addi %mul3A_105, %mul3A_107 : i32
    "tpu.region"() ({
      %run_scoped3A = tpu.sem_alloc : memref<!tpu.dma_semaphore, #tpu.memory_space<semaphore_mem>>
      %dma_start3A = arith.constant 0 : i32
      %dma_start3A_218 = tpu.memref_slice %arg7[%add3A_108, %dma_start3A] : memref<40960x144xf32, #tpu.memory_space<hbm>> -> memref<640x144xf32, #tpu.memory_space<hbm>>
      %dma_start3A_219 = arith.constant 0 : i32
      %dma_start3A_220 = tpu.memref_slice %arg8[%mul3A_103, %dma_start3A_219] : memref<10240x144xf32, #tpu.memory_space<vmem_shared>> -> memref<640x144xf32, #tpu.memory_space<vmem_shared>>
      tpu.enqueue_dma source(%dma_start3A_220 : memref<640x144xf32, #tpu.memory_space<vmem_shared>>) target(%dma_start3A_218 : memref<640x144xf32, #tpu.memory_space<hbm>>) target_semaphore(%run_scoped3A : memref<!tpu.dma_semaphore, #tpu.memory_space<semaphore_mem>>)
      %dma_wait3A = arith.constant 0 : i32
      %dma_wait3A_221 = tpu.memref_slice %arg7[%add3A_108, %dma_wait3A] : memref<40960x144xf32, #tpu.memory_space<hbm>> -> memref<640x144xf32, #tpu.memory_space<hbm>>
      %dma_wait3A_222 = arith.constant 0 : i32
      %dma_wait3A_223 = tpu.memref_slice %arg8[%mul3A_103, %dma_wait3A_222] : memref<10240x144xf32, #tpu.memory_space<vmem_shared>> -> memref<640x144xf32, #tpu.memory_space<vmem_shared>>
      tpu.wait_dma2 semaphore(%run_scoped3A : memref<!tpu.dma_semaphore, #tpu.memory_space<semaphore_mem>>) src(%dma_wait3A_223 : memref<640x144xf32, #tpu.memory_space<vmem_shared>>) dst(%dma_wait3A_221 : memref<640x144xf32, #tpu.memory_space<hbm>>)
      tpu.yield
    }) : () -> ()
    %barrier3A_109 = arith.constant 0 : index
    tpu.barrier barrier_id(%barrier3A_109)
    %mul3A_110 = arith.constant 2 : i32
    %mul3A_111 = arith.muli %mul3A_110, %arg0 : i32
    %add3A_112 = arith.constant 1 : i32
    %add3A_113 = arith.addi %mul3A_111, %add3A_112 : i32
    %scan3A_114 = arith.constant 0 : i32
    %scan3A_115 = arith.constant 0 : i32
    %scan3A_116 = arith.constant 32 : i32
    %scan3A_117 = arith.addi %scan3A_115, %scan3A_116 : i32
    %scan3A_118 = arith.constant 1 : i32
    %scan3A_119 = scf.for %scan3A_218 = %scan3A_115 to %scan3A_117 step %scan3A_118 iter_args(%scan3A_219 = %scan3A_114) -> (i32)  : i32 {
      %broadcast_in_dim3A_220 = arith.constant 0.000000e+00 : f32
      %broadcast_in_dim3A_221 = vector.broadcast %broadcast_in_dim3A_220 : f32 to vector<16xf32>
      %swap3A = arith.index_cast %scan3A_218 : i32 to index
      %swap3A_222 = arith.constant 0 : index
      %swap3A_223 = tpu.vector_load %arg9[%swap3A, %swap3A_222] {strides = array<i32>} : memref<32x144xf32, #tpu.memory_space<vmem>>, vector<16xf32>,
      tpu.vector_store %arg9[%swap3A, %swap3A_222], %broadcast_in_dim3A_221 {strides = array<i32>} : memref<32x144xf32, #tpu.memory_space<vmem>>, vector<16xf32>,
      %broadcast_in_dim3A_224 = arith.constant 0.000000e+00 : f32
      %broadcast_in_dim3A_225 = vector.broadcast %broadcast_in_dim3A_224 : f32 to vector<16xf32>
      %swap3A_226 = arith.index_cast %scan3A_218 : i32 to index
      %swap3A_227 = arith.constant 16 : index
      %swap3A_228 = tpu.vector_load %arg9[%swap3A_226, %swap3A_227] {strides = array<i32>} : memref<32x144xf32, #tpu.memory_space<vmem>>, vector<16xf32>,
      tpu.vector_store %arg9[%swap3A_226, %swap3A_227], %broadcast_in_dim3A_225 {strides = array<i32>} : memref<32x144xf32, #tpu.memory_space<vmem>>, vector<16xf32>,
      %broadcast_in_dim3A_229 = arith.constant 0.000000e+00 : f32
      %broadcast_in_dim3A_230 = vector.broadcast %broadcast_in_dim3A_229 : f32 to vector<16xf32>
      %swap3A_231 = arith.index_cast %scan3A_218 : i32 to index
      %swap3A_232 = arith.constant 32 : index
      %swap3A_233 = tpu.vector_load %arg9[%swap3A_231, %swap3A_232] {strides = array<i32>} : memref<32x144xf32, #tpu.memory_space<vmem>>, vector<16xf32>,
      tpu.vector_store %arg9[%swap3A_231, %swap3A_232], %broadcast_in_dim3A_230 {strides = array<i32>} : memref<32x144xf32, #tpu.memory_space<vmem>>, vector<16xf32>,
      %broadcast_in_dim3A_234 = arith.constant 0.000000e+00 : f32
      %broadcast_in_dim3A_235 = vector.broadcast %broadcast_in_dim3A_234 : f32 to vector<16xf32>
      %swap3A_236 = arith.index_cast %scan3A_218 : i32 to index
      %swap3A_237 = arith.constant 48 : index
      %swap3A_238 = tpu.vector_load %arg9[%swap3A_236, %swap3A_237] {strides = array<i32>} : memref<32x144xf32, #tpu.memory_space<vmem>>, vector<16xf32>,
      tpu.vector_store %arg9[%swap3A_236, %swap3A_237], %broadcast_in_dim3A_235 {strides = array<i32>} : memref<32x144xf32, #tpu.memory_space<vmem>>, vector<16xf32>,
      %broadcast_in_dim3A_239 = arith.constant 0.000000e+00 : f32
      %broadcast_in_dim3A_240 = vector.broadcast %broadcast_in_dim3A_239 : f32 to vector<16xf32>
      %swap3A_241 = arith.index_cast %scan3A_218 : i32 to index
      %swap3A_242 = arith.constant 64 : index
      %swap3A_243 = tpu.vector_load %arg9[%swap3A_241, %swap3A_242] {strides = array<i32>} : memref<32x144xf32, #tpu.memory_space<vmem>>, vector<16xf32>,
      tpu.vector_store %arg9[%swap3A_241, %swap3A_242], %broadcast_in_dim3A_240 {strides = array<i32>} : memref<32x144xf32, #tpu.memory_space<vmem>>, vector<16xf32>,
      %broadcast_in_dim3A_244 = arith.constant 0.000000e+00 : f32
      %broadcast_in_dim3A_245 = vector.broadcast %broadcast_in_dim3A_244 : f32 to vector<16xf32>
      %swap3A_246 = arith.index_cast %scan3A_218 : i32 to index
      %swap3A_247 = arith.constant 80 : index
      %swap3A_248 = tpu.vector_load %arg9[%swap3A_246, %swap3A_247] {strides = array<i32>} : memref<32x144xf32, #tpu.memory_space<vmem>>, vector<16xf32>,
      tpu.vector_store %arg9[%swap3A_246, %swap3A_247], %broadcast_in_dim3A_245 {strides = array<i32>} : memref<32x144xf32, #tpu.memory_space<vmem>>, vector<16xf32>,
      %broadcast_in_dim3A_249 = arith.constant 0.000000e+00 : f32
      %broadcast_in_dim3A_250 = vector.broadcast %broadcast_in_dim3A_249 : f32 to vector<16xf32>
      %swap3A_251 = arith.index_cast %scan3A_218 : i32 to index
      %swap3A_252 = arith.constant 96 : index
      %swap3A_253 = tpu.vector_load %arg9[%swap3A_251, %swap3A_252] {strides = array<i32>} : memref<32x144xf32, #tpu.memory_space<vmem>>, vector<16xf32>,
      tpu.vector_store %arg9[%swap3A_251, %swap3A_252], %broadcast_in_dim3A_250 {strides = array<i32>} : memref<32x144xf32, #tpu.memory_space<vmem>>, vector<16xf32>,
      %broadcast_in_dim3A_254 = arith.constant 0.000000e+00 : f32
      %broadcast_in_dim3A_255 = vector.broadcast %broadcast_in_dim3A_254 : f32 to vector<16xf32>
      %swap3A_256 = arith.index_cast %scan3A_218 : i32 to index
      %swap3A_257 = arith.constant 112 : index
      %swap3A_258 = tpu.vector_load %arg9[%swap3A_256, %swap3A_257] {strides = array<i32>} : memref<32x144xf32, #tpu.memory_space<vmem>>, vector<16xf32>,
      tpu.vector_store %arg9[%swap3A_256, %swap3A_257], %broadcast_in_dim3A_255 {strides = array<i32>} : memref<32x144xf32, #tpu.memory_space<vmem>>, vector<16xf32>,
      %broadcast_in_dim3A_259 = arith.constant 0.000000e+00 : f32
      %broadcast_in_dim3A_260 = vector.broadcast %broadcast_in_dim3A_259 : f32 to vector<16xf32>
      %swap3A_261 = arith.index_cast %scan3A_218 : i32 to index
      %swap3A_262 = arith.constant 128 : index
      %swap3A_263 = tpu.vector_load %arg9[%swap3A_261, %swap3A_262] {strides = array<i32>} : memref<32x144xf32, #tpu.memory_space<vmem>>, vector<16xf32>,
      tpu.vector_store %arg9[%swap3A_261, %swap3A_262], %broadcast_in_dim3A_260 {strides = array<i32>} : memref<32x144xf32, #tpu.memory_space<vmem>>, vector<16xf32>,
      %scan3A_264 = arith.constant 0 : i32
      scf.yield %scan3A_264 : i32
    }
    %scan3A_120 = arith.constant 32 : i32
    %mul3A_121 = arith.constant 640 : i32
    %mul3A_122 = arith.muli %arg1, %mul3A_121 : i32
    %add3A_123 = arith.constant 0 : i32
    %add3A_124 = arith.addi %mul3A_122, %add3A_123 : i32
    "tpu.region"() ({
      %run_scoped3A = tpu.sem_alloc : memref<!tpu.dma_semaphore, #tpu.memory_space<semaphore_mem>>
      %dma_start3A = arith.constant 0 : i32
      %dma_start3A_218 = tpu.memref_slice %arg8[%add3A_124, %dma_start3A] : memref<10240x144xf32, #tpu.memory_space<vmem_shared>> -> memref<32x144xf32, #tpu.memory_space<vmem_shared>>
      %dma_start3A_219 = arith.constant 0 : i32
      %dma_start3A_220 = tpu.memref_slice %arg8[%add3A_124, %dma_start3A_219] : memref<10240x144xf32, #tpu.memory_space<vmem_shared>> -> memref<32x144xf32, #tpu.memory_space<vmem_shared>>
      tpu.enqueue_dma source(%arg9 : memref<32x144xf32, #tpu.memory_space<vmem>>) target(%dma_start3A_220 : memref<32x144xf32, #tpu.memory_space<vmem_shared>>) target_semaphore(%run_scoped3A : memref<!tpu.dma_semaphore, #tpu.memory_space<semaphore_mem>>)
      %dma_wait3A = arith.constant 0 : i32
      %dma_wait3A_221 = tpu.memref_slice %arg8[%add3A_124, %dma_wait3A] : memref<10240x144xf32, #tpu.memory_space<vmem_shared>> -> memref<32x144xf32, #tpu.memory_space<vmem_shared>>
      %dma_wait3A_222 = arith.constant 0 : i32
      %dma_wait3A_223 = tpu.memref_slice %arg8[%add3A_124, %dma_wait3A_222] : memref<10240x144xf32, #tpu.memory_space<vmem_shared>> -> memref<32x144xf32, #tpu.memory_space<vmem_shared>>
      tpu.wait_dma2 semaphore(%run_scoped3A : memref<!tpu.dma_semaphore, #tpu.memory_space<semaphore_mem>>) src(%arg9 : memref<32x144xf32, #tpu.memory_space<vmem>>) dst(%dma_wait3A_223 : memref<32x144xf32, #tpu.memory_space<vmem_shared>>)
      tpu.yield
    }) : () -> ()
    %mul3A_125 = arith.constant 640 : i32
    %mul3A_126 = arith.muli %arg1, %mul3A_125 : i32
    %add3A_127 = arith.constant 32 : i32
    %add3A_128 = arith.addi %mul3A_126, %add3A_127 : i32
    "tpu.region"() ({
      %run_scoped3A = tpu.sem_alloc : memref<!tpu.dma_semaphore, #tpu.memory_space<semaphore_mem>>
      %dma_start3A = arith.constant 0 : i32
      %dma_start3A_218 = tpu.memref_slice %arg8[%add3A_128, %dma_start3A] : memref<10240x144xf32, #tpu.memory_space<vmem_shared>> -> memref<32x144xf32, #tpu.memory_space<vmem_shared>>
      %dma_start3A_219 = arith.constant 0 : i32
      %dma_start3A_220 = tpu.memref_slice %arg8[%add3A_128, %dma_start3A_219] : memref<10240x144xf32, #tpu.memory_space<vmem_shared>> -> memref<32x144xf32, #tpu.memory_space<vmem_shared>>
      tpu.enqueue_dma source(%arg9 : memref<32x144xf32, #tpu.memory_space<vmem>>) target(%dma_start3A_220 : memref<32x144xf32, #tpu.memory_space<vmem_shared>>) target_semaphore(%run_scoped3A : memref<!tpu.dma_semaphore, #tpu.memory_space<semaphore_mem>>)
      %dma_wait3A = arith.constant 0 : i32
      %dma_wait3A_221 = tpu.memref_slice %arg8[%add3A_128, %dma_wait3A] : memref<10240x144xf32, #tpu.memory_space<vmem_shared>> -> memref<32x144xf32, #tpu.memory_space<vmem_shared>>
      %dma_wait3A_222 = arith.constant 0 : i32
      %dma_wait3A_223 = tpu.memref_slice %arg8[%add3A_128, %dma_wait3A_222] : memref<10240x144xf32, #tpu.memory_space<vmem_shared>> -> memref<32x144xf32, #tpu.memory_space<vmem_shared>>
      tpu.wait_dma2 semaphore(%run_scoped3A : memref<!tpu.dma_semaphore, #tpu.memory_space<semaphore_mem>>) src(%arg9 : memref<32x144xf32, #tpu.memory_space<vmem>>) dst(%dma_wait3A_223 : memref<32x144xf32, #tpu.memory_space<vmem_shared>>)
      tpu.yield
    }) : () -> ()
    %mul3A_129 = arith.constant 640 : i32
    %mul3A_130 = arith.muli %arg1, %mul3A_129 : i32
    %add3A_131 = arith.constant 64 : i32
    %add3A_132 = arith.addi %mul3A_130, %add3A_131 : i32
    "tpu.region"() ({
      %run_scoped3A = tpu.sem_alloc : memref<!tpu.dma_semaphore, #tpu.memory_space<semaphore_mem>>
      %dma_start3A = arith.constant 0 : i32
      %dma_start3A_218 = tpu.memref_slice %arg8[%add3A_132, %dma_start3A] : memref<10240x144xf32, #tpu.memory_space<vmem_shared>> -> memref<32x144xf32, #tpu.memory_space<vmem_shared>>
      %dma_start3A_219 = arith.constant 0 : i32
      %dma_start3A_220 = tpu.memref_slice %arg8[%add3A_132, %dma_start3A_219] : memref<10240x144xf32, #tpu.memory_space<vmem_shared>> -> memref<32x144xf32, #tpu.memory_space<vmem_shared>>
      tpu.enqueue_dma source(%arg9 : memref<32x144xf32, #tpu.memory_space<vmem>>) target(%dma_start3A_220 : memref<32x144xf32, #tpu.memory_space<vmem_shared>>) target_semaphore(%run_scoped3A : memref<!tpu.dma_semaphore, #tpu.memory_space<semaphore_mem>>)
      %dma_wait3A = arith.constant 0 : i32
      %dma_wait3A_221 = tpu.memref_slice %arg8[%add3A_132, %dma_wait3A] : memref<10240x144xf32, #tpu.memory_space<vmem_shared>> -> memref<32x144xf32, #tpu.memory_space<vmem_shared>>
      %dma_wait3A_222 = arith.constant 0 : i32
      %dma_wait3A_223 = tpu.memref_slice %arg8[%add3A_132, %dma_wait3A_222] : memref<10240x144xf32, #tpu.memory_space<vmem_shared>> -> memref<32x144xf32, #tpu.memory_space<vmem_shared>>
      tpu.wait_dma2 semaphore(%run_scoped3A : memref<!tpu.dma_semaphore, #tpu.memory_space<semaphore_mem>>) src(%arg9 : memref<32x144xf32, #tpu.memory_space<vmem>>) dst(%dma_wait3A_223 : memref<32x144xf32, #tpu.memory_space<vmem_shared>>)
      tpu.yield
    }) : () -> ()
    %mul3A_133 = arith.constant 640 : i32
    %mul3A_134 = arith.muli %arg1, %mul3A_133 : i32
    %add3A_135 = arith.constant 96 : i32
    %add3A_136 = arith.addi %mul3A_134, %add3A_135 : i32
    "tpu.region"() ({
      %run_scoped3A = tpu.sem_alloc : memref<!tpu.dma_semaphore, #tpu.memory_space<semaphore_mem>>
      %dma_start3A = arith.constant 0 : i32
      %dma_start3A_218 = tpu.memref_slice %arg8[%add3A_136, %dma_start3A] : memref<10240x144xf32, #tpu.memory_space<vmem_shared>> -> memref<32x144xf32, #tpu.memory_space<vmem_shared>>
      %dma_start3A_219 = arith.constant 0 : i32
      %dma_start3A_220 = tpu.memref_slice %arg8[%add3A_136, %dma_start3A_219] : memref<10240x144xf32, #tpu.memory_space<vmem_shared>> -> memref<32x144xf32, #tpu.memory_space<vmem_shared>>
      tpu.enqueue_dma source(%arg9 : memref<32x144xf32, #tpu.memory_space<vmem>>) target(%dma_start3A_220 : memref<32x144xf32, #tpu.memory_space<vmem_shared>>) target_semaphore(%run_scoped3A : memref<!tpu.dma_semaphore, #tpu.memory_space<semaphore_mem>>)
      %dma_wait3A = arith.constant 0 : i32
      %dma_wait3A_221 = tpu.memref_slice %arg8[%add3A_136, %dma_wait3A] : memref<10240x144xf32, #tpu.memory_space<vmem_shared>> -> memref<32x144xf32, #tpu.memory_space<vmem_shared>>
      %dma_wait3A_222 = arith.constant 0 : i32
      %dma_wait3A_223 = tpu.memref_slice %arg8[%add3A_136, %dma_wait3A_222] : memref<10240x144xf32, #tpu.memory_space<vmem_shared>> -> memref<32x144xf32, #tpu.memory_space<vmem_shared>>
      tpu.wait_dma2 semaphore(%run_scoped3A : memref<!tpu.dma_semaphore, #tpu.memory_space<semaphore_mem>>) src(%arg9 : memref<32x144xf32, #tpu.memory_space<vmem>>) dst(%dma_wait3A_223 : memref<32x144xf32, #tpu.memory_space<vmem_shared>>)
      tpu.yield
    }) : () -> ()
    %mul3A_137 = arith.constant 640 : i32
    %mul3A_138 = arith.muli %arg1, %mul3A_137 : i32
    %add3A_139 = arith.constant 128 : i32
    %add3A_140 = arith.addi %mul3A_138, %add3A_139 : i32
    "tpu.region"() ({
      %run_scoped3A = tpu.sem_alloc : memref<!tpu.dma_semaphore, #tpu.memory_space<semaphore_mem>>
      %dma_start3A = arith.constant 0 : i32
      %dma_start3A_218 = tpu.memref_slice %arg8[%add3A_140, %dma_start3A] : memref<10240x144xf32, #tpu.memory_space<vmem_shared>> -> memref<32x144xf32, #tpu.memory_space<vmem_shared>>
      %dma_start3A_219 = arith.constant 0 : i32
      %dma_start3A_220 = tpu.memref_slice %arg8[%add3A_140, %dma_start3A_219] : memref<10240x144xf32, #tpu.memory_space<vmem_shared>> -> memref<32x144xf32, #tpu.memory_space<vmem_shared>>
      tpu.enqueue_dma source(%arg9 : memref<32x144xf32, #tpu.memory_space<vmem>>) target(%dma_start3A_220 : memref<32x144xf32, #tpu.memory_space<vmem_shared>>) target_semaphore(%run_scoped3A : memref<!tpu.dma_semaphore, #tpu.memory_space<semaphore_mem>>)
      %dma_wait3A = arith.constant 0 : i32
      %dma_wait3A_221 = tpu.memref_slice %arg8[%add3A_140, %dma_wait3A] : memref<10240x144xf32, #tpu.memory_space<vmem_shared>> -> memref<32x144xf32, #tpu.memory_space<vmem_shared>>
      %dma_wait3A_222 = arith.constant 0 : i32
      %dma_wait3A_223 = tpu.memref_slice %arg8[%add3A_140, %dma_wait3A_222] : memref<10240x144xf32, #tpu.memory_space<vmem_shared>> -> memref<32x144xf32, #tpu.memory_space<vmem_shared>>
      tpu.wait_dma2 semaphore(%run_scoped3A : memref<!tpu.dma_semaphore, #tpu.memory_space<semaphore_mem>>) src(%arg9 : memref<32x144xf32, #tpu.memory_space<vmem>>) dst(%dma_wait3A_223 : memref<32x144xf32, #tpu.memory_space<vmem_shared>>)
      tpu.yield
    }) : () -> ()
    %mul3A_141 = arith.constant 640 : i32
    %mul3A_142 = arith.muli %arg1, %mul3A_141 : i32
    %add3A_143 = arith.constant 160 : i32
    %add3A_144 = arith.addi %mul3A_142, %add3A_143 : i32
    "tpu.region"() ({
      %run_scoped3A = tpu.sem_alloc : memref<!tpu.dma_semaphore, #tpu.memory_space<semaphore_mem>>
      %dma_start3A = arith.constant 0 : i32
      %dma_start3A_218 = tpu.memref_slice %arg8[%add3A_144, %dma_start3A] : memref<10240x144xf32, #tpu.memory_space<vmem_shared>> -> memref<32x144xf32, #tpu.memory_space<vmem_shared>>
      %dma_start3A_219 = arith.constant 0 : i32
      %dma_start3A_220 = tpu.memref_slice %arg8[%add3A_144, %dma_start3A_219] : memref<10240x144xf32, #tpu.memory_space<vmem_shared>> -> memref<32x144xf32, #tpu.memory_space<vmem_shared>>
      tpu.enqueue_dma source(%arg9 : memref<32x144xf32, #tpu.memory_space<vmem>>) target(%dma_start3A_220 : memref<32x144xf32, #tpu.memory_space<vmem_shared>>) target_semaphore(%run_scoped3A : memref<!tpu.dma_semaphore, #tpu.memory_space<semaphore_mem>>)
      %dma_wait3A = arith.constant 0 : i32
      %dma_wait3A_221 = tpu.memref_slice %arg8[%add3A_144, %dma_wait3A] : memref<10240x144xf32, #tpu.memory_space<vmem_shared>> -> memref<32x144xf32, #tpu.memory_space<vmem_shared>>
      %dma_wait3A_222 = arith.constant 0 : i32
      %dma_wait3A_223 = tpu.memref_slice %arg8[%add3A_144, %dma_wait3A_222] : memref<10240x144xf32, #tpu.memory_space<vmem_shared>> -> memref<32x144xf32, #tpu.memory_space<vmem_shared>>
      tpu.wait_dma2 semaphore(%run_scoped3A : memref<!tpu.dma_semaphore, #tpu.memory_space<semaphore_mem>>) src(%arg9 : memref<32x144xf32, #tpu.memory_space<vmem>>) dst(%dma_wait3A_223 : memref<32x144xf32, #tpu.memory_space<vmem_shared>>)
      tpu.yield
    }) : () -> ()
    %mul3A_145 = arith.constant 640 : i32
    %mul3A_146 = arith.muli %arg1, %mul3A_145 : i32
    %add3A_147 = arith.constant 192 : i32
    %add3A_148 = arith.addi %mul3A_146, %add3A_147 : i32
    "tpu.region"() ({
      %run_scoped3A = tpu.sem_alloc : memref<!tpu.dma_semaphore, #tpu.memory_space<semaphore_mem>>
      %dma_start3A = arith.constant 0 : i32
      %dma_start3A_218 = tpu.memref_slice %arg8[%add3A_148, %dma_start3A] : memref<10240x144xf32, #tpu.memory_space<vmem_shared>> -> memref<32x144xf32, #tpu.memory_space<vmem_shared>>
      %dma_start3A_219 = arith.constant 0 : i32
      %dma_start3A_220 = tpu.memref_slice %arg8[%add3A_148, %dma_start3A_219] : memref<10240x144xf32, #tpu.memory_space<vmem_shared>> -> memref<32x144xf32, #tpu.memory_space<vmem_shared>>
      tpu.enqueue_dma source(%arg9 : memref<32x144xf32, #tpu.memory_space<vmem>>) target(%dma_start3A_220 : memref<32x144xf32, #tpu.memory_space<vmem_shared>>) target_semaphore(%run_scoped3A : memref<!tpu.dma_semaphore, #tpu.memory_space<semaphore_mem>>)
      %dma_wait3A = arith.constant 0 : i32
      %dma_wait3A_221 = tpu.memref_slice %arg8[%add3A_148, %dma_wait3A] : memref<10240x144xf32, #tpu.memory_space<vmem_shared>> -> memref<32x144xf32, #tpu.memory_space<vmem_shared>>
      %dma_wait3A_222 = arith.constant 0 : i32
      %dma_wait3A_223 = tpu.memref_slice %arg8[%add3A_148, %dma_wait3A_222] : memref<10240x144xf32, #tpu.memory_space<vmem_shared>> -> memref<32x144xf32, #tpu.memory_space<vmem_shared>>
      tpu.wait_dma2 semaphore(%run_scoped3A : memref<!tpu.dma_semaphore, #tpu.memory_space<semaphore_mem>>) src(%arg9 : memref<32x144xf32, #tpu.memory_space<vmem>>) dst(%dma_wait3A_223 : memref<32x144xf32, #tpu.memory_space<vmem_shared>>)
      tpu.yield
    }) : () -> ()
    %mul3A_149 = arith.constant 640 : i32
    %mul3A_150 = arith.muli %arg1, %mul3A_149 : i32
    %add3A_151 = arith.constant 224 : i32
    %add3A_152 = arith.addi %mul3A_150, %add3A_151 : i32
    "tpu.region"() ({
      %run_scoped3A = tpu.sem_alloc : memref<!tpu.dma_semaphore, #tpu.memory_space<semaphore_mem>>
      %dma_start3A = arith.constant 0 : i32
      %dma_start3A_218 = tpu.memref_slice %arg8[%add3A_152, %dma_start3A] : memref<10240x144xf32, #tpu.memory_space<vmem_shared>> -> memref<32x144xf32, #tpu.memory_space<vmem_shared>>
      %dma_start3A_219 = arith.constant 0 : i32
      %dma_start3A_220 = tpu.memref_slice %arg8[%add3A_152, %dma_start3A_219] : memref<10240x144xf32, #tpu.memory_space<vmem_shared>> -> memref<32x144xf32, #tpu.memory_space<vmem_shared>>
      tpu.enqueue_dma source(%arg9 : memref<32x144xf32, #tpu.memory_space<vmem>>) target(%dma_start3A_220 : memref<32x144xf32, #tpu.memory_space<vmem_shared>>) target_semaphore(%run_scoped3A : memref<!tpu.dma_semaphore, #tpu.memory_space<semaphore_mem>>)
      %dma_wait3A = arith.constant 0 : i32
      %dma_wait3A_221 = tpu.memref_slice %arg8[%add3A_152, %dma_wait3A] : memref<10240x144xf32, #tpu.memory_space<vmem_shared>> -> memref<32x144xf32, #tpu.memory_space<vmem_shared>>
      %dma_wait3A_222 = arith.constant 0 : i32
      %dma_wait3A_223 = tpu.memref_slice %arg8[%add3A_152, %dma_wait3A_222] : memref<10240x144xf32, #tpu.memory_space<vmem_shared>> -> memref<32x144xf32, #tpu.memory_space<vmem_shared>>
      tpu.wait_dma2 semaphore(%run_scoped3A : memref<!tpu.dma_semaphore, #tpu.memory_space<semaphore_mem>>) src(%arg9 : memref<32x144xf32, #tpu.memory_space<vmem>>) dst(%dma_wait3A_223 : memref<32x144xf32, #tpu.memory_space<vmem_shared>>)
      tpu.yield
    }) : () -> ()
    %mul3A_153 = arith.constant 640 : i32
    %mul3A_154 = arith.muli %arg1, %mul3A_153 : i32
    %add3A_155 = arith.constant 256 : i32
    %add3A_156 = arith.addi %mul3A_154, %add3A_155 : i32
    "tpu.region"() ({
      %run_scoped3A = tpu.sem_alloc : memref<!tpu.dma_semaphore, #tpu.memory_space<semaphore_mem>>
      %dma_start3A = arith.constant 0 : i32
      %dma_start3A_218 = tpu.memref_slice %arg8[%add3A_156, %dma_start3A] : memref<10240x144xf32, #tpu.memory_space<vmem_shared>> -> memref<32x144xf32, #tpu.memory_space<vmem_shared>>
      %dma_start3A_219 = arith.constant 0 : i32
      %dma_start3A_220 = tpu.memref_slice %arg8[%add3A_156, %dma_start3A_219] : memref<10240x144xf32, #tpu.memory_space<vmem_shared>> -> memref<32x144xf32, #tpu.memory_space<vmem_shared>>
      tpu.enqueue_dma source(%arg9 : memref<32x144xf32, #tpu.memory_space<vmem>>) target(%dma_start3A_220 : memref<32x144xf32, #tpu.memory_space<vmem_shared>>) target_semaphore(%run_scoped3A : memref<!tpu.dma_semaphore, #tpu.memory_space<semaphore_mem>>)
      %dma_wait3A = arith.constant 0 : i32
      %dma_wait3A_221 = tpu.memref_slice %arg8[%add3A_156, %dma_wait3A] : memref<10240x144xf32, #tpu.memory_space<vmem_shared>> -> memref<32x144xf32, #tpu.memory_space<vmem_shared>>
      %dma_wait3A_222 = arith.constant 0 : i32
      %dma_wait3A_223 = tpu.memref_slice %arg8[%add3A_156, %dma_wait3A_222] : memref<10240x144xf32, #tpu.memory_space<vmem_shared>> -> memref<32x144xf32, #tpu.memory_space<vmem_shared>>
      tpu.wait_dma2 semaphore(%run_scoped3A : memref<!tpu.dma_semaphore, #tpu.memory_space<semaphore_mem>>) src(%arg9 : memref<32x144xf32, #tpu.memory_space<vmem>>) dst(%dma_wait3A_223 : memref<32x144xf32, #tpu.memory_space<vmem_shared>>)
      tpu.yield
    }) : () -> ()
    %mul3A_157 = arith.constant 640 : i32
    %mul3A_158 = arith.muli %arg1, %mul3A_157 : i32
    %add3A_159 = arith.constant 288 : i32
    %add3A_160 = arith.addi %mul3A_158, %add3A_159 : i32
    "tpu.region"() ({
      %run_scoped3A = tpu.sem_alloc : memref<!tpu.dma_semaphore, #tpu.memory_space<semaphore_mem>>
      %dma_start3A = arith.constant 0 : i32
      %dma_start3A_218 = tpu.memref_slice %arg8[%add3A_160, %dma_start3A] : memref<10240x144xf32, #tpu.memory_space<vmem_shared>> -> memref<32x144xf32, #tpu.memory_space<vmem_shared>>
      %dma_start3A_219 = arith.constant 0 : i32
      %dma_start3A_220 = tpu.memref_slice %arg8[%add3A_160, %dma_start3A_219] : memref<10240x144xf32, #tpu.memory_space<vmem_shared>> -> memref<32x144xf32, #tpu.memory_space<vmem_shared>>
      tpu.enqueue_dma source(%arg9 : memref<32x144xf32, #tpu.memory_space<vmem>>) target(%dma_start3A_220 : memref<32x144xf32, #tpu.memory_space<vmem_shared>>) target_semaphore(%run_scoped3A : memref<!tpu.dma_semaphore, #tpu.memory_space<semaphore_mem>>)
      %dma_wait3A = arith.constant 0 : i32
      %dma_wait3A_221 = tpu.memref_slice %arg8[%add3A_160, %dma_wait3A] : memref<10240x144xf32, #tpu.memory_space<vmem_shared>> -> memref<32x144xf32, #tpu.memory_space<vmem_shared>>
      %dma_wait3A_222 = arith.constant 0 : i32
      %dma_wait3A_223 = tpu.memref_slice %arg8[%add3A_160, %dma_wait3A_222] : memref<10240x144xf32, #tpu.memory_space<vmem_shared>> -> memref<32x144xf32, #tpu.memory_space<vmem_shared>>
      tpu.wait_dma2 semaphore(%run_scoped3A : memref<!tpu.dma_semaphore, #tpu.memory_space<semaphore_mem>>) src(%arg9 : memref<32x144xf32, #tpu.memory_space<vmem>>) dst(%dma_wait3A_223 : memref<32x144xf32, #tpu.memory_space<vmem_shared>>)
      tpu.yield
    }) : () -> ()
    %mul3A_161 = arith.constant 640 : i32
    %mul3A_162 = arith.muli %arg1, %mul3A_161 : i32
    %add3A_163 = arith.constant 320 : i32
    %add3A_164 = arith.addi %mul3A_162, %add3A_163 : i32
    "tpu.region"() ({
      %run_scoped3A = tpu.sem_alloc : memref<!tpu.dma_semaphore, #tpu.memory_space<semaphore_mem>>
      %dma_start3A = arith.constant 0 : i32
      %dma_start3A_218 = tpu.memref_slice %arg8[%add3A_164, %dma_start3A] : memref<10240x144xf32, #tpu.memory_space<vmem_shared>> -> memref<32x144xf32, #tpu.memory_space<vmem_shared>>
      %dma_start3A_219 = arith.constant 0 : i32
      %dma_start3A_220 = tpu.memref_slice %arg8[%add3A_164, %dma_start3A_219] : memref<10240x144xf32, #tpu.memory_space<vmem_shared>> -> memref<32x144xf32, #tpu.memory_space<vmem_shared>>
      tpu.enqueue_dma source(%arg9 : memref<32x144xf32, #tpu.memory_space<vmem>>) target(%dma_start3A_220 : memref<32x144xf32, #tpu.memory_space<vmem_shared>>) target_semaphore(%run_scoped3A : memref<!tpu.dma_semaphore, #tpu.memory_space<semaphore_mem>>)
      %dma_wait3A = arith.constant 0 : i32
      %dma_wait3A_221 = tpu.memref_slice %arg8[%add3A_164, %dma_wait3A] : memref<10240x144xf32, #tpu.memory_space<vmem_shared>> -> memref<32x144xf32, #tpu.memory_space<vmem_shared>>
      %dma_wait3A_222 = arith.constant 0 : i32
      %dma_wait3A_223 = tpu.memref_slice %arg8[%add3A_164, %dma_wait3A_222] : memref<10240x144xf32, #tpu.memory_space<vmem_shared>> -> memref<32x144xf32, #tpu.memory_space<vmem_shared>>
      tpu.wait_dma2 semaphore(%run_scoped3A : memref<!tpu.dma_semaphore, #tpu.memory_space<semaphore_mem>>) src(%arg9 : memref<32x144xf32, #tpu.memory_space<vmem>>) dst(%dma_wait3A_223 : memref<32x144xf32, #tpu.memory_space<vmem_shared>>)
      tpu.yield
    }) : () -> ()
    %mul3A_165 = arith.constant 640 : i32
    %mul3A_166 = arith.muli %arg1, %mul3A_165 : i32
    %add3A_167 = arith.constant 352 : i32
    %add3A_168 = arith.addi %mul3A_166, %add3A_167 : i32
    "tpu.region"() ({
      %run_scoped3A = tpu.sem_alloc : memref<!tpu.dma_semaphore, #tpu.memory_space<semaphore_mem>>
      %dma_start3A = arith.constant 0 : i32
      %dma_start3A_218 = tpu.memref_slice %arg8[%add3A_168, %dma_start3A] : memref<10240x144xf32, #tpu.memory_space<vmem_shared>> -> memref<32x144xf32, #tpu.memory_space<vmem_shared>>
      %dma_start3A_219 = arith.constant 0 : i32
      %dma_start3A_220 = tpu.memref_slice %arg8[%add3A_168, %dma_start3A_219] : memref<10240x144xf32, #tpu.memory_space<vmem_shared>> -> memref<32x144xf32, #tpu.memory_space<vmem_shared>>
      tpu.enqueue_dma source(%arg9 : memref<32x144xf32, #tpu.memory_space<vmem>>) target(%dma_start3A_220 : memref<32x144xf32, #tpu.memory_space<vmem_shared>>) target_semaphore(%run_scoped3A : memref<!tpu.dma_semaphore, #tpu.memory_space<semaphore_mem>>)
      %dma_wait3A = arith.constant 0 : i32
      %dma_wait3A_221 = tpu.memref_slice %arg8[%add3A_168, %dma_wait3A] : memref<10240x144xf32, #tpu.memory_space<vmem_shared>> -> memref<32x144xf32, #tpu.memory_space<vmem_shared>>
      %dma_wait3A_222 = arith.constant 0 : i32
      %dma_wait3A_223 = tpu.memref_slice %arg8[%add3A_168, %dma_wait3A_222] : memref<10240x144xf32, #tpu.memory_space<vmem_shared>> -> memref<32x144xf32, #tpu.memory_space<vmem_shared>>
      tpu.wait_dma2 semaphore(%run_scoped3A : memref<!tpu.dma_semaphore, #tpu.memory_space<semaphore_mem>>) src(%arg9 : memref<32x144xf32, #tpu.memory_space<vmem>>) dst(%dma_wait3A_223 : memref<32x144xf32, #tpu.memory_space<vmem_shared>>)
      tpu.yield
    }) : () -> ()
    %mul3A_169 = arith.constant 640 : i32
    %mul3A_170 = arith.muli %arg1, %mul3A_169 : i32
    %add3A_171 = arith.constant 384 : i32
    %add3A_172 = arith.addi %mul3A_170, %add3A_171 : i32
    "tpu.region"() ({
      %run_scoped3A = tpu.sem_alloc : memref<!tpu.dma_semaphore, #tpu.memory_space<semaphore_mem>>
      %dma_start3A = arith.constant 0 : i32
      %dma_start3A_218 = tpu.memref_slice %arg8[%add3A_172, %dma_start3A] : memref<10240x144xf32, #tpu.memory_space<vmem_shared>> -> memref<32x144xf32, #tpu.memory_space<vmem_shared>>
      %dma_start3A_219 = arith.constant 0 : i32
      %dma_start3A_220 = tpu.memref_slice %arg8[%add3A_172, %dma_start3A_219] : memref<10240x144xf32, #tpu.memory_space<vmem_shared>> -> memref<32x144xf32, #tpu.memory_space<vmem_shared>>
      tpu.enqueue_dma source(%arg9 : memref<32x144xf32, #tpu.memory_space<vmem>>) target(%dma_start3A_220 : memref<32x144xf32, #tpu.memory_space<vmem_shared>>) target_semaphore(%run_scoped3A : memref<!tpu.dma_semaphore, #tpu.memory_space<semaphore_mem>>)
      %dma_wait3A = arith.constant 0 : i32
      %dma_wait3A_221 = tpu.memref_slice %arg8[%add3A_172, %dma_wait3A] : memref<10240x144xf32, #tpu.memory_space<vmem_shared>> -> memref<32x144xf32, #tpu.memory_space<vmem_shared>>
      %dma_wait3A_222 = arith.constant 0 : i32
      %dma_wait3A_223 = tpu.memref_slice %arg8[%add3A_172, %dma_wait3A_222] : memref<10240x144xf32, #tpu.memory_space<vmem_shared>> -> memref<32x144xf32, #tpu.memory_space<vmem_shared>>
      tpu.wait_dma2 semaphore(%run_scoped3A : memref<!tpu.dma_semaphore, #tpu.memory_space<semaphore_mem>>) src(%arg9 : memref<32x144xf32, #tpu.memory_space<vmem>>) dst(%dma_wait3A_223 : memref<32x144xf32, #tpu.memory_space<vmem_shared>>)
      tpu.yield
    }) : () -> ()
    %mul3A_173 = arith.constant 640 : i32
    %mul3A_174 = arith.muli %arg1, %mul3A_173 : i32
    %add3A_175 = arith.constant 416 : i32
    %add3A_176 = arith.addi %mul3A_174, %add3A_175 : i32
    "tpu.region"() ({
      %run_scoped3A = tpu.sem_alloc : memref<!tpu.dma_semaphore, #tpu.memory_space<semaphore_mem>>
      %dma_start3A = arith.constant 0 : i32
      %dma_start3A_218 = tpu.memref_slice %arg8[%add3A_176, %dma_start3A] : memref<10240x144xf32, #tpu.memory_space<vmem_shared>> -> memref<32x144xf32, #tpu.memory_space<vmem_shared>>
      %dma_start3A_219 = arith.constant 0 : i32
      %dma_start3A_220 = tpu.memref_slice %arg8[%add3A_176, %dma_start3A_219] : memref<10240x144xf32, #tpu.memory_space<vmem_shared>> -> memref<32x144xf32, #tpu.memory_space<vmem_shared>>
      tpu.enqueue_dma source(%arg9 : memref<32x144xf32, #tpu.memory_space<vmem>>) target(%dma_start3A_220 : memref<32x144xf32, #tpu.memory_space<vmem_shared>>) target_semaphore(%run_scoped3A : memref<!tpu.dma_semaphore, #tpu.memory_space<semaphore_mem>>)
      %dma_wait3A = arith.constant 0 : i32
      %dma_wait3A_221 = tpu.memref_slice %arg8[%add3A_176, %dma_wait3A] : memref<10240x144xf32, #tpu.memory_space<vmem_shared>> -> memref<32x144xf32, #tpu.memory_space<vmem_shared>>
      %dma_wait3A_222 = arith.constant 0 : i32
      %dma_wait3A_223 = tpu.memref_slice %arg8[%add3A_176, %dma_wait3A_222] : memref<10240x144xf32, #tpu.memory_space<vmem_shared>> -> memref<32x144xf32, #tpu.memory_space<vmem_shared>>
      tpu.wait_dma2 semaphore(%run_scoped3A : memref<!tpu.dma_semaphore, #tpu.memory_space<semaphore_mem>>) src(%arg9 : memref<32x144xf32, #tpu.memory_space<vmem>>) dst(%dma_wait3A_223 : memref<32x144xf32, #tpu.memory_space<vmem_shared>>)
      tpu.yield
    }) : () -> ()
    %mul3A_177 = arith.constant 640 : i32
    %mul3A_178 = arith.muli %arg1, %mul3A_177 : i32
    %add3A_179 = arith.constant 448 : i32
    %add3A_180 = arith.addi %mul3A_178, %add3A_179 : i32
    "tpu.region"() ({
      %run_scoped3A = tpu.sem_alloc : memref<!tpu.dma_semaphore, #tpu.memory_space<semaphore_mem>>
      %dma_start3A = arith.constant 0 : i32
      %dma_start3A_218 = tpu.memref_slice %arg8[%add3A_180, %dma_start3A] : memref<10240x144xf32, #tpu.memory_space<vmem_shared>> -> memref<32x144xf32, #tpu.memory_space<vmem_shared>>
      %dma_start3A_219 = arith.constant 0 : i32
      %dma_start3A_220 = tpu.memref_slice %arg8[%add3A_180, %dma_start3A_219] : memref<10240x144xf32, #tpu.memory_space<vmem_shared>> -> memref<32x144xf32, #tpu.memory_space<vmem_shared>>
      tpu.enqueue_dma source(%arg9 : memref<32x144xf32, #tpu.memory_space<vmem>>) target(%dma_start3A_220 : memref<32x144xf32, #tpu.memory_space<vmem_shared>>) target_semaphore(%run_scoped3A : memref<!tpu.dma_semaphore, #tpu.memory_space<semaphore_mem>>)
      %dma_wait3A = arith.constant 0 : i32
      %dma_wait3A_221 = tpu.memref_slice %arg8[%add3A_180, %dma_wait3A] : memref<10240x144xf32, #tpu.memory_space<vmem_shared>> -> memref<32x144xf32, #tpu.memory_space<vmem_shared>>
      %dma_wait3A_222 = arith.constant 0 : i32
      %dma_wait3A_223 = tpu.memref_slice %arg8[%add3A_180, %dma_wait3A_222] : memref<10240x144xf32, #tpu.memory_space<vmem_shared>> -> memref<32x144xf32, #tpu.memory_space<vmem_shared>>
      tpu.wait_dma2 semaphore(%run_scoped3A : memref<!tpu.dma_semaphore, #tpu.memory_space<semaphore_mem>>) src(%arg9 : memref<32x144xf32, #tpu.memory_space<vmem>>) dst(%dma_wait3A_223 : memref<32x144xf32, #tpu.memory_space<vmem_shared>>)
      tpu.yield
    }) : () -> ()
    %mul3A_181 = arith.constant 640 : i32
    %mul3A_182 = arith.muli %arg1, %mul3A_181 : i32
    %add3A_183 = arith.constant 480 : i32
    %add3A_184 = arith.addi %mul3A_182, %add3A_183 : i32
    "tpu.region"() ({
      %run_scoped3A = tpu.sem_alloc : memref<!tpu.dma_semaphore, #tpu.memory_space<semaphore_mem>>
      %dma_start3A = arith.constant 0 : i32
      %dma_start3A_218 = tpu.memref_slice %arg8[%add3A_184, %dma_start3A] : memref<10240x144xf32, #tpu.memory_space<vmem_shared>> -> memref<32x144xf32, #tpu.memory_space<vmem_shared>>
      %dma_start3A_219 = arith.constant 0 : i32
      %dma_start3A_220 = tpu.memref_slice %arg8[%add3A_184, %dma_start3A_219] : memref<10240x144xf32, #tpu.memory_space<vmem_shared>> -> memref<32x144xf32, #tpu.memory_space<vmem_shared>>
      tpu.enqueue_dma source(%arg9 : memref<32x144xf32, #tpu.memory_space<vmem>>) target(%dma_start3A_220 : memref<32x144xf32, #tpu.memory_space<vmem_shared>>) target_semaphore(%run_scoped3A : memref<!tpu.dma_semaphore, #tpu.memory_space<semaphore_mem>>)
      %dma_wait3A = arith.constant 0 : i32
      %dma_wait3A_221 = tpu.memref_slice %arg8[%add3A_184, %dma_wait3A] : memref<10240x144xf32, #tpu.memory_space<vmem_shared>> -> memref<32x144xf32, #tpu.memory_space<vmem_shared>>
      %dma_wait3A_222 = arith.constant 0 : i32
      %dma_wait3A_223 = tpu.memref_slice %arg8[%add3A_184, %dma_wait3A_222] : memref<10240x144xf32, #tpu.memory_space<vmem_shared>> -> memref<32x144xf32, #tpu.memory_space<vmem_shared>>
      tpu.wait_dma2 semaphore(%run_scoped3A : memref<!tpu.dma_semaphore, #tpu.memory_space<semaphore_mem>>) src(%arg9 : memref<32x144xf32, #tpu.memory_space<vmem>>) dst(%dma_wait3A_223 : memref<32x144xf32, #tpu.memory_space<vmem_shared>>)
      tpu.yield
    }) : () -> ()
    %mul3A_185 = arith.constant 640 : i32
    %mul3A_186 = arith.muli %arg1, %mul3A_185 : i32
    %add3A_187 = arith.constant 512 : i32
    %add3A_188 = arith.addi %mul3A_186, %add3A_187 : i32
    "tpu.region"() ({
      %run_scoped3A = tpu.sem_alloc : memref<!tpu.dma_semaphore, #tpu.memory_space<semaphore_mem>>
      %dma_start3A = arith.constant 0 : i32
      %dma_start3A_218 = tpu.memref_slice %arg8[%add3A_188, %dma_start3A] : memref<10240x144xf32, #tpu.memory_space<vmem_shared>> -> memref<32x144xf32, #tpu.memory_space<vmem_shared>>
      %dma_start3A_219 = arith.constant 0 : i32
      %dma_start3A_220 = tpu.memref_slice %arg8[%add3A_188, %dma_start3A_219] : memref<10240x144xf32, #tpu.memory_space<vmem_shared>> -> memref<32x144xf32, #tpu.memory_space<vmem_shared>>
      tpu.enqueue_dma source(%arg9 : memref<32x144xf32, #tpu.memory_space<vmem>>) target(%dma_start3A_220 : memref<32x144xf32, #tpu.memory_space<vmem_shared>>) target_semaphore(%run_scoped3A : memref<!tpu.dma_semaphore, #tpu.memory_space<semaphore_mem>>)
      %dma_wait3A = arith.constant 0 : i32
      %dma_wait3A_221 = tpu.memref_slice %arg8[%add3A_188, %dma_wait3A] : memref<10240x144xf32, #tpu.memory_space<vmem_shared>> -> memref<32x144xf32, #tpu.memory_space<vmem_shared>>
      %dma_wait3A_222 = arith.constant 0 : i32
      %dma_wait3A_223 = tpu.memref_slice %arg8[%add3A_188, %dma_wait3A_222] : memref<10240x144xf32, #tpu.memory_space<vmem_shared>> -> memref<32x144xf32, #tpu.memory_space<vmem_shared>>
      tpu.wait_dma2 semaphore(%run_scoped3A : memref<!tpu.dma_semaphore, #tpu.memory_space<semaphore_mem>>) src(%arg9 : memref<32x144xf32, #tpu.memory_space<vmem>>) dst(%dma_wait3A_223 : memref<32x144xf32, #tpu.memory_space<vmem_shared>>)
      tpu.yield
    }) : () -> ()
    %mul3A_189 = arith.constant 640 : i32
    %mul3A_190 = arith.muli %arg1, %mul3A_189 : i32
    %add3A_191 = arith.constant 544 : i32
    %add3A_192 = arith.addi %mul3A_190, %add3A_191 : i32
    "tpu.region"() ({
      %run_scoped3A = tpu.sem_alloc : memref<!tpu.dma_semaphore, #tpu.memory_space<semaphore_mem>>
      %dma_start3A = arith.constant 0 : i32
      %dma_start3A_218 = tpu.memref_slice %arg8[%add3A_192, %dma_start3A] : memref<10240x144xf32, #tpu.memory_space<vmem_shared>> -> memref<32x144xf32, #tpu.memory_space<vmem_shared>>
      %dma_start3A_219 = arith.constant 0 : i32
      %dma_start3A_220 = tpu.memref_slice %arg8[%add3A_192, %dma_start3A_219] : memref<10240x144xf32, #tpu.memory_space<vmem_shared>> -> memref<32x144xf32, #tpu.memory_space<vmem_shared>>
      tpu.enqueue_dma source(%arg9 : memref<32x144xf32, #tpu.memory_space<vmem>>) target(%dma_start3A_220 : memref<32x144xf32, #tpu.memory_space<vmem_shared>>) target_semaphore(%run_scoped3A : memref<!tpu.dma_semaphore, #tpu.memory_space<semaphore_mem>>)
      %dma_wait3A = arith.constant 0 : i32
      %dma_wait3A_221 = tpu.memref_slice %arg8[%add3A_192, %dma_wait3A] : memref<10240x144xf32, #tpu.memory_space<vmem_shared>> -> memref<32x144xf32, #tpu.memory_space<vmem_shared>>
      %dma_wait3A_222 = arith.constant 0 : i32
      %dma_wait3A_223 = tpu.memref_slice %arg8[%add3A_192, %dma_wait3A_222] : memref<10240x144xf32, #tpu.memory_space<vmem_shared>> -> memref<32x144xf32, #tpu.memory_space<vmem_shared>>
      tpu.wait_dma2 semaphore(%run_scoped3A : memref<!tpu.dma_semaphore, #tpu.memory_space<semaphore_mem>>) src(%arg9 : memref<32x144xf32, #tpu.memory_space<vmem>>) dst(%dma_wait3A_223 : memref<32x144xf32, #tpu.memory_space<vmem_shared>>)
      tpu.yield
    }) : () -> ()
    %mul3A_193 = arith.constant 640 : i32
    %mul3A_194 = arith.muli %arg1, %mul3A_193 : i32
    %add3A_195 = arith.constant 576 : i32
    %add3A_196 = arith.addi %mul3A_194, %add3A_195 : i32
    "tpu.region"() ({
      %run_scoped3A = tpu.sem_alloc : memref<!tpu.dma_semaphore, #tpu.memory_space<semaphore_mem>>
      %dma_start3A = arith.constant 0 : i32
      %dma_start3A_218 = tpu.memref_slice %arg8[%add3A_196, %dma_start3A] : memref<10240x144xf32, #tpu.memory_space<vmem_shared>> -> memref<32x144xf32, #tpu.memory_space<vmem_shared>>
      %dma_start3A_219 = arith.constant 0 : i32
      %dma_start3A_220 = tpu.memref_slice %arg8[%add3A_196, %dma_start3A_219] : memref<10240x144xf32, #tpu.memory_space<vmem_shared>> -> memref<32x144xf32, #tpu.memory_space<vmem_shared>>
      tpu.enqueue_dma source(%arg9 : memref<32x144xf32, #tpu.memory_space<vmem>>) target(%dma_start3A_220 : memref<32x144xf32, #tpu.memory_space<vmem_shared>>) target_semaphore(%run_scoped3A : memref<!tpu.dma_semaphore, #tpu.memory_space<semaphore_mem>>)
      %dma_wait3A = arith.constant 0 : i32
      %dma_wait3A_221 = tpu.memref_slice %arg8[%add3A_196, %dma_wait3A] : memref<10240x144xf32, #tpu.memory_space<vmem_shared>> -> memref<32x144xf32, #tpu.memory_space<vmem_shared>>
      %dma_wait3A_222 = arith.constant 0 : i32
      %dma_wait3A_223 = tpu.memref_slice %arg8[%add3A_196, %dma_wait3A_222] : memref<10240x144xf32, #tpu.memory_space<vmem_shared>> -> memref<32x144xf32, #tpu.memory_space<vmem_shared>>
      tpu.wait_dma2 semaphore(%run_scoped3A : memref<!tpu.dma_semaphore, #tpu.memory_space<semaphore_mem>>) src(%arg9 : memref<32x144xf32, #tpu.memory_space<vmem>>) dst(%dma_wait3A_223 : memref<32x144xf32, #tpu.memory_space<vmem_shared>>)
      tpu.yield
    }) : () -> ()
    %mul3A_197 = arith.constant 640 : i32
    %mul3A_198 = arith.muli %arg1, %mul3A_197 : i32
    %add3A_199 = arith.constant 608 : i32
    %add3A_200 = arith.addi %mul3A_198, %add3A_199 : i32
    "tpu.region"() ({
      %run_scoped3A = tpu.sem_alloc : memref<!tpu.dma_semaphore, #tpu.memory_space<semaphore_mem>>
      %dma_start3A = arith.constant 0 : i32
      %dma_start3A_218 = tpu.memref_slice %arg8[%add3A_200, %dma_start3A] : memref<10240x144xf32, #tpu.memory_space<vmem_shared>> -> memref<32x144xf32, #tpu.memory_space<vmem_shared>>
      %dma_start3A_219 = arith.constant 0 : i32
      %dma_start3A_220 = tpu.memref_slice %arg8[%add3A_200, %dma_start3A_219] : memref<10240x144xf32, #tpu.memory_space<vmem_shared>> -> memref<32x144xf32, #tpu.memory_space<vmem_shared>>
      tpu.enqueue_dma source(%arg9 : memref<32x144xf32, #tpu.memory_space<vmem>>) target(%dma_start3A_220 : memref<32x144xf32, #tpu.memory_space<vmem_shared>>) target_semaphore(%run_scoped3A : memref<!tpu.dma_semaphore, #tpu.memory_space<semaphore_mem>>)
      %dma_wait3A = arith.constant 0 : i32
      %dma_wait3A_221 = tpu.memref_slice %arg8[%add3A_200, %dma_wait3A] : memref<10240x144xf32, #tpu.memory_space<vmem_shared>> -> memref<32x144xf32, #tpu.memory_space<vmem_shared>>
      %dma_wait3A_222 = arith.constant 0 : i32
      %dma_wait3A_223 = tpu.memref_slice %arg8[%add3A_200, %dma_wait3A_222] : memref<10240x144xf32, #tpu.memory_space<vmem_shared>> -> memref<32x144xf32, #tpu.memory_space<vmem_shared>>
      tpu.wait_dma2 semaphore(%run_scoped3A : memref<!tpu.dma_semaphore, #tpu.memory_space<semaphore_mem>>) src(%arg9 : memref<32x144xf32, #tpu.memory_space<vmem>>) dst(%dma_wait3A_223 : memref<32x144xf32, #tpu.memory_space<vmem_shared>>)
      tpu.yield
    }) : () -> ()
    "tpu.region"() ({
      %run_scoped3A = tpu.sem_alloc : memref<!tpu.dma_semaphore, #tpu.memory_space<semaphore_mem>>
      tpu.enqueue_dma source(%arg6 : memref<4x128xf32, #tpu.memory_space<hbm>>) target(%arg10 : memref<4x128xf32, #tpu.memory_space<vmem>>) target_semaphore(%run_scoped3A : memref<!tpu.dma_semaphore, #tpu.memory_space<semaphore_mem>>)
      tpu.wait_dma2 semaphore(%run_scoped3A : memref<!tpu.dma_semaphore, #tpu.memory_space<semaphore_mem>>) src(%arg6 : memref<4x128xf32, #tpu.memory_space<hbm>>) dst(%arg10 : memref<4x128xf32, #tpu.memory_space<vmem>>)
      tpu.yield
    }) : () -> ()
    %barrier3A_201 = arith.constant 0 : index
    tpu.barrier barrier_id(%barrier3A_201)
    %scan3A_202 = arith.constant 0 : i32
    %scan3A_203 = arith.constant 0 : i32
    %scan3A_204 = arith.constant 315 : i32
    %scan3A_205 = arith.addi %scan3A_203, %scan3A_204 : i32
    %scan3A_206 = arith.constant 1 : i32
    %scan3A_207 = scf.for %scan3A_218 = %scan3A_203 to %scan3A_205 step %scan3A_206 iter_args(%scan3A_219 = %scan3A_202) -> (i32)  : i32 {
      %mul3A_220 = arith.constant 64 : i32
      %mul3A_221 = arith.muli %scan3A_218, %mul3A_220 : i32
      %add3A_222 = arith.addi %mul3A_4, %mul3A_221 : i32
      %add3A_223 = arith.constant 0 : i32
      %add3A_224 = arith.addi %add3A_222, %add3A_223 : i32
      "tpu.region"() ({
        %run_scoped3A = tpu.sem_alloc : memref<!tpu.dma_semaphore, #tpu.memory_space<semaphore_mem>>
        %dma_start3A_334 = tpu.memref_slice %arg4[%add3A_224] : memref<322560xi32, #tpu.memory_space<hbm>> -> memref<32xi32, #tpu.memory_space<hbm>>
        %dma_start3A_335 = tpu.memref_slice %arg4[%add3A_224] : memref<322560xi32, #tpu.memory_space<hbm>> -> memref<32xi32, #tpu.memory_space<hbm>>
        tpu.enqueue_dma source(%dma_start3A_335 : memref<32xi32, #tpu.memory_space<hbm>>) target(%arg11 : memref<32xi32, #tpu.memory_space<vmem>>) target_semaphore(%run_scoped3A : memref<!tpu.dma_semaphore, #tpu.memory_space<semaphore_mem>>)
        %dma_wait3A_336 = tpu.memref_slice %arg4[%add3A_224] : memref<322560xi32, #tpu.memory_space<hbm>> -> memref<32xi32, #tpu.memory_space<hbm>>
        %dma_wait3A_337 = tpu.memref_slice %arg4[%add3A_224] : memref<322560xi32, #tpu.memory_space<hbm>> -> memref<32xi32, #tpu.memory_space<hbm>>
        tpu.wait_dma2 semaphore(%run_scoped3A : memref<!tpu.dma_semaphore, #tpu.memory_space<semaphore_mem>>) src(%dma_wait3A_337 : memref<32xi32, #tpu.memory_space<hbm>>) dst(%arg11 : memref<32xi32, #tpu.memory_space<vmem>>)
        tpu.yield
      }) : () -> ()
      "tpu.region"() ({
        %run_scoped3A = tpu.sem_alloc : memref<!tpu.dma_semaphore, #tpu.memory_space<semaphore_mem>>
        %dma_start3A_334 = tpu.memref_slice %arg5[%add3A_224] : memref<322560xi32, #tpu.memory_space<hbm>> -> memref<32xi32, #tpu.memory_space<hbm>>
        %dma_start3A_335 = tpu.memref_slice %arg5[%add3A_224] : memref<322560xi32, #tpu.memory_space<hbm>> -> memref<32xi32, #tpu.memory_space<hbm>>
        tpu.enqueue_dma source(%dma_start3A_335 : memref<32xi32, #tpu.memory_space<hbm>>) target(%arg12 : memref<32xi32, #tpu.memory_space<vmem>>) target_semaphore(%run_scoped3A : memref<!tpu.dma_semaphore, #tpu.memory_space<semaphore_mem>>)
        %dma_wait3A_336 = tpu.memref_slice %arg5[%add3A_224] : memref<322560xi32, #tpu.memory_space<hbm>> -> memref<32xi32, #tpu.memory_space<hbm>>
        %dma_wait3A_337 = tpu.memref_slice %arg5[%add3A_224] : memref<322560xi32, #tpu.memory_space<hbm>> -> memref<32xi32, #tpu.memory_space<hbm>>
        tpu.wait_dma2 semaphore(%run_scoped3A : memref<!tpu.dma_semaphore, #tpu.memory_space<semaphore_mem>>) src(%dma_wait3A_337 : memref<32xi32, #tpu.memory_space<hbm>>) dst(%arg12 : memref<32xi32, #tpu.memory_space<vmem>>)
        tpu.yield
      }) : () -> ()
      %get3A = arith.constant 0 : index
      %get3A_225 = tpu.vector_load %arg11[%get3A] {strides = array<i32>} : memref<32xi32, #tpu.memory_space<vmem>>, vector<16xi32>,
      %mul3A_226 = arith.constant 4 : i32
      %mul3A_227 = vector.broadcast %mul3A_226 : i32 to vector<16xi32>
      %mul3A_228 = arith.muli %get3A_225, %mul3A_227 : vector<16xi32>
      %add3A_229 = vector.broadcast %add3A_113 : i32 to vector<16xi32>
      %add3A_230 = arith.addi %mul3A_228, %add3A_229 : vector<16xi32>
      %swap3A = arith.constant 0 : index
      %swap3A_231 = tpu.vector_load %arg13[%swap3A] {strides = array<i32>} : memref<32xi32, #tpu.memory_space<vmem>>, vector<16xi32>,
      tpu.vector_store %arg13[%swap3A], %add3A_230 {strides = array<i32>} : memref<32xi32, #tpu.memory_space<vmem>>, vector<16xi32>,
      %get3A_232 = arith.constant 0 : index
      %get3A_233 = tpu.vector_load %arg12[%get3A_232] {strides = array<i32>} : memref<32xi32, #tpu.memory_space<vmem>>, vector<16xi32>,
      %mul3A_234 = arith.constant 4 : i32
      %mul3A_235 = vector.broadcast %mul3A_234 : i32 to vector<16xi32>
      %mul3A_236 = arith.muli %get3A_233, %mul3A_235 : vector<16xi32>
      %add3A_237 = vector.broadcast %add3A_113 : i32 to vector<16xi32>
      %add3A_238 = arith.addi %mul3A_236, %add3A_237 : vector<16xi32>
      %swap3A_239 = arith.constant 0 : index
      %swap3A_240 = tpu.vector_load %arg14[%swap3A_239] {strides = array<i32>} : memref<32xi32, #tpu.memory_space<vmem>>, vector<16xi32>,
      tpu.vector_store %arg14[%swap3A_239], %add3A_238 {strides = array<i32>} : memref<32xi32, #tpu.memory_space<vmem>>, vector<16xi32>,
      %get3A_241 = arith.constant 16 : index
      %get3A_242 = tpu.vector_load %arg11[%get3A_241] {strides = array<i32>} : memref<32xi32, #tpu.memory_space<vmem>>, vector<16xi32>,
      %mul3A_243 = arith.constant 4 : i32
      %mul3A_244 = vector.broadcast %mul3A_243 : i32 to vector<16xi32>
      %mul3A_245 = arith.muli %get3A_242, %mul3A_244 : vector<16xi32>
      %add3A_246 = vector.broadcast %add3A_113 : i32 to vector<16xi32>
      %add3A_247 = arith.addi %mul3A_245, %add3A_246 : vector<16xi32>
      %swap3A_248 = arith.constant 16 : index
      %swap3A_249 = tpu.vector_load %arg13[%swap3A_248] {strides = array<i32>} : memref<32xi32, #tpu.memory_space<vmem>>, vector<16xi32>,
      tpu.vector_store %arg13[%swap3A_248], %add3A_247 {strides = array<i32>} : memref<32xi32, #tpu.memory_space<vmem>>, vector<16xi32>,
      %get3A_250 = arith.constant 16 : index
      %get3A_251 = tpu.vector_load %arg12[%get3A_250] {strides = array<i32>} : memref<32xi32, #tpu.memory_space<vmem>>, vector<16xi32>,
      %mul3A_252 = arith.constant 4 : i32
      %mul3A_253 = vector.broadcast %mul3A_252 : i32 to vector<16xi32>
      %mul3A_254 = arith.muli %get3A_251, %mul3A_253 : vector<16xi32>
      %add3A_255 = vector.broadcast %add3A_113 : i32 to vector<16xi32>
      %add3A_256 = arith.addi %mul3A_254, %add3A_255 : vector<16xi32>
      %swap3A_257 = arith.constant 16 : index
      %swap3A_258 = tpu.vector_load %arg14[%swap3A_257] {strides = array<i32>} : memref<32xi32, #tpu.memory_space<vmem>>, vector<16xi32>,
      tpu.vector_store %arg14[%swap3A_257], %add3A_256 {strides = array<i32>} : memref<32xi32, #tpu.memory_space<vmem>>, vector<16xi32>,
      %dma_start3A = arith.constant 0 : i32
      %dma_start3A_259 = arith.constant 0 : i32
      %dma_start3A_260 = tpu.memref_slice %arg2[%dma_start3A, %dma_start3A_259] : memref<40960x128xf32, #tpu.memory_space<hbm>> -> memref<40960x128xf32, #tpu.memory_space<hbm>>
      tpu.enqueue_indirect_dma source(%dma_start3A_260 : memref<40960x128xf32, #tpu.memory_space<hbm>>) target(%arg15 : memref<32x128xf32, #tpu.memory_space<vmem>>) offsets(%arg13 : memref<32xi32, #tpu.memory_space<vmem>>) semaphore(%arg17 : memref<!tpu.dma_semaphore, #tpu.memory_space<semaphore_mem>>)
      %dma_start3A_261 = arith.constant 0 : i32
      %dma_start3A_262 = arith.constant 0 : i32
      %dma_start3A_263 = tpu.memref_slice %arg3[%dma_start3A_261, %dma_start3A_262] : memref<40960x128xf32, #tpu.memory_space<hbm>> -> memref<40960x128xf32, #tpu.memory_space<hbm>>
      tpu.enqueue_indirect_dma source(%dma_start3A_263 : memref<40960x128xf32, #tpu.memory_space<hbm>>) target(%arg16 : memref<32x128xf32, #tpu.memory_space<vmem>>) offsets(%arg14 : memref<32xi32, #tpu.memory_space<vmem>>) semaphore(%arg17 : memref<!tpu.dma_semaphore, #tpu.memory_space<semaphore_mem>>)
      %add3A_264 = arith.constant 32 : i32
      %add3A_265 = arith.addi %add3A_222, %add3A_264 : i32
      "tpu.region"() ({
        %run_scoped3A = tpu.sem_alloc : memref<!tpu.dma_semaphore, #tpu.memory_space<semaphore_mem>>
        %dma_start3A_334 = tpu.memref_slice %arg4[%add3A_265] : memref<322560xi32, #tpu.memory_space<hbm>> -> memref<32xi32, #tpu.memory_space<hbm>>
        %dma_start3A_335 = tpu.memref_slice %arg4[%add3A_265] : memref<322560xi32, #tpu.memory_space<hbm>> -> memref<32xi32, #tpu.memory_space<hbm>>
        tpu.enqueue_dma source(%dma_start3A_335 : memref<32xi32, #tpu.memory_space<hbm>>) target(%arg18 : memref<32xi32, #tpu.memory_space<vmem>>) target_semaphore(%run_scoped3A : memref<!tpu.dma_semaphore, #tpu.memory_space<semaphore_mem>>)
        %dma_wait3A_336 = tpu.memref_slice %arg4[%add3A_265] : memref<322560xi32, #tpu.memory_space<hbm>> -> memref<32xi32, #tpu.memory_space<hbm>>
        %dma_wait3A_337 = tpu.memref_slice %arg4[%add3A_265] : memref<322560xi32, #tpu.memory_space<hbm>> -> memref<32xi32, #tpu.memory_space<hbm>>
        tpu.wait_dma2 semaphore(%run_scoped3A : memref<!tpu.dma_semaphore, #tpu.memory_space<semaphore_mem>>) src(%dma_wait3A_337 : memref<32xi32, #tpu.memory_space<hbm>>) dst(%arg18 : memref<32xi32, #tpu.memory_space<vmem>>)
        tpu.yield
      }) : () -> ()
      "tpu.region"() ({
        %run_scoped3A = tpu.sem_alloc : memref<!tpu.dma_semaphore, #tpu.memory_space<semaphore_mem>>
        %dma_start3A_334 = tpu.memref_slice %arg5[%add3A_265] : memref<322560xi32, #tpu.memory_space<hbm>> -> memref<32xi32, #tpu.memory_space<hbm>>
        %dma_start3A_335 = tpu.memref_slice %arg5[%add3A_265] : memref<322560xi32, #tpu.memory_space<hbm>> -> memref<32xi32, #tpu.memory_space<hbm>>
        tpu.enqueue_dma source(%dma_start3A_335 : memref<32xi32, #tpu.memory_space<hbm>>) target(%arg19 : memref<32xi32, #tpu.memory_space<vmem>>) target_semaphore(%run_scoped3A : memref<!tpu.dma_semaphore, #tpu.memory_space<semaphore_mem>>)
        %dma_wait3A_336 = tpu.memref_slice %arg5[%add3A_265] : memref<322560xi32, #tpu.memory_space<hbm>> -> memref<32xi32, #tpu.memory_space<hbm>>
        %dma_wait3A_337 = tpu.memref_slice %arg5[%add3A_265] : memref<322560xi32, #tpu.memory_space<hbm>> -> memref<32xi32, #tpu.memory_space<hbm>>
        tpu.wait_dma2 semaphore(%run_scoped3A : memref<!tpu.dma_semaphore, #tpu.memory_space<semaphore_mem>>) src(%dma_wait3A_337 : memref<32xi32, #tpu.memory_space<hbm>>) dst(%arg19 : memref<32xi32, #tpu.memory_space<vmem>>)
        tpu.yield
      }) : () -> ()
      %get3A_266 = arith.constant 0 : index
      %get3A_267 = tpu.vector_load %arg18[%get3A_266] {strides = array<i32>} : memref<32xi32, #tpu.memory_space<vmem>>, vector<16xi32>,
      %mul3A_268 = arith.constant 4 : i32
      %mul3A_269 = vector.broadcast %mul3A_268 : i32 to vector<16xi32>
      %mul3A_270 = arith.muli %get3A_267, %mul3A_269 : vector<16xi32>
      %add3A_271 = vector.broadcast %add3A_113 : i32 to vector<16xi32>
      %add3A_272 = arith.addi %mul3A_270, %add3A_271 : vector<16xi32>
      %swap3A_273 = arith.constant 0 : index
      %swap3A_274 = tpu.vector_load %arg20[%swap3A_273] {strides = array<i32>} : memref<32xi32, #tpu.memory_space<vmem>>, vector<16xi32>,
      tpu.vector_store %arg20[%swap3A_273], %add3A_272 {strides = array<i32>} : memref<32xi32, #tpu.memory_space<vmem>>, vector<16xi32>,
      %get3A_275 = arith.constant 0 : index
      %get3A_276 = tpu.vector_load %arg19[%get3A_275] {strides = array<i32>} : memref<32xi32, #tpu.memory_space<vmem>>, vector<16xi32>,
      %mul3A_277 = arith.constant 4 : i32
      %mul3A_278 = vector.broadcast %mul3A_277 : i32 to vector<16xi32>
      %mul3A_279 = arith.muli %get3A_276, %mul3A_278 : vector<16xi32>
      %add3A_280 = vector.broadcast %add3A_113 : i32 to vector<16xi32>
      %add3A_281 = arith.addi %mul3A_279, %add3A_280 : vector<16xi32>
      %swap3A_282 = arith.constant 0 : index
      %swap3A_283 = tpu.vector_load %arg21[%swap3A_282] {strides = array<i32>} : memref<32xi32, #tpu.memory_space<vmem>>, vector<16xi32>,
      tpu.vector_store %arg21[%swap3A_282], %add3A_281 {strides = array<i32>} : memref<32xi32, #tpu.memory_space<vmem>>, vector<16xi32>,
      %get3A_284 = arith.constant 16 : index
      %get3A_285 = tpu.vector_load %arg18[%get3A_284] {strides = array<i32>} : memref<32xi32, #tpu.memory_space<vmem>>, vector<16xi32>,
      %mul3A_286 = arith.constant 4 : i32
      %mul3A_287 = vector.broadcast %mul3A_286 : i32 to vector<16xi32>
      %mul3A_288 = arith.muli %get3A_285, %mul3A_287 : vector<16xi32>
      %add3A_289 = vector.broadcast %add3A_113 : i32 to vector<16xi32>
      %add3A_290 = arith.addi %mul3A_288, %add3A_289 : vector<16xi32>
      %swap3A_291 = arith.constant 16 : index
      %swap3A_292 = tpu.vector_load %arg20[%swap3A_291] {strides = array<i32>} : memref<32xi32, #tpu.memory_space<vmem>>, vector<16xi32>,
      tpu.vector_store %arg20[%swap3A_291], %add3A_290 {strides = array<i32>} : memref<32xi32, #tpu.memory_space<vmem>>, vector<16xi32>,
      %get3A_293 = arith.constant 16 : index
      %get3A_294 = tpu.vector_load %arg19[%get3A_293] {strides = array<i32>} : memref<32xi32, #tpu.memory_space<vmem>>, vector<16xi32>,
      %mul3A_295 = arith.constant 4 : i32
      %mul3A_296 = vector.broadcast %mul3A_295 : i32 to vector<16xi32>
      %mul3A_297 = arith.muli %get3A_294, %mul3A_296 : vector<16xi32>
      %add3A_298 = vector.broadcast %add3A_113 : i32 to vector<16xi32>
      %add3A_299 = arith.addi %mul3A_297, %add3A_298 : vector<16xi32>
      %swap3A_300 = arith.constant 16 : index
      %swap3A_301 = tpu.vector_load %arg21[%swap3A_300] {strides = array<i32>} : memref<32xi32, #tpu.memory_space<vmem>>, vector<16xi32>,
      tpu.vector_store %arg21[%swap3A_300], %add3A_299 {strides = array<i32>} : memref<32xi32, #tpu.memory_space<vmem>>, vector<16xi32>,
      %dma_start3A_302 = arith.constant 0 : i32
      %dma_start3A_303 = arith.constant 0 : i32
      %dma_start3A_304 = tpu.memref_slice %arg2[%dma_start3A_302, %dma_start3A_303] : memref<40960x128xf32, #tpu.memory_space<hbm>> -> memref<40960x128xf32, #tpu.memory_space<hbm>>
      tpu.enqueue_indirect_dma source(%dma_start3A_304 : memref<40960x128xf32, #tpu.memory_space<hbm>>) target(%arg22 : memref<32x128xf32, #tpu.memory_space<vmem>>) offsets(%arg20 : memref<32xi32, #tpu.memory_space<vmem>>) semaphore(%arg24 : memref<!tpu.dma_semaphore, #tpu.memory_space<semaphore_mem>>)
      %dma_start3A_305 = arith.constant 0 : i32
      %dma_start3A_306 = arith.constant 0 : i32
      %dma_start3A_307 = tpu.memref_slice %arg3[%dma_start3A_305, %dma_start3A_306] : memref<40960x128xf32, #tpu.memory_space<hbm>> -> memref<40960x128xf32, #tpu.memory_space<hbm>>
      tpu.enqueue_indirect_dma source(%dma_start3A_307 : memref<40960x128xf32, #tpu.memory_space<hbm>>) target(%arg23 : memref<32x128xf32, #tpu.memory_space<vmem>>) offsets(%arg21 : memref<32xi32, #tpu.memory_space<vmem>>) semaphore(%arg24 : memref<!tpu.dma_semaphore, #tpu.memory_space<semaphore_mem>>)
      %dma_wait3A = arith.constant 0 : i32
      %dma_wait3A_308 = arith.constant 0 : i32
      %dma_wait3A_309 = tpu.memref_slice %arg2[%dma_wait3A, %dma_wait3A_308] : memref<40960x128xf32, #tpu.memory_space<hbm>> -> memref<40960x128xf32, #tpu.memory_space<hbm>>
      tpu.wait_indirect_dma semaphore(%arg17 : memref<!tpu.dma_semaphore, #tpu.memory_space<semaphore_mem>>) src(%dma_wait3A_309 : memref<40960x128xf32, #tpu.memory_space<hbm>>) dst(%arg15 : memref<32x128xf32, #tpu.memory_space<vmem>>)
      %dma_wait3A_310 = arith.constant 0 : i32
      %dma_wait3A_311 = arith.constant 0 : i32
      %dma_wait3A_312 = tpu.memref_slice %arg3[%dma_wait3A_310, %dma_wait3A_311] : memref<40960x128xf32, #tpu.memory_space<hbm>> -> memref<40960x128xf32, #tpu.memory_space<hbm>>
      tpu.wait_indirect_dma semaphore(%arg17 : memref<!tpu.dma_semaphore, #tpu.memory_space<semaphore_mem>>) src(%dma_wait3A_312 : memref<40960x128xf32, #tpu.memory_space<hbm>>) dst(%arg16 : memref<32x128xf32, #tpu.memory_space<vmem>>)
      %scan3A_313 = arith.constant 0 : i32
      %scan3A_314 = arith.constant 0 : i32
      %scan3A_315 = arith.constant 32 : i32
      %scan3A_316 = arith.addi %scan3A_314, %scan3A_315 : i32
      %scan3A_317 = arith.constant 1 : i32
      %scan3A_318 = scf.for %scan3A_334 = %scan3A_314 to %scan3A_316 step %scan3A_317 iter_args(%scan3A_335 = %scan3A_313) -> (i32)  : i32 {
        %broadcast_in_dim3A_336 = arith.constant 0.000000e+00 : f32
        %broadcast_in_dim3A_337 = vector.broadcast %broadcast_in_dim3A_336 : f32 to vector<16xf32>
        %get3A_338 = arith.index_cast %scan3A_334 : i32 to index
        %get3A_339 = arith.constant 0 : index
        %get3A_340 = tpu.vector_load %arg15[%get3A_338, %get3A_339] {strides = array<i32>} : memref<32x128xf32, #tpu.memory_space<vmem>>, vector<16xf32>,
        %get3A_341 = arith.index_cast %scan3A_334 : i32 to index
        %get3A_342 = arith.constant 0 : index
        %get3A_343 = tpu.vector_load %arg16[%get3A_341, %get3A_342] {strides = array<i32>} : memref<32x128xf32, #tpu.memory_space<vmem>>, vector<16xf32>,
        %add3A_344 = arith.addf %get3A_340, %get3A_343 : vector<16xf32>
        %gt3A = arith.constant 0.000000e+00 : f32
        %gt3A_345 = vector.broadcast %gt3A : f32 to vector<16xf32>
        %gt3A_346 = arith.cmpf ogt, %add3A_344, %gt3A_345 : vector<16xf32>
        %mul3A_347 = arith.constant 2.000000e-01 : f32
        %mul3A_348 = vector.broadcast %mul3A_347 : f32 to vector<16xf32>
        %mul3A_349 = arith.mulf %mul3A_348, %add3A_344 : vector<16xf32>
        %select_n3A_350 = arith.select %gt3A_346, %add3A_344, %mul3A_349 : vector<16xi1>, vector<16xf32>
        %get3A_351 = arith.index_cast %add3A_113 : i32 to index
        %get3A_352 = arith.constant 0 : index
        %get3A_353 = tpu.vector_load %arg10[%get3A_351, %get3A_352] {strides = array<i32>} : memref<4x128xf32, #tpu.memory_space<vmem>>, vector<16xf32>,
        %mul3A_354 = arith.mulf %select_n3A_350, %get3A_353 : vector<16xf32>
        %add3A_355 = arith.addf %broadcast_in_dim3A_337, %mul3A_354 : vector<16xf32>
        %get3A_356 = arith.index_cast %scan3A_334 : i32 to index
        %get3A_357 = arith.constant 16 : index
        %get3A_358 = tpu.vector_load %arg15[%get3A_356, %get3A_357] {strides = array<i32>} : memref<32x128xf32, #tpu.memory_space<vmem>>, vector<16xf32>,
        %get3A_359 = arith.index_cast %scan3A_334 : i32 to index
        %get3A_360 = arith.constant 16 : index
        %get3A_361 = tpu.vector_load %arg16[%get3A_359, %get3A_360] {strides = array<i32>} : memref<32x128xf32, #tpu.memory_space<vmem>>, vector<16xf32>,
        %add3A_362 = arith.addf %get3A_358, %get3A_361 : vector<16xf32>
        %gt3A_363 = arith.constant 0.000000e+00 : f32
        %gt3A_364 = vector.broadcast %gt3A_363 : f32 to vector<16xf32>
        %gt3A_365 = arith.cmpf ogt, %add3A_362, %gt3A_364 : vector<16xf32>
        %mul3A_366 = arith.constant 2.000000e-01 : f32
        %mul3A_367 = vector.broadcast %mul3A_366 : f32 to vector<16xf32>
        %mul3A_368 = arith.mulf %mul3A_367, %add3A_362 : vector<16xf32>
        %select_n3A_369 = arith.select %gt3A_365, %add3A_362, %mul3A_368 : vector<16xi1>, vector<16xf32>
        %get3A_370 = arith.index_cast %add3A_113 : i32 to index
        %get3A_371 = arith.constant 16 : index
        %get3A_372 = tpu.vector_load %arg10[%get3A_370, %get3A_371] {strides = array<i32>} : memref<4x128xf32, #tpu.memory_space<vmem>>, vector<16xf32>,
        %mul3A_373 = arith.mulf %select_n3A_369, %get3A_372 : vector<16xf32>
        %add3A_374 = arith.addf %add3A_355, %mul3A_373 : vector<16xf32>
        %get3A_375 = arith.index_cast %scan3A_334 : i32 to index
        %get3A_376 = arith.constant 32 : index
        %get3A_377 = tpu.vector_load %arg15[%get3A_375, %get3A_376] {strides = array<i32>} : memref<32x128xf32, #tpu.memory_space<vmem>>, vector<16xf32>,
        %get3A_378 = arith.index_cast %scan3A_334 : i32 to index
        %get3A_379 = arith.constant 32 : index
        %get3A_380 = tpu.vector_load %arg16[%get3A_378, %get3A_379] {strides = array<i32>} : memref<32x128xf32, #tpu.memory_space<vmem>>, vector<16xf32>,
        %add3A_381 = arith.addf %get3A_377, %get3A_380 : vector<16xf32>
        %gt3A_382 = arith.constant 0.000000e+00 : f32
        %gt3A_383 = vector.broadcast %gt3A_382 : f32 to vector<16xf32>
        %gt3A_384 = arith.cmpf ogt, %add3A_381, %gt3A_383 : vector<16xf32>
        %mul3A_385 = arith.constant 2.000000e-01 : f32
        %mul3A_386 = vector.broadcast %mul3A_385 : f32 to vector<16xf32>
        %mul3A_387 = arith.mulf %mul3A_386, %add3A_381 : vector<16xf32>
        %select_n3A_388 = arith.select %gt3A_384, %add3A_381, %mul3A_387 : vector<16xi1>, vector<16xf32>
        %get3A_389 = arith.index_cast %add3A_113 : i32 to index
        %get3A_390 = arith.constant 32 : index
        %get3A_391 = tpu.vector_load %arg10[%get3A_389, %get3A_390] {strides = array<i32>} : memref<4x128xf32, #tpu.memory_space<vmem>>, vector<16xf32>,
        %mul3A_392 = arith.mulf %select_n3A_388, %get3A_391 : vector<16xf32>
        %add3A_393 = arith.addf %add3A_374, %mul3A_392 : vector<16xf32>
        %get3A_394 = arith.index_cast %scan3A_334 : i32 to index
        %get3A_395 = arith.constant 48 : index
        %get3A_396 = tpu.vector_load %arg15[%get3A_394, %get3A_395] {strides = array<i32>} : memref<32x128xf32, #tpu.memory_space<vmem>>, vector<16xf32>,
        %get3A_397 = arith.index_cast %scan3A_334 : i32 to index
        %get3A_398 = arith.constant 48 : index
        %get3A_399 = tpu.vector_load %arg16[%get3A_397, %get3A_398] {strides = array<i32>} : memref<32x128xf32, #tpu.memory_space<vmem>>, vector<16xf32>,
        %add3A_400 = arith.addf %get3A_396, %get3A_399 : vector<16xf32>
        %gt3A_401 = arith.constant 0.000000e+00 : f32
        %gt3A_402 = vector.broadcast %gt3A_401 : f32 to vector<16xf32>
        %gt3A_403 = arith.cmpf ogt, %add3A_400, %gt3A_402 : vector<16xf32>
        %mul3A_404 = arith.constant 2.000000e-01 : f32
        %mul3A_405 = vector.broadcast %mul3A_404 : f32 to vector<16xf32>
        %mul3A_406 = arith.mulf %mul3A_405, %add3A_400 : vector<16xf32>
        %select_n3A_407 = arith.select %gt3A_403, %add3A_400, %mul3A_406 : vector<16xi1>, vector<16xf32>
        %get3A_408 = arith.index_cast %add3A_113 : i32 to index
        %get3A_409 = arith.constant 48 : index
        %get3A_410 = tpu.vector_load %arg10[%get3A_408, %get3A_409] {strides = array<i32>} : memref<4x128xf32, #tpu.memory_space<vmem>>, vector<16xf32>,
        %mul3A_411 = arith.mulf %select_n3A_407, %get3A_410 : vector<16xf32>
        %add3A_412 = arith.addf %add3A_393, %mul3A_411 : vector<16xf32>
        %get3A_413 = arith.index_cast %scan3A_334 : i32 to index
        %get3A_414 = arith.constant 64 : index
        %get3A_415 = tpu.vector_load %arg15[%get3A_413, %get3A_414] {strides = array<i32>} : memref<32x128xf32, #tpu.memory_space<vmem>>, vector<16xf32>,
        %get3A_416 = arith.index_cast %scan3A_334 : i32 to index
        %get3A_417 = arith.constant 64 : index
        %get3A_418 = tpu.vector_load %arg16[%get3A_416, %get3A_417] {strides = array<i32>} : memref<32x128xf32, #tpu.memory_space<vmem>>, vector<16xf32>,
        %add3A_419 = arith.addf %get3A_415, %get3A_418 : vector<16xf32>
        %gt3A_420 = arith.constant 0.000000e+00 : f32
        %gt3A_421 = vector.broadcast %gt3A_420 : f32 to vector<16xf32>
        %gt3A_422 = arith.cmpf ogt, %add3A_419, %gt3A_421 : vector<16xf32>
        %mul3A_423 = arith.constant 2.000000e-01 : f32
        %mul3A_424 = vector.broadcast %mul3A_423 : f32 to vector<16xf32>
        %mul3A_425 = arith.mulf %mul3A_424, %add3A_419 : vector<16xf32>
        %select_n3A_426 = arith.select %gt3A_422, %add3A_419, %mul3A_425 : vector<16xi1>, vector<16xf32>
        %get3A_427 = arith.index_cast %add3A_113 : i32 to index
        %get3A_428 = arith.constant 64 : index
        %get3A_429 = tpu.vector_load %arg10[%get3A_427, %get3A_428] {strides = array<i32>} : memref<4x128xf32, #tpu.memory_space<vmem>>, vector<16xf32>,
        %mul3A_430 = arith.mulf %select_n3A_426, %get3A_429 : vector<16xf32>
        %add3A_431 = arith.addf %add3A_412, %mul3A_430 : vector<16xf32>
        %get3A_432 = arith.index_cast %scan3A_334 : i32 to index
        %get3A_433 = arith.constant 80 : index
        %get3A_434 = tpu.vector_load %arg15[%get3A_432, %get3A_433] {strides = array<i32>} : memref<32x128xf32, #tpu.memory_space<vmem>>, vector<16xf32>,
        %get3A_435 = arith.index_cast %scan3A_334 : i32 to index
        %get3A_436 = arith.constant 80 : index
        %get3A_437 = tpu.vector_load %arg16[%get3A_435, %get3A_436] {strides = array<i32>} : memref<32x128xf32, #tpu.memory_space<vmem>>, vector<16xf32>,
        %add3A_438 = arith.addf %get3A_434, %get3A_437 : vector<16xf32>
        %gt3A_439 = arith.constant 0.000000e+00 : f32
        %gt3A_440 = vector.broadcast %gt3A_439 : f32 to vector<16xf32>
        %gt3A_441 = arith.cmpf ogt, %add3A_438, %gt3A_440 : vector<16xf32>
        %mul3A_442 = arith.constant 2.000000e-01 : f32
        %mul3A_443 = vector.broadcast %mul3A_442 : f32 to vector<16xf32>
        %mul3A_444 = arith.mulf %mul3A_443, %add3A_438 : vector<16xf32>
        %select_n3A_445 = arith.select %gt3A_441, %add3A_438, %mul3A_444 : vector<16xi1>, vector<16xf32>
        %get3A_446 = arith.index_cast %add3A_113 : i32 to index
        %get3A_447 = arith.constant 80 : index
        %get3A_448 = tpu.vector_load %arg10[%get3A_446, %get3A_447] {strides = array<i32>} : memref<4x128xf32, #tpu.memory_space<vmem>>, vector<16xf32>,
        %mul3A_449 = arith.mulf %select_n3A_445, %get3A_448 : vector<16xf32>
        %add3A_450 = arith.addf %add3A_431, %mul3A_449 : vector<16xf32>
        %get3A_451 = arith.index_cast %scan3A_334 : i32 to index
        %get3A_452 = arith.constant 96 : index
        %get3A_453 = tpu.vector_load %arg15[%get3A_451, %get3A_452] {strides = array<i32>} : memref<32x128xf32, #tpu.memory_space<vmem>>, vector<16xf32>,
        %get3A_454 = arith.index_cast %scan3A_334 : i32 to index
        %get3A_455 = arith.constant 96 : index
        %get3A_456 = tpu.vector_load %arg16[%get3A_454, %get3A_455] {strides = array<i32>} : memref<32x128xf32, #tpu.memory_space<vmem>>, vector<16xf32>,
        %add3A_457 = arith.addf %get3A_453, %get3A_456 : vector<16xf32>
        %gt3A_458 = arith.constant 0.000000e+00 : f32
        %gt3A_459 = vector.broadcast %gt3A_458 : f32 to vector<16xf32>
        %gt3A_460 = arith.cmpf ogt, %add3A_457, %gt3A_459 : vector<16xf32>
        %mul3A_461 = arith.constant 2.000000e-01 : f32
        %mul3A_462 = vector.broadcast %mul3A_461 : f32 to vector<16xf32>
        %mul3A_463 = arith.mulf %mul3A_462, %add3A_457 : vector<16xf32>
        %select_n3A_464 = arith.select %gt3A_460, %add3A_457, %mul3A_463 : vector<16xi1>, vector<16xf32>
        %get3A_465 = arith.index_cast %add3A_113 : i32 to index
        %get3A_466 = arith.constant 96 : index
        %get3A_467 = tpu.vector_load %arg10[%get3A_465, %get3A_466] {strides = array<i32>} : memref<4x128xf32, #tpu.memory_space<vmem>>, vector<16xf32>,
        %mul3A_468 = arith.mulf %select_n3A_464, %get3A_467 : vector<16xf32>
        %add3A_469 = arith.addf %add3A_450, %mul3A_468 : vector<16xf32>
        %get3A_470 = arith.index_cast %scan3A_334 : i32 to index
        %get3A_471 = arith.constant 112 : index
        %get3A_472 = tpu.vector_load %arg15[%get3A_470, %get3A_471] {strides = array<i32>} : memref<32x128xf32, #tpu.memory_space<vmem>>, vector<16xf32>,
        %get3A_473 = arith.index_cast %scan3A_334 : i32 to index
        %get3A_474 = arith.constant 112 : index
        %get3A_475 = tpu.vector_load %arg16[%get3A_473, %get3A_474] {strides = array<i32>} : memref<32x128xf32, #tpu.memory_space<vmem>>, vector<16xf32>,
        %add3A_476 = arith.addf %get3A_472, %get3A_475 : vector<16xf32>
        %gt3A_477 = arith.constant 0.000000e+00 : f32
        %gt3A_478 = vector.broadcast %gt3A_477 : f32 to vector<16xf32>
        %gt3A_479 = arith.cmpf ogt, %add3A_476, %gt3A_478 : vector<16xf32>
        %mul3A_480 = arith.constant 2.000000e-01 : f32
        %mul3A_481 = vector.broadcast %mul3A_480 : f32 to vector<16xf32>
        %mul3A_482 = arith.mulf %mul3A_481, %add3A_476 : vector<16xf32>
        %select_n3A_483 = arith.select %gt3A_479, %add3A_476, %mul3A_482 : vector<16xi1>, vector<16xf32>
        %get3A_484 = arith.index_cast %add3A_113 : i32 to index
        %get3A_485 = arith.constant 112 : index
        %get3A_486 = tpu.vector_load %arg10[%get3A_484, %get3A_485] {strides = array<i32>} : memref<4x128xf32, #tpu.memory_space<vmem>>, vector<16xf32>,
        %mul3A_487 = arith.mulf %select_n3A_483, %get3A_486 : vector<16xf32>
        %add3A_488 = arith.addf %add3A_469, %mul3A_487 : vector<16xf32>
        %reduce_sum3A = arith.constant true
        %reduce_sum3A_489 = vector.broadcast %reduce_sum3A : i1 to vector<16xi1>
        %reduce_sum3A_490 = tpu.scan <sum>, %add3A_488 masked %reduce_sum3A_489 : vector<16xf32>, vector<16xi1> -> vector<16xf32>
        %reduce_sum3A_491 = vector.extract %reduce_sum3A_490[15] : f32 from vector<16xf32>
        %broadcast_in_dim3A_492 = vector.broadcast %reduce_sum3A_491 : f32 to vector<16xf32>
        %exp3A = math.exp %broadcast_in_dim3A_492 : vector<16xf32>
        %get3A_493 = arith.index_cast %scan3A_334 : i32 to index
        %get3A_494 = arith.constant 0 : index
        %get3A_495 = tpu.vector_load %arg15[%get3A_493, %get3A_494] {strides = array<i32>} : memref<32x128xf32, #tpu.memory_space<vmem>>, vector<16xf32>,
        %mul3A_496 = arith.mulf %get3A_495, %exp3A : vector<16xf32>
        %swap3A_497 = arith.index_cast %scan3A_334 : i32 to index
        %swap3A_498 = arith.constant 0 : index
        %swap3A_499 = tpu.vector_load %arg9[%swap3A_497, %swap3A_498] {strides = array<i32>} : memref<32x144xf32, #tpu.memory_space<vmem>>, vector<16xf32>,
        tpu.vector_store %arg9[%swap3A_497, %swap3A_498], %mul3A_496 {strides = array<i32>} : memref<32x144xf32, #tpu.memory_space<vmem>>, vector<16xf32>,
        %get3A_500 = arith.index_cast %scan3A_334 : i32 to index
        %get3A_501 = arith.constant 16 : index
        %get3A_502 = tpu.vector_load %arg15[%get3A_500, %get3A_501] {strides = array<i32>} : memref<32x128xf32, #tpu.memory_space<vmem>>, vector<16xf32>,
        %mul3A_503 = arith.mulf %get3A_502, %exp3A : vector<16xf32>
        %swap3A_504 = arith.index_cast %scan3A_334 : i32 to index
        %swap3A_505 = arith.constant 16 : index
        %swap3A_506 = tpu.vector_load %arg9[%swap3A_504, %swap3A_505] {strides = array<i32>} : memref<32x144xf32, #tpu.memory_space<vmem>>, vector<16xf32>,
        tpu.vector_store %arg9[%swap3A_504, %swap3A_505], %mul3A_503 {strides = array<i32>} : memref<32x144xf32, #tpu.memory_space<vmem>>, vector<16xf32>,
        %get3A_507 = arith.index_cast %scan3A_334 : i32 to index
        %get3A_508 = arith.constant 32 : index
        %get3A_509 = tpu.vector_load %arg15[%get3A_507, %get3A_508] {strides = array<i32>} : memref<32x128xf32, #tpu.memory_space<vmem>>, vector<16xf32>,
        %mul3A_510 = arith.mulf %get3A_509, %exp3A : vector<16xf32>
        %swap3A_511 = arith.index_cast %scan3A_334 : i32 to index
        %swap3A_512 = arith.constant 32 : index
        %swap3A_513 = tpu.vector_load %arg9[%swap3A_511, %swap3A_512] {strides = array<i32>} : memref<32x144xf32, #tpu.memory_space<vmem>>, vector<16xf32>,
        tpu.vector_store %arg9[%swap3A_511, %swap3A_512], %mul3A_510 {strides = array<i32>} : memref<32x144xf32, #tpu.memory_space<vmem>>, vector<16xf32>,
        %get3A_514 = arith.index_cast %scan3A_334 : i32 to index
        %get3A_515 = arith.constant 48 : index
        %get3A_516 = tpu.vector_load %arg15[%get3A_514, %get3A_515] {strides = array<i32>} : memref<32x128xf32, #tpu.memory_space<vmem>>, vector<16xf32>,
        %mul3A_517 = arith.mulf %get3A_516, %exp3A : vector<16xf32>
        %swap3A_518 = arith.index_cast %scan3A_334 : i32 to index
        %swap3A_519 = arith.constant 48 : index
        %swap3A_520 = tpu.vector_load %arg9[%swap3A_518, %swap3A_519] {strides = array<i32>} : memref<32x144xf32, #tpu.memory_space<vmem>>, vector<16xf32>,
        tpu.vector_store %arg9[%swap3A_518, %swap3A_519], %mul3A_517 {strides = array<i32>} : memref<32x144xf32, #tpu.memory_space<vmem>>, vector<16xf32>,
        %get3A_521 = arith.index_cast %scan3A_334 : i32 to index
        %get3A_522 = arith.constant 64 : index
        %get3A_523 = tpu.vector_load %arg15[%get3A_521, %get3A_522] {strides = array<i32>} : memref<32x128xf32, #tpu.memory_space<vmem>>, vector<16xf32>,
        %mul3A_524 = arith.mulf %get3A_523, %exp3A : vector<16xf32>
        %swap3A_525 = arith.index_cast %scan3A_334 : i32 to index
        %swap3A_526 = arith.constant 64 : index
        %swap3A_527 = tpu.vector_load %arg9[%swap3A_525, %swap3A_526] {strides = array<i32>} : memref<32x144xf32, #tpu.memory_space<vmem>>, vector<16xf32>,
        tpu.vector_store %arg9[%swap3A_525, %swap3A_526], %mul3A_524 {strides = array<i32>} : memref<32x144xf32, #tpu.memory_space<vmem>>, vector<16xf32>,
        %get3A_528 = arith.index_cast %scan3A_334 : i32 to index
        %get3A_529 = arith.constant 80 : index
        %get3A_530 = tpu.vector_load %arg15[%get3A_528, %get3A_529] {strides = array<i32>} : memref<32x128xf32, #tpu.memory_space<vmem>>, vector<16xf32>,
        %mul3A_531 = arith.mulf %get3A_530, %exp3A : vector<16xf32>
        %swap3A_532 = arith.index_cast %scan3A_334 : i32 to index
        %swap3A_533 = arith.constant 80 : index
        %swap3A_534 = tpu.vector_load %arg9[%swap3A_532, %swap3A_533] {strides = array<i32>} : memref<32x144xf32, #tpu.memory_space<vmem>>, vector<16xf32>,
        tpu.vector_store %arg9[%swap3A_532, %swap3A_533], %mul3A_531 {strides = array<i32>} : memref<32x144xf32, #tpu.memory_space<vmem>>, vector<16xf32>,
        %get3A_535 = arith.index_cast %scan3A_334 : i32 to index
        %get3A_536 = arith.constant 96 : index
        %get3A_537 = tpu.vector_load %arg15[%get3A_535, %get3A_536] {strides = array<i32>} : memref<32x128xf32, #tpu.memory_space<vmem>>, vector<16xf32>,
        %mul3A_538 = arith.mulf %get3A_537, %exp3A : vector<16xf32>
        %swap3A_539 = arith.index_cast %scan3A_334 : i32 to index
        %swap3A_540 = arith.constant 96 : index
        %swap3A_541 = tpu.vector_load %arg9[%swap3A_539, %swap3A_540] {strides = array<i32>} : memref<32x144xf32, #tpu.memory_space<vmem>>, vector<16xf32>,
        tpu.vector_store %arg9[%swap3A_539, %swap3A_540], %mul3A_538 {strides = array<i32>} : memref<32x144xf32, #tpu.memory_space<vmem>>, vector<16xf32>,
        %get3A_542 = arith.index_cast %scan3A_334 : i32 to index
        %get3A_543 = arith.constant 112 : index
        %get3A_544 = tpu.vector_load %arg15[%get3A_542, %get3A_543] {strides = array<i32>} : memref<32x128xf32, #tpu.memory_space<vmem>>, vector<16xf32>,
        %mul3A_545 = arith.mulf %get3A_544, %exp3A : vector<16xf32>
        %swap3A_546 = arith.index_cast %scan3A_334 : i32 to index
        %swap3A_547 = arith.constant 112 : index
        %swap3A_548 = tpu.vector_load %arg9[%swap3A_546, %swap3A_547] {strides = array<i32>} : memref<32x144xf32, #tpu.memory_space<vmem>>, vector<16xf32>,
        tpu.vector_store %arg9[%swap3A_546, %swap3A_547], %mul3A_545 {strides = array<i32>} : memref<32x144xf32, #tpu.memory_space<vmem>>, vector<16xf32>,
        %mul3A_549 = arith.mulf %exp3A, %select_n3A : vector<16xf32>
        %swap3A_550 = arith.index_cast %scan3A_334 : i32 to index
        %swap3A_551 = arith.constant 128 : index
        %swap3A_552 = tpu.vector_load %arg9[%swap3A_550, %swap3A_551] {strides = array<i32>} : memref<32x144xf32, #tpu.memory_space<vmem>>, vector<16xf32>,
        tpu.vector_store %arg9[%swap3A_550, %swap3A_551], %mul3A_549 {strides = array<i32>} : memref<32x144xf32, #tpu.memory_space<vmem>>, vector<16xf32>,
        %scan3A_553 = arith.constant 0 : i32
        scf.yield %scan3A_553 : i32
      }
      %scan3A_319 = arith.constant 32 : i32
      "tpu.region"() ({
        %run_scoped3A = tpu.sem_alloc : memref<!tpu.dma_semaphore, #tpu.memory_space<semaphore_mem>>
        %dma_start3A_334 = arith.constant 0 : i32
        %dma_start3A_335 = arith.constant 0 : i32
        %dma_start3A_336 = tpu.memref_slice %arg8[%dma_start3A_334, %dma_start3A_335] : memref<10240x144xf32, #tpu.memory_space<vmem_shared>> -> memref<10240x144xf32, #tpu.memory_space<vmem_shared>>
        tpu.enqueue_indirect_dma source(%arg9 : memref<32x144xf32, #tpu.memory_space<vmem>>) target(%dma_start3A_336 : memref<10240x144xf32, #tpu.memory_space<vmem_shared>>) offsets(%arg12 : memref<32xi32, #tpu.memory_space<vmem>>) semaphore(%run_scoped3A : memref<!tpu.dma_semaphore, #tpu.memory_space<semaphore_mem>>) {add = true}
        %dma_wait3A_337 = arith.constant 0 : i32
        %dma_wait3A_338 = arith.constant 0 : i32
        %dma_wait3A_339 = tpu.memref_slice %arg8[%dma_wait3A_337, %dma_wait3A_338] : memref<10240x144xf32, #tpu.memory_space<vmem_shared>> -> memref<10240x144xf32, #tpu.memory_space<vmem_shared>>
        tpu.wait_indirect_dma semaphore(%run_scoped3A : memref<!tpu.dma_semaphore, #tpu.memory_space<semaphore_mem>>) src(%arg9 : memref<32x144xf32, #tpu.memory_space<vmem>>) dst(%dma_wait3A_339 : memref<10240x144xf32, #tpu.memory_space<vmem_shared>>)
        tpu.yield
      }) : () -> ()
      %dma_wait3A_320 = arith.constant 0 : i32
      %dma_wait3A_321 = arith.constant 0 : i32
      %dma_wait3A_322 = tpu.memref_slice %arg2[%dma_wait3A_320, %dma_wait3A_321] : memref<40960x128xf32, #tpu.memory_space<hbm>> -> memref<40960x128xf32, #tpu.memory_space<hbm>>
      tpu.wait_indirect_dma semaphore(%arg24 : memref<!tpu.dma_semaphore, #tpu.memory_space<semaphore_mem>>) src(%dma_wait3A_322 : memref<40960x128xf32, #tpu.memory_space<hbm>>) dst(%arg22 : memref<32x128xf32, #tpu.memory_space<vmem>>)
      %dma_wait3A_323 = arith.constant 0 : i32
      %dma_wait3A_324 = arith.constant 0 : i32
      %dma_wait3A_325 = tpu.memref_slice %arg3[%dma_wait3A_323, %dma_wait3A_324] : memref<40960x128xf32, #tpu.memory_space<hbm>> -> memref<40960x128xf32, #tpu.memory_space<hbm>>
      tpu.wait_indirect_dma semaphore(%arg24 : memref<!tpu.dma_semaphore, #tpu.memory_space<semaphore_mem>>) src(%dma_wait3A_325 : memref<40960x128xf32, #tpu.memory_space<hbm>>) dst(%arg23 : memref<32x128xf32, #tpu.memory_space<vmem>>)
      %scan3A_326 = arith.constant 0 : i32
      %scan3A_327 = arith.constant 0 : i32
      %scan3A_328 = arith.constant 32 : i32
      %scan3A_329 = arith.addi %scan3A_327, %scan3A_328 : i32
      %scan3A_330 = arith.constant 1 : i32
      %scan3A_331 = scf.for %scan3A_334 = %scan3A_327 to %scan3A_329 step %scan3A_330 iter_args(%scan3A_335 = %scan3A_326) -> (i32)  : i32 {
        %broadcast_in_dim3A_336 = arith.constant 0.000000e+00 : f32
        %broadcast_in_dim3A_337 = vector.broadcast %broadcast_in_dim3A_336 : f32 to vector<16xf32>
        %get3A_338 = arith.index_cast %scan3A_334 : i32 to index
        %get3A_339 = arith.constant 0 : index
        %get3A_340 = tpu.vector_load %arg22[%get3A_338, %get3A_339] {strides = array<i32>} : memref<32x128xf32, #tpu.memory_space<vmem>>, vector<16xf32>,
        %get3A_341 = arith.index_cast %scan3A_334 : i32 to index
        %get3A_342 = arith.constant 0 : index
        %get3A_343 = tpu.vector_load %arg23[%get3A_341, %get3A_342] {strides = array<i32>} : memref<32x128xf32, #tpu.memory_space<vmem>>, vector<16xf32>,
        %add3A_344 = arith.addf %get3A_340, %get3A_343 : vector<16xf32>
        %gt3A = arith.constant 0.000000e+00 : f32
        %gt3A_345 = vector.broadcast %gt3A : f32 to vector<16xf32>
        %gt3A_346 = arith.cmpf ogt, %add3A_344, %gt3A_345 : vector<16xf32>
        %mul3A_347 = arith.constant 2.000000e-01 : f32
        %mul3A_348 = vector.broadcast %mul3A_347 : f32 to vector<16xf32>
        %mul3A_349 = arith.mulf %mul3A_348, %add3A_344 : vector<16xf32>
        %select_n3A_350 = arith.select %gt3A_346, %add3A_344, %mul3A_349 : vector<16xi1>, vector<16xf32>
        %get3A_351 = arith.index_cast %add3A_113 : i32 to index
        %get3A_352 = arith.constant 0 : index
        %get3A_353 = tpu.vector_load %arg10[%get3A_351, %get3A_352] {strides = array<i32>} : memref<4x128xf32, #tpu.memory_space<vmem>>, vector<16xf32>,
        %mul3A_354 = arith.mulf %select_n3A_350, %get3A_353 : vector<16xf32>
        %add3A_355 = arith.addf %broadcast_in_dim3A_337, %mul3A_354 : vector<16xf32>
        %get3A_356 = arith.index_cast %scan3A_334 : i32 to index
        %get3A_357 = arith.constant 16 : index
        %get3A_358 = tpu.vector_load %arg22[%get3A_356, %get3A_357] {strides = array<i32>} : memref<32x128xf32, #tpu.memory_space<vmem>>, vector<16xf32>,
        %get3A_359 = arith.index_cast %scan3A_334 : i32 to index
        %get3A_360 = arith.constant 16 : index
        %get3A_361 = tpu.vector_load %arg23[%get3A_359, %get3A_360] {strides = array<i32>} : memref<32x128xf32, #tpu.memory_space<vmem>>, vector<16xf32>,
        %add3A_362 = arith.addf %get3A_358, %get3A_361 : vector<16xf32>
        %gt3A_363 = arith.constant 0.000000e+00 : f32
        %gt3A_364 = vector.broadcast %gt3A_363 : f32 to vector<16xf32>
        %gt3A_365 = arith.cmpf ogt, %add3A_362, %gt3A_364 : vector<16xf32>
        %mul3A_366 = arith.constant 2.000000e-01 : f32
        %mul3A_367 = vector.broadcast %mul3A_366 : f32 to vector<16xf32>
        %mul3A_368 = arith.mulf %mul3A_367, %add3A_362 : vector<16xf32>
        %select_n3A_369 = arith.select %gt3A_365, %add3A_362, %mul3A_368 : vector<16xi1>, vector<16xf32>
        %get3A_370 = arith.index_cast %add3A_113 : i32 to index
        %get3A_371 = arith.constant 16 : index
        %get3A_372 = tpu.vector_load %arg10[%get3A_370, %get3A_371] {strides = array<i32>} : memref<4x128xf32, #tpu.memory_space<vmem>>, vector<16xf32>,
        %mul3A_373 = arith.mulf %select_n3A_369, %get3A_372 : vector<16xf32>
        %add3A_374 = arith.addf %add3A_355, %mul3A_373 : vector<16xf32>
        %get3A_375 = arith.index_cast %scan3A_334 : i32 to index
        %get3A_376 = arith.constant 32 : index
        %get3A_377 = tpu.vector_load %arg22[%get3A_375, %get3A_376] {strides = array<i32>} : memref<32x128xf32, #tpu.memory_space<vmem>>, vector<16xf32>,
        %get3A_378 = arith.index_cast %scan3A_334 : i32 to index
        %get3A_379 = arith.constant 32 : index
        %get3A_380 = tpu.vector_load %arg23[%get3A_378, %get3A_379] {strides = array<i32>} : memref<32x128xf32, #tpu.memory_space<vmem>>, vector<16xf32>,
        %add3A_381 = arith.addf %get3A_377, %get3A_380 : vector<16xf32>
        %gt3A_382 = arith.constant 0.000000e+00 : f32
        %gt3A_383 = vector.broadcast %gt3A_382 : f32 to vector<16xf32>
        %gt3A_384 = arith.cmpf ogt, %add3A_381, %gt3A_383 : vector<16xf32>
        %mul3A_385 = arith.constant 2.000000e-01 : f32
        %mul3A_386 = vector.broadcast %mul3A_385 : f32 to vector<16xf32>
        %mul3A_387 = arith.mulf %mul3A_386, %add3A_381 : vector<16xf32>
        %select_n3A_388 = arith.select %gt3A_384, %add3A_381, %mul3A_387 : vector<16xi1>, vector<16xf32>
        %get3A_389 = arith.index_cast %add3A_113 : i32 to index
        %get3A_390 = arith.constant 32 : index
        %get3A_391 = tpu.vector_load %arg10[%get3A_389, %get3A_390] {strides = array<i32>} : memref<4x128xf32, #tpu.memory_space<vmem>>, vector<16xf32>,
        %mul3A_392 = arith.mulf %select_n3A_388, %get3A_391 : vector<16xf32>
        %add3A_393 = arith.addf %add3A_374, %mul3A_392 : vector<16xf32>
        %get3A_394 = arith.index_cast %scan3A_334 : i32 to index
        %get3A_395 = arith.constant 48 : index
        %get3A_396 = tpu.vector_load %arg22[%get3A_394, %get3A_395] {strides = array<i32>} : memref<32x128xf32, #tpu.memory_space<vmem>>, vector<16xf32>,
        %get3A_397 = arith.index_cast %scan3A_334 : i32 to index
        %get3A_398 = arith.constant 48 : index
        %get3A_399 = tpu.vector_load %arg23[%get3A_397, %get3A_398] {strides = array<i32>} : memref<32x128xf32, #tpu.memory_space<vmem>>, vector<16xf32>,
        %add3A_400 = arith.addf %get3A_396, %get3A_399 : vector<16xf32>
        %gt3A_401 = arith.constant 0.000000e+00 : f32
        %gt3A_402 = vector.broadcast %gt3A_401 : f32 to vector<16xf32>
        %gt3A_403 = arith.cmpf ogt, %add3A_400, %gt3A_402 : vector<16xf32>
        %mul3A_404 = arith.constant 2.000000e-01 : f32
        %mul3A_405 = vector.broadcast %mul3A_404 : f32 to vector<16xf32>
        %mul3A_406 = arith.mulf %mul3A_405, %add3A_400 : vector<16xf32>
        %select_n3A_407 = arith.select %gt3A_403, %add3A_400, %mul3A_406 : vector<16xi1>, vector<16xf32>
        %get3A_408 = arith.index_cast %add3A_113 : i32 to index
        %get3A_409 = arith.constant 48 : index
        %get3A_410 = tpu.vector_load %arg10[%get3A_408, %get3A_409] {strides = array<i32>} : memref<4x128xf32, #tpu.memory_space<vmem>>, vector<16xf32>,
        %mul3A_411 = arith.mulf %select_n3A_407, %get3A_410 : vector<16xf32>
        %add3A_412 = arith.addf %add3A_393, %mul3A_411 : vector<16xf32>
        %get3A_413 = arith.index_cast %scan3A_334 : i32 to index
        %get3A_414 = arith.constant 64 : index
        %get3A_415 = tpu.vector_load %arg22[%get3A_413, %get3A_414] {strides = array<i32>} : memref<32x128xf32, #tpu.memory_space<vmem>>, vector<16xf32>,
        %get3A_416 = arith.index_cast %scan3A_334 : i32 to index
        %get3A_417 = arith.constant 64 : index
        %get3A_418 = tpu.vector_load %arg23[%get3A_416, %get3A_417] {strides = array<i32>} : memref<32x128xf32, #tpu.memory_space<vmem>>, vector<16xf32>,
        %add3A_419 = arith.addf %get3A_415, %get3A_418 : vector<16xf32>
        %gt3A_420 = arith.constant 0.000000e+00 : f32
        %gt3A_421 = vector.broadcast %gt3A_420 : f32 to vector<16xf32>
        %gt3A_422 = arith.cmpf ogt, %add3A_419, %gt3A_421 : vector<16xf32>
        %mul3A_423 = arith.constant 2.000000e-01 : f32
        %mul3A_424 = vector.broadcast %mul3A_423 : f32 to vector<16xf32>
        %mul3A_425 = arith.mulf %mul3A_424, %add3A_419 : vector<16xf32>
        %select_n3A_426 = arith.select %gt3A_422, %add3A_419, %mul3A_425 : vector<16xi1>, vector<16xf32>
        %get3A_427 = arith.index_cast %add3A_113 : i32 to index
        %get3A_428 = arith.constant 64 : index
        %get3A_429 = tpu.vector_load %arg10[%get3A_427, %get3A_428] {strides = array<i32>} : memref<4x128xf32, #tpu.memory_space<vmem>>, vector<16xf32>,
        %mul3A_430 = arith.mulf %select_n3A_426, %get3A_429 : vector<16xf32>
        %add3A_431 = arith.addf %add3A_412, %mul3A_430 : vector<16xf32>
        %get3A_432 = arith.index_cast %scan3A_334 : i32 to index
        %get3A_433 = arith.constant 80 : index
        %get3A_434 = tpu.vector_load %arg22[%get3A_432, %get3A_433] {strides = array<i32>} : memref<32x128xf32, #tpu.memory_space<vmem>>, vector<16xf32>,
        %get3A_435 = arith.index_cast %scan3A_334 : i32 to index
        %get3A_436 = arith.constant 80 : index
        %get3A_437 = tpu.vector_load %arg23[%get3A_435, %get3A_436] {strides = array<i32>} : memref<32x128xf32, #tpu.memory_space<vmem>>, vector<16xf32>,
        %add3A_438 = arith.addf %get3A_434, %get3A_437 : vector<16xf32>
        %gt3A_439 = arith.constant 0.000000e+00 : f32
        %gt3A_440 = vector.broadcast %gt3A_439 : f32 to vector<16xf32>
        %gt3A_441 = arith.cmpf ogt, %add3A_438, %gt3A_440 : vector<16xf32>
        %mul3A_442 = arith.constant 2.000000e-01 : f32
        %mul3A_443 = vector.broadcast %mul3A_442 : f32 to vector<16xf32>
        %mul3A_444 = arith.mulf %mul3A_443, %add3A_438 : vector<16xf32>
        %select_n3A_445 = arith.select %gt3A_441, %add3A_438, %mul3A_444 : vector<16xi1>, vector<16xf32>
        %get3A_446 = arith.index_cast %add3A_113 : i32 to index
        %get3A_447 = arith.constant 80 : index
        %get3A_448 = tpu.vector_load %arg10[%get3A_446, %get3A_447] {strides = array<i32>} : memref<4x128xf32, #tpu.memory_space<vmem>>, vector<16xf32>,
        %mul3A_449 = arith.mulf %select_n3A_445, %get3A_448 : vector<16xf32>
        %add3A_450 = arith.addf %add3A_431, %mul3A_449 : vector<16xf32>
        %get3A_451 = arith.index_cast %scan3A_334 : i32 to index
        %get3A_452 = arith.constant 96 : index
        %get3A_453 = tpu.vector_load %arg22[%get3A_451, %get3A_452] {strides = array<i32>} : memref<32x128xf32, #tpu.memory_space<vmem>>, vector<16xf32>,
        %get3A_454 = arith.index_cast %scan3A_334 : i32 to index
        %get3A_455 = arith.constant 96 : index
        %get3A_456 = tpu.vector_load %arg23[%get3A_454, %get3A_455] {strides = array<i32>} : memref<32x128xf32, #tpu.memory_space<vmem>>, vector<16xf32>,
        %add3A_457 = arith.addf %get3A_453, %get3A_456 : vector<16xf32>
        %gt3A_458 = arith.constant 0.000000e+00 : f32
        %gt3A_459 = vector.broadcast %gt3A_458 : f32 to vector<16xf32>
        %gt3A_460 = arith.cmpf ogt, %add3A_457, %gt3A_459 : vector<16xf32>
        %mul3A_461 = arith.constant 2.000000e-01 : f32
        %mul3A_462 = vector.broadcast %mul3A_461 : f32 to vector<16xf32>
        %mul3A_463 = arith.mulf %mul3A_462, %add3A_457 : vector<16xf32>
        %select_n3A_464 = arith.select %gt3A_460, %add3A_457, %mul3A_463 : vector<16xi1>, vector<16xf32>
        %get3A_465 = arith.index_cast %add3A_113 : i32 to index
        %get3A_466 = arith.constant 96 : index
        %get3A_467 = tpu.vector_load %arg10[%get3A_465, %get3A_466] {strides = array<i32>} : memref<4x128xf32, #tpu.memory_space<vmem>>, vector<16xf32>,
        %mul3A_468 = arith.mulf %select_n3A_464, %get3A_467 : vector<16xf32>
        %add3A_469 = arith.addf %add3A_450, %mul3A_468 : vector<16xf32>
        %get3A_470 = arith.index_cast %scan3A_334 : i32 to index
        %get3A_471 = arith.constant 112 : index
        %get3A_472 = tpu.vector_load %arg22[%get3A_470, %get3A_471] {strides = array<i32>} : memref<32x128xf32, #tpu.memory_space<vmem>>, vector<16xf32>,
        %get3A_473 = arith.index_cast %scan3A_334 : i32 to index
        %get3A_474 = arith.constant 112 : index
        %get3A_475 = tpu.vector_load %arg23[%get3A_473, %get3A_474] {strides = array<i32>} : memref<32x128xf32, #tpu.memory_space<vmem>>, vector<16xf32>,
        %add3A_476 = arith.addf %get3A_472, %get3A_475 : vector<16xf32>
        %gt3A_477 = arith.constant 0.000000e+00 : f32
        %gt3A_478 = vector.broadcast %gt3A_477 : f32 to vector<16xf32>
        %gt3A_479 = arith.cmpf ogt, %add3A_476, %gt3A_478 : vector<16xf32>
        %mul3A_480 = arith.constant 2.000000e-01 : f32
        %mul3A_481 = vector.broadcast %mul3A_480 : f32 to vector<16xf32>
        %mul3A_482 = arith.mulf %mul3A_481, %add3A_476 : vector<16xf32>
        %select_n3A_483 = arith.select %gt3A_479, %add3A_476, %mul3A_482 : vector<16xi1>, vector<16xf32>
        %get3A_484 = arith.index_cast %add3A_113 : i32 to index
        %get3A_485 = arith.constant 112 : index
        %get3A_486 = tpu.vector_load %arg10[%get3A_484, %get3A_485] {strides = array<i32>} : memref<4x128xf32, #tpu.memory_space<vmem>>, vector<16xf32>,
        %mul3A_487 = arith.mulf %select_n3A_483, %get3A_486 : vector<16xf32>
        %add3A_488 = arith.addf %add3A_469, %mul3A_487 : vector<16xf32>
        %reduce_sum3A = arith.constant true
        %reduce_sum3A_489 = vector.broadcast %reduce_sum3A : i1 to vector<16xi1>
        %reduce_sum3A_490 = tpu.scan <sum>, %add3A_488 masked %reduce_sum3A_489 : vector<16xf32>, vector<16xi1> -> vector<16xf32>
        %reduce_sum3A_491 = vector.extract %reduce_sum3A_490[15] : f32 from vector<16xf32>
        %broadcast_in_dim3A_492 = vector.broadcast %reduce_sum3A_491 : f32 to vector<16xf32>
        %exp3A = math.exp %broadcast_in_dim3A_492 : vector<16xf32>
        %get3A_493 = arith.index_cast %scan3A_334 : i32 to index
        %get3A_494 = arith.constant 0 : index
        %get3A_495 = tpu.vector_load %arg22[%get3A_493, %get3A_494] {strides = array<i32>} : memref<32x128xf32, #tpu.memory_space<vmem>>, vector<16xf32>,
        %mul3A_496 = arith.mulf %get3A_495, %exp3A : vector<16xf32>
        %swap3A_497 = arith.index_cast %scan3A_334 : i32 to index
        %swap3A_498 = arith.constant 0 : index
        %swap3A_499 = tpu.vector_load %arg9[%swap3A_497, %swap3A_498] {strides = array<i32>} : memref<32x144xf32, #tpu.memory_space<vmem>>, vector<16xf32>,
        tpu.vector_store %arg9[%swap3A_497, %swap3A_498], %mul3A_496 {strides = array<i32>} : memref<32x144xf32, #tpu.memory_space<vmem>>, vector<16xf32>,
        %get3A_500 = arith.index_cast %scan3A_334 : i32 to index
        %get3A_501 = arith.constant 16 : index
        %get3A_502 = tpu.vector_load %arg22[%get3A_500, %get3A_501] {strides = array<i32>} : memref<32x128xf32, #tpu.memory_space<vmem>>, vector<16xf32>,
        %mul3A_503 = arith.mulf %get3A_502, %exp3A : vector<16xf32>
        %swap3A_504 = arith.index_cast %scan3A_334 : i32 to index
        %swap3A_505 = arith.constant 16 : index
        %swap3A_506 = tpu.vector_load %arg9[%swap3A_504, %swap3A_505] {strides = array<i32>} : memref<32x144xf32, #tpu.memory_space<vmem>>, vector<16xf32>,
        tpu.vector_store %arg9[%swap3A_504, %swap3A_505], %mul3A_503 {strides = array<i32>} : memref<32x144xf32, #tpu.memory_space<vmem>>, vector<16xf32>,
        %get3A_507 = arith.index_cast %scan3A_334 : i32 to index
        %get3A_508 = arith.constant 32 : index
        %get3A_509 = tpu.vector_load %arg22[%get3A_507, %get3A_508] {strides = array<i32>} : memref<32x128xf32, #tpu.memory_space<vmem>>, vector<16xf32>,
        %mul3A_510 = arith.mulf %get3A_509, %exp3A : vector<16xf32>
        %swap3A_511 = arith.index_cast %scan3A_334 : i32 to index
        %swap3A_512 = arith.constant 32 : index
        %swap3A_513 = tpu.vector_load %arg9[%swap3A_511, %swap3A_512] {strides = array<i32>} : memref<32x144xf32, #tpu.memory_space<vmem>>, vector<16xf32>,
        tpu.vector_store %arg9[%swap3A_511, %swap3A_512], %mul3A_510 {strides = array<i32>} : memref<32x144xf32, #tpu.memory_space<vmem>>, vector<16xf32>,
        %get3A_514 = arith.index_cast %scan3A_334 : i32 to index
        %get3A_515 = arith.constant 48 : index
        %get3A_516 = tpu.vector_load %arg22[%get3A_514, %get3A_515] {strides = array<i32>} : memref<32x128xf32, #tpu.memory_space<vmem>>, vector<16xf32>,
        %mul3A_517 = arith.mulf %get3A_516, %exp3A : vector<16xf32>
        %swap3A_518 = arith.index_cast %scan3A_334 : i32 to index
        %swap3A_519 = arith.constant 48 : index
        %swap3A_520 = tpu.vector_load %arg9[%swap3A_518, %swap3A_519] {strides = array<i32>} : memref<32x144xf32, #tpu.memory_space<vmem>>, vector<16xf32>,
        tpu.vector_store %arg9[%swap3A_518, %swap3A_519], %mul3A_517 {strides = array<i32>} : memref<32x144xf32, #tpu.memory_space<vmem>>, vector<16xf32>,
        %get3A_521 = arith.index_cast %scan3A_334 : i32 to index
        %get3A_522 = arith.constant 64 : index
        %get3A_523 = tpu.vector_load %arg22[%get3A_521, %get3A_522] {strides = array<i32>} : memref<32x128xf32, #tpu.memory_space<vmem>>, vector<16xf32>,
        %mul3A_524 = arith.mulf %get3A_523, %exp3A : vector<16xf32>
        %swap3A_525 = arith.index_cast %scan3A_334 : i32 to index
        %swap3A_526 = arith.constant 64 : index
        %swap3A_527 = tpu.vector_load %arg9[%swap3A_525, %swap3A_526] {strides = array<i32>} : memref<32x144xf32, #tpu.memory_space<vmem>>, vector<16xf32>,
        tpu.vector_store %arg9[%swap3A_525, %swap3A_526], %mul3A_524 {strides = array<i32>} : memref<32x144xf32, #tpu.memory_space<vmem>>, vector<16xf32>,
        %get3A_528 = arith.index_cast %scan3A_334 : i32 to index
        %get3A_529 = arith.constant 80 : index
        %get3A_530 = tpu.vector_load %arg22[%get3A_528, %get3A_529] {strides = array<i32>} : memref<32x128xf32, #tpu.memory_space<vmem>>, vector<16xf32>,
        %mul3A_531 = arith.mulf %get3A_530, %exp3A : vector<16xf32>
        %swap3A_532 = arith.index_cast %scan3A_334 : i32 to index
        %swap3A_533 = arith.constant 80 : index
        %swap3A_534 = tpu.vector_load %arg9[%swap3A_532, %swap3A_533] {strides = array<i32>} : memref<32x144xf32, #tpu.memory_space<vmem>>, vector<16xf32>,
        tpu.vector_store %arg9[%swap3A_532, %swap3A_533], %mul3A_531 {strides = array<i32>} : memref<32x144xf32, #tpu.memory_space<vmem>>, vector<16xf32>,
        %get3A_535 = arith.index_cast %scan3A_334 : i32 to index
        %get3A_536 = arith.constant 96 : index
        %get3A_537 = tpu.vector_load %arg22[%get3A_535, %get3A_536] {strides = array<i32>} : memref<32x128xf32, #tpu.memory_space<vmem>>, vector<16xf32>,
        %mul3A_538 = arith.mulf %get3A_537, %exp3A : vector<16xf32>
        %swap3A_539 = arith.index_cast %scan3A_334 : i32 to index
        %swap3A_540 = arith.constant 96 : index
        %swap3A_541 = tpu.vector_load %arg9[%swap3A_539, %swap3A_540] {strides = array<i32>} : memref<32x144xf32, #tpu.memory_space<vmem>>, vector<16xf32>,
        tpu.vector_store %arg9[%swap3A_539, %swap3A_540], %mul3A_538 {strides = array<i32>} : memref<32x144xf32, #tpu.memory_space<vmem>>, vector<16xf32>,
        %get3A_542 = arith.index_cast %scan3A_334 : i32 to index
        %get3A_543 = arith.constant 112 : index
        %get3A_544 = tpu.vector_load %arg22[%get3A_542, %get3A_543] {strides = array<i32>} : memref<32x128xf32, #tpu.memory_space<vmem>>, vector<16xf32>,
        %mul3A_545 = arith.mulf %get3A_544, %exp3A : vector<16xf32>
        %swap3A_546 = arith.index_cast %scan3A_334 : i32 to index
        %swap3A_547 = arith.constant 112 : index
        %swap3A_548 = tpu.vector_load %arg9[%swap3A_546, %swap3A_547] {strides = array<i32>} : memref<32x144xf32, #tpu.memory_space<vmem>>, vector<16xf32>,
        tpu.vector_store %arg9[%swap3A_546, %swap3A_547], %mul3A_545 {strides = array<i32>} : memref<32x144xf32, #tpu.memory_space<vmem>>, vector<16xf32>,
        %mul3A_549 = arith.mulf %exp3A, %select_n3A : vector<16xf32>
        %swap3A_550 = arith.index_cast %scan3A_334 : i32 to index
        %swap3A_551 = arith.constant 128 : index
        %swap3A_552 = tpu.vector_load %arg9[%swap3A_550, %swap3A_551] {strides = array<i32>} : memref<32x144xf32, #tpu.memory_space<vmem>>, vector<16xf32>,
        tpu.vector_store %arg9[%swap3A_550, %swap3A_551], %mul3A_549 {strides = array<i32>} : memref<32x144xf32, #tpu.memory_space<vmem>>, vector<16xf32>,
        %scan3A_553 = arith.constant 0 : i32
        scf.yield %scan3A_553 : i32
      }
      %scan3A_332 = arith.constant 32 : i32
      "tpu.region"() ({
        %run_scoped3A = tpu.sem_alloc : memref<!tpu.dma_semaphore, #tpu.memory_space<semaphore_mem>>
        %dma_start3A_334 = arith.constant 0 : i32
        %dma_start3A_335 = arith.constant 0 : i32
        %dma_start3A_336 = tpu.memref_slice %arg8[%dma_start3A_334, %dma_start3A_335] : memref<10240x144xf32, #tpu.memory_space<vmem_shared>> -> memref<10240x144xf32, #tpu.memory_space<vmem_shared>>
        tpu.enqueue_indirect_dma source(%arg9 : memref<32x144xf32, #tpu.memory_space<vmem>>) target(%dma_start3A_336 : memref<10240x144xf32, #tpu.memory_space<vmem_shared>>) offsets(%arg19 : memref<32xi32, #tpu.memory_space<vmem>>) semaphore(%run_scoped3A : memref<!tpu.dma_semaphore, #tpu.memory_space<semaphore_mem>>) {add = true}
        %dma_wait3A_337 = arith.constant 0 : i32
        %dma_wait3A_338 = arith.constant 0 : i32
        %dma_wait3A_339 = tpu.memref_slice %arg8[%dma_wait3A_337, %dma_wait3A_338] : memref<10240x144xf32, #tpu.memory_space<vmem_shared>> -> memref<10240x144xf32, #tpu.memory_space<vmem_shared>>
        tpu.wait_indirect_dma semaphore(%run_scoped3A : memref<!tpu.dma_semaphore, #tpu.memory_space<semaphore_mem>>) src(%arg9 : memref<32x144xf32, #tpu.memory_space<vmem>>) dst(%dma_wait3A_339 : memref<10240x144xf32, #tpu.memory_space<vmem_shared>>)
        tpu.yield
      }) : () -> ()
      %scan3A_333 = arith.constant 0 : i32
      scf.yield %scan3A_333 : i32
    }
    %scan3A_208 = arith.constant 315 : i32
    %barrier3A_209 = arith.constant 0 : index
    tpu.barrier barrier_id(%barrier3A_209)
    %mul3A_210 = arith.constant 640 : i32
    %mul3A_211 = arith.muli %arg1, %mul3A_210 : i32
    %mul3A_212 = arith.constant 10240 : i32
    %mul3A_213 = arith.muli %add3A_113, %mul3A_212 : i32
    %mul3A_214 = arith.constant 640 : i32
    %mul3A_215 = arith.muli %arg1, %mul3A_214 : i32
    %add3A_216 = arith.addi %mul3A_213, %mul3A_215 : i32
    "tpu.region"() ({
      %run_scoped3A = tpu.sem_alloc : memref<!tpu.dma_semaphore, #tpu.memory_space<semaphore_mem>>
      %dma_start3A = arith.constant 0 : i32
      %dma_start3A_218 = tpu.memref_slice %arg7[%add3A_216, %dma_start3A] : memref<40960x144xf32, #tpu.memory_space<hbm>> -> memref<640x144xf32, #tpu.memory_space<hbm>>
      %dma_start3A_219 = arith.constant 0 : i32
      %dma_start3A_220 = tpu.memref_slice %arg8[%mul3A_211, %dma_start3A_219] : memref<10240x144xf32, #tpu.memory_space<vmem_shared>> -> memref<640x144xf32, #tpu.memory_space<vmem_shared>>
      tpu.enqueue_dma source(%dma_start3A_220 : memref<640x144xf32, #tpu.memory_space<vmem_shared>>) target(%dma_start3A_218 : memref<640x144xf32, #tpu.memory_space<hbm>>) target_semaphore(%run_scoped3A : memref<!tpu.dma_semaphore, #tpu.memory_space<semaphore_mem>>)
      %dma_wait3A = arith.constant 0 : i32
      %dma_wait3A_221 = tpu.memref_slice %arg7[%add3A_216, %dma_wait3A] : memref<40960x144xf32, #tpu.memory_space<hbm>> -> memref<640x144xf32, #tpu.memory_space<hbm>>
      %dma_wait3A_222 = arith.constant 0 : i32
      %dma_wait3A_223 = tpu.memref_slice %arg8[%mul3A_211, %dma_wait3A_222] : memref<10240x144xf32, #tpu.memory_space<vmem_shared>> -> memref<640x144xf32, #tpu.memory_space<vmem_shared>>
      tpu.wait_dma2 semaphore(%run_scoped3A : memref<!tpu.dma_semaphore, #tpu.memory_space<semaphore_mem>>) src(%dma_wait3A_223 : memref<640x144xf32, #tpu.memory_space<vmem_shared>>) dst(%dma_wait3A_221 : memref<640x144xf32, #tpu.memory_space<hbm>>)
      tpu.yield
    }) : () -> ()
    %barrier3A_217 = arith.constant 0 : index
    tpu.barrier barrier_id(%barrier3A_217)
    return
  }
}

#map = affine_map<(d0, d1) -> (0, 0)>
#map1 = affine_map<(d0, d1) -> (0)>
module attributes {stable_mosaic.version = 14 : i64} {
  func.func @_edge2_body(%arg0: i32, %arg1: i32, %arg2: memref<20480x64xf32, #tpu.memory_space<hbm>>, %arg3: memref<20480x64xf32, #tpu.memory_space<hbm>>, %arg4: memref<322560xi32, #tpu.memory_space<hbm>>, %arg5: memref<322560xi32, #tpu.memory_space<hbm>>, %arg6: memref<2x64xf32, #tpu.memory_space<hbm>>, %arg7: memref<20480x96xf32, #tpu.memory_space<hbm>>, %arg8: memref<10240x96xf32, #tpu.memory_space<vmem_shared>>, %arg9: memref<64x96xf32, #tpu.memory_space<vmem>>, %arg10: memref<2x64xf32, #tpu.memory_space<vmem>>, %arg11: memref<64xi32, #tpu.memory_space<vmem>>, %arg12: memref<64xi32, #tpu.memory_space<vmem>>, %arg13: memref<64xi32, #tpu.memory_space<vmem>>, %arg14: memref<64xi32, #tpu.memory_space<vmem>>, %arg15: memref<64x64xf32, #tpu.memory_space<vmem>>, %arg16: memref<64x64xf32, #tpu.memory_space<vmem>>, %arg17: memref<!tpu.dma_semaphore, #tpu.memory_space<semaphore_mem>>, %arg18: memref<64xi32, #tpu.memory_space<vmem>>, %arg19: memref<64xi32, #tpu.memory_space<vmem>>, %arg20: memref<64xi32, #tpu.memory_space<vmem>>, %arg21: memref<64xi32, #tpu.memory_space<vmem>>, %arg22: memref<64x64xf32, #tpu.memory_space<vmem>>, %arg23: memref<64x64xf32, #tpu.memory_space<vmem>>, %arg24: memref<!tpu.dma_semaphore, #tpu.memory_space<semaphore_mem>>, %arg25: memref<64xi32, #tpu.memory_space<vmem>>, %arg26: memref<64xi32, #tpu.memory_space<vmem>>, %arg27: memref<64xi32, #tpu.memory_space<vmem>>, %arg28: memref<64xi32, #tpu.memory_space<vmem>>, %arg29: memref<64x64xf32, #tpu.memory_space<vmem>>, %arg30: memref<64x64xf32, #tpu.memory_space<vmem>>, %arg31: memref<!tpu.dma_semaphore, #tpu.memory_space<semaphore_mem>>) attributes {dimension_semantics = [#tpu.dimension_semantics<core_parallel>, #tpu.dimension_semantics<subcore_parallel>], iteration_bounds = array<i64: 2, 16>, scalar_prefetch = 0 : i64, scratch_operands = 24 : i64, tpu.core_type = #tpu.core_type<sc_vector_subcore>, window_params = [{transform_indices = #map}, {transform_indices = #map}, {transform_indices = #map1}, {transform_indices = #map1}, {transform_indices = #map}, {transform_indices = #map}]} {
    %iota3A = tpu.iota {dimensions = array<i32: 0>} : vector<16xi32>
    %eq3A = arith.constant 0 : i32
    %eq3A_0 = vector.broadcast %eq3A : i32 to vector<16xi32>
    %eq3A_1 = arith.cmpi eq, %iota3A, %eq3A_0 : vector<16xi32>
    %jit3A = arith.constant 1.000000e+00 : f32
    %jit3A_2 = arith.constant 0.000000e+00 : f32
    %broadcast_in_dim3A = vector.broadcast %jit3A : f32 to vector<16xf32>
    %broadcast_in_dim3A_3 = vector.broadcast %jit3A_2 : f32 to vector<16xf32>
    %select_n3A = arith.select %eq3A_1, %broadcast_in_dim3A, %broadcast_in_dim3A_3 : vector<16xi1>, vector<16xf32>
    %mul3A = arith.constant 20160 : i32
    %mul3A_4 = arith.muli %arg1, %mul3A : i32
    %scan3A = arith.constant 0 : i32
    %scan3A_5 = arith.constant 0 : i32
    %scan3A_6 = arith.constant 64 : i32
    %scan3A_7 = arith.addi %scan3A_5, %scan3A_6 : i32
    %scan3A_8 = arith.constant 1 : i32
    %scan3A_9 = scf.for %scan3A_65 = %scan3A_5 to %scan3A_7 step %scan3A_8 iter_args(%scan3A_66 = %scan3A) -> (i32)  : i32 {
      %broadcast_in_dim3A_67 = arith.constant 0.000000e+00 : f32
      %broadcast_in_dim3A_68 = vector.broadcast %broadcast_in_dim3A_67 : f32 to vector<16xf32>
      %swap3A = arith.index_cast %scan3A_65 : i32 to index
      %swap3A_69 = arith.constant 0 : index
      %swap3A_70 = tpu.vector_load %arg9[%swap3A, %swap3A_69] {strides = array<i32>} : memref<64x96xf32, #tpu.memory_space<vmem>>, vector<16xf32>,
      tpu.vector_store %arg9[%swap3A, %swap3A_69], %broadcast_in_dim3A_68 {strides = array<i32>} : memref<64x96xf32, #tpu.memory_space<vmem>>, vector<16xf32>,
      %broadcast_in_dim3A_71 = arith.constant 0.000000e+00 : f32
      %broadcast_in_dim3A_72 = vector.broadcast %broadcast_in_dim3A_71 : f32 to vector<16xf32>
      %swap3A_73 = arith.index_cast %scan3A_65 : i32 to index
      %swap3A_74 = arith.constant 16 : index
      %swap3A_75 = tpu.vector_load %arg9[%swap3A_73, %swap3A_74] {strides = array<i32>} : memref<64x96xf32, #tpu.memory_space<vmem>>, vector<16xf32>,
      tpu.vector_store %arg9[%swap3A_73, %swap3A_74], %broadcast_in_dim3A_72 {strides = array<i32>} : memref<64x96xf32, #tpu.memory_space<vmem>>, vector<16xf32>,
      %broadcast_in_dim3A_76 = arith.constant 0.000000e+00 : f32
      %broadcast_in_dim3A_77 = vector.broadcast %broadcast_in_dim3A_76 : f32 to vector<16xf32>
      %swap3A_78 = arith.index_cast %scan3A_65 : i32 to index
      %swap3A_79 = arith.constant 32 : index
      %swap3A_80 = tpu.vector_load %arg9[%swap3A_78, %swap3A_79] {strides = array<i32>} : memref<64x96xf32, #tpu.memory_space<vmem>>, vector<16xf32>,
      tpu.vector_store %arg9[%swap3A_78, %swap3A_79], %broadcast_in_dim3A_77 {strides = array<i32>} : memref<64x96xf32, #tpu.memory_space<vmem>>, vector<16xf32>,
      %broadcast_in_dim3A_81 = arith.constant 0.000000e+00 : f32
      %broadcast_in_dim3A_82 = vector.broadcast %broadcast_in_dim3A_81 : f32 to vector<16xf32>
      %swap3A_83 = arith.index_cast %scan3A_65 : i32 to index
      %swap3A_84 = arith.constant 48 : index
      %swap3A_85 = tpu.vector_load %arg9[%swap3A_83, %swap3A_84] {strides = array<i32>} : memref<64x96xf32, #tpu.memory_space<vmem>>, vector<16xf32>,
      tpu.vector_store %arg9[%swap3A_83, %swap3A_84], %broadcast_in_dim3A_82 {strides = array<i32>} : memref<64x96xf32, #tpu.memory_space<vmem>>, vector<16xf32>,
      %broadcast_in_dim3A_86 = arith.constant 0.000000e+00 : f32
      %broadcast_in_dim3A_87 = vector.broadcast %broadcast_in_dim3A_86 : f32 to vector<16xf32>
      %swap3A_88 = arith.index_cast %scan3A_65 : i32 to index
      %swap3A_89 = arith.constant 64 : index
      %swap3A_90 = tpu.vector_load %arg9[%swap3A_88, %swap3A_89] {strides = array<i32>} : memref<64x96xf32, #tpu.memory_space<vmem>>, vector<16xf32>,
      tpu.vector_store %arg9[%swap3A_88, %swap3A_89], %broadcast_in_dim3A_87 {strides = array<i32>} : memref<64x96xf32, #tpu.memory_space<vmem>>, vector<16xf32>,
      %broadcast_in_dim3A_91 = arith.constant 0.000000e+00 : f32
      %broadcast_in_dim3A_92 = vector.broadcast %broadcast_in_dim3A_91 : f32 to vector<16xf32>
      %swap3A_93 = arith.index_cast %scan3A_65 : i32 to index
      %swap3A_94 = arith.constant 80 : index
      %swap3A_95 = tpu.vector_load %arg9[%swap3A_93, %swap3A_94] {strides = array<i32>} : memref<64x96xf32, #tpu.memory_space<vmem>>, vector<16xf32>,
      tpu.vector_store %arg9[%swap3A_93, %swap3A_94], %broadcast_in_dim3A_92 {strides = array<i32>} : memref<64x96xf32, #tpu.memory_space<vmem>>, vector<16xf32>,
      %scan3A_96 = arith.constant 0 : i32
      scf.yield %scan3A_96 : i32
    }
    %scan3A_10 = arith.constant 64 : i32
    %mul3A_11 = arith.constant 640 : i32
    %mul3A_12 = arith.muli %arg1, %mul3A_11 : i32
    %add3A = arith.constant 0 : i32
    %add3A_13 = arith.addi %mul3A_12, %add3A : i32
    "tpu.region"() ({
      %run_scoped3A = tpu.sem_alloc : memref<!tpu.dma_semaphore, #tpu.memory_space<semaphore_mem>>
      %dma_start3A = arith.constant 0 : i32
      %dma_start3A_65 = tpu.memref_slice %arg8[%add3A_13, %dma_start3A] : memref<10240x96xf32, #tpu.memory_space<vmem_shared>> -> memref<64x96xf32, #tpu.memory_space<vmem_shared>>
      %dma_start3A_66 = arith.constant 0 : i32
      %dma_start3A_67 = tpu.memref_slice %arg8[%add3A_13, %dma_start3A_66] : memref<10240x96xf32, #tpu.memory_space<vmem_shared>> -> memref<64x96xf32, #tpu.memory_space<vmem_shared>>
      tpu.enqueue_dma source(%arg9 : memref<64x96xf32, #tpu.memory_space<vmem>>) target(%dma_start3A_67 : memref<64x96xf32, #tpu.memory_space<vmem_shared>>) target_semaphore(%run_scoped3A : memref<!tpu.dma_semaphore, #tpu.memory_space<semaphore_mem>>)
      %dma_wait3A = arith.constant 0 : i32
      %dma_wait3A_68 = tpu.memref_slice %arg8[%add3A_13, %dma_wait3A] : memref<10240x96xf32, #tpu.memory_space<vmem_shared>> -> memref<64x96xf32, #tpu.memory_space<vmem_shared>>
      %dma_wait3A_69 = arith.constant 0 : i32
      %dma_wait3A_70 = tpu.memref_slice %arg8[%add3A_13, %dma_wait3A_69] : memref<10240x96xf32, #tpu.memory_space<vmem_shared>> -> memref<64x96xf32, #tpu.memory_space<vmem_shared>>
      tpu.wait_dma2 semaphore(%run_scoped3A : memref<!tpu.dma_semaphore, #tpu.memory_space<semaphore_mem>>) src(%arg9 : memref<64x96xf32, #tpu.memory_space<vmem>>) dst(%dma_wait3A_70 : memref<64x96xf32, #tpu.memory_space<vmem_shared>>)
      tpu.yield
    }) : () -> ()
    %mul3A_14 = arith.constant 640 : i32
    %mul3A_15 = arith.muli %arg1, %mul3A_14 : i32
    %add3A_16 = arith.constant 64 : i32
    %add3A_17 = arith.addi %mul3A_15, %add3A_16 : i32
    "tpu.region"() ({
      %run_scoped3A = tpu.sem_alloc : memref<!tpu.dma_semaphore, #tpu.memory_space<semaphore_mem>>
      %dma_start3A = arith.constant 0 : i32
      %dma_start3A_65 = tpu.memref_slice %arg8[%add3A_17, %dma_start3A] : memref<10240x96xf32, #tpu.memory_space<vmem_shared>> -> memref<64x96xf32, #tpu.memory_space<vmem_shared>>
      %dma_start3A_66 = arith.constant 0 : i32
      %dma_start3A_67 = tpu.memref_slice %arg8[%add3A_17, %dma_start3A_66] : memref<10240x96xf32, #tpu.memory_space<vmem_shared>> -> memref<64x96xf32, #tpu.memory_space<vmem_shared>>
      tpu.enqueue_dma source(%arg9 : memref<64x96xf32, #tpu.memory_space<vmem>>) target(%dma_start3A_67 : memref<64x96xf32, #tpu.memory_space<vmem_shared>>) target_semaphore(%run_scoped3A : memref<!tpu.dma_semaphore, #tpu.memory_space<semaphore_mem>>)
      %dma_wait3A = arith.constant 0 : i32
      %dma_wait3A_68 = tpu.memref_slice %arg8[%add3A_17, %dma_wait3A] : memref<10240x96xf32, #tpu.memory_space<vmem_shared>> -> memref<64x96xf32, #tpu.memory_space<vmem_shared>>
      %dma_wait3A_69 = arith.constant 0 : i32
      %dma_wait3A_70 = tpu.memref_slice %arg8[%add3A_17, %dma_wait3A_69] : memref<10240x96xf32, #tpu.memory_space<vmem_shared>> -> memref<64x96xf32, #tpu.memory_space<vmem_shared>>
      tpu.wait_dma2 semaphore(%run_scoped3A : memref<!tpu.dma_semaphore, #tpu.memory_space<semaphore_mem>>) src(%arg9 : memref<64x96xf32, #tpu.memory_space<vmem>>) dst(%dma_wait3A_70 : memref<64x96xf32, #tpu.memory_space<vmem_shared>>)
      tpu.yield
    }) : () -> ()
    %mul3A_18 = arith.constant 640 : i32
    %mul3A_19 = arith.muli %arg1, %mul3A_18 : i32
    %add3A_20 = arith.constant 128 : i32
    %add3A_21 = arith.addi %mul3A_19, %add3A_20 : i32
    "tpu.region"() ({
      %run_scoped3A = tpu.sem_alloc : memref<!tpu.dma_semaphore, #tpu.memory_space<semaphore_mem>>
      %dma_start3A = arith.constant 0 : i32
      %dma_start3A_65 = tpu.memref_slice %arg8[%add3A_21, %dma_start3A] : memref<10240x96xf32, #tpu.memory_space<vmem_shared>> -> memref<64x96xf32, #tpu.memory_space<vmem_shared>>
      %dma_start3A_66 = arith.constant 0 : i32
      %dma_start3A_67 = tpu.memref_slice %arg8[%add3A_21, %dma_start3A_66] : memref<10240x96xf32, #tpu.memory_space<vmem_shared>> -> memref<64x96xf32, #tpu.memory_space<vmem_shared>>
      tpu.enqueue_dma source(%arg9 : memref<64x96xf32, #tpu.memory_space<vmem>>) target(%dma_start3A_67 : memref<64x96xf32, #tpu.memory_space<vmem_shared>>) target_semaphore(%run_scoped3A : memref<!tpu.dma_semaphore, #tpu.memory_space<semaphore_mem>>)
      %dma_wait3A = arith.constant 0 : i32
      %dma_wait3A_68 = tpu.memref_slice %arg8[%add3A_21, %dma_wait3A] : memref<10240x96xf32, #tpu.memory_space<vmem_shared>> -> memref<64x96xf32, #tpu.memory_space<vmem_shared>>
      %dma_wait3A_69 = arith.constant 0 : i32
      %dma_wait3A_70 = tpu.memref_slice %arg8[%add3A_21, %dma_wait3A_69] : memref<10240x96xf32, #tpu.memory_space<vmem_shared>> -> memref<64x96xf32, #tpu.memory_space<vmem_shared>>
      tpu.wait_dma2 semaphore(%run_scoped3A : memref<!tpu.dma_semaphore, #tpu.memory_space<semaphore_mem>>) src(%arg9 : memref<64x96xf32, #tpu.memory_space<vmem>>) dst(%dma_wait3A_70 : memref<64x96xf32, #tpu.memory_space<vmem_shared>>)
      tpu.yield
    }) : () -> ()
    %mul3A_22 = arith.constant 640 : i32
    %mul3A_23 = arith.muli %arg1, %mul3A_22 : i32
    %add3A_24 = arith.constant 192 : i32
    %add3A_25 = arith.addi %mul3A_23, %add3A_24 : i32
    "tpu.region"() ({
      %run_scoped3A = tpu.sem_alloc : memref<!tpu.dma_semaphore, #tpu.memory_space<semaphore_mem>>
      %dma_start3A = arith.constant 0 : i32
      %dma_start3A_65 = tpu.memref_slice %arg8[%add3A_25, %dma_start3A] : memref<10240x96xf32, #tpu.memory_space<vmem_shared>> -> memref<64x96xf32, #tpu.memory_space<vmem_shared>>
      %dma_start3A_66 = arith.constant 0 : i32
      %dma_start3A_67 = tpu.memref_slice %arg8[%add3A_25, %dma_start3A_66] : memref<10240x96xf32, #tpu.memory_space<vmem_shared>> -> memref<64x96xf32, #tpu.memory_space<vmem_shared>>
      tpu.enqueue_dma source(%arg9 : memref<64x96xf32, #tpu.memory_space<vmem>>) target(%dma_start3A_67 : memref<64x96xf32, #tpu.memory_space<vmem_shared>>) target_semaphore(%run_scoped3A : memref<!tpu.dma_semaphore, #tpu.memory_space<semaphore_mem>>)
      %dma_wait3A = arith.constant 0 : i32
      %dma_wait3A_68 = tpu.memref_slice %arg8[%add3A_25, %dma_wait3A] : memref<10240x96xf32, #tpu.memory_space<vmem_shared>> -> memref<64x96xf32, #tpu.memory_space<vmem_shared>>
      %dma_wait3A_69 = arith.constant 0 : i32
      %dma_wait3A_70 = tpu.memref_slice %arg8[%add3A_25, %dma_wait3A_69] : memref<10240x96xf32, #tpu.memory_space<vmem_shared>> -> memref<64x96xf32, #tpu.memory_space<vmem_shared>>
      tpu.wait_dma2 semaphore(%run_scoped3A : memref<!tpu.dma_semaphore, #tpu.memory_space<semaphore_mem>>) src(%arg9 : memref<64x96xf32, #tpu.memory_space<vmem>>) dst(%dma_wait3A_70 : memref<64x96xf32, #tpu.memory_space<vmem_shared>>)
      tpu.yield
    }) : () -> ()
    %mul3A_26 = arith.constant 640 : i32
    %mul3A_27 = arith.muli %arg1, %mul3A_26 : i32
    %add3A_28 = arith.constant 256 : i32
    %add3A_29 = arith.addi %mul3A_27, %add3A_28 : i32
    "tpu.region"() ({
      %run_scoped3A = tpu.sem_alloc : memref<!tpu.dma_semaphore, #tpu.memory_space<semaphore_mem>>
      %dma_start3A = arith.constant 0 : i32
      %dma_start3A_65 = tpu.memref_slice %arg8[%add3A_29, %dma_start3A] : memref<10240x96xf32, #tpu.memory_space<vmem_shared>> -> memref<64x96xf32, #tpu.memory_space<vmem_shared>>
      %dma_start3A_66 = arith.constant 0 : i32
      %dma_start3A_67 = tpu.memref_slice %arg8[%add3A_29, %dma_start3A_66] : memref<10240x96xf32, #tpu.memory_space<vmem_shared>> -> memref<64x96xf32, #tpu.memory_space<vmem_shared>>
      tpu.enqueue_dma source(%arg9 : memref<64x96xf32, #tpu.memory_space<vmem>>) target(%dma_start3A_67 : memref<64x96xf32, #tpu.memory_space<vmem_shared>>) target_semaphore(%run_scoped3A : memref<!tpu.dma_semaphore, #tpu.memory_space<semaphore_mem>>)
      %dma_wait3A = arith.constant 0 : i32
      %dma_wait3A_68 = tpu.memref_slice %arg8[%add3A_29, %dma_wait3A] : memref<10240x96xf32, #tpu.memory_space<vmem_shared>> -> memref<64x96xf32, #tpu.memory_space<vmem_shared>>
      %dma_wait3A_69 = arith.constant 0 : i32
      %dma_wait3A_70 = tpu.memref_slice %arg8[%add3A_29, %dma_wait3A_69] : memref<10240x96xf32, #tpu.memory_space<vmem_shared>> -> memref<64x96xf32, #tpu.memory_space<vmem_shared>>
      tpu.wait_dma2 semaphore(%run_scoped3A : memref<!tpu.dma_semaphore, #tpu.memory_space<semaphore_mem>>) src(%arg9 : memref<64x96xf32, #tpu.memory_space<vmem>>) dst(%dma_wait3A_70 : memref<64x96xf32, #tpu.memory_space<vmem_shared>>)
      tpu.yield
    }) : () -> ()
    %mul3A_30 = arith.constant 640 : i32
    %mul3A_31 = arith.muli %arg1, %mul3A_30 : i32
    %add3A_32 = arith.constant 320 : i32
    %add3A_33 = arith.addi %mul3A_31, %add3A_32 : i32
    "tpu.region"() ({
      %run_scoped3A = tpu.sem_alloc : memref<!tpu.dma_semaphore, #tpu.memory_space<semaphore_mem>>
      %dma_start3A = arith.constant 0 : i32
      %dma_start3A_65 = tpu.memref_slice %arg8[%add3A_33, %dma_start3A] : memref<10240x96xf32, #tpu.memory_space<vmem_shared>> -> memref<64x96xf32, #tpu.memory_space<vmem_shared>>
      %dma_start3A_66 = arith.constant 0 : i32
      %dma_start3A_67 = tpu.memref_slice %arg8[%add3A_33, %dma_start3A_66] : memref<10240x96xf32, #tpu.memory_space<vmem_shared>> -> memref<64x96xf32, #tpu.memory_space<vmem_shared>>
      tpu.enqueue_dma source(%arg9 : memref<64x96xf32, #tpu.memory_space<vmem>>) target(%dma_start3A_67 : memref<64x96xf32, #tpu.memory_space<vmem_shared>>) target_semaphore(%run_scoped3A : memref<!tpu.dma_semaphore, #tpu.memory_space<semaphore_mem>>)
      %dma_wait3A = arith.constant 0 : i32
      %dma_wait3A_68 = tpu.memref_slice %arg8[%add3A_33, %dma_wait3A] : memref<10240x96xf32, #tpu.memory_space<vmem_shared>> -> memref<64x96xf32, #tpu.memory_space<vmem_shared>>
      %dma_wait3A_69 = arith.constant 0 : i32
      %dma_wait3A_70 = tpu.memref_slice %arg8[%add3A_33, %dma_wait3A_69] : memref<10240x96xf32, #tpu.memory_space<vmem_shared>> -> memref<64x96xf32, #tpu.memory_space<vmem_shared>>
      tpu.wait_dma2 semaphore(%run_scoped3A : memref<!tpu.dma_semaphore, #tpu.memory_space<semaphore_mem>>) src(%arg9 : memref<64x96xf32, #tpu.memory_space<vmem>>) dst(%dma_wait3A_70 : memref<64x96xf32, #tpu.memory_space<vmem_shared>>)
      tpu.yield
    }) : () -> ()
    %mul3A_34 = arith.constant 640 : i32
    %mul3A_35 = arith.muli %arg1, %mul3A_34 : i32
    %add3A_36 = arith.constant 384 : i32
    %add3A_37 = arith.addi %mul3A_35, %add3A_36 : i32
    "tpu.region"() ({
      %run_scoped3A = tpu.sem_alloc : memref<!tpu.dma_semaphore, #tpu.memory_space<semaphore_mem>>
      %dma_start3A = arith.constant 0 : i32
      %dma_start3A_65 = tpu.memref_slice %arg8[%add3A_37, %dma_start3A] : memref<10240x96xf32, #tpu.memory_space<vmem_shared>> -> memref<64x96xf32, #tpu.memory_space<vmem_shared>>
      %dma_start3A_66 = arith.constant 0 : i32
      %dma_start3A_67 = tpu.memref_slice %arg8[%add3A_37, %dma_start3A_66] : memref<10240x96xf32, #tpu.memory_space<vmem_shared>> -> memref<64x96xf32, #tpu.memory_space<vmem_shared>>
      tpu.enqueue_dma source(%arg9 : memref<64x96xf32, #tpu.memory_space<vmem>>) target(%dma_start3A_67 : memref<64x96xf32, #tpu.memory_space<vmem_shared>>) target_semaphore(%run_scoped3A : memref<!tpu.dma_semaphore, #tpu.memory_space<semaphore_mem>>)
      %dma_wait3A = arith.constant 0 : i32
      %dma_wait3A_68 = tpu.memref_slice %arg8[%add3A_37, %dma_wait3A] : memref<10240x96xf32, #tpu.memory_space<vmem_shared>> -> memref<64x96xf32, #tpu.memory_space<vmem_shared>>
      %dma_wait3A_69 = arith.constant 0 : i32
      %dma_wait3A_70 = tpu.memref_slice %arg8[%add3A_37, %dma_wait3A_69] : memref<10240x96xf32, #tpu.memory_space<vmem_shared>> -> memref<64x96xf32, #tpu.memory_space<vmem_shared>>
      tpu.wait_dma2 semaphore(%run_scoped3A : memref<!tpu.dma_semaphore, #tpu.memory_space<semaphore_mem>>) src(%arg9 : memref<64x96xf32, #tpu.memory_space<vmem>>) dst(%dma_wait3A_70 : memref<64x96xf32, #tpu.memory_space<vmem_shared>>)
      tpu.yield
    }) : () -> ()
    %mul3A_38 = arith.constant 640 : i32
    %mul3A_39 = arith.muli %arg1, %mul3A_38 : i32
    %add3A_40 = arith.constant 448 : i32
    %add3A_41 = arith.addi %mul3A_39, %add3A_40 : i32
    "tpu.region"() ({
      %run_scoped3A = tpu.sem_alloc : memref<!tpu.dma_semaphore, #tpu.memory_space<semaphore_mem>>
      %dma_start3A = arith.constant 0 : i32
      %dma_start3A_65 = tpu.memref_slice %arg8[%add3A_41, %dma_start3A] : memref<10240x96xf32, #tpu.memory_space<vmem_shared>> -> memref<64x96xf32, #tpu.memory_space<vmem_shared>>
      %dma_start3A_66 = arith.constant 0 : i32
      %dma_start3A_67 = tpu.memref_slice %arg8[%add3A_41, %dma_start3A_66] : memref<10240x96xf32, #tpu.memory_space<vmem_shared>> -> memref<64x96xf32, #tpu.memory_space<vmem_shared>>
      tpu.enqueue_dma source(%arg9 : memref<64x96xf32, #tpu.memory_space<vmem>>) target(%dma_start3A_67 : memref<64x96xf32, #tpu.memory_space<vmem_shared>>) target_semaphore(%run_scoped3A : memref<!tpu.dma_semaphore, #tpu.memory_space<semaphore_mem>>)
      %dma_wait3A = arith.constant 0 : i32
      %dma_wait3A_68 = tpu.memref_slice %arg8[%add3A_41, %dma_wait3A] : memref<10240x96xf32, #tpu.memory_space<vmem_shared>> -> memref<64x96xf32, #tpu.memory_space<vmem_shared>>
      %dma_wait3A_69 = arith.constant 0 : i32
      %dma_wait3A_70 = tpu.memref_slice %arg8[%add3A_41, %dma_wait3A_69] : memref<10240x96xf32, #tpu.memory_space<vmem_shared>> -> memref<64x96xf32, #tpu.memory_space<vmem_shared>>
      tpu.wait_dma2 semaphore(%run_scoped3A : memref<!tpu.dma_semaphore, #tpu.memory_space<semaphore_mem>>) src(%arg9 : memref<64x96xf32, #tpu.memory_space<vmem>>) dst(%dma_wait3A_70 : memref<64x96xf32, #tpu.memory_space<vmem_shared>>)
      tpu.yield
    }) : () -> ()
    %mul3A_42 = arith.constant 640 : i32
    %mul3A_43 = arith.muli %arg1, %mul3A_42 : i32
    %add3A_44 = arith.constant 512 : i32
    %add3A_45 = arith.addi %mul3A_43, %add3A_44 : i32
    "tpu.region"() ({
      %run_scoped3A = tpu.sem_alloc : memref<!tpu.dma_semaphore, #tpu.memory_space<semaphore_mem>>
      %dma_start3A = arith.constant 0 : i32
      %dma_start3A_65 = tpu.memref_slice %arg8[%add3A_45, %dma_start3A] : memref<10240x96xf32, #tpu.memory_space<vmem_shared>> -> memref<64x96xf32, #tpu.memory_space<vmem_shared>>
      %dma_start3A_66 = arith.constant 0 : i32
      %dma_start3A_67 = tpu.memref_slice %arg8[%add3A_45, %dma_start3A_66] : memref<10240x96xf32, #tpu.memory_space<vmem_shared>> -> memref<64x96xf32, #tpu.memory_space<vmem_shared>>
      tpu.enqueue_dma source(%arg9 : memref<64x96xf32, #tpu.memory_space<vmem>>) target(%dma_start3A_67 : memref<64x96xf32, #tpu.memory_space<vmem_shared>>) target_semaphore(%run_scoped3A : memref<!tpu.dma_semaphore, #tpu.memory_space<semaphore_mem>>)
      %dma_wait3A = arith.constant 0 : i32
      %dma_wait3A_68 = tpu.memref_slice %arg8[%add3A_45, %dma_wait3A] : memref<10240x96xf32, #tpu.memory_space<vmem_shared>> -> memref<64x96xf32, #tpu.memory_space<vmem_shared>>
      %dma_wait3A_69 = arith.constant 0 : i32
      %dma_wait3A_70 = tpu.memref_slice %arg8[%add3A_45, %dma_wait3A_69] : memref<10240x96xf32, #tpu.memory_space<vmem_shared>> -> memref<64x96xf32, #tpu.memory_space<vmem_shared>>
      tpu.wait_dma2 semaphore(%run_scoped3A : memref<!tpu.dma_semaphore, #tpu.memory_space<semaphore_mem>>) src(%arg9 : memref<64x96xf32, #tpu.memory_space<vmem>>) dst(%dma_wait3A_70 : memref<64x96xf32, #tpu.memory_space<vmem_shared>>)
      tpu.yield
    }) : () -> ()
    %mul3A_46 = arith.constant 640 : i32
    %mul3A_47 = arith.muli %arg1, %mul3A_46 : i32
    %add3A_48 = arith.constant 576 : i32
    %add3A_49 = arith.addi %mul3A_47, %add3A_48 : i32
    "tpu.region"() ({
      %run_scoped3A = tpu.sem_alloc : memref<!tpu.dma_semaphore, #tpu.memory_space<semaphore_mem>>
      %dma_start3A = arith.constant 0 : i32
      %dma_start3A_65 = tpu.memref_slice %arg8[%add3A_49, %dma_start3A] : memref<10240x96xf32, #tpu.memory_space<vmem_shared>> -> memref<64x96xf32, #tpu.memory_space<vmem_shared>>
      %dma_start3A_66 = arith.constant 0 : i32
      %dma_start3A_67 = tpu.memref_slice %arg8[%add3A_49, %dma_start3A_66] : memref<10240x96xf32, #tpu.memory_space<vmem_shared>> -> memref<64x96xf32, #tpu.memory_space<vmem_shared>>
      tpu.enqueue_dma source(%arg9 : memref<64x96xf32, #tpu.memory_space<vmem>>) target(%dma_start3A_67 : memref<64x96xf32, #tpu.memory_space<vmem_shared>>) target_semaphore(%run_scoped3A : memref<!tpu.dma_semaphore, #tpu.memory_space<semaphore_mem>>)
      %dma_wait3A = arith.constant 0 : i32
      %dma_wait3A_68 = tpu.memref_slice %arg8[%add3A_49, %dma_wait3A] : memref<10240x96xf32, #tpu.memory_space<vmem_shared>> -> memref<64x96xf32, #tpu.memory_space<vmem_shared>>
      %dma_wait3A_69 = arith.constant 0 : i32
      %dma_wait3A_70 = tpu.memref_slice %arg8[%add3A_49, %dma_wait3A_69] : memref<10240x96xf32, #tpu.memory_space<vmem_shared>> -> memref<64x96xf32, #tpu.memory_space<vmem_shared>>
      tpu.wait_dma2 semaphore(%run_scoped3A : memref<!tpu.dma_semaphore, #tpu.memory_space<semaphore_mem>>) src(%arg9 : memref<64x96xf32, #tpu.memory_space<vmem>>) dst(%dma_wait3A_70 : memref<64x96xf32, #tpu.memory_space<vmem_shared>>)
      tpu.yield
    }) : () -> ()
    "tpu.region"() ({
      %run_scoped3A = tpu.sem_alloc : memref<!tpu.dma_semaphore, #tpu.memory_space<semaphore_mem>>
      tpu.enqueue_dma source(%arg6 : memref<2x64xf32, #tpu.memory_space<hbm>>) target(%arg10 : memref<2x64xf32, #tpu.memory_space<vmem>>) target_semaphore(%run_scoped3A : memref<!tpu.dma_semaphore, #tpu.memory_space<semaphore_mem>>)
      tpu.wait_dma2 semaphore(%run_scoped3A : memref<!tpu.dma_semaphore, #tpu.memory_space<semaphore_mem>>) src(%arg6 : memref<2x64xf32, #tpu.memory_space<hbm>>) dst(%arg10 : memref<2x64xf32, #tpu.memory_space<vmem>>)
      tpu.yield
    }) : () -> ()
    %barrier3A = arith.constant 0 : index
    tpu.barrier barrier_id(%barrier3A)
    %scan3A_50 = arith.constant 0 : i32
    %scan3A_51 = arith.constant 0 : i32
    %scan3A_52 = arith.constant 105 : i32
    %scan3A_53 = arith.addi %scan3A_51, %scan3A_52 : i32
    %scan3A_54 = arith.constant 1 : i32
    %scan3A_55 = scf.for %scan3A_65 = %scan3A_51 to %scan3A_53 step %scan3A_54 iter_args(%scan3A_66 = %scan3A_50) -> (i32)  : i32 {
      %mul3A_67 = arith.constant 192 : i32
      %mul3A_68 = arith.muli %scan3A_65, %mul3A_67 : i32
      %add3A_69 = arith.addi %mul3A_4, %mul3A_68 : i32
      %add3A_70 = arith.constant 0 : i32
      %add3A_71 = arith.addi %add3A_69, %add3A_70 : i32
      "tpu.region"() ({
        %run_scoped3A = tpu.sem_alloc : memref<!tpu.dma_semaphore, #tpu.memory_space<semaphore_mem>>
        %dma_start3A_346 = tpu.memref_slice %arg4[%add3A_71] : memref<322560xi32, #tpu.memory_space<hbm>> -> memref<64xi32, #tpu.memory_space<hbm>>
        %dma_start3A_347 = tpu.memref_slice %arg4[%add3A_71] : memref<322560xi32, #tpu.memory_space<hbm>> -> memref<64xi32, #tpu.memory_space<hbm>>
        tpu.enqueue_dma source(%dma_start3A_347 : memref<64xi32, #tpu.memory_space<hbm>>) target(%arg11 : memref<64xi32, #tpu.memory_space<vmem>>) target_semaphore(%run_scoped3A : memref<!tpu.dma_semaphore, #tpu.memory_space<semaphore_mem>>)
        %dma_wait3A_348 = tpu.memref_slice %arg4[%add3A_71] : memref<322560xi32, #tpu.memory_space<hbm>> -> memref<64xi32, #tpu.memory_space<hbm>>
        %dma_wait3A_349 = tpu.memref_slice %arg4[%add3A_71] : memref<322560xi32, #tpu.memory_space<hbm>> -> memref<64xi32, #tpu.memory_space<hbm>>
        tpu.wait_dma2 semaphore(%run_scoped3A : memref<!tpu.dma_semaphore, #tpu.memory_space<semaphore_mem>>) src(%dma_wait3A_349 : memref<64xi32, #tpu.memory_space<hbm>>) dst(%arg11 : memref<64xi32, #tpu.memory_space<vmem>>)
        tpu.yield
      }) : () -> ()
      "tpu.region"() ({
        %run_scoped3A = tpu.sem_alloc : memref<!tpu.dma_semaphore, #tpu.memory_space<semaphore_mem>>
        %dma_start3A_346 = tpu.memref_slice %arg5[%add3A_71] : memref<322560xi32, #tpu.memory_space<hbm>> -> memref<64xi32, #tpu.memory_space<hbm>>
        %dma_start3A_347 = tpu.memref_slice %arg5[%add3A_71] : memref<322560xi32, #tpu.memory_space<hbm>> -> memref<64xi32, #tpu.memory_space<hbm>>
        tpu.enqueue_dma source(%dma_start3A_347 : memref<64xi32, #tpu.memory_space<hbm>>) target(%arg12 : memref<64xi32, #tpu.memory_space<vmem>>) target_semaphore(%run_scoped3A : memref<!tpu.dma_semaphore, #tpu.memory_space<semaphore_mem>>)
        %dma_wait3A_348 = tpu.memref_slice %arg5[%add3A_71] : memref<322560xi32, #tpu.memory_space<hbm>> -> memref<64xi32, #tpu.memory_space<hbm>>
        %dma_wait3A_349 = tpu.memref_slice %arg5[%add3A_71] : memref<322560xi32, #tpu.memory_space<hbm>> -> memref<64xi32, #tpu.memory_space<hbm>>
        tpu.wait_dma2 semaphore(%run_scoped3A : memref<!tpu.dma_semaphore, #tpu.memory_space<semaphore_mem>>) src(%dma_wait3A_349 : memref<64xi32, #tpu.memory_space<hbm>>) dst(%arg12 : memref<64xi32, #tpu.memory_space<vmem>>)
        tpu.yield
      }) : () -> ()
      %get3A = arith.constant 0 : index
      %get3A_72 = tpu.vector_load %arg11[%get3A] {strides = array<i32>} : memref<64xi32, #tpu.memory_space<vmem>>, vector<16xi32>,
      %mul3A_73 = arith.constant 2 : i32
      %mul3A_74 = vector.broadcast %mul3A_73 : i32 to vector<16xi32>
      %mul3A_75 = arith.muli %get3A_72, %mul3A_74 : vector<16xi32>
      %add3A_76 = vector.broadcast %arg0 : i32 to vector<16xi32>
      %add3A_77 = arith.addi %mul3A_75, %add3A_76 : vector<16xi32>
      %swap3A = arith.constant 0 : index
      %swap3A_78 = tpu.vector_load %arg13[%swap3A] {strides = array<i32>} : memref<64xi32, #tpu.memory_space<vmem>>, vector<16xi32>,
      tpu.vector_store %arg13[%swap3A], %add3A_77 {strides = array<i32>} : memref<64xi32, #tpu.memory_space<vmem>>, vector<16xi32>,
      %get3A_79 = arith.constant 0 : index
      %get3A_80 = tpu.vector_load %arg12[%get3A_79] {strides = array<i32>} : memref<64xi32, #tpu.memory_space<vmem>>, vector<16xi32>,
      %mul3A_81 = arith.constant 2 : i32
      %mul3A_82 = vector.broadcast %mul3A_81 : i32 to vector<16xi32>
      %mul3A_83 = arith.muli %get3A_80, %mul3A_82 : vector<16xi32>
      %add3A_84 = vector.broadcast %arg0 : i32 to vector<16xi32>
      %add3A_85 = arith.addi %mul3A_83, %add3A_84 : vector<16xi32>
      %swap3A_86 = arith.constant 0 : index
      %swap3A_87 = tpu.vector_load %arg14[%swap3A_86] {strides = array<i32>} : memref<64xi32, #tpu.memory_space<vmem>>, vector<16xi32>,
      tpu.vector_store %arg14[%swap3A_86], %add3A_85 {strides = array<i32>} : memref<64xi32, #tpu.memory_space<vmem>>, vector<16xi32>,
      %get3A_88 = arith.constant 16 : index
      %get3A_89 = tpu.vector_load %arg11[%get3A_88] {strides = array<i32>} : memref<64xi32, #tpu.memory_space<vmem>>, vector<16xi32>,
      %mul3A_90 = arith.constant 2 : i32
      %mul3A_91 = vector.broadcast %mul3A_90 : i32 to vector<16xi32>
      %mul3A_92 = arith.muli %get3A_89, %mul3A_91 : vector<16xi32>
      %add3A_93 = vector.broadcast %arg0 : i32 to vector<16xi32>
      %add3A_94 = arith.addi %mul3A_92, %add3A_93 : vector<16xi32>
      %swap3A_95 = arith.constant 16 : index
      %swap3A_96 = tpu.vector_load %arg13[%swap3A_95] {strides = array<i32>} : memref<64xi32, #tpu.memory_space<vmem>>, vector<16xi32>,
      tpu.vector_store %arg13[%swap3A_95], %add3A_94 {strides = array<i32>} : memref<64xi32, #tpu.memory_space<vmem>>, vector<16xi32>,
      %get3A_97 = arith.constant 16 : index
      %get3A_98 = tpu.vector_load %arg12[%get3A_97] {strides = array<i32>} : memref<64xi32, #tpu.memory_space<vmem>>, vector<16xi32>,
      %mul3A_99 = arith.constant 2 : i32
      %mul3A_100 = vector.broadcast %mul3A_99 : i32 to vector<16xi32>
      %mul3A_101 = arith.muli %get3A_98, %mul3A_100 : vector<16xi32>
      %add3A_102 = vector.broadcast %arg0 : i32 to vector<16xi32>
      %add3A_103 = arith.addi %mul3A_101, %add3A_102 : vector<16xi32>
      %swap3A_104 = arith.constant 16 : index
      %swap3A_105 = tpu.vector_load %arg14[%swap3A_104] {strides = array<i32>} : memref<64xi32, #tpu.memory_space<vmem>>, vector<16xi32>,
      tpu.vector_store %arg14[%swap3A_104], %add3A_103 {strides = array<i32>} : memref<64xi32, #tpu.memory_space<vmem>>, vector<16xi32>,
      %get3A_106 = arith.constant 32 : index
      %get3A_107 = tpu.vector_load %arg11[%get3A_106] {strides = array<i32>} : memref<64xi32, #tpu.memory_space<vmem>>, vector<16xi32>,
      %mul3A_108 = arith.constant 2 : i32
      %mul3A_109 = vector.broadcast %mul3A_108 : i32 to vector<16xi32>
      %mul3A_110 = arith.muli %get3A_107, %mul3A_109 : vector<16xi32>
      %add3A_111 = vector.broadcast %arg0 : i32 to vector<16xi32>
      %add3A_112 = arith.addi %mul3A_110, %add3A_111 : vector<16xi32>
      %swap3A_113 = arith.constant 32 : index
      %swap3A_114 = tpu.vector_load %arg13[%swap3A_113] {strides = array<i32>} : memref<64xi32, #tpu.memory_space<vmem>>, vector<16xi32>,
      tpu.vector_store %arg13[%swap3A_113], %add3A_112 {strides = array<i32>} : memref<64xi32, #tpu.memory_space<vmem>>, vector<16xi32>,
      %get3A_115 = arith.constant 32 : index
      %get3A_116 = tpu.vector_load %arg12[%get3A_115] {strides = array<i32>} : memref<64xi32, #tpu.memory_space<vmem>>, vector<16xi32>,
      %mul3A_117 = arith.constant 2 : i32
      %mul3A_118 = vector.broadcast %mul3A_117 : i32 to vector<16xi32>
      %mul3A_119 = arith.muli %get3A_116, %mul3A_118 : vector<16xi32>
      %add3A_120 = vector.broadcast %arg0 : i32 to vector<16xi32>
      %add3A_121 = arith.addi %mul3A_119, %add3A_120 : vector<16xi32>
      %swap3A_122 = arith.constant 32 : index
      %swap3A_123 = tpu.vector_load %arg14[%swap3A_122] {strides = array<i32>} : memref<64xi32, #tpu.memory_space<vmem>>, vector<16xi32>,
      tpu.vector_store %arg14[%swap3A_122], %add3A_121 {strides = array<i32>} : memref<64xi32, #tpu.memory_space<vmem>>, vector<16xi32>,
      %get3A_124 = arith.constant 48 : index
      %get3A_125 = tpu.vector_load %arg11[%get3A_124] {strides = array<i32>} : memref<64xi32, #tpu.memory_space<vmem>>, vector<16xi32>,
      %mul3A_126 = arith.constant 2 : i32
      %mul3A_127 = vector.broadcast %mul3A_126 : i32 to vector<16xi32>
      %mul3A_128 = arith.muli %get3A_125, %mul3A_127 : vector<16xi32>
      %add3A_129 = vector.broadcast %arg0 : i32 to vector<16xi32>
      %add3A_130 = arith.addi %mul3A_128, %add3A_129 : vector<16xi32>
      %swap3A_131 = arith.constant 48 : index
      %swap3A_132 = tpu.vector_load %arg13[%swap3A_131] {strides = array<i32>} : memref<64xi32, #tpu.memory_space<vmem>>, vector<16xi32>,
      tpu.vector_store %arg13[%swap3A_131], %add3A_130 {strides = array<i32>} : memref<64xi32, #tpu.memory_space<vmem>>, vector<16xi32>,
      %get3A_133 = arith.constant 48 : index
      %get3A_134 = tpu.vector_load %arg12[%get3A_133] {strides = array<i32>} : memref<64xi32, #tpu.memory_space<vmem>>, vector<16xi32>,
      %mul3A_135 = arith.constant 2 : i32
      %mul3A_136 = vector.broadcast %mul3A_135 : i32 to vector<16xi32>
      %mul3A_137 = arith.muli %get3A_134, %mul3A_136 : vector<16xi32>
      %add3A_138 = vector.broadcast %arg0 : i32 to vector<16xi32>
      %add3A_139 = arith.addi %mul3A_137, %add3A_138 : vector<16xi32>
      %swap3A_140 = arith.constant 48 : index
      %swap3A_141 = tpu.vector_load %arg14[%swap3A_140] {strides = array<i32>} : memref<64xi32, #tpu.memory_space<vmem>>, vector<16xi32>,
      tpu.vector_store %arg14[%swap3A_140], %add3A_139 {strides = array<i32>} : memref<64xi32, #tpu.memory_space<vmem>>, vector<16xi32>,
      %dma_start3A = arith.constant 0 : i32
      %dma_start3A_142 = arith.constant 0 : i32
      %dma_start3A_143 = tpu.memref_slice %arg2[%dma_start3A, %dma_start3A_142] : memref<20480x64xf32, #tpu.memory_space<hbm>> -> memref<20480x64xf32, #tpu.memory_space<hbm>>
      tpu.enqueue_indirect_dma source(%dma_start3A_143 : memref<20480x64xf32, #tpu.memory_space<hbm>>) target(%arg15 : memref<64x64xf32, #tpu.memory_space<vmem>>) offsets(%arg13 : memref<64xi32, #tpu.memory_space<vmem>>) semaphore(%arg17 : memref<!tpu.dma_semaphore, #tpu.memory_space<semaphore_mem>>)
      %dma_start3A_144 = arith.constant 0 : i32
      %dma_start3A_145 = arith.constant 0 : i32
      %dma_start3A_146 = tpu.memref_slice %arg3[%dma_start3A_144, %dma_start3A_145] : memref<20480x64xf32, #tpu.memory_space<hbm>> -> memref<20480x64xf32, #tpu.memory_space<hbm>>
      tpu.enqueue_indirect_dma source(%dma_start3A_146 : memref<20480x64xf32, #tpu.memory_space<hbm>>) target(%arg16 : memref<64x64xf32, #tpu.memory_space<vmem>>) offsets(%arg14 : memref<64xi32, #tpu.memory_space<vmem>>) semaphore(%arg17 : memref<!tpu.dma_semaphore, #tpu.memory_space<semaphore_mem>>)
      %add3A_147 = arith.constant 64 : i32
      %add3A_148 = arith.addi %add3A_69, %add3A_147 : i32
      "tpu.region"() ({
        %run_scoped3A = tpu.sem_alloc : memref<!tpu.dma_semaphore, #tpu.memory_space<semaphore_mem>>
        %dma_start3A_346 = tpu.memref_slice %arg4[%add3A_148] : memref<322560xi32, #tpu.memory_space<hbm>> -> memref<64xi32, #tpu.memory_space<hbm>>
        %dma_start3A_347 = tpu.memref_slice %arg4[%add3A_148] : memref<322560xi32, #tpu.memory_space<hbm>> -> memref<64xi32, #tpu.memory_space<hbm>>
        tpu.enqueue_dma source(%dma_start3A_347 : memref<64xi32, #tpu.memory_space<hbm>>) target(%arg18 : memref<64xi32, #tpu.memory_space<vmem>>) target_semaphore(%run_scoped3A : memref<!tpu.dma_semaphore, #tpu.memory_space<semaphore_mem>>)
        %dma_wait3A_348 = tpu.memref_slice %arg4[%add3A_148] : memref<322560xi32, #tpu.memory_space<hbm>> -> memref<64xi32, #tpu.memory_space<hbm>>
        %dma_wait3A_349 = tpu.memref_slice %arg4[%add3A_148] : memref<322560xi32, #tpu.memory_space<hbm>> -> memref<64xi32, #tpu.memory_space<hbm>>
        tpu.wait_dma2 semaphore(%run_scoped3A : memref<!tpu.dma_semaphore, #tpu.memory_space<semaphore_mem>>) src(%dma_wait3A_349 : memref<64xi32, #tpu.memory_space<hbm>>) dst(%arg18 : memref<64xi32, #tpu.memory_space<vmem>>)
        tpu.yield
      }) : () -> ()
      "tpu.region"() ({
        %run_scoped3A = tpu.sem_alloc : memref<!tpu.dma_semaphore, #tpu.memory_space<semaphore_mem>>
        %dma_start3A_346 = tpu.memref_slice %arg5[%add3A_148] : memref<322560xi32, #tpu.memory_space<hbm>> -> memref<64xi32, #tpu.memory_space<hbm>>
        %dma_start3A_347 = tpu.memref_slice %arg5[%add3A_148] : memref<322560xi32, #tpu.memory_space<hbm>> -> memref<64xi32, #tpu.memory_space<hbm>>
        tpu.enqueue_dma source(%dma_start3A_347 : memref<64xi32, #tpu.memory_space<hbm>>) target(%arg19 : memref<64xi32, #tpu.memory_space<vmem>>) target_semaphore(%run_scoped3A : memref<!tpu.dma_semaphore, #tpu.memory_space<semaphore_mem>>)
        %dma_wait3A_348 = tpu.memref_slice %arg5[%add3A_148] : memref<322560xi32, #tpu.memory_space<hbm>> -> memref<64xi32, #tpu.memory_space<hbm>>
        %dma_wait3A_349 = tpu.memref_slice %arg5[%add3A_148] : memref<322560xi32, #tpu.memory_space<hbm>> -> memref<64xi32, #tpu.memory_space<hbm>>
        tpu.wait_dma2 semaphore(%run_scoped3A : memref<!tpu.dma_semaphore, #tpu.memory_space<semaphore_mem>>) src(%dma_wait3A_349 : memref<64xi32, #tpu.memory_space<hbm>>) dst(%arg19 : memref<64xi32, #tpu.memory_space<vmem>>)
        tpu.yield
      }) : () -> ()
      %get3A_149 = arith.constant 0 : index
      %get3A_150 = tpu.vector_load %arg18[%get3A_149] {strides = array<i32>} : memref<64xi32, #tpu.memory_space<vmem>>, vector<16xi32>,
      %mul3A_151 = arith.constant 2 : i32
      %mul3A_152 = vector.broadcast %mul3A_151 : i32 to vector<16xi32>
      %mul3A_153 = arith.muli %get3A_150, %mul3A_152 : vector<16xi32>
      %add3A_154 = vector.broadcast %arg0 : i32 to vector<16xi32>
      %add3A_155 = arith.addi %mul3A_153, %add3A_154 : vector<16xi32>
      %swap3A_156 = arith.constant 0 : index
      %swap3A_157 = tpu.vector_load %arg20[%swap3A_156] {strides = array<i32>} : memref<64xi32, #tpu.memory_space<vmem>>, vector<16xi32>,
      tpu.vector_store %arg20[%swap3A_156], %add3A_155 {strides = array<i32>} : memref<64xi32, #tpu.memory_space<vmem>>, vector<16xi32>,
      %get3A_158 = arith.constant 0 : index
      %get3A_159 = tpu.vector_load %arg19[%get3A_158] {strides = array<i32>} : memref<64xi32, #tpu.memory_space<vmem>>, vector<16xi32>,
      %mul3A_160 = arith.constant 2 : i32
      %mul3A_161 = vector.broadcast %mul3A_160 : i32 to vector<16xi32>
      %mul3A_162 = arith.muli %get3A_159, %mul3A_161 : vector<16xi32>
      %add3A_163 = vector.broadcast %arg0 : i32 to vector<16xi32>
      %add3A_164 = arith.addi %mul3A_162, %add3A_163 : vector<16xi32>
      %swap3A_165 = arith.constant 0 : index
      %swap3A_166 = tpu.vector_load %arg21[%swap3A_165] {strides = array<i32>} : memref<64xi32, #tpu.memory_space<vmem>>, vector<16xi32>,
      tpu.vector_store %arg21[%swap3A_165], %add3A_164 {strides = array<i32>} : memref<64xi32, #tpu.memory_space<vmem>>, vector<16xi32>,
      %get3A_167 = arith.constant 16 : index
      %get3A_168 = tpu.vector_load %arg18[%get3A_167] {strides = array<i32>} : memref<64xi32, #tpu.memory_space<vmem>>, vector<16xi32>,
      %mul3A_169 = arith.constant 2 : i32
      %mul3A_170 = vector.broadcast %mul3A_169 : i32 to vector<16xi32>
      %mul3A_171 = arith.muli %get3A_168, %mul3A_170 : vector<16xi32>
      %add3A_172 = vector.broadcast %arg0 : i32 to vector<16xi32>
      %add3A_173 = arith.addi %mul3A_171, %add3A_172 : vector<16xi32>
      %swap3A_174 = arith.constant 16 : index
      %swap3A_175 = tpu.vector_load %arg20[%swap3A_174] {strides = array<i32>} : memref<64xi32, #tpu.memory_space<vmem>>, vector<16xi32>,
      tpu.vector_store %arg20[%swap3A_174], %add3A_173 {strides = array<i32>} : memref<64xi32, #tpu.memory_space<vmem>>, vector<16xi32>,
      %get3A_176 = arith.constant 16 : index
      %get3A_177 = tpu.vector_load %arg19[%get3A_176] {strides = array<i32>} : memref<64xi32, #tpu.memory_space<vmem>>, vector<16xi32>,
      %mul3A_178 = arith.constant 2 : i32
      %mul3A_179 = vector.broadcast %mul3A_178 : i32 to vector<16xi32>
      %mul3A_180 = arith.muli %get3A_177, %mul3A_179 : vector<16xi32>
      %add3A_181 = vector.broadcast %arg0 : i32 to vector<16xi32>
      %add3A_182 = arith.addi %mul3A_180, %add3A_181 : vector<16xi32>
      %swap3A_183 = arith.constant 16 : index
      %swap3A_184 = tpu.vector_load %arg21[%swap3A_183] {strides = array<i32>} : memref<64xi32, #tpu.memory_space<vmem>>, vector<16xi32>,
      tpu.vector_store %arg21[%swap3A_183], %add3A_182 {strides = array<i32>} : memref<64xi32, #tpu.memory_space<vmem>>, vector<16xi32>,
      %get3A_185 = arith.constant 32 : index
      %get3A_186 = tpu.vector_load %arg18[%get3A_185] {strides = array<i32>} : memref<64xi32, #tpu.memory_space<vmem>>, vector<16xi32>,
      %mul3A_187 = arith.constant 2 : i32
      %mul3A_188 = vector.broadcast %mul3A_187 : i32 to vector<16xi32>
      %mul3A_189 = arith.muli %get3A_186, %mul3A_188 : vector<16xi32>
      %add3A_190 = vector.broadcast %arg0 : i32 to vector<16xi32>
      %add3A_191 = arith.addi %mul3A_189, %add3A_190 : vector<16xi32>
      %swap3A_192 = arith.constant 32 : index
      %swap3A_193 = tpu.vector_load %arg20[%swap3A_192] {strides = array<i32>} : memref<64xi32, #tpu.memory_space<vmem>>, vector<16xi32>,
      tpu.vector_store %arg20[%swap3A_192], %add3A_191 {strides = array<i32>} : memref<64xi32, #tpu.memory_space<vmem>>, vector<16xi32>,
      %get3A_194 = arith.constant 32 : index
      %get3A_195 = tpu.vector_load %arg19[%get3A_194] {strides = array<i32>} : memref<64xi32, #tpu.memory_space<vmem>>, vector<16xi32>,
      %mul3A_196 = arith.constant 2 : i32
      %mul3A_197 = vector.broadcast %mul3A_196 : i32 to vector<16xi32>
      %mul3A_198 = arith.muli %get3A_195, %mul3A_197 : vector<16xi32>
      %add3A_199 = vector.broadcast %arg0 : i32 to vector<16xi32>
      %add3A_200 = arith.addi %mul3A_198, %add3A_199 : vector<16xi32>
      %swap3A_201 = arith.constant 32 : index
      %swap3A_202 = tpu.vector_load %arg21[%swap3A_201] {strides = array<i32>} : memref<64xi32, #tpu.memory_space<vmem>>, vector<16xi32>,
      tpu.vector_store %arg21[%swap3A_201], %add3A_200 {strides = array<i32>} : memref<64xi32, #tpu.memory_space<vmem>>, vector<16xi32>,
      %get3A_203 = arith.constant 48 : index
      %get3A_204 = tpu.vector_load %arg18[%get3A_203] {strides = array<i32>} : memref<64xi32, #tpu.memory_space<vmem>>, vector<16xi32>,
      %mul3A_205 = arith.constant 2 : i32
      %mul3A_206 = vector.broadcast %mul3A_205 : i32 to vector<16xi32>
      %mul3A_207 = arith.muli %get3A_204, %mul3A_206 : vector<16xi32>
      %add3A_208 = vector.broadcast %arg0 : i32 to vector<16xi32>
      %add3A_209 = arith.addi %mul3A_207, %add3A_208 : vector<16xi32>
      %swap3A_210 = arith.constant 48 : index
      %swap3A_211 = tpu.vector_load %arg20[%swap3A_210] {strides = array<i32>} : memref<64xi32, #tpu.memory_space<vmem>>, vector<16xi32>,
      tpu.vector_store %arg20[%swap3A_210], %add3A_209 {strides = array<i32>} : memref<64xi32, #tpu.memory_space<vmem>>, vector<16xi32>,
      %get3A_212 = arith.constant 48 : index
      %get3A_213 = tpu.vector_load %arg19[%get3A_212] {strides = array<i32>} : memref<64xi32, #tpu.memory_space<vmem>>, vector<16xi32>,
      %mul3A_214 = arith.constant 2 : i32
      %mul3A_215 = vector.broadcast %mul3A_214 : i32 to vector<16xi32>
      %mul3A_216 = arith.muli %get3A_213, %mul3A_215 : vector<16xi32>
      %add3A_217 = vector.broadcast %arg0 : i32 to vector<16xi32>
      %add3A_218 = arith.addi %mul3A_216, %add3A_217 : vector<16xi32>
      %swap3A_219 = arith.constant 48 : index
      %swap3A_220 = tpu.vector_load %arg21[%swap3A_219] {strides = array<i32>} : memref<64xi32, #tpu.memory_space<vmem>>, vector<16xi32>,
      tpu.vector_store %arg21[%swap3A_219], %add3A_218 {strides = array<i32>} : memref<64xi32, #tpu.memory_space<vmem>>, vector<16xi32>,
      %dma_start3A_221 = arith.constant 0 : i32
      %dma_start3A_222 = arith.constant 0 : i32
      %dma_start3A_223 = tpu.memref_slice %arg2[%dma_start3A_221, %dma_start3A_222] : memref<20480x64xf32, #tpu.memory_space<hbm>> -> memref<20480x64xf32, #tpu.memory_space<hbm>>
      tpu.enqueue_indirect_dma source(%dma_start3A_223 : memref<20480x64xf32, #tpu.memory_space<hbm>>) target(%arg22 : memref<64x64xf32, #tpu.memory_space<vmem>>) offsets(%arg20 : memref<64xi32, #tpu.memory_space<vmem>>) semaphore(%arg24 : memref<!tpu.dma_semaphore, #tpu.memory_space<semaphore_mem>>)
      %dma_start3A_224 = arith.constant 0 : i32
      %dma_start3A_225 = arith.constant 0 : i32
      %dma_start3A_226 = tpu.memref_slice %arg3[%dma_start3A_224, %dma_start3A_225] : memref<20480x64xf32, #tpu.memory_space<hbm>> -> memref<20480x64xf32, #tpu.memory_space<hbm>>
      tpu.enqueue_indirect_dma source(%dma_start3A_226 : memref<20480x64xf32, #tpu.memory_space<hbm>>) target(%arg23 : memref<64x64xf32, #tpu.memory_space<vmem>>) offsets(%arg21 : memref<64xi32, #tpu.memory_space<vmem>>) semaphore(%arg24 : memref<!tpu.dma_semaphore, #tpu.memory_space<semaphore_mem>>)
      %add3A_227 = arith.constant 128 : i32
      %add3A_228 = arith.addi %add3A_69, %add3A_227 : i32
      "tpu.region"() ({
        %run_scoped3A = tpu.sem_alloc : memref<!tpu.dma_semaphore, #tpu.memory_space<semaphore_mem>>
        %dma_start3A_346 = tpu.memref_slice %arg4[%add3A_228] : memref<322560xi32, #tpu.memory_space<hbm>> -> memref<64xi32, #tpu.memory_space<hbm>>
        %dma_start3A_347 = tpu.memref_slice %arg4[%add3A_228] : memref<322560xi32, #tpu.memory_space<hbm>> -> memref<64xi32, #tpu.memory_space<hbm>>
        tpu.enqueue_dma source(%dma_start3A_347 : memref<64xi32, #tpu.memory_space<hbm>>) target(%arg25 : memref<64xi32, #tpu.memory_space<vmem>>) target_semaphore(%run_scoped3A : memref<!tpu.dma_semaphore, #tpu.memory_space<semaphore_mem>>)
        %dma_wait3A_348 = tpu.memref_slice %arg4[%add3A_228] : memref<322560xi32, #tpu.memory_space<hbm>> -> memref<64xi32, #tpu.memory_space<hbm>>
        %dma_wait3A_349 = tpu.memref_slice %arg4[%add3A_228] : memref<322560xi32, #tpu.memory_space<hbm>> -> memref<64xi32, #tpu.memory_space<hbm>>
        tpu.wait_dma2 semaphore(%run_scoped3A : memref<!tpu.dma_semaphore, #tpu.memory_space<semaphore_mem>>) src(%dma_wait3A_349 : memref<64xi32, #tpu.memory_space<hbm>>) dst(%arg25 : memref<64xi32, #tpu.memory_space<vmem>>)
        tpu.yield
      }) : () -> ()
      "tpu.region"() ({
        %run_scoped3A = tpu.sem_alloc : memref<!tpu.dma_semaphore, #tpu.memory_space<semaphore_mem>>
        %dma_start3A_346 = tpu.memref_slice %arg5[%add3A_228] : memref<322560xi32, #tpu.memory_space<hbm>> -> memref<64xi32, #tpu.memory_space<hbm>>
        %dma_start3A_347 = tpu.memref_slice %arg5[%add3A_228] : memref<322560xi32, #tpu.memory_space<hbm>> -> memref<64xi32, #tpu.memory_space<hbm>>
        tpu.enqueue_dma source(%dma_start3A_347 : memref<64xi32, #tpu.memory_space<hbm>>) target(%arg26 : memref<64xi32, #tpu.memory_space<vmem>>) target_semaphore(%run_scoped3A : memref<!tpu.dma_semaphore, #tpu.memory_space<semaphore_mem>>)
        %dma_wait3A_348 = tpu.memref_slice %arg5[%add3A_228] : memref<322560xi32, #tpu.memory_space<hbm>> -> memref<64xi32, #tpu.memory_space<hbm>>
        %dma_wait3A_349 = tpu.memref_slice %arg5[%add3A_228] : memref<322560xi32, #tpu.memory_space<hbm>> -> memref<64xi32, #tpu.memory_space<hbm>>
        tpu.wait_dma2 semaphore(%run_scoped3A : memref<!tpu.dma_semaphore, #tpu.memory_space<semaphore_mem>>) src(%dma_wait3A_349 : memref<64xi32, #tpu.memory_space<hbm>>) dst(%arg26 : memref<64xi32, #tpu.memory_space<vmem>>)
        tpu.yield
      }) : () -> ()
      %get3A_229 = arith.constant 0 : index
      %get3A_230 = tpu.vector_load %arg25[%get3A_229] {strides = array<i32>} : memref<64xi32, #tpu.memory_space<vmem>>, vector<16xi32>,
      %mul3A_231 = arith.constant 2 : i32
      %mul3A_232 = vector.broadcast %mul3A_231 : i32 to vector<16xi32>
      %mul3A_233 = arith.muli %get3A_230, %mul3A_232 : vector<16xi32>
      %add3A_234 = vector.broadcast %arg0 : i32 to vector<16xi32>
      %add3A_235 = arith.addi %mul3A_233, %add3A_234 : vector<16xi32>
      %swap3A_236 = arith.constant 0 : index
      %swap3A_237 = tpu.vector_load %arg27[%swap3A_236] {strides = array<i32>} : memref<64xi32, #tpu.memory_space<vmem>>, vector<16xi32>,
      tpu.vector_store %arg27[%swap3A_236], %add3A_235 {strides = array<i32>} : memref<64xi32, #tpu.memory_space<vmem>>, vector<16xi32>,
      %get3A_238 = arith.constant 0 : index
      %get3A_239 = tpu.vector_load %arg26[%get3A_238] {strides = array<i32>} : memref<64xi32, #tpu.memory_space<vmem>>, vector<16xi32>,
      %mul3A_240 = arith.constant 2 : i32
      %mul3A_241 = vector.broadcast %mul3A_240 : i32 to vector<16xi32>
      %mul3A_242 = arith.muli %get3A_239, %mul3A_241 : vector<16xi32>
      %add3A_243 = vector.broadcast %arg0 : i32 to vector<16xi32>
      %add3A_244 = arith.addi %mul3A_242, %add3A_243 : vector<16xi32>
      %swap3A_245 = arith.constant 0 : index
      %swap3A_246 = tpu.vector_load %arg28[%swap3A_245] {strides = array<i32>} : memref<64xi32, #tpu.memory_space<vmem>>, vector<16xi32>,
      tpu.vector_store %arg28[%swap3A_245], %add3A_244 {strides = array<i32>} : memref<64xi32, #tpu.memory_space<vmem>>, vector<16xi32>,
      %get3A_247 = arith.constant 16 : index
      %get3A_248 = tpu.vector_load %arg25[%get3A_247] {strides = array<i32>} : memref<64xi32, #tpu.memory_space<vmem>>, vector<16xi32>,
      %mul3A_249 = arith.constant 2 : i32
      %mul3A_250 = vector.broadcast %mul3A_249 : i32 to vector<16xi32>
      %mul3A_251 = arith.muli %get3A_248, %mul3A_250 : vector<16xi32>
      %add3A_252 = vector.broadcast %arg0 : i32 to vector<16xi32>
      %add3A_253 = arith.addi %mul3A_251, %add3A_252 : vector<16xi32>
      %swap3A_254 = arith.constant 16 : index
      %swap3A_255 = tpu.vector_load %arg27[%swap3A_254] {strides = array<i32>} : memref<64xi32, #tpu.memory_space<vmem>>, vector<16xi32>,
      tpu.vector_store %arg27[%swap3A_254], %add3A_253 {strides = array<i32>} : memref<64xi32, #tpu.memory_space<vmem>>, vector<16xi32>,
      %get3A_256 = arith.constant 16 : index
      %get3A_257 = tpu.vector_load %arg26[%get3A_256] {strides = array<i32>} : memref<64xi32, #tpu.memory_space<vmem>>, vector<16xi32>,
      %mul3A_258 = arith.constant 2 : i32
      %mul3A_259 = vector.broadcast %mul3A_258 : i32 to vector<16xi32>
      %mul3A_260 = arith.muli %get3A_257, %mul3A_259 : vector<16xi32>
      %add3A_261 = vector.broadcast %arg0 : i32 to vector<16xi32>
      %add3A_262 = arith.addi %mul3A_260, %add3A_261 : vector<16xi32>
      %swap3A_263 = arith.constant 16 : index
      %swap3A_264 = tpu.vector_load %arg28[%swap3A_263] {strides = array<i32>} : memref<64xi32, #tpu.memory_space<vmem>>, vector<16xi32>,
      tpu.vector_store %arg28[%swap3A_263], %add3A_262 {strides = array<i32>} : memref<64xi32, #tpu.memory_space<vmem>>, vector<16xi32>,
      %get3A_265 = arith.constant 32 : index
      %get3A_266 = tpu.vector_load %arg25[%get3A_265] {strides = array<i32>} : memref<64xi32, #tpu.memory_space<vmem>>, vector<16xi32>,
      %mul3A_267 = arith.constant 2 : i32
      %mul3A_268 = vector.broadcast %mul3A_267 : i32 to vector<16xi32>
      %mul3A_269 = arith.muli %get3A_266, %mul3A_268 : vector<16xi32>
      %add3A_270 = vector.broadcast %arg0 : i32 to vector<16xi32>
      %add3A_271 = arith.addi %mul3A_269, %add3A_270 : vector<16xi32>
      %swap3A_272 = arith.constant 32 : index
      %swap3A_273 = tpu.vector_load %arg27[%swap3A_272] {strides = array<i32>} : memref<64xi32, #tpu.memory_space<vmem>>, vector<16xi32>,
      tpu.vector_store %arg27[%swap3A_272], %add3A_271 {strides = array<i32>} : memref<64xi32, #tpu.memory_space<vmem>>, vector<16xi32>,
      %get3A_274 = arith.constant 32 : index
      %get3A_275 = tpu.vector_load %arg26[%get3A_274] {strides = array<i32>} : memref<64xi32, #tpu.memory_space<vmem>>, vector<16xi32>,
      %mul3A_276 = arith.constant 2 : i32
      %mul3A_277 = vector.broadcast %mul3A_276 : i32 to vector<16xi32>
      %mul3A_278 = arith.muli %get3A_275, %mul3A_277 : vector<16xi32>
      %add3A_279 = vector.broadcast %arg0 : i32 to vector<16xi32>
      %add3A_280 = arith.addi %mul3A_278, %add3A_279 : vector<16xi32>
      %swap3A_281 = arith.constant 32 : index
      %swap3A_282 = tpu.vector_load %arg28[%swap3A_281] {strides = array<i32>} : memref<64xi32, #tpu.memory_space<vmem>>, vector<16xi32>,
      tpu.vector_store %arg28[%swap3A_281], %add3A_280 {strides = array<i32>} : memref<64xi32, #tpu.memory_space<vmem>>, vector<16xi32>,
      %get3A_283 = arith.constant 48 : index
      %get3A_284 = tpu.vector_load %arg25[%get3A_283] {strides = array<i32>} : memref<64xi32, #tpu.memory_space<vmem>>, vector<16xi32>,
      %mul3A_285 = arith.constant 2 : i32
      %mul3A_286 = vector.broadcast %mul3A_285 : i32 to vector<16xi32>
      %mul3A_287 = arith.muli %get3A_284, %mul3A_286 : vector<16xi32>
      %add3A_288 = vector.broadcast %arg0 : i32 to vector<16xi32>
      %add3A_289 = arith.addi %mul3A_287, %add3A_288 : vector<16xi32>
      %swap3A_290 = arith.constant 48 : index
      %swap3A_291 = tpu.vector_load %arg27[%swap3A_290] {strides = array<i32>} : memref<64xi32, #tpu.memory_space<vmem>>, vector<16xi32>,
      tpu.vector_store %arg27[%swap3A_290], %add3A_289 {strides = array<i32>} : memref<64xi32, #tpu.memory_space<vmem>>, vector<16xi32>,
      %get3A_292 = arith.constant 48 : index
      %get3A_293 = tpu.vector_load %arg26[%get3A_292] {strides = array<i32>} : memref<64xi32, #tpu.memory_space<vmem>>, vector<16xi32>,
      %mul3A_294 = arith.constant 2 : i32
      %mul3A_295 = vector.broadcast %mul3A_294 : i32 to vector<16xi32>
      %mul3A_296 = arith.muli %get3A_293, %mul3A_295 : vector<16xi32>
      %add3A_297 = vector.broadcast %arg0 : i32 to vector<16xi32>
      %add3A_298 = arith.addi %mul3A_296, %add3A_297 : vector<16xi32>
      %swap3A_299 = arith.constant 48 : index
      %swap3A_300 = tpu.vector_load %arg28[%swap3A_299] {strides = array<i32>} : memref<64xi32, #tpu.memory_space<vmem>>, vector<16xi32>,
      tpu.vector_store %arg28[%swap3A_299], %add3A_298 {strides = array<i32>} : memref<64xi32, #tpu.memory_space<vmem>>, vector<16xi32>,
      %dma_start3A_301 = arith.constant 0 : i32
      %dma_start3A_302 = arith.constant 0 : i32
      %dma_start3A_303 = tpu.memref_slice %arg2[%dma_start3A_301, %dma_start3A_302] : memref<20480x64xf32, #tpu.memory_space<hbm>> -> memref<20480x64xf32, #tpu.memory_space<hbm>>
      tpu.enqueue_indirect_dma source(%dma_start3A_303 : memref<20480x64xf32, #tpu.memory_space<hbm>>) target(%arg29 : memref<64x64xf32, #tpu.memory_space<vmem>>) offsets(%arg27 : memref<64xi32, #tpu.memory_space<vmem>>) semaphore(%arg31 : memref<!tpu.dma_semaphore, #tpu.memory_space<semaphore_mem>>)
      %dma_start3A_304 = arith.constant 0 : i32
      %dma_start3A_305 = arith.constant 0 : i32
      %dma_start3A_306 = tpu.memref_slice %arg3[%dma_start3A_304, %dma_start3A_305] : memref<20480x64xf32, #tpu.memory_space<hbm>> -> memref<20480x64xf32, #tpu.memory_space<hbm>>
      tpu.enqueue_indirect_dma source(%dma_start3A_306 : memref<20480x64xf32, #tpu.memory_space<hbm>>) target(%arg30 : memref<64x64xf32, #tpu.memory_space<vmem>>) offsets(%arg28 : memref<64xi32, #tpu.memory_space<vmem>>) semaphore(%arg31 : memref<!tpu.dma_semaphore, #tpu.memory_space<semaphore_mem>>)
      %dma_wait3A = arith.constant 0 : i32
      %dma_wait3A_307 = arith.constant 0 : i32
      %dma_wait3A_308 = tpu.memref_slice %arg2[%dma_wait3A, %dma_wait3A_307] : memref<20480x64xf32, #tpu.memory_space<hbm>> -> memref<20480x64xf32, #tpu.memory_space<hbm>>
      tpu.wait_indirect_dma semaphore(%arg17 : memref<!tpu.dma_semaphore, #tpu.memory_space<semaphore_mem>>) src(%dma_wait3A_308 : memref<20480x64xf32, #tpu.memory_space<hbm>>) dst(%arg15 : memref<64x64xf32, #tpu.memory_space<vmem>>)
      %dma_wait3A_309 = arith.constant 0 : i32
      %dma_wait3A_310 = arith.constant 0 : i32
      %dma_wait3A_311 = tpu.memref_slice %arg3[%dma_wait3A_309, %dma_wait3A_310] : memref<20480x64xf32, #tpu.memory_space<hbm>> -> memref<20480x64xf32, #tpu.memory_space<hbm>>
      tpu.wait_indirect_dma semaphore(%arg17 : memref<!tpu.dma_semaphore, #tpu.memory_space<semaphore_mem>>) src(%dma_wait3A_311 : memref<20480x64xf32, #tpu.memory_space<hbm>>) dst(%arg16 : memref<64x64xf32, #tpu.memory_space<vmem>>)
      %scan3A_312 = arith.constant 0 : i32
      %scan3A_313 = arith.constant 0 : i32
      %scan3A_314 = arith.constant 64 : i32
      %scan3A_315 = arith.addi %scan3A_313, %scan3A_314 : i32
      %scan3A_316 = arith.constant 1 : i32
      %scan3A_317 = scf.for %scan3A_346 = %scan3A_313 to %scan3A_315 step %scan3A_316 iter_args(%scan3A_347 = %scan3A_312) -> (i32)  : i32 {
        %broadcast_in_dim3A_348 = arith.constant 0.000000e+00 : f32
        %broadcast_in_dim3A_349 = vector.broadcast %broadcast_in_dim3A_348 : f32 to vector<16xf32>
        %get3A_350 = arith.index_cast %scan3A_346 : i32 to index
        %get3A_351 = arith.constant 0 : index
        %get3A_352 = tpu.vector_load %arg15[%get3A_350, %get3A_351] {strides = array<i32>} : memref<64x64xf32, #tpu.memory_space<vmem>>, vector<16xf32>,
        %get3A_353 = arith.index_cast %scan3A_346 : i32 to index
        %get3A_354 = arith.constant 0 : index
        %get3A_355 = tpu.vector_load %arg16[%get3A_353, %get3A_354] {strides = array<i32>} : memref<64x64xf32, #tpu.memory_space<vmem>>, vector<16xf32>,
        %add3A_356 = arith.addf %get3A_352, %get3A_355 : vector<16xf32>
        %gt3A = arith.constant 0.000000e+00 : f32
        %gt3A_357 = vector.broadcast %gt3A : f32 to vector<16xf32>
        %gt3A_358 = arith.cmpf ogt, %add3A_356, %gt3A_357 : vector<16xf32>
        %mul3A_359 = arith.constant 2.000000e-01 : f32
        %mul3A_360 = vector.broadcast %mul3A_359 : f32 to vector<16xf32>
        %mul3A_361 = arith.mulf %mul3A_360, %add3A_356 : vector<16xf32>
        %select_n3A_362 = arith.select %gt3A_358, %add3A_356, %mul3A_361 : vector<16xi1>, vector<16xf32>
        %get3A_363 = arith.index_cast %arg0 : i32 to index
        %get3A_364 = arith.constant 0 : index
        %get3A_365 = tpu.vector_load %arg10[%get3A_363, %get3A_364] {strides = array<i32>} : memref<2x64xf32, #tpu.memory_space<vmem>>, vector<16xf32>,
        %mul3A_366 = arith.mulf %select_n3A_362, %get3A_365 : vector<16xf32>
        %add3A_367 = arith.addf %broadcast_in_dim3A_349, %mul3A_366 : vector<16xf32>
        %get3A_368 = arith.index_cast %scan3A_346 : i32 to index
        %get3A_369 = arith.constant 16 : index
        %get3A_370 = tpu.vector_load %arg15[%get3A_368, %get3A_369] {strides = array<i32>} : memref<64x64xf32, #tpu.memory_space<vmem>>, vector<16xf32>,
        %get3A_371 = arith.index_cast %scan3A_346 : i32 to index
        %get3A_372 = arith.constant 16 : index
        %get3A_373 = tpu.vector_load %arg16[%get3A_371, %get3A_372] {strides = array<i32>} : memref<64x64xf32, #tpu.memory_space<vmem>>, vector<16xf32>,
        %add3A_374 = arith.addf %get3A_370, %get3A_373 : vector<16xf32>
        %gt3A_375 = arith.constant 0.000000e+00 : f32
        %gt3A_376 = vector.broadcast %gt3A_375 : f32 to vector<16xf32>
        %gt3A_377 = arith.cmpf ogt, %add3A_374, %gt3A_376 : vector<16xf32>
        %mul3A_378 = arith.constant 2.000000e-01 : f32
        %mul3A_379 = vector.broadcast %mul3A_378 : f32 to vector<16xf32>
        %mul3A_380 = arith.mulf %mul3A_379, %add3A_374 : vector<16xf32>
        %select_n3A_381 = arith.select %gt3A_377, %add3A_374, %mul3A_380 : vector<16xi1>, vector<16xf32>
        %get3A_382 = arith.index_cast %arg0 : i32 to index
        %get3A_383 = arith.constant 16 : index
        %get3A_384 = tpu.vector_load %arg10[%get3A_382, %get3A_383] {strides = array<i32>} : memref<2x64xf32, #tpu.memory_space<vmem>>, vector<16xf32>,
        %mul3A_385 = arith.mulf %select_n3A_381, %get3A_384 : vector<16xf32>
        %add3A_386 = arith.addf %add3A_367, %mul3A_385 : vector<16xf32>
        %reduce_sum3A = arith.constant true
        %reduce_sum3A_387 = vector.broadcast %reduce_sum3A : i1 to vector<16xi1>
        %reduce_sum3A_388 = tpu.scan <sum>, %add3A_386 masked %reduce_sum3A_387 : vector<16xf32>, vector<16xi1> -> vector<16xf32>
        %reduce_sum3A_389 = vector.extract %reduce_sum3A_388[15] : f32 from vector<16xf32>
        %broadcast_in_dim3A_390 = vector.broadcast %reduce_sum3A_389 : f32 to vector<16xf32>
        %exp3A = math.exp %broadcast_in_dim3A_390 : vector<16xf32>
        %get3A_391 = arith.index_cast %scan3A_346 : i32 to index
        %get3A_392 = arith.constant 0 : index
        %get3A_393 = tpu.vector_load %arg15[%get3A_391, %get3A_392] {strides = array<i32>} : memref<64x64xf32, #tpu.memory_space<vmem>>, vector<16xf32>,
        %mul3A_394 = arith.mulf %get3A_393, %exp3A : vector<16xf32>
        %swap3A_395 = arith.index_cast %scan3A_346 : i32 to index
        %swap3A_396 = arith.constant 0 : index
        %swap3A_397 = tpu.vector_load %arg9[%swap3A_395, %swap3A_396] {strides = array<i32>} : memref<64x96xf32, #tpu.memory_space<vmem>>, vector<16xf32>,
        tpu.vector_store %arg9[%swap3A_395, %swap3A_396], %mul3A_394 {strides = array<i32>} : memref<64x96xf32, #tpu.memory_space<vmem>>, vector<16xf32>,
        %get3A_398 = arith.index_cast %scan3A_346 : i32 to index
        %get3A_399 = arith.constant 16 : index
        %get3A_400 = tpu.vector_load %arg15[%get3A_398, %get3A_399] {strides = array<i32>} : memref<64x64xf32, #tpu.memory_space<vmem>>, vector<16xf32>,
        %mul3A_401 = arith.mulf %get3A_400, %exp3A : vector<16xf32>
        %swap3A_402 = arith.index_cast %scan3A_346 : i32 to index
        %swap3A_403 = arith.constant 16 : index
        %swap3A_404 = tpu.vector_load %arg9[%swap3A_402, %swap3A_403] {strides = array<i32>} : memref<64x96xf32, #tpu.memory_space<vmem>>, vector<16xf32>,
        tpu.vector_store %arg9[%swap3A_402, %swap3A_403], %mul3A_401 {strides = array<i32>} : memref<64x96xf32, #tpu.memory_space<vmem>>, vector<16xf32>,
        %mul3A_405 = arith.mulf %exp3A, %select_n3A : vector<16xf32>
        %swap3A_406 = arith.index_cast %scan3A_346 : i32 to index
        %swap3A_407 = arith.constant 32 : index
        %swap3A_408 = tpu.vector_load %arg9[%swap3A_406, %swap3A_407] {strides = array<i32>} : memref<64x96xf32, #tpu.memory_space<vmem>>, vector<16xf32>,
        tpu.vector_store %arg9[%swap3A_406, %swap3A_407], %mul3A_405 {strides = array<i32>} : memref<64x96xf32, #tpu.memory_space<vmem>>, vector<16xf32>,
        %broadcast_in_dim3A_409 = arith.constant 0.000000e+00 : f32
        %broadcast_in_dim3A_410 = vector.broadcast %broadcast_in_dim3A_409 : f32 to vector<16xf32>
        %get3A_411 = arith.index_cast %scan3A_346 : i32 to index
        %get3A_412 = arith.constant 32 : index
        %get3A_413 = tpu.vector_load %arg15[%get3A_411, %get3A_412] {strides = array<i32>} : memref<64x64xf32, #tpu.memory_space<vmem>>, vector<16xf32>,
        %get3A_414 = arith.index_cast %scan3A_346 : i32 to index
        %get3A_415 = arith.constant 32 : index
        %get3A_416 = tpu.vector_load %arg16[%get3A_414, %get3A_415] {strides = array<i32>} : memref<64x64xf32, #tpu.memory_space<vmem>>, vector<16xf32>,
        %add3A_417 = arith.addf %get3A_413, %get3A_416 : vector<16xf32>
        %gt3A_418 = arith.constant 0.000000e+00 : f32
        %gt3A_419 = vector.broadcast %gt3A_418 : f32 to vector<16xf32>
        %gt3A_420 = arith.cmpf ogt, %add3A_417, %gt3A_419 : vector<16xf32>
        %mul3A_421 = arith.constant 2.000000e-01 : f32
        %mul3A_422 = vector.broadcast %mul3A_421 : f32 to vector<16xf32>
        %mul3A_423 = arith.mulf %mul3A_422, %add3A_417 : vector<16xf32>
        %select_n3A_424 = arith.select %gt3A_420, %add3A_417, %mul3A_423 : vector<16xi1>, vector<16xf32>
        %get3A_425 = arith.index_cast %arg0 : i32 to index
        %get3A_426 = arith.constant 32 : index
        %get3A_427 = tpu.vector_load %arg10[%get3A_425, %get3A_426] {strides = array<i32>} : memref<2x64xf32, #tpu.memory_space<vmem>>, vector<16xf32>,
        %mul3A_428 = arith.mulf %select_n3A_424, %get3A_427 : vector<16xf32>
        %add3A_429 = arith.addf %broadcast_in_dim3A_410, %mul3A_428 : vector<16xf32>
        %get3A_430 = arith.index_cast %scan3A_346 : i32 to index
        %get3A_431 = arith.constant 48 : index
        %get3A_432 = tpu.vector_load %arg15[%get3A_430, %get3A_431] {strides = array<i32>} : memref<64x64xf32, #tpu.memory_space<vmem>>, vector<16xf32>,
        %get3A_433 = arith.index_cast %scan3A_346 : i32 to index
        %get3A_434 = arith.constant 48 : index
        %get3A_435 = tpu.vector_load %arg16[%get3A_433, %get3A_434] {strides = array<i32>} : memref<64x64xf32, #tpu.memory_space<vmem>>, vector<16xf32>,
        %add3A_436 = arith.addf %get3A_432, %get3A_435 : vector<16xf32>
        %gt3A_437 = arith.constant 0.000000e+00 : f32
        %gt3A_438 = vector.broadcast %gt3A_437 : f32 to vector<16xf32>
        %gt3A_439 = arith.cmpf ogt, %add3A_436, %gt3A_438 : vector<16xf32>
        %mul3A_440 = arith.constant 2.000000e-01 : f32
        %mul3A_441 = vector.broadcast %mul3A_440 : f32 to vector<16xf32>
        %mul3A_442 = arith.mulf %mul3A_441, %add3A_436 : vector<16xf32>
        %select_n3A_443 = arith.select %gt3A_439, %add3A_436, %mul3A_442 : vector<16xi1>, vector<16xf32>
        %get3A_444 = arith.index_cast %arg0 : i32 to index
        %get3A_445 = arith.constant 48 : index
        %get3A_446 = tpu.vector_load %arg10[%get3A_444, %get3A_445] {strides = array<i32>} : memref<2x64xf32, #tpu.memory_space<vmem>>, vector<16xf32>,
        %mul3A_447 = arith.mulf %select_n3A_443, %get3A_446 : vector<16xf32>
        %add3A_448 = arith.addf %add3A_429, %mul3A_447 : vector<16xf32>
        %reduce_sum3A_449 = arith.constant true
        %reduce_sum3A_450 = vector.broadcast %reduce_sum3A_449 : i1 to vector<16xi1>
        %reduce_sum3A_451 = tpu.scan <sum>, %add3A_448 masked %reduce_sum3A_450 : vector<16xf32>, vector<16xi1> -> vector<16xf32>
        %reduce_sum3A_452 = vector.extract %reduce_sum3A_451[15] : f32 from vector<16xf32>
        %broadcast_in_dim3A_453 = vector.broadcast %reduce_sum3A_452 : f32 to vector<16xf32>
        %exp3A_454 = math.exp %broadcast_in_dim3A_453 : vector<16xf32>
        %get3A_455 = arith.index_cast %scan3A_346 : i32 to index
        %get3A_456 = arith.constant 32 : index
        %get3A_457 = tpu.vector_load %arg15[%get3A_455, %get3A_456] {strides = array<i32>} : memref<64x64xf32, #tpu.memory_space<vmem>>, vector<16xf32>,
        %mul3A_458 = arith.mulf %get3A_457, %exp3A_454 : vector<16xf32>
        %swap3A_459 = arith.index_cast %scan3A_346 : i32 to index
        %swap3A_460 = arith.constant 48 : index
        %swap3A_461 = tpu.vector_load %arg9[%swap3A_459, %swap3A_460] {strides = array<i32>} : memref<64x96xf32, #tpu.memory_space<vmem>>, vector<16xf32>,
        tpu.vector_store %arg9[%swap3A_459, %swap3A_460], %mul3A_458 {strides = array<i32>} : memref<64x96xf32, #tpu.memory_space<vmem>>, vector<16xf32>,
        %get3A_462 = arith.index_cast %scan3A_346 : i32 to index
        %get3A_463 = arith.constant 48 : index
        %get3A_464 = tpu.vector_load %arg15[%get3A_462, %get3A_463] {strides = array<i32>} : memref<64x64xf32, #tpu.memory_space<vmem>>, vector<16xf32>,
        %mul3A_465 = arith.mulf %get3A_464, %exp3A_454 : vector<16xf32>
        %swap3A_466 = arith.index_cast %scan3A_346 : i32 to index
        %swap3A_467 = arith.constant 64 : index
        %swap3A_468 = tpu.vector_load %arg9[%swap3A_466, %swap3A_467] {strides = array<i32>} : memref<64x96xf32, #tpu.memory_space<vmem>>, vector<16xf32>,
        tpu.vector_store %arg9[%swap3A_466, %swap3A_467], %mul3A_465 {strides = array<i32>} : memref<64x96xf32, #tpu.memory_space<vmem>>, vector<16xf32>,
        %mul3A_469 = arith.mulf %exp3A_454, %select_n3A : vector<16xf32>
        %swap3A_470 = arith.index_cast %scan3A_346 : i32 to index
        %swap3A_471 = arith.constant 80 : index
        %swap3A_472 = tpu.vector_load %arg9[%swap3A_470, %swap3A_471] {strides = array<i32>} : memref<64x96xf32, #tpu.memory_space<vmem>>, vector<16xf32>,
        tpu.vector_store %arg9[%swap3A_470, %swap3A_471], %mul3A_469 {strides = array<i32>} : memref<64x96xf32, #tpu.memory_space<vmem>>, vector<16xf32>,
        %scan3A_473 = arith.constant 0 : i32
        scf.yield %scan3A_473 : i32
      }
      %scan3A_318 = arith.constant 64 : i32
      "tpu.region"() ({
        %run_scoped3A = tpu.sem_alloc : memref<!tpu.dma_semaphore, #tpu.memory_space<semaphore_mem>>
        %dma_start3A_346 = arith.constant 0 : i32
        %dma_start3A_347 = arith.constant 0 : i32
        %dma_start3A_348 = tpu.memref_slice %arg8[%dma_start3A_346, %dma_start3A_347] : memref<10240x96xf32, #tpu.memory_space<vmem_shared>> -> memref<10240x96xf32, #tpu.memory_space<vmem_shared>>
        tpu.enqueue_indirect_dma source(%arg9 : memref<64x96xf32, #tpu.memory_space<vmem>>) target(%dma_start3A_348 : memref<10240x96xf32, #tpu.memory_space<vmem_shared>>) offsets(%arg12 : memref<64xi32, #tpu.memory_space<vmem>>) semaphore(%run_scoped3A : memref<!tpu.dma_semaphore, #tpu.memory_space<semaphore_mem>>) {add = true}
        %dma_wait3A_349 = arith.constant 0 : i32
        %dma_wait3A_350 = arith.constant 0 : i32
        %dma_wait3A_351 = tpu.memref_slice %arg8[%dma_wait3A_349, %dma_wait3A_350] : memref<10240x96xf32, #tpu.memory_space<vmem_shared>> -> memref<10240x96xf32, #tpu.memory_space<vmem_shared>>
        tpu.wait_indirect_dma semaphore(%run_scoped3A : memref<!tpu.dma_semaphore, #tpu.memory_space<semaphore_mem>>) src(%arg9 : memref<64x96xf32, #tpu.memory_space<vmem>>) dst(%dma_wait3A_351 : memref<10240x96xf32, #tpu.memory_space<vmem_shared>>)
        tpu.yield
      }) : () -> ()
      %dma_wait3A_319 = arith.constant 0 : i32
      %dma_wait3A_320 = arith.constant 0 : i32
      %dma_wait3A_321 = tpu.memref_slice %arg2[%dma_wait3A_319, %dma_wait3A_320] : memref<20480x64xf32, #tpu.memory_space<hbm>> -> memref<20480x64xf32, #tpu.memory_space<hbm>>
      tpu.wait_indirect_dma semaphore(%arg24 : memref<!tpu.dma_semaphore, #tpu.memory_space<semaphore_mem>>) src(%dma_wait3A_321 : memref<20480x64xf32, #tpu.memory_space<hbm>>) dst(%arg22 : memref<64x64xf32, #tpu.memory_space<vmem>>)
      %dma_wait3A_322 = arith.constant 0 : i32
      %dma_wait3A_323 = arith.constant 0 : i32
      %dma_wait3A_324 = tpu.memref_slice %arg3[%dma_wait3A_322, %dma_wait3A_323] : memref<20480x64xf32, #tpu.memory_space<hbm>> -> memref<20480x64xf32, #tpu.memory_space<hbm>>
      tpu.wait_indirect_dma semaphore(%arg24 : memref<!tpu.dma_semaphore, #tpu.memory_space<semaphore_mem>>) src(%dma_wait3A_324 : memref<20480x64xf32, #tpu.memory_space<hbm>>) dst(%arg23 : memref<64x64xf32, #tpu.memory_space<vmem>>)
      %scan3A_325 = arith.constant 0 : i32
      %scan3A_326 = arith.constant 0 : i32
      %scan3A_327 = arith.constant 64 : i32
      %scan3A_328 = arith.addi %scan3A_326, %scan3A_327 : i32
      %scan3A_329 = arith.constant 1 : i32
      %scan3A_330 = scf.for %scan3A_346 = %scan3A_326 to %scan3A_328 step %scan3A_329 iter_args(%scan3A_347 = %scan3A_325) -> (i32)  : i32 {
        %broadcast_in_dim3A_348 = arith.constant 0.000000e+00 : f32
        %broadcast_in_dim3A_349 = vector.broadcast %broadcast_in_dim3A_348 : f32 to vector<16xf32>
        %get3A_350 = arith.index_cast %scan3A_346 : i32 to index
        %get3A_351 = arith.constant 0 : index
        %get3A_352 = tpu.vector_load %arg22[%get3A_350, %get3A_351] {strides = array<i32>} : memref<64x64xf32, #tpu.memory_space<vmem>>, vector<16xf32>,
        %get3A_353 = arith.index_cast %scan3A_346 : i32 to index
        %get3A_354 = arith.constant 0 : index
        %get3A_355 = tpu.vector_load %arg23[%get3A_353, %get3A_354] {strides = array<i32>} : memref<64x64xf32, #tpu.memory_space<vmem>>, vector<16xf32>,
        %add3A_356 = arith.addf %get3A_352, %get3A_355 : vector<16xf32>
        %gt3A = arith.constant 0.000000e+00 : f32
        %gt3A_357 = vector.broadcast %gt3A : f32 to vector<16xf32>
        %gt3A_358 = arith.cmpf ogt, %add3A_356, %gt3A_357 : vector<16xf32>
        %mul3A_359 = arith.constant 2.000000e-01 : f32
        %mul3A_360 = vector.broadcast %mul3A_359 : f32 to vector<16xf32>
        %mul3A_361 = arith.mulf %mul3A_360, %add3A_356 : vector<16xf32>
        %select_n3A_362 = arith.select %gt3A_358, %add3A_356, %mul3A_361 : vector<16xi1>, vector<16xf32>
        %get3A_363 = arith.index_cast %arg0 : i32 to index
        %get3A_364 = arith.constant 0 : index
        %get3A_365 = tpu.vector_load %arg10[%get3A_363, %get3A_364] {strides = array<i32>} : memref<2x64xf32, #tpu.memory_space<vmem>>, vector<16xf32>,
        %mul3A_366 = arith.mulf %select_n3A_362, %get3A_365 : vector<16xf32>
        %add3A_367 = arith.addf %broadcast_in_dim3A_349, %mul3A_366 : vector<16xf32>
        %get3A_368 = arith.index_cast %scan3A_346 : i32 to index
        %get3A_369 = arith.constant 16 : index
        %get3A_370 = tpu.vector_load %arg22[%get3A_368, %get3A_369] {strides = array<i32>} : memref<64x64xf32, #tpu.memory_space<vmem>>, vector<16xf32>,
        %get3A_371 = arith.index_cast %scan3A_346 : i32 to index
        %get3A_372 = arith.constant 16 : index
        %get3A_373 = tpu.vector_load %arg23[%get3A_371, %get3A_372] {strides = array<i32>} : memref<64x64xf32, #tpu.memory_space<vmem>>, vector<16xf32>,
        %add3A_374 = arith.addf %get3A_370, %get3A_373 : vector<16xf32>
        %gt3A_375 = arith.constant 0.000000e+00 : f32
        %gt3A_376 = vector.broadcast %gt3A_375 : f32 to vector<16xf32>
        %gt3A_377 = arith.cmpf ogt, %add3A_374, %gt3A_376 : vector<16xf32>
        %mul3A_378 = arith.constant 2.000000e-01 : f32
        %mul3A_379 = vector.broadcast %mul3A_378 : f32 to vector<16xf32>
        %mul3A_380 = arith.mulf %mul3A_379, %add3A_374 : vector<16xf32>
        %select_n3A_381 = arith.select %gt3A_377, %add3A_374, %mul3A_380 : vector<16xi1>, vector<16xf32>
        %get3A_382 = arith.index_cast %arg0 : i32 to index
        %get3A_383 = arith.constant 16 : index
        %get3A_384 = tpu.vector_load %arg10[%get3A_382, %get3A_383] {strides = array<i32>} : memref<2x64xf32, #tpu.memory_space<vmem>>, vector<16xf32>,
        %mul3A_385 = arith.mulf %select_n3A_381, %get3A_384 : vector<16xf32>
        %add3A_386 = arith.addf %add3A_367, %mul3A_385 : vector<16xf32>
        %reduce_sum3A = arith.constant true
        %reduce_sum3A_387 = vector.broadcast %reduce_sum3A : i1 to vector<16xi1>
        %reduce_sum3A_388 = tpu.scan <sum>, %add3A_386 masked %reduce_sum3A_387 : vector<16xf32>, vector<16xi1> -> vector<16xf32>
        %reduce_sum3A_389 = vector.extract %reduce_sum3A_388[15] : f32 from vector<16xf32>
        %broadcast_in_dim3A_390 = vector.broadcast %reduce_sum3A_389 : f32 to vector<16xf32>
        %exp3A = math.exp %broadcast_in_dim3A_390 : vector<16xf32>
        %get3A_391 = arith.index_cast %scan3A_346 : i32 to index
        %get3A_392 = arith.constant 0 : index
        %get3A_393 = tpu.vector_load %arg22[%get3A_391, %get3A_392] {strides = array<i32>} : memref<64x64xf32, #tpu.memory_space<vmem>>, vector<16xf32>,
        %mul3A_394 = arith.mulf %get3A_393, %exp3A : vector<16xf32>
        %swap3A_395 = arith.index_cast %scan3A_346 : i32 to index
        %swap3A_396 = arith.constant 0 : index
        %swap3A_397 = tpu.vector_load %arg9[%swap3A_395, %swap3A_396] {strides = array<i32>} : memref<64x96xf32, #tpu.memory_space<vmem>>, vector<16xf32>,
        tpu.vector_store %arg9[%swap3A_395, %swap3A_396], %mul3A_394 {strides = array<i32>} : memref<64x96xf32, #tpu.memory_space<vmem>>, vector<16xf32>,
        %get3A_398 = arith.index_cast %scan3A_346 : i32 to index
        %get3A_399 = arith.constant 16 : index
        %get3A_400 = tpu.vector_load %arg22[%get3A_398, %get3A_399] {strides = array<i32>} : memref<64x64xf32, #tpu.memory_space<vmem>>, vector<16xf32>,
        %mul3A_401 = arith.mulf %get3A_400, %exp3A : vector<16xf32>
        %swap3A_402 = arith.index_cast %scan3A_346 : i32 to index
        %swap3A_403 = arith.constant 16 : index
        %swap3A_404 = tpu.vector_load %arg9[%swap3A_402, %swap3A_403] {strides = array<i32>} : memref<64x96xf32, #tpu.memory_space<vmem>>, vector<16xf32>,
        tpu.vector_store %arg9[%swap3A_402, %swap3A_403], %mul3A_401 {strides = array<i32>} : memref<64x96xf32, #tpu.memory_space<vmem>>, vector<16xf32>,
        %mul3A_405 = arith.mulf %exp3A, %select_n3A : vector<16xf32>
        %swap3A_406 = arith.index_cast %scan3A_346 : i32 to index
        %swap3A_407 = arith.constant 32 : index
        %swap3A_408 = tpu.vector_load %arg9[%swap3A_406, %swap3A_407] {strides = array<i32>} : memref<64x96xf32, #tpu.memory_space<vmem>>, vector<16xf32>,
        tpu.vector_store %arg9[%swap3A_406, %swap3A_407], %mul3A_405 {strides = array<i32>} : memref<64x96xf32, #tpu.memory_space<vmem>>, vector<16xf32>,
        %broadcast_in_dim3A_409 = arith.constant 0.000000e+00 : f32
        %broadcast_in_dim3A_410 = vector.broadcast %broadcast_in_dim3A_409 : f32 to vector<16xf32>
        %get3A_411 = arith.index_cast %scan3A_346 : i32 to index
        %get3A_412 = arith.constant 32 : index
        %get3A_413 = tpu.vector_load %arg22[%get3A_411, %get3A_412] {strides = array<i32>} : memref<64x64xf32, #tpu.memory_space<vmem>>, vector<16xf32>,
        %get3A_414 = arith.index_cast %scan3A_346 : i32 to index
        %get3A_415 = arith.constant 32 : index
        %get3A_416 = tpu.vector_load %arg23[%get3A_414, %get3A_415] {strides = array<i32>} : memref<64x64xf32, #tpu.memory_space<vmem>>, vector<16xf32>,
        %add3A_417 = arith.addf %get3A_413, %get3A_416 : vector<16xf32>
        %gt3A_418 = arith.constant 0.000000e+00 : f32
        %gt3A_419 = vector.broadcast %gt3A_418 : f32 to vector<16xf32>
        %gt3A_420 = arith.cmpf ogt, %add3A_417, %gt3A_419 : vector<16xf32>
        %mul3A_421 = arith.constant 2.000000e-01 : f32
        %mul3A_422 = vector.broadcast %mul3A_421 : f32 to vector<16xf32>
        %mul3A_423 = arith.mulf %mul3A_422, %add3A_417 : vector<16xf32>
        %select_n3A_424 = arith.select %gt3A_420, %add3A_417, %mul3A_423 : vector<16xi1>, vector<16xf32>
        %get3A_425 = arith.index_cast %arg0 : i32 to index
        %get3A_426 = arith.constant 32 : index
        %get3A_427 = tpu.vector_load %arg10[%get3A_425, %get3A_426] {strides = array<i32>} : memref<2x64xf32, #tpu.memory_space<vmem>>, vector<16xf32>,
        %mul3A_428 = arith.mulf %select_n3A_424, %get3A_427 : vector<16xf32>
        %add3A_429 = arith.addf %broadcast_in_dim3A_410, %mul3A_428 : vector<16xf32>
        %get3A_430 = arith.index_cast %scan3A_346 : i32 to index
        %get3A_431 = arith.constant 48 : index
        %get3A_432 = tpu.vector_load %arg22[%get3A_430, %get3A_431] {strides = array<i32>} : memref<64x64xf32, #tpu.memory_space<vmem>>, vector<16xf32>,
        %get3A_433 = arith.index_cast %scan3A_346 : i32 to index
        %get3A_434 = arith.constant 48 : index
        %get3A_435 = tpu.vector_load %arg23[%get3A_433, %get3A_434] {strides = array<i32>} : memref<64x64xf32, #tpu.memory_space<vmem>>, vector<16xf32>,
        %add3A_436 = arith.addf %get3A_432, %get3A_435 : vector<16xf32>
        %gt3A_437 = arith.constant 0.000000e+00 : f32
        %gt3A_438 = vector.broadcast %gt3A_437 : f32 to vector<16xf32>
        %gt3A_439 = arith.cmpf ogt, %add3A_436, %gt3A_438 : vector<16xf32>
        %mul3A_440 = arith.constant 2.000000e-01 : f32
        %mul3A_441 = vector.broadcast %mul3A_440 : f32 to vector<16xf32>
        %mul3A_442 = arith.mulf %mul3A_441, %add3A_436 : vector<16xf32>
        %select_n3A_443 = arith.select %gt3A_439, %add3A_436, %mul3A_442 : vector<16xi1>, vector<16xf32>
        %get3A_444 = arith.index_cast %arg0 : i32 to index
        %get3A_445 = arith.constant 48 : index
        %get3A_446 = tpu.vector_load %arg10[%get3A_444, %get3A_445] {strides = array<i32>} : memref<2x64xf32, #tpu.memory_space<vmem>>, vector<16xf32>,
        %mul3A_447 = arith.mulf %select_n3A_443, %get3A_446 : vector<16xf32>
        %add3A_448 = arith.addf %add3A_429, %mul3A_447 : vector<16xf32>
        %reduce_sum3A_449 = arith.constant true
        %reduce_sum3A_450 = vector.broadcast %reduce_sum3A_449 : i1 to vector<16xi1>
        %reduce_sum3A_451 = tpu.scan <sum>, %add3A_448 masked %reduce_sum3A_450 : vector<16xf32>, vector<16xi1> -> vector<16xf32>
        %reduce_sum3A_452 = vector.extract %reduce_sum3A_451[15] : f32 from vector<16xf32>
        %broadcast_in_dim3A_453 = vector.broadcast %reduce_sum3A_452 : f32 to vector<16xf32>
        %exp3A_454 = math.exp %broadcast_in_dim3A_453 : vector<16xf32>
        %get3A_455 = arith.index_cast %scan3A_346 : i32 to index
        %get3A_456 = arith.constant 32 : index
        %get3A_457 = tpu.vector_load %arg22[%get3A_455, %get3A_456] {strides = array<i32>} : memref<64x64xf32, #tpu.memory_space<vmem>>, vector<16xf32>,
        %mul3A_458 = arith.mulf %get3A_457, %exp3A_454 : vector<16xf32>
        %swap3A_459 = arith.index_cast %scan3A_346 : i32 to index
        %swap3A_460 = arith.constant 48 : index
        %swap3A_461 = tpu.vector_load %arg9[%swap3A_459, %swap3A_460] {strides = array<i32>} : memref<64x96xf32, #tpu.memory_space<vmem>>, vector<16xf32>,
        tpu.vector_store %arg9[%swap3A_459, %swap3A_460], %mul3A_458 {strides = array<i32>} : memref<64x96xf32, #tpu.memory_space<vmem>>, vector<16xf32>,
        %get3A_462 = arith.index_cast %scan3A_346 : i32 to index
        %get3A_463 = arith.constant 48 : index
        %get3A_464 = tpu.vector_load %arg22[%get3A_462, %get3A_463] {strides = array<i32>} : memref<64x64xf32, #tpu.memory_space<vmem>>, vector<16xf32>,
        %mul3A_465 = arith.mulf %get3A_464, %exp3A_454 : vector<16xf32>
        %swap3A_466 = arith.index_cast %scan3A_346 : i32 to index
        %swap3A_467 = arith.constant 64 : index
        %swap3A_468 = tpu.vector_load %arg9[%swap3A_466, %swap3A_467] {strides = array<i32>} : memref<64x96xf32, #tpu.memory_space<vmem>>, vector<16xf32>,
        tpu.vector_store %arg9[%swap3A_466, %swap3A_467], %mul3A_465 {strides = array<i32>} : memref<64x96xf32, #tpu.memory_space<vmem>>, vector<16xf32>,
        %mul3A_469 = arith.mulf %exp3A_454, %select_n3A : vector<16xf32>
        %swap3A_470 = arith.index_cast %scan3A_346 : i32 to index
        %swap3A_471 = arith.constant 80 : index
        %swap3A_472 = tpu.vector_load %arg9[%swap3A_470, %swap3A_471] {strides = array<i32>} : memref<64x96xf32, #tpu.memory_space<vmem>>, vector<16xf32>,
        tpu.vector_store %arg9[%swap3A_470, %swap3A_471], %mul3A_469 {strides = array<i32>} : memref<64x96xf32, #tpu.memory_space<vmem>>, vector<16xf32>,
        %scan3A_473 = arith.constant 0 : i32
        scf.yield %scan3A_473 : i32
      }
      %scan3A_331 = arith.constant 64 : i32
      "tpu.region"() ({
        %run_scoped3A = tpu.sem_alloc : memref<!tpu.dma_semaphore, #tpu.memory_space<semaphore_mem>>
        %dma_start3A_346 = arith.constant 0 : i32
        %dma_start3A_347 = arith.constant 0 : i32
        %dma_start3A_348 = tpu.memref_slice %arg8[%dma_start3A_346, %dma_start3A_347] : memref<10240x96xf32, #tpu.memory_space<vmem_shared>> -> memref<10240x96xf32, #tpu.memory_space<vmem_shared>>
        tpu.enqueue_indirect_dma source(%arg9 : memref<64x96xf32, #tpu.memory_space<vmem>>) target(%dma_start3A_348 : memref<10240x96xf32, #tpu.memory_space<vmem_shared>>) offsets(%arg19 : memref<64xi32, #tpu.memory_space<vmem>>) semaphore(%run_scoped3A : memref<!tpu.dma_semaphore, #tpu.memory_space<semaphore_mem>>) {add = true}
        %dma_wait3A_349 = arith.constant 0 : i32
        %dma_wait3A_350 = arith.constant 0 : i32
        %dma_wait3A_351 = tpu.memref_slice %arg8[%dma_wait3A_349, %dma_wait3A_350] : memref<10240x96xf32, #tpu.memory_space<vmem_shared>> -> memref<10240x96xf32, #tpu.memory_space<vmem_shared>>
        tpu.wait_indirect_dma semaphore(%run_scoped3A : memref<!tpu.dma_semaphore, #tpu.memory_space<semaphore_mem>>) src(%arg9 : memref<64x96xf32, #tpu.memory_space<vmem>>) dst(%dma_wait3A_351 : memref<10240x96xf32, #tpu.memory_space<vmem_shared>>)
        tpu.yield
      }) : () -> ()
      %dma_wait3A_332 = arith.constant 0 : i32
      %dma_wait3A_333 = arith.constant 0 : i32
      %dma_wait3A_334 = tpu.memref_slice %arg2[%dma_wait3A_332, %dma_wait3A_333] : memref<20480x64xf32, #tpu.memory_space<hbm>> -> memref<20480x64xf32, #tpu.memory_space<hbm>>
      tpu.wait_indirect_dma semaphore(%arg31 : memref<!tpu.dma_semaphore, #tpu.memory_space<semaphore_mem>>) src(%dma_wait3A_334 : memref<20480x64xf32, #tpu.memory_space<hbm>>) dst(%arg29 : memref<64x64xf32, #tpu.memory_space<vmem>>)
      %dma_wait3A_335 = arith.constant 0 : i32
      %dma_wait3A_336 = arith.constant 0 : i32
      %dma_wait3A_337 = tpu.memref_slice %arg3[%dma_wait3A_335, %dma_wait3A_336] : memref<20480x64xf32, #tpu.memory_space<hbm>> -> memref<20480x64xf32, #tpu.memory_space<hbm>>
      tpu.wait_indirect_dma semaphore(%arg31 : memref<!tpu.dma_semaphore, #tpu.memory_space<semaphore_mem>>) src(%dma_wait3A_337 : memref<20480x64xf32, #tpu.memory_space<hbm>>) dst(%arg30 : memref<64x64xf32, #tpu.memory_space<vmem>>)
      %scan3A_338 = arith.constant 0 : i32
      %scan3A_339 = arith.constant 0 : i32
      %scan3A_340 = arith.constant 64 : i32
      %scan3A_341 = arith.addi %scan3A_339, %scan3A_340 : i32
      %scan3A_342 = arith.constant 1 : i32
      %scan3A_343 = scf.for %scan3A_346 = %scan3A_339 to %scan3A_341 step %scan3A_342 iter_args(%scan3A_347 = %scan3A_338) -> (i32)  : i32 {
        %broadcast_in_dim3A_348 = arith.constant 0.000000e+00 : f32
        %broadcast_in_dim3A_349 = vector.broadcast %broadcast_in_dim3A_348 : f32 to vector<16xf32>
        %get3A_350 = arith.index_cast %scan3A_346 : i32 to index
        %get3A_351 = arith.constant 0 : index
        %get3A_352 = tpu.vector_load %arg29[%get3A_350, %get3A_351] {strides = array<i32>} : memref<64x64xf32, #tpu.memory_space<vmem>>, vector<16xf32>,
        %get3A_353 = arith.index_cast %scan3A_346 : i32 to index
        %get3A_354 = arith.constant 0 : index
        %get3A_355 = tpu.vector_load %arg30[%get3A_353, %get3A_354] {strides = array<i32>} : memref<64x64xf32, #tpu.memory_space<vmem>>, vector<16xf32>,
        %add3A_356 = arith.addf %get3A_352, %get3A_355 : vector<16xf32>
        %gt3A = arith.constant 0.000000e+00 : f32
        %gt3A_357 = vector.broadcast %gt3A : f32 to vector<16xf32>
        %gt3A_358 = arith.cmpf ogt, %add3A_356, %gt3A_357 : vector<16xf32>
        %mul3A_359 = arith.constant 2.000000e-01 : f32
        %mul3A_360 = vector.broadcast %mul3A_359 : f32 to vector<16xf32>
        %mul3A_361 = arith.mulf %mul3A_360, %add3A_356 : vector<16xf32>
        %select_n3A_362 = arith.select %gt3A_358, %add3A_356, %mul3A_361 : vector<16xi1>, vector<16xf32>
        %get3A_363 = arith.index_cast %arg0 : i32 to index
        %get3A_364 = arith.constant 0 : index
        %get3A_365 = tpu.vector_load %arg10[%get3A_363, %get3A_364] {strides = array<i32>} : memref<2x64xf32, #tpu.memory_space<vmem>>, vector<16xf32>,
        %mul3A_366 = arith.mulf %select_n3A_362, %get3A_365 : vector<16xf32>
        %add3A_367 = arith.addf %broadcast_in_dim3A_349, %mul3A_366 : vector<16xf32>
        %get3A_368 = arith.index_cast %scan3A_346 : i32 to index
        %get3A_369 = arith.constant 16 : index
        %get3A_370 = tpu.vector_load %arg29[%get3A_368, %get3A_369] {strides = array<i32>} : memref<64x64xf32, #tpu.memory_space<vmem>>, vector<16xf32>,
        %get3A_371 = arith.index_cast %scan3A_346 : i32 to index
        %get3A_372 = arith.constant 16 : index
        %get3A_373 = tpu.vector_load %arg30[%get3A_371, %get3A_372] {strides = array<i32>} : memref<64x64xf32, #tpu.memory_space<vmem>>, vector<16xf32>,
        %add3A_374 = arith.addf %get3A_370, %get3A_373 : vector<16xf32>
        %gt3A_375 = arith.constant 0.000000e+00 : f32
        %gt3A_376 = vector.broadcast %gt3A_375 : f32 to vector<16xf32>
        %gt3A_377 = arith.cmpf ogt, %add3A_374, %gt3A_376 : vector<16xf32>
        %mul3A_378 = arith.constant 2.000000e-01 : f32
        %mul3A_379 = vector.broadcast %mul3A_378 : f32 to vector<16xf32>
        %mul3A_380 = arith.mulf %mul3A_379, %add3A_374 : vector<16xf32>
        %select_n3A_381 = arith.select %gt3A_377, %add3A_374, %mul3A_380 : vector<16xi1>, vector<16xf32>
        %get3A_382 = arith.index_cast %arg0 : i32 to index
        %get3A_383 = arith.constant 16 : index
        %get3A_384 = tpu.vector_load %arg10[%get3A_382, %get3A_383] {strides = array<i32>} : memref<2x64xf32, #tpu.memory_space<vmem>>, vector<16xf32>,
        %mul3A_385 = arith.mulf %select_n3A_381, %get3A_384 : vector<16xf32>
        %add3A_386 = arith.addf %add3A_367, %mul3A_385 : vector<16xf32>
        %reduce_sum3A = arith.constant true
        %reduce_sum3A_387 = vector.broadcast %reduce_sum3A : i1 to vector<16xi1>
        %reduce_sum3A_388 = tpu.scan <sum>, %add3A_386 masked %reduce_sum3A_387 : vector<16xf32>, vector<16xi1> -> vector<16xf32>
        %reduce_sum3A_389 = vector.extract %reduce_sum3A_388[15] : f32 from vector<16xf32>
        %broadcast_in_dim3A_390 = vector.broadcast %reduce_sum3A_389 : f32 to vector<16xf32>
        %exp3A = math.exp %broadcast_in_dim3A_390 : vector<16xf32>
        %get3A_391 = arith.index_cast %scan3A_346 : i32 to index
        %get3A_392 = arith.constant 0 : index
        %get3A_393 = tpu.vector_load %arg29[%get3A_391, %get3A_392] {strides = array<i32>} : memref<64x64xf32, #tpu.memory_space<vmem>>, vector<16xf32>,
        %mul3A_394 = arith.mulf %get3A_393, %exp3A : vector<16xf32>
        %swap3A_395 = arith.index_cast %scan3A_346 : i32 to index
        %swap3A_396 = arith.constant 0 : index
        %swap3A_397 = tpu.vector_load %arg9[%swap3A_395, %swap3A_396] {strides = array<i32>} : memref<64x96xf32, #tpu.memory_space<vmem>>, vector<16xf32>,
        tpu.vector_store %arg9[%swap3A_395, %swap3A_396], %mul3A_394 {strides = array<i32>} : memref<64x96xf32, #tpu.memory_space<vmem>>, vector<16xf32>,
        %get3A_398 = arith.index_cast %scan3A_346 : i32 to index
        %get3A_399 = arith.constant 16 : index
        %get3A_400 = tpu.vector_load %arg29[%get3A_398, %get3A_399] {strides = array<i32>} : memref<64x64xf32, #tpu.memory_space<vmem>>, vector<16xf32>,
        %mul3A_401 = arith.mulf %get3A_400, %exp3A : vector<16xf32>
        %swap3A_402 = arith.index_cast %scan3A_346 : i32 to index
        %swap3A_403 = arith.constant 16 : index
        %swap3A_404 = tpu.vector_load %arg9[%swap3A_402, %swap3A_403] {strides = array<i32>} : memref<64x96xf32, #tpu.memory_space<vmem>>, vector<16xf32>,
        tpu.vector_store %arg9[%swap3A_402, %swap3A_403], %mul3A_401 {strides = array<i32>} : memref<64x96xf32, #tpu.memory_space<vmem>>, vector<16xf32>,
        %mul3A_405 = arith.mulf %exp3A, %select_n3A : vector<16xf32>
        %swap3A_406 = arith.index_cast %scan3A_346 : i32 to index
        %swap3A_407 = arith.constant 32 : index
        %swap3A_408 = tpu.vector_load %arg9[%swap3A_406, %swap3A_407] {strides = array<i32>} : memref<64x96xf32, #tpu.memory_space<vmem>>, vector<16xf32>,
        tpu.vector_store %arg9[%swap3A_406, %swap3A_407], %mul3A_405 {strides = array<i32>} : memref<64x96xf32, #tpu.memory_space<vmem>>, vector<16xf32>,
        %broadcast_in_dim3A_409 = arith.constant 0.000000e+00 : f32
        %broadcast_in_dim3A_410 = vector.broadcast %broadcast_in_dim3A_409 : f32 to vector<16xf32>
        %get3A_411 = arith.index_cast %scan3A_346 : i32 to index
        %get3A_412 = arith.constant 32 : index
        %get3A_413 = tpu.vector_load %arg29[%get3A_411, %get3A_412] {strides = array<i32>} : memref<64x64xf32, #tpu.memory_space<vmem>>, vector<16xf32>,
        %get3A_414 = arith.index_cast %scan3A_346 : i32 to index
        %get3A_415 = arith.constant 32 : index
        %get3A_416 = tpu.vector_load %arg30[%get3A_414, %get3A_415] {strides = array<i32>} : memref<64x64xf32, #tpu.memory_space<vmem>>, vector<16xf32>,
        %add3A_417 = arith.addf %get3A_413, %get3A_416 : vector<16xf32>
        %gt3A_418 = arith.constant 0.000000e+00 : f32
        %gt3A_419 = vector.broadcast %gt3A_418 : f32 to vector<16xf32>
        %gt3A_420 = arith.cmpf ogt, %add3A_417, %gt3A_419 : vector<16xf32>
        %mul3A_421 = arith.constant 2.000000e-01 : f32
        %mul3A_422 = vector.broadcast %mul3A_421 : f32 to vector<16xf32>
        %mul3A_423 = arith.mulf %mul3A_422, %add3A_417 : vector<16xf32>
        %select_n3A_424 = arith.select %gt3A_420, %add3A_417, %mul3A_423 : vector<16xi1>, vector<16xf32>
        %get3A_425 = arith.index_cast %arg0 : i32 to index
        %get3A_426 = arith.constant 32 : index
        %get3A_427 = tpu.vector_load %arg10[%get3A_425, %get3A_426] {strides = array<i32>} : memref<2x64xf32, #tpu.memory_space<vmem>>, vector<16xf32>,
        %mul3A_428 = arith.mulf %select_n3A_424, %get3A_427 : vector<16xf32>
        %add3A_429 = arith.addf %broadcast_in_dim3A_410, %mul3A_428 : vector<16xf32>
        %get3A_430 = arith.index_cast %scan3A_346 : i32 to index
        %get3A_431 = arith.constant 48 : index
        %get3A_432 = tpu.vector_load %arg29[%get3A_430, %get3A_431] {strides = array<i32>} : memref<64x64xf32, #tpu.memory_space<vmem>>, vector<16xf32>,
        %get3A_433 = arith.index_cast %scan3A_346 : i32 to index
        %get3A_434 = arith.constant 48 : index
        %get3A_435 = tpu.vector_load %arg30[%get3A_433, %get3A_434] {strides = array<i32>} : memref<64x64xf32, #tpu.memory_space<vmem>>, vector<16xf32>,
        %add3A_436 = arith.addf %get3A_432, %get3A_435 : vector<16xf32>
        %gt3A_437 = arith.constant 0.000000e+00 : f32
        %gt3A_438 = vector.broadcast %gt3A_437 : f32 to vector<16xf32>
        %gt3A_439 = arith.cmpf ogt, %add3A_436, %gt3A_438 : vector<16xf32>
        %mul3A_440 = arith.constant 2.000000e-01 : f32
        %mul3A_441 = vector.broadcast %mul3A_440 : f32 to vector<16xf32>
        %mul3A_442 = arith.mulf %mul3A_441, %add3A_436 : vector<16xf32>
        %select_n3A_443 = arith.select %gt3A_439, %add3A_436, %mul3A_442 : vector<16xi1>, vector<16xf32>
        %get3A_444 = arith.index_cast %arg0 : i32 to index
        %get3A_445 = arith.constant 48 : index
        %get3A_446 = tpu.vector_load %arg10[%get3A_444, %get3A_445] {strides = array<i32>} : memref<2x64xf32, #tpu.memory_space<vmem>>, vector<16xf32>,
        %mul3A_447 = arith.mulf %select_n3A_443, %get3A_446 : vector<16xf32>
        %add3A_448 = arith.addf %add3A_429, %mul3A_447 : vector<16xf32>
        %reduce_sum3A_449 = arith.constant true
        %reduce_sum3A_450 = vector.broadcast %reduce_sum3A_449 : i1 to vector<16xi1>
        %reduce_sum3A_451 = tpu.scan <sum>, %add3A_448 masked %reduce_sum3A_450 : vector<16xf32>, vector<16xi1> -> vector<16xf32>
        %reduce_sum3A_452 = vector.extract %reduce_sum3A_451[15] : f32 from vector<16xf32>
        %broadcast_in_dim3A_453 = vector.broadcast %reduce_sum3A_452 : f32 to vector<16xf32>
        %exp3A_454 = math.exp %broadcast_in_dim3A_453 : vector<16xf32>
        %get3A_455 = arith.index_cast %scan3A_346 : i32 to index
        %get3A_456 = arith.constant 32 : index
        %get3A_457 = tpu.vector_load %arg29[%get3A_455, %get3A_456] {strides = array<i32>} : memref<64x64xf32, #tpu.memory_space<vmem>>, vector<16xf32>,
        %mul3A_458 = arith.mulf %get3A_457, %exp3A_454 : vector<16xf32>
        %swap3A_459 = arith.index_cast %scan3A_346 : i32 to index
        %swap3A_460 = arith.constant 48 : index
        %swap3A_461 = tpu.vector_load %arg9[%swap3A_459, %swap3A_460] {strides = array<i32>} : memref<64x96xf32, #tpu.memory_space<vmem>>, vector<16xf32>,
        tpu.vector_store %arg9[%swap3A_459, %swap3A_460], %mul3A_458 {strides = array<i32>} : memref<64x96xf32, #tpu.memory_space<vmem>>, vector<16xf32>,
        %get3A_462 = arith.index_cast %scan3A_346 : i32 to index
        %get3A_463 = arith.constant 48 : index
        %get3A_464 = tpu.vector_load %arg29[%get3A_462, %get3A_463] {strides = array<i32>} : memref<64x64xf32, #tpu.memory_space<vmem>>, vector<16xf32>,
        %mul3A_465 = arith.mulf %get3A_464, %exp3A_454 : vector<16xf32>
        %swap3A_466 = arith.index_cast %scan3A_346 : i32 to index
        %swap3A_467 = arith.constant 64 : index
        %swap3A_468 = tpu.vector_load %arg9[%swap3A_466, %swap3A_467] {strides = array<i32>} : memref<64x96xf32, #tpu.memory_space<vmem>>, vector<16xf32>,
        tpu.vector_store %arg9[%swap3A_466, %swap3A_467], %mul3A_465 {strides = array<i32>} : memref<64x96xf32, #tpu.memory_space<vmem>>, vector<16xf32>,
        %mul3A_469 = arith.mulf %exp3A_454, %select_n3A : vector<16xf32>
        %swap3A_470 = arith.index_cast %scan3A_346 : i32 to index
        %swap3A_471 = arith.constant 80 : index
        %swap3A_472 = tpu.vector_load %arg9[%swap3A_470, %swap3A_471] {strides = array<i32>} : memref<64x96xf32, #tpu.memory_space<vmem>>, vector<16xf32>,
        tpu.vector_store %arg9[%swap3A_470, %swap3A_471], %mul3A_469 {strides = array<i32>} : memref<64x96xf32, #tpu.memory_space<vmem>>, vector<16xf32>,
        %scan3A_473 = arith.constant 0 : i32
        scf.yield %scan3A_473 : i32
      }
      %scan3A_344 = arith.constant 64 : i32
      "tpu.region"() ({
        %run_scoped3A = tpu.sem_alloc : memref<!tpu.dma_semaphore, #tpu.memory_space<semaphore_mem>>
        %dma_start3A_346 = arith.constant 0 : i32
        %dma_start3A_347 = arith.constant 0 : i32
        %dma_start3A_348 = tpu.memref_slice %arg8[%dma_start3A_346, %dma_start3A_347] : memref<10240x96xf32, #tpu.memory_space<vmem_shared>> -> memref<10240x96xf32, #tpu.memory_space<vmem_shared>>
        tpu.enqueue_indirect_dma source(%arg9 : memref<64x96xf32, #tpu.memory_space<vmem>>) target(%dma_start3A_348 : memref<10240x96xf32, #tpu.memory_space<vmem_shared>>) offsets(%arg26 : memref<64xi32, #tpu.memory_space<vmem>>) semaphore(%run_scoped3A : memref<!tpu.dma_semaphore, #tpu.memory_space<semaphore_mem>>) {add = true}
        %dma_wait3A_349 = arith.constant 0 : i32
        %dma_wait3A_350 = arith.constant 0 : i32
        %dma_wait3A_351 = tpu.memref_slice %arg8[%dma_wait3A_349, %dma_wait3A_350] : memref<10240x96xf32, #tpu.memory_space<vmem_shared>> -> memref<10240x96xf32, #tpu.memory_space<vmem_shared>>
        tpu.wait_indirect_dma semaphore(%run_scoped3A : memref<!tpu.dma_semaphore, #tpu.memory_space<semaphore_mem>>) src(%arg9 : memref<64x96xf32, #tpu.memory_space<vmem>>) dst(%dma_wait3A_351 : memref<10240x96xf32, #tpu.memory_space<vmem_shared>>)
        tpu.yield
      }) : () -> ()
      %scan3A_345 = arith.constant 0 : i32
      scf.yield %scan3A_345 : i32
    }
    %scan3A_56 = arith.constant 105 : i32
    %barrier3A_57 = arith.constant 0 : index
    tpu.barrier barrier_id(%barrier3A_57)
    %mul3A_58 = arith.constant 640 : i32
    %mul3A_59 = arith.muli %arg1, %mul3A_58 : i32
    %mul3A_60 = arith.constant 10240 : i32
    %mul3A_61 = arith.muli %arg0, %mul3A_60 : i32
    %mul3A_62 = arith.constant 640 : i32
    %mul3A_63 = arith.muli %arg1, %mul3A_62 : i32
    %add3A_64 = arith.addi %mul3A_61, %mul3A_63 : i32
    "tpu.region"() ({
      %run_scoped3A = tpu.sem_alloc : memref<!tpu.dma_semaphore, #tpu.memory_space<semaphore_mem>>
      %dma_start3A = arith.constant 0 : i32
      %dma_start3A_65 = tpu.memref_slice %arg7[%add3A_64, %dma_start3A] : memref<20480x96xf32, #tpu.memory_space<hbm>> -> memref<640x96xf32, #tpu.memory_space<hbm>>
      %dma_start3A_66 = arith.constant 0 : i32
      %dma_start3A_67 = tpu.memref_slice %arg8[%mul3A_59, %dma_start3A_66] : memref<10240x96xf32, #tpu.memory_space<vmem_shared>> -> memref<640x96xf32, #tpu.memory_space<vmem_shared>>
      tpu.enqueue_dma source(%dma_start3A_67 : memref<640x96xf32, #tpu.memory_space<vmem_shared>>) target(%dma_start3A_65 : memref<640x96xf32, #tpu.memory_space<hbm>>) target_semaphore(%run_scoped3A : memref<!tpu.dma_semaphore, #tpu.memory_space<semaphore_mem>>)
      %dma_wait3A = arith.constant 0 : i32
      %dma_wait3A_68 = tpu.memref_slice %arg7[%add3A_64, %dma_wait3A] : memref<20480x96xf32, #tpu.memory_space<hbm>> -> memref<640x96xf32, #tpu.memory_space<hbm>>
      %dma_wait3A_69 = arith.constant 0 : i32
      %dma_wait3A_70 = tpu.memref_slice %arg8[%mul3A_59, %dma_wait3A_69] : memref<10240x96xf32, #tpu.memory_space<vmem_shared>> -> memref<640x96xf32, #tpu.memory_space<vmem_shared>>
      tpu.wait_dma2 semaphore(%run_scoped3A : memref<!tpu.dma_semaphore, #tpu.memory_space<semaphore_mem>>) src(%dma_wait3A_70 : memref<640x96xf32, #tpu.memory_space<vmem_shared>>) dst(%dma_wait3A_68 : memref<640x96xf32, #tpu.memory_space<hbm>>)
      tpu.yield
    }) : () -> ()
    return
  }
}

module attributes {stable_mosaic.version = 14 : i64} {
  func.func @_mm1_body(%arg0: i32, %arg1: memref<512x128xf32, #tpu.memory_space<vmem>>, %arg2: memref<128x512xf32, #tpu.memory_space<vmem>>, %arg3: memref<128x512xf32, #tpu.memory_space<vmem>>, %arg4: memref<512x512xf32, #tpu.memory_space<vmem>>, %arg5: memref<512x512xf32, #tpu.memory_space<vmem>>) attributes {dimension_semantics = [#tpu.dimension_semantics<arbitrary>], iteration_bounds = array<i64: 20>, scalar_prefetch = 0 : i64, scratch_operands = 0 : i64, tpu.core_type = #tpu.core_type<tc>, window_params = [{transform_indices = @transform_0, window_bounds = array<i64: 512, 128>}, {pipeline_mode = #tpu.pipeline_mode<synchronous>, transform_indices = @transform_1, window_bounds = array<i64: 128, 512>}, {pipeline_mode = #tpu.pipeline_mode<synchronous>, transform_indices = @transform_2, window_bounds = array<i64: 128, 512>}, {transform_indices = @transform_3, window_bounds = array<i64: 512, 512>}, {transform_indices = @transform_4, window_bounds = array<i64: 512, 512>}]} {
    %get3A = arith.constant 0 : index
    %get3A_0 = arith.constant 0 : index
    %get3A_1 = vector.load %arg1[%get3A, %get3A_0] : memref<512x128xf32, #tpu.memory_space<vmem>>, vector<512x128xf32>
    %get3A_2 = arith.constant 0 : index
    %get3A_3 = arith.constant 0 : index
    %get3A_4 = vector.load %arg2[%get3A_2, %get3A_3] : memref<128x512xf32, #tpu.memory_space<vmem>>, vector<128x512xf32>
    %dot_general3A = arith.constant dense<0.000000e+00> : vector<512x512xf32>
    %dot_general3A_5 = tpu.matmul %get3A_1, %get3A_4, %dot_general3A {dimension_numbers = #tpu.dot_dimension_numbers<[1], [0], [0], [1], [0, 0, 1, 1], [], []>, transpose_lhs_hint = false} : vector<512x128xf32>, vector<128x512xf32>, vector<512x512xf32> -> vector<512x512xf32>
    %swap3A = arith.constant 0 : index
    %swap3A_6 = arith.constant 0 : index
    %swap3A_7 = vector.load %arg4[%swap3A, %swap3A_6] : memref<512x512xf32, #tpu.memory_space<vmem>>, vector<512x512xf32>
    tpu.vector_store %arg4[%swap3A, %swap3A_6], %dot_general3A_5 {strides = array<i32>} : memref<512x512xf32, #tpu.memory_space<vmem>>, vector<512x512xf32>,
    %get3A_8 = arith.constant 0 : index
    %get3A_9 = arith.constant 0 : index
    %get3A_10 = vector.load %arg3[%get3A_8, %get3A_9] : memref<128x512xf32, #tpu.memory_space<vmem>>, vector<128x512xf32>
    %dot_general3A_11 = arith.constant dense<0.000000e+00> : vector<512x512xf32>
    %dot_general3A_12 = tpu.matmul %get3A_1, %get3A_10, %dot_general3A_11 {dimension_numbers = #tpu.dot_dimension_numbers<[1], [0], [0], [1], [0, 0, 1, 1], [], []>, transpose_lhs_hint = false} : vector<512x128xf32>, vector<128x512xf32>, vector<512x512xf32> -> vector<512x512xf32>
    %swap3A_13 = arith.constant 0 : index
    %swap3A_14 = arith.constant 0 : index
    %swap3A_15 = vector.load %arg5[%swap3A_13, %swap3A_14] : memref<512x512xf32, #tpu.memory_space<vmem>>, vector<512x512xf32>
    tpu.vector_store %arg5[%swap3A_13, %swap3A_14], %dot_general3A_12 {strides = array<i32>} : memref<512x512xf32, #tpu.memory_space<vmem>>, vector<512x512xf32>,
    return
  }
  func.func @transform_0(%arg0: i32) -> (i32, i32) {
    %c0_i32 = arith.constant 0 : i32
    %c0_i32_0 = arith.constant 0 : i32
    return %arg0, %c0_i32 : i32, i32
  }
  func.func @transform_1(%arg0: i32) -> (i32, i32) {
    %c0_i32 = arith.constant 0 : i32
    %c0_i32_0 = arith.constant 0 : i32
    %c0_i32_1 = arith.constant 0 : i32
    return %c0_i32, %c0_i32_0 : i32, i32
  }
  func.func @transform_2(%arg0: i32) -> (i32, i32) {
    %c0_i32 = arith.constant 0 : i32
    %c0_i32_0 = arith.constant 0 : i32
    %c0_i32_1 = arith.constant 0 : i32
    return %c0_i32, %c0_i32_0 : i32, i32
  }
  func.func @transform_3(%arg0: i32) -> (i32, i32) {
    %c0_i32 = arith.constant 0 : i32
    %c0_i32_0 = arith.constant 0 : i32
    return %arg0, %c0_i32 : i32, i32
  }
  func.func @transform_4(%arg0: i32) -> (i32, i32) {
    %c0_i32 = arith.constant 0 : i32
    %c0_i32_0 = arith.constant 0 : i32
    return %arg0, %c0_i32 : i32, i32
  }
}

module attributes {stable_mosaic.version = 14 : i64} {
  func.func @_mm2_body(%arg0: i32, %arg1: memref<4x512x144xf32, #tpu.memory_space<vmem>>, %arg2: memref<4x128xf32, #tpu.memory_space<vmem>>, %arg3: memref<512x128xf32, #tpu.memory_space<vmem>>, %arg4: memref<512x128xf32, #tpu.memory_space<vmem>>, %arg5: memref<512x128xf32, #tpu.memory_space<vmem>>, %arg6: memref<512x128xf32, #tpu.memory_space<vmem>>) attributes {dimension_semantics = [#tpu.dimension_semantics<arbitrary>], iteration_bounds = array<i64: 20>, scalar_prefetch = 0 : i64, scratch_operands = 0 : i64, tpu.core_type = #tpu.core_type<tc>, window_params = [{transform_indices = @transform_0, window_bounds = array<i64: 4, 512, 144>}, {pipeline_mode = #tpu.pipeline_mode<synchronous>, transform_indices = @transform_1, window_bounds = array<i64: 4, 128>}, {pipeline_mode = #tpu.pipeline_mode<synchronous>, transform_indices = @transform_2, window_bounds = array<i64: 512, 128>}, {pipeline_mode = #tpu.pipeline_mode<synchronous>, transform_indices = @transform_3, window_bounds = array<i64: 512, 128>}, {transform_indices = @transform_4, window_bounds = array<i64: 512, 128>}, {transform_indices = @transform_5, window_bounds = array<i64: 512, 128>}]} {
    %get3A = arith.constant 0 : index
    %get3A_0 = arith.constant 0 : index
    %get3A_1 = arith.constant 0 : index
    %get3A_2 = vector.load %arg1[%get3A, %get3A_0, %get3A_1] : memref<4x512x144xf32, #tpu.memory_space<vmem>>, vector<1x512x144xf32>
    %get3A_3 = vector.shape_cast %get3A_2 : vector<1x512x144xf32> to vector<512x144xf32>
    %slice3A = vector.extract_strided_slice %get3A_3 {offsets = [0, 0], sizes = [512, 128], strides = [1, 1]} : vector<512x144xf32> to vector<512x128xf32>
    %slice3A_4 = vector.extract_strided_slice %get3A_3 {offsets = [0, 128], sizes = [512, 1], strides = [1, 1]} : vector<512x144xf32> to vector<512x1xf32>
    %add3A = arith.constant 1.000000e-16 : f32
    %add3A_5 = vector.broadcast %add3A : f32 to vector<512x1xf32>
    %add3A_6 = arith.addf %slice3A_4, %add3A_5 : vector<512x1xf32>
    %div3A = vector.broadcast %add3A_6 : vector<512x1xf32> to vector<512x128xf32>
    %div3A_7 = arith.divf %slice3A, %div3A : vector<512x128xf32>
    %get3A_8 = arith.constant 0 : index
    %get3A_9 = arith.constant 0 : index
    %get3A_10 = vector.load %arg2[%get3A_8, %get3A_9] : memref<4x128xf32, #tpu.memory_space<vmem>>, vector<1x128xf32>
    %get3A_11 = vector.shape_cast %get3A_10 : vector<1x128xf32> to vector<128xf32>
    %broadcast_in_dim3A = vector.shape_cast %get3A_11 : vector<128xf32> to vector<1x128xf32>
    %add3A_12 = vector.broadcast %broadcast_in_dim3A : vector<1x128xf32> to vector<512x128xf32>
    %add3A_13 = arith.addf %div3A_7, %add3A_12 : vector<512x128xf32>
    %get3A_14 = arith.constant 1 : index
    %get3A_15 = arith.constant 0 : index
    %get3A_16 = arith.constant 0 : index
    %get3A_17 = vector.load %arg1[%get3A_14, %get3A_15, %get3A_16] : memref<4x512x144xf32, #tpu.memory_space<vmem>>, vector<1x512x144xf32>
    %get3A_18 = vector.shape_cast %get3A_17 : vector<1x512x144xf32> to vector<512x144xf32>
    %slice3A_19 = vector.extract_strided_slice %get3A_18 {offsets = [0, 0], sizes = [512, 128], strides = [1, 1]} : vector<512x144xf32> to vector<512x128xf32>
    %slice3A_20 = vector.extract_strided_slice %get3A_18 {offsets = [0, 128], sizes = [512, 1], strides = [1, 1]} : vector<512x144xf32> to vector<512x1xf32>
    %add3A_21 = arith.constant 1.000000e-16 : f32
    %add3A_22 = vector.broadcast %add3A_21 : f32 to vector<512x1xf32>
    %add3A_23 = arith.addf %slice3A_20, %add3A_22 : vector<512x1xf32>
    %div3A_24 = vector.broadcast %add3A_23 : vector<512x1xf32> to vector<512x128xf32>
    %div3A_25 = arith.divf %slice3A_19, %div3A_24 : vector<512x128xf32>
    %get3A_26 = arith.constant 1 : index
    %get3A_27 = arith.constant 0 : index
    %get3A_28 = vector.load %arg2[%get3A_26, %get3A_27] : memref<4x128xf32, #tpu.memory_space<vmem>>, vector<1x128xf32>
    %get3A_29 = vector.shape_cast %get3A_28 : vector<1x128xf32> to vector<128xf32>
    %broadcast_in_dim3A_30 = vector.shape_cast %get3A_29 : vector<128xf32> to vector<1x128xf32>
    %add3A_31 = vector.broadcast %broadcast_in_dim3A_30 : vector<1x128xf32> to vector<512x128xf32>
    %add3A_32 = arith.addf %div3A_25, %add3A_31 : vector<512x128xf32>
    %get3A_33 = arith.constant 2 : index
    %get3A_34 = arith.constant 0 : index
    %get3A_35 = arith.constant 0 : index
    %get3A_36 = vector.load %arg1[%get3A_33, %get3A_34, %get3A_35] : memref<4x512x144xf32, #tpu.memory_space<vmem>>, vector<1x512x144xf32>
    %get3A_37 = vector.shape_cast %get3A_36 : vector<1x512x144xf32> to vector<512x144xf32>
    %slice3A_38 = vector.extract_strided_slice %get3A_37 {offsets = [0, 0], sizes = [512, 128], strides = [1, 1]} : vector<512x144xf32> to vector<512x128xf32>
    %slice3A_39 = vector.extract_strided_slice %get3A_37 {offsets = [0, 128], sizes = [512, 1], strides = [1, 1]} : vector<512x144xf32> to vector<512x1xf32>
    %add3A_40 = arith.constant 1.000000e-16 : f32
    %add3A_41 = vector.broadcast %add3A_40 : f32 to vector<512x1xf32>
    %add3A_42 = arith.addf %slice3A_39, %add3A_41 : vector<512x1xf32>
    %div3A_43 = vector.broadcast %add3A_42 : vector<512x1xf32> to vector<512x128xf32>
    %div3A_44 = arith.divf %slice3A_38, %div3A_43 : vector<512x128xf32>
    %get3A_45 = arith.constant 2 : index
    %get3A_46 = arith.constant 0 : index
    %get3A_47 = vector.load %arg2[%get3A_45, %get3A_46] : memref<4x128xf32, #tpu.memory_space<vmem>>, vector<1x128xf32>
    %get3A_48 = vector.shape_cast %get3A_47 : vector<1x128xf32> to vector<128xf32>
    %broadcast_in_dim3A_49 = vector.shape_cast %get3A_48 : vector<128xf32> to vector<1x128xf32>
    %add3A_50 = vector.broadcast %broadcast_in_dim3A_49 : vector<1x128xf32> to vector<512x128xf32>
    %add3A_51 = arith.addf %div3A_44, %add3A_50 : vector<512x128xf32>
    %get3A_52 = arith.constant 3 : index
    %get3A_53 = arith.constant 0 : index
    %get3A_54 = arith.constant 0 : index
    %get3A_55 = vector.load %arg1[%get3A_52, %get3A_53, %get3A_54] : memref<4x512x144xf32, #tpu.memory_space<vmem>>, vector<1x512x144xf32>
    %get3A_56 = vector.shape_cast %get3A_55 : vector<1x512x144xf32> to vector<512x144xf32>
    %slice3A_57 = vector.extract_strided_slice %get3A_56 {offsets = [0, 0], sizes = [512, 128], strides = [1, 1]} : vector<512x144xf32> to vector<512x128xf32>
    %slice3A_58 = vector.extract_strided_slice %get3A_56 {offsets = [0, 128], sizes = [512, 1], strides = [1, 1]} : vector<512x144xf32> to vector<512x1xf32>
    %add3A_59 = arith.constant 1.000000e-16 : f32
    %add3A_60 = vector.broadcast %add3A_59 : f32 to vector<512x1xf32>
    %add3A_61 = arith.addf %slice3A_58, %add3A_60 : vector<512x1xf32>
    %div3A_62 = vector.broadcast %add3A_61 : vector<512x1xf32> to vector<512x128xf32>
    %div3A_63 = arith.divf %slice3A_57, %div3A_62 : vector<512x128xf32>
    %get3A_64 = arith.constant 3 : index
    %get3A_65 = arith.constant 0 : index
    %get3A_66 = vector.load %arg2[%get3A_64, %get3A_65] : memref<4x128xf32, #tpu.memory_space<vmem>>, vector<1x128xf32>
    %get3A_67 = vector.shape_cast %get3A_66 : vector<1x128xf32> to vector<128xf32>
    %broadcast_in_dim3A_68 = vector.shape_cast %get3A_67 : vector<128xf32> to vector<1x128xf32>
    %add3A_69 = vector.broadcast %broadcast_in_dim3A_68 : vector<1x128xf32> to vector<512x128xf32>
    %add3A_70 = arith.addf %div3A_63, %add3A_69 : vector<512x128xf32>
    %concatenate3A = tpu.concatenate %add3A_13, %add3A_32, %add3A_51, %add3A_70 in 1 : vector<512x128xf32>, vector<512x128xf32>, vector<512x128xf32>, vector<512x128xf32> -> vector<512x512xf32>
    %gt3A = arith.constant 0.000000e+00 : f32
    %gt3A_71 = vector.broadcast %gt3A : f32 to vector<512x512xf32>
    %gt3A_72 = arith.cmpf ogt, %concatenate3A, %gt3A_71 : vector<512x512xf32>
    %min3A = arith.constant 0.000000e+00 : f32
    %min3A_73 = vector.broadcast %min3A : f32 to vector<512x512xf32>
    %min3A_74 = arith.minimumf %concatenate3A, %min3A_73 : vector<512x512xf32>
    %exp3A = math.exp %min3A_74 : vector<512x512xf32>
    %sub3A = arith.constant 1.000000e+00 : f32
    %sub3A_75 = vector.broadcast %sub3A : f32 to vector<512x512xf32>
    %sub3A_76 = arith.subf %exp3A, %sub3A_75 : vector<512x512xf32>
    %select_n3A = arith.select %gt3A_72, %concatenate3A, %sub3A_76 : vector<512x512xi1>, vector<512x512xf32>
    %get3A_77 = arith.constant 0 : index
    %get3A_78 = arith.constant 0 : index
    %get3A_79 = vector.load %arg3[%get3A_77, %get3A_78] : memref<512x128xf32, #tpu.memory_space<vmem>>, vector<512x128xf32>
    %dot_general3A = arith.constant dense<0.000000e+00> : vector<512x128xf32>
    %dot_general3A_80 = tpu.matmul %select_n3A, %get3A_79, %dot_general3A {dimension_numbers = #tpu.dot_dimension_numbers<[1], [0], [0], [1], [0, 0, 1, 1], [], []>, transpose_lhs_hint = false} : vector<512x512xf32>, vector<512x128xf32>, vector<512x128xf32> -> vector<512x128xf32>
    %swap3A = arith.constant 0 : index
    %swap3A_81 = arith.constant 0 : index
    %swap3A_82 = vector.load %arg5[%swap3A, %swap3A_81] : memref<512x128xf32, #tpu.memory_space<vmem>>, vector<512x128xf32>
    tpu.vector_store %arg5[%swap3A, %swap3A_81], %dot_general3A_80 {strides = array<i32>} : memref<512x128xf32, #tpu.memory_space<vmem>>, vector<512x128xf32>,
    %get3A_83 = arith.constant 0 : index
    %get3A_84 = arith.constant 0 : index
    %get3A_85 = vector.load %arg4[%get3A_83, %get3A_84] : memref<512x128xf32, #tpu.memory_space<vmem>>, vector<512x128xf32>
    %dot_general3A_86 = arith.constant dense<0.000000e+00> : vector<512x128xf32>
    %dot_general3A_87 = tpu.matmul %select_n3A, %get3A_85, %dot_general3A_86 {dimension_numbers = #tpu.dot_dimension_numbers<[1], [0], [0], [1], [0, 0, 1, 1], [], []>, transpose_lhs_hint = false} : vector<512x512xf32>, vector<512x128xf32>, vector<512x128xf32> -> vector<512x128xf32>
    %swap3A_88 = arith.constant 0 : index
    %swap3A_89 = arith.constant 0 : index
    %swap3A_90 = vector.load %arg6[%swap3A_88, %swap3A_89] : memref<512x128xf32, #tpu.memory_space<vmem>>, vector<512x128xf32>
    tpu.vector_store %arg6[%swap3A_88, %swap3A_89], %dot_general3A_87 {strides = array<i32>} : memref<512x128xf32, #tpu.memory_space<vmem>>, vector<512x128xf32>,
    return
  }
  func.func @transform_0(%arg0: i32) -> (i32, i32, i32) {
    %c0_i32 = arith.constant 0 : i32
    %c0_i32_0 = arith.constant 0 : i32
    %c0_i32_1 = arith.constant 0 : i32
    return %c0_i32, %arg0, %c0_i32_0 : i32, i32, i32
  }
  func.func @transform_1(%arg0: i32) -> (i32, i32) {
    %c0_i32 = arith.constant 0 : i32
    %c0_i32_0 = arith.constant 0 : i32
    %c0_i32_1 = arith.constant 0 : i32
    return %c0_i32, %c0_i32_0 : i32, i32
  }
  func.func @transform_2(%arg0: i32) -> (i32, i32) {
    %c0_i32 = arith.constant 0 : i32
    %c0_i32_0 = arith.constant 0 : i32
    %c0_i32_1 = arith.constant 0 : i32
    return %c0_i32, %c0_i32_0 : i32, i32
  }
  func.func @transform_3(%arg0: i32) -> (i32, i32) {
    %c0_i32 = arith.constant 0 : i32
    %c0_i32_0 = arith.constant 0 : i32
    %c0_i32_1 = arith.constant 0 : i32
    return %c0_i32, %c0_i32_0 : i32, i32
  }
  func.func @transform_4(%arg0: i32) -> (i32, i32) {
    %c0_i32 = arith.constant 0 : i32
    %c0_i32_0 = arith.constant 0 : i32
    return %arg0, %c0_i32 : i32, i32
  }
  func.func @transform_5(%arg0: i32) -> (i32, i32) {
    %c0_i32 = arith.constant 0 : i32
    %c0_i32_0 = arith.constant 0 : i32
    return %arg0, %c0_i32 : i32, i32
  }
}

module attributes {stable_mosaic.version = 14 : i64} {
  func.func @_final_body(%arg0: i32, %arg1: memref<2x512x96xf32, #tpu.memory_space<vmem>>, %arg2: memref<4x32xf32, #tpu.memory_space<vmem>>, %arg3: memref<512x128xf32, #tpu.memory_space<vmem>>) attributes {dimension_semantics = [#tpu.dimension_semantics<arbitrary>], iteration_bounds = array<i64: 20>, scalar_prefetch = 0 : i64, scratch_operands = 0 : i64, tpu.core_type = #tpu.core_type<tc>, window_params = [{transform_indices = @transform_0, window_bounds = array<i64: 2, 512, 96>}, {pipeline_mode = #tpu.pipeline_mode<synchronous>, transform_indices = @transform_1, window_bounds = array<i64: 4, 32>}, {transform_indices = @transform_2, window_bounds = array<i64: 512, 128>}]} {
    %get3A = arith.constant 0 : index
    %get3A_0 = arith.constant 0 : index
    %get3A_1 = arith.constant 0 : index
    %get3A_2 = vector.load %arg1[%get3A, %get3A_0, %get3A_1] : memref<2x512x96xf32, #tpu.memory_space<vmem>>, vector<1x512x96xf32>
    %get3A_3 = vector.shape_cast %get3A_2 : vector<1x512x96xf32> to vector<512x96xf32>
    %slice3A = vector.extract_strided_slice %get3A_3 {offsets = [0, 0], sizes = [512, 32], strides = [1, 1]} : vector<512x96xf32> to vector<512x32xf32>
    %slice3A_4 = vector.extract_strided_slice %get3A_3 {offsets = [0, 32], sizes = [512, 1], strides = [1, 1]} : vector<512x96xf32> to vector<512x1xf32>
    %add3A = arith.constant 1.000000e-16 : f32
    %add3A_5 = vector.broadcast %add3A : f32 to vector<512x1xf32>
    %add3A_6 = arith.addf %slice3A_4, %add3A_5 : vector<512x1xf32>
    %div3A = vector.broadcast %add3A_6 : vector<512x1xf32> to vector<512x32xf32>
    %div3A_7 = arith.divf %slice3A, %div3A : vector<512x32xf32>
    %get3A_8 = arith.constant 0 : index
    %get3A_9 = arith.constant 0 : index
    %get3A_10 = vector.load %arg2[%get3A_8, %get3A_9] : memref<4x32xf32, #tpu.memory_space<vmem>>, vector<1x32xf32>
    %get3A_11 = vector.shape_cast %get3A_10 : vector<1x32xf32> to vector<32xf32>
    %broadcast_in_dim3A = vector.shape_cast %get3A_11 : vector<32xf32> to vector<1x32xf32>
    %add3A_12 = vector.broadcast %broadcast_in_dim3A : vector<1x32xf32> to vector<512x32xf32>
    %add3A_13 = arith.addf %div3A_7, %add3A_12 : vector<512x32xf32>
    %slice3A_14 = vector.extract_strided_slice %get3A_3 {offsets = [0, 48], sizes = [512, 32], strides = [1, 1]} : vector<512x96xf32> to vector<512x32xf32>
    %slice3A_15 = vector.extract_strided_slice %get3A_3 {offsets = [0, 80], sizes = [512, 1], strides = [1, 1]} : vector<512x96xf32> to vector<512x1xf32>
    %add3A_16 = arith.constant 1.000000e-16 : f32
    %add3A_17 = vector.broadcast %add3A_16 : f32 to vector<512x1xf32>
    %add3A_18 = arith.addf %slice3A_15, %add3A_17 : vector<512x1xf32>
    %div3A_19 = vector.broadcast %add3A_18 : vector<512x1xf32> to vector<512x32xf32>
    %div3A_20 = arith.divf %slice3A_14, %div3A_19 : vector<512x32xf32>
    %get3A_21 = arith.constant 1 : index
    %get3A_22 = arith.constant 0 : index
    %get3A_23 = vector.load %arg2[%get3A_21, %get3A_22] : memref<4x32xf32, #tpu.memory_space<vmem>>, vector<1x32xf32>
    %get3A_24 = vector.shape_cast %get3A_23 : vector<1x32xf32> to vector<32xf32>
    %broadcast_in_dim3A_25 = vector.shape_cast %get3A_24 : vector<32xf32> to vector<1x32xf32>
    %add3A_26 = vector.broadcast %broadcast_in_dim3A_25 : vector<1x32xf32> to vector<512x32xf32>
    %add3A_27 = arith.addf %div3A_20, %add3A_26 : vector<512x32xf32>
    %get3A_28 = arith.constant 1 : index
    %get3A_29 = arith.constant 0 : index
    %get3A_30 = arith.constant 0 : index
    %get3A_31 = vector.load %arg1[%get3A_28, %get3A_29, %get3A_30] : memref<2x512x96xf32, #tpu.memory_space<vmem>>, vector<1x512x96xf32>
    %get3A_32 = vector.shape_cast %get3A_31 : vector<1x512x96xf32> to vector<512x96xf32>
    %slice3A_33 = vector.extract_strided_slice %get3A_32 {offsets = [0, 0], sizes = [512, 32], strides = [1, 1]} : vector<512x96xf32> to vector<512x32xf32>
    %slice3A_34 = vector.extract_strided_slice %get3A_32 {offsets = [0, 32], sizes = [512, 1], strides = [1, 1]} : vector<512x96xf32> to vector<512x1xf32>
    %add3A_35 = arith.constant 1.000000e-16 : f32
    %add3A_36 = vector.broadcast %add3A_35 : f32 to vector<512x1xf32>
    %add3A_37 = arith.addf %slice3A_34, %add3A_36 : vector<512x1xf32>
    %div3A_38 = vector.broadcast %add3A_37 : vector<512x1xf32> to vector<512x32xf32>
    %div3A_39 = arith.divf %slice3A_33, %div3A_38 : vector<512x32xf32>
    %get3A_40 = arith.constant 2 : index
    %get3A_41 = arith.constant 0 : index
    %get3A_42 = vector.load %arg2[%get3A_40, %get3A_41] : memref<4x32xf32, #tpu.memory_space<vmem>>, vector<1x32xf32>
    %get3A_43 = vector.shape_cast %get3A_42 : vector<1x32xf32> to vector<32xf32>
    %broadcast_in_dim3A_44 = vector.shape_cast %get3A_43 : vector<32xf32> to vector<1x32xf32>
    %add3A_45 = vector.broadcast %broadcast_in_dim3A_44 : vector<1x32xf32> to vector<512x32xf32>
    %add3A_46 = arith.addf %div3A_39, %add3A_45 : vector<512x32xf32>
    %slice3A_47 = vector.extract_strided_slice %get3A_32 {offsets = [0, 48], sizes = [512, 32], strides = [1, 1]} : vector<512x96xf32> to vector<512x32xf32>
    %slice3A_48 = vector.extract_strided_slice %get3A_32 {offsets = [0, 80], sizes = [512, 1], strides = [1, 1]} : vector<512x96xf32> to vector<512x1xf32>
    %add3A_49 = arith.constant 1.000000e-16 : f32
    %add3A_50 = vector.broadcast %add3A_49 : f32 to vector<512x1xf32>
    %add3A_51 = arith.addf %slice3A_48, %add3A_50 : vector<512x1xf32>
    %div3A_52 = vector.broadcast %add3A_51 : vector<512x1xf32> to vector<512x32xf32>
    %div3A_53 = arith.divf %slice3A_47, %div3A_52 : vector<512x32xf32>
    %get3A_54 = arith.constant 3 : index
    %get3A_55 = arith.constant 0 : index
    %get3A_56 = vector.load %arg2[%get3A_54, %get3A_55] : memref<4x32xf32, #tpu.memory_space<vmem>>, vector<1x32xf32>
    %get3A_57 = vector.shape_cast %get3A_56 : vector<1x32xf32> to vector<32xf32>
    %broadcast_in_dim3A_58 = vector.shape_cast %get3A_57 : vector<32xf32> to vector<1x32xf32>
    %add3A_59 = vector.broadcast %broadcast_in_dim3A_58 : vector<1x32xf32> to vector<512x32xf32>
    %add3A_60 = arith.addf %div3A_53, %add3A_59 : vector<512x32xf32>
    %concatenate3A = tpu.concatenate %add3A_13, %add3A_27, %add3A_46, %add3A_60 in 1 : vector<512x32xf32>, vector<512x32xf32>, vector<512x32xf32>, vector<512x32xf32> -> vector<512x128xf32>
    %gt3A = arith.constant 0.000000e+00 : f32
    %gt3A_61 = vector.broadcast %gt3A : f32 to vector<512x128xf32>
    %gt3A_62 = arith.cmpf ogt, %concatenate3A, %gt3A_61 : vector<512x128xf32>
    %min3A = arith.constant 0.000000e+00 : f32
    %min3A_63 = vector.broadcast %min3A : f32 to vector<512x128xf32>
    %min3A_64 = arith.minimumf %concatenate3A, %min3A_63 : vector<512x128xf32>
    %exp3A = math.exp %min3A_64 : vector<512x128xf32>
    %sub3A = arith.constant 1.000000e+00 : f32
    %sub3A_65 = vector.broadcast %sub3A : f32 to vector<512x128xf32>
    %sub3A_66 = arith.subf %exp3A, %sub3A_65 : vector<512x128xf32>
    %select_n3A = arith.select %gt3A_62, %concatenate3A, %sub3A_66 : vector<512x128xi1>, vector<512x128xf32>
    %swap3A = arith.constant 0 : index
    %swap3A_67 = arith.constant 0 : index
    %swap3A_68 = vector.load %arg3[%swap3A, %swap3A_67] : memref<512x128xf32, #tpu.memory_space<vmem>>, vector<512x128xf32>
    tpu.vector_store %arg3[%swap3A, %swap3A_67], %select_n3A {strides = array<i32>} : memref<512x128xf32, #tpu.memory_space<vmem>>, vector<512x128xf32>,
    return
  }
  func.func @transform_0(%arg0: i32) -> (i32, i32, i32) {
    %c0_i32 = arith.constant 0 : i32
    %c0_i32_0 = arith.constant 0 : i32
    %c0_i32_1 = arith.constant 0 : i32
    return %c0_i32, %arg0, %c0_i32_0 : i32, i32, i32
  }
  func.func @transform_1(%arg0: i32) -> (i32, i32) {
    %c0_i32 = arith.constant 0 : i32
    %c0_i32_0 = arith.constant 0 : i32
    %c0_i32_1 = arith.constant 0 : i32
    return %c0_i32, %c0_i32_0 : i32, i32
  }
  func.func @transform_2(%arg0: i32) -> (i32, i32) {
    %c0_i32 = arith.constant 0 : i32
    %c0_i32_0 = arith.constant 0 : i32
    return %arg0, %c0_i32 : i32, i32
  }
}

</mosaic_0001>

<sc_bundles>
// kernel: kernel.10.cloned.1.call-start
scs
__scs_entry_jumppad:
0x0: {  	(pc) =	sbr.rel $0x88, $3  }
0x1: {  	(tag) =	ssettag $0x0;
	lr =	simm.s32 $0x1  }
0x2: {  	[smem:$0x3F97] =	sst lr;
	_ =	strace $0xD0000000  }
0x3: {  	_ = 	snop  }
0x4: {  	_ = 	snop  }
0x5: {  	_ = 	snop  }
0x6: {  	_ = 	snop  }
0x7: {  	_ = 	snop  }
__scs_overlays_trampoline_lowered:
0x8: {  	[smem:$0x3FA6] =	sst s0  }
0x9: {  	[smem:$0x3FA7] =	sst s1  }
0xa: {  	[smem:$0x3FA8] =	sst s2  }
0xb: {  	[smem:$0x3FA9] =	sst s3  }
0xc: {  	[smem:$0x3FAA] =	sst s4  }
0xd: {  	[smem:$0x3FAB] =	sst s5  }
0xe: {  	[smem:$0x3FAC] =	sst s6  }
0xf: {  	[smem:$0x3FAD] =	sst s7  }
0x10: {  	[smem:$0x3FAE] =	sst s8  }
0x11: {  	[smem:$0x3FAF] =	sst s9;
	s0 =	simm.s32 @!p0 $0x0  }
0x12: {  	s1 =	sld [smem:$0x3F95];
	s0 =	simm.s32 @p0 $0x1  }
0x13: {  	[smem:$0x3FB0] =	sst s0;
	s0 =	simm.s32 @!p1 $0x0  }
0x14: {  	s2 =	sld [smem:$0x3F94];
	s0 =	simm.s32 @p1 $0x1  }
0x15: {  	[smem:$0x3FB1] =	sst s0;
	s0 =	simm.s32 @!p2 $0x0  }
0x16: {  	s3 =	sld [smem:$0x3FDB];
	s0 =	simm.s32 @p2 $0x1  }
0x17: {  	s4 =	simm.s32 $0x1BF5;
	[smem:$0x3FB3] =	sst s0  }
0x18: {  	s0 =	sld [smem:$0x3F96];
	_ =	swait.ge [sflag:s4], $0x0  }
0x19: {  	s7 =	sld [smem:$0x3F97]  }
0x1a: {  	s8 =	sadd.s32 $0xFFFFE003, lr  }
0x1b: {  	s9 =	sadd.s32 $0xFFFFFEF7, lr;
	s5 =	simm.s32 $0xFFFFFFFF;
	p2 =	slt.u32 s8, $0xFFFFF086  }
0x1c: {  	p1 =	slt.u32 s9, $0xF7A;
	s5 =	simm.s32 @!p2 $0x0  }
0x1d: {  	s5 =	simm.s32 @p1 $0x1;
	p0 =	seq.s32 s7, s2  }
0x1e: {  	s7 =	smul.u32 @!p0 $0xF7A, s2;
	p2 =	seq.s32 @!p0 s5, $0x0  }
0x1f: {  	s9 =	smul.u32 $0xF7A, s1;
	s8 =	simm.s32 @!p0 $0x1BF5;
	p2 =	por !p2, p0  }
0x20: {  	[sflag:s8] =	ssyncset.s32 @!p0 $0xFFFFF086;
	s6 =	sadd.s32 @!p0 s3, s7;
	s7 =	simm.s32 @!p0 $0x108  }
0x21: {  	s3 =	sadd.s32 s3, s9;
	s6 =	sadd.s32 @!p0 $0x88, s6;
	s7 =	simm.s32 @p2 $0x1082  }
0x22: {  	[simem:s7], [sflag:s8] =	dma.local @!p0 [hbm:s6], $0xF7A  }
0x23: {  	s9 =	sor.u32 $0xD0000000, s2;
	s6 =	simm.s32 $0x108;
	_ =	swait.ge @!p0 [sflag:s8], $0x0  }
0x24: {  	s3 =	sadd.s32 $0x88, s3;
	s6 =	simm.s32 @!p1 $0x1082;
	[sflag:s4] =	ssyncset.s32 $0xFFFFF086  }
0x25: {  	[simem:s6], [sflag:s4] =	dma.local [hbm:s3], $0xF7A  }
0x26: {  	[smem:$0x3F97] =	sst s1;
	(tag) =	ssettag s2;
	_ =	strace s9  }
0x27: {  	s1 =	sld [smem:$0x3FA7]  }
0x28: {  	s2 =	sld [smem:$0x3FA8]  }
0x29: {  	s4 =	sld [smem:$0x3FAA]  }
0x2a: {  	p0 =	seq.s32 s5, $0x0;
	s5 =	sld [smem:$0x3FAB]  }
0x2b: {  	s6 =	sld [smem:$0x3FAC]  }
0x2c: {  	s7 =	sld [smem:$0x3FAD]  }
0x2d: {  	s3 =	simm.s32 $0x108;
	s8 =	sld [smem:$0x3FAE]  }
0x2e: {  	s3 =	simm.s32 @!p0 $0x1082;
	s9 =	sld [smem:$0x3FAF]  }
0x2f: {  	lr =	sadd.s32 s0, s3;
	s0 =	sld [smem:$0x3FA6]  }
0x30: {  	s3 =	sld [smem:$0x3FA9]  }
0x31: {  	[smem:$0x3FB2] =	sst s10  }
0x32: {  	s10 =	sld [smem:$0x3FB0];
	_ =	sdelay $0x3  }
0x33: {  	p0 =	seq.s32 s10, $0x1;
	s10 =	sld [smem:$0x3FB2];
	_ =	sdelay $0x3  }
0x34: {  	[smem:$0x3FB2] =	sst s10  }
0x35: {  	s10 =	sld [smem:$0x3FB1];
	_ =	sdelay $0x3  }
0x36: {  	p1 =	seq.s32 s10, $0x1;
	s10 =	sld [smem:$0x3FB2];
	_ =	sdelay $0x3  }
0x37: {  	[smem:$0x3FB2] =	sst s10  }
0x38: {  	s10 =	sld [smem:$0x3FB3]  }
0x39: {  	_ = 	snop;
	(pc) =	sbr.ind lr, $3  }
0x3a: {  	_ = 	snop  }
0x3b: {  	_ = 	snop  }
0x3c: {  	p2 =	seq.s32 s10, $0x1;
	s10 =	sld [smem:$0x3FB2]  }
0x3d: {  	_ =	shalt  }
0x3e: {  	_ =	shalt  }
0x3f: {  	_ =	shalt  }
0x40: {  	_ =	shalt  }
0x41: {  	_ =	shalt  }
0x42: {  	_ =	shalt  }
0x43: {  	_ =	shalt  }
0x44: {  	_ =	shalt  }
0x45: {  	_ =	shalt  }
0x46: {  	_ =	shalt  }
0x47: {  	_ =	shalt  }
0x48: {  	_ =	shalt  }
0x49: {  	_ =	shalt  }
0x4a: {  	_ =	shalt  }
0x4b: {  	_ =	shalt  }
0x4c: {  	_ =	shalt  }
0x4d: {  	_ =	shalt  }
0x4e: {  	_ =	shalt  }
0x4f: {  	_ =	shalt  }
0x50: {  	_ =	shalt  }
0x51: {  	_ =	shalt  }
0x52: {  	_ =	shalt  }
0x53: {  	_ =	shalt  }
0x54: {  	_ =	shalt  }
0x55: {  	_ =	shalt  }
0x56: {  	_ =	shalt  }
0x57: {  	_ =	shalt  }
0x58: {  	_ =	shalt  }
0x59: {  	_ =	shalt  }
0x5a: {  	_ =	shalt  }
0x5b: {  	_ =	shalt  }
0x5c: {  	_ =	shalt  }
0x5d: {  	_ =	shalt  }
0x5e: {  	_ =	shalt  }
0x5f: {  	_ =	shalt  }
0x60: {  	_ =	shalt  }
0x61: {  	_ =	shalt  }
0x62: {  	_ =	shalt  }
0x63: {  	_ =	shalt  }
0x64: {  	_ =	shalt  }
0x65: {  	_ =	shalt  }
0x66: {  	_ =	shalt  }
0x67: {  	_ =	shalt  }
0x68: {  	_ =	shalt  }
0x69: {  	_ =	shalt  }
0x6a: {  	_ =	shalt  }
0x6b: {  	_ =	shalt  }
0x6c: {  	_ =	shalt  }
0x6d: {  	_ =	shalt  }
0x6e: {  	_ =	shalt  }
0x6f: {  	_ =	shalt  }
0x70: {  	_ =	shalt  }
0x71: {  	_ =	shalt  }
0x72: {  	_ =	shalt  }
0x73: {  	_ =	shalt  }
0x74: {  	_ =	shalt  }
0x75: {  	_ =	shalt  }
0x76: {  	_ =	shalt  }
0x77: {  	_ =	shalt  }
0x78: {  	_ =	shalt  }
0x79: {  	_ =	shalt  }
0x7a: {  	_ =	shalt  }
0x7b: {  	_ =	shalt  }
0x7c: {  	_ =	shalt  }
0x7d: {  	_ =	shalt  }
0x7e: {  	_ =	shalt  }
0x7f: {  	_ =	shalt  }
0x80: {  	_ =	shalt  }
0x81: {  	_ =	shalt  }
0x82: {  	_ =	shalt  }
0x83: {  	_ =	shalt  }
0x84: {  	_ =	shalt  }
0x85: {  	_ =	shalt  }
0x86: {  	_ =	shalt  }
0x87: {  	_ =	shalt  }
.Lfunc_end0:
.L_simem_size_0:
called_computation.1_lowered:
.L_overlay_start_0:
0x88: {  	s2 =	sld [smem:$0x3FD9]  }
0x89: {  	s3 =	sld [smem:$0x3FFE];
	_ =	sdelay $0x1  }
0x8a: {  	s1 =	srdreg.scid  }
0x8b: {  	s0 =	sand.u32 $0x1, s1  }
0x8c: {  	s17 =	sshll.u32 s0, $0xA;
	s2 =	sadd.s32 s3, s2  }
0x8d: {  	s2 =	sadd.s32 s2, s17  }
0x8e: {  	[smem:$0x3FBE] =	sst s2  }
0x8f: {  	_ = 	snop  }
0x90: {  	s2 =	sld [smem:$0x3FD0];
	(tm) =	ssettm $0x1  }
0x91: {  	s18 =	sld [smem:$0x3FFB];
	_ =	sdelay $0x3  }
0x92: {  	_ =	strace s18  }
0x93: {  	s3 =	sld [smem:$0x3FFC];
	_ =	sdelay $0x3  }
0x94: {  	_ =	strace s3  }
0x95: {  	s3 =	sld [smem:$0x3FFD];
	_ =	sdelay $0x3  }
0x96: {  	_ =	strace s3  }
0x97: {  	_ =	strace $0x8FFFFFFF  }
0x98: {  	s19 =	sld [smem:$0x3FDB];
	_ =	sdelay $0x1  }
0x99: {  	s4 =	simm.s32 $_scs_section_size  }
0x9a: {  	s5 =	simm.s32 $_size__tile_overlayer_lowered;
	s6 =	simm.s32 $_tile_overlayer_lowered  }
0x9b: {  	s22 =	simm.s32 $0x1BFF;
	s21 =	sshll.u32 s6, $0x1;
	s3 =	sadd.s32 s4, s19  }
0x9c: {  	s7 =	simm.s32 $0x0;
	s20 =	sshll.u32 s5, $0x1;
	s5 =	sadd.s32 s21, s3  }
0x9d: {  	[timem:s7], [sflag:s22] =	dma.local [hbm:s5], s20  }
0x9e: {  	_ =	swait.ge [sflag:s22], s20  }
0x9f: {  	s4 =	ssub.s32 $0x0, s20;
	[sflag:s22] =	ssyncset.done $0x0  }
0xa0: {  	[sflag:s22] =	ssyncadd.s32 s4;
	_ =	sdelay $0x1  }
0xa1: {  	s23 =	simm.s32 $0x1B8B  }
0xa2: {  	_ =	swait.ge [sflag:s23], $0x1  }
0xa3: {  	[sflag:s23] =	ssyncset.done $0x0  }
0xa4: {  	s25 =	simm.s32 $0x1B8E;
	s24 =	sld [smem:$0x3FFE];
	[sflag:s23] =	ssyncadd.s32 $0xFFFFFFFF  }
0xa5: {  	s26 =	simm.s32 $execute0_lowered;
	[smem:$0x3FD2] =	sst s25  }
0xa6: {  	s5 =	sshll.u32 s26, $0x1;
	_ =	strace $0x80000049;
	[dreg:$0x1] =	wrdreg $0xFFFFFFFF  }
0xa7: {  	s28 =	simm.s32 $_size_execute0_lowered;
	s3 =	sadd.s32 s3, s5;
	[dreg:$0x0] =	wrdreg $0x0  }
0xa8: {  	s5 =	sshll.u32 s28, $0x1;
	[dreg:$0x2] =	wrdreg s3  }
0xa9: {  	[dreg:$0x3] =	wrdreg s5  }
0xaa: {  	[dreg:$0x4] =	wrdreg $0xC0  }
0xab: {  	_ =	task [dreg:s7], $0x5FFFF  }
0xac: {  	[dreg:$0x1] =	wrdreg $0xFFFFFFFF  }
0xad: {  	[dreg:$0x0] =	wrdreg $0x60  }
0xae: {  	[dreg:$0x2] =	wrdreg s24  }
0xaf: {  	[dreg:$0x3] =	wrdreg s2  }
0xb0: {  	[dreg:$0x4] =	wrdreg $0x0  }
0xb1: {  	[dreg:$0x5] =	wrdreg $0x9  }
0xb2: {  	_ =	task.clear_ibuf [dreg:s7], $0x6FFFF;
	_ =	strace $0x90000049  }
0xb3: {  	s29 =	simm.s32 $0x9;
	_ =	strace $0x8000004B  }
0xb4: {  	_ =	swait.ge [sflag:s29], $0x1  }
0xb5: {  	[sflag:s29] =	ssyncadd.s32 $0xFFFFFFFF  }
0xb6: {  	_ =	strace $0x9000004B  }
0xb7: {  	_ =	sfence  }
0xb8: {  	s30 =	sld [smem:$0x0];
	_ =	sdelay $0x2  }
0xb9: {  	s31 =	sshll.u32 s1, $0xD;
	s1 =	sshrl.u32 s1, $0x2  }
0xba: {  	s3 =	sand.u32 $0x4000, s31;
	s1 =	sadd.s32 s1, s30  }
0xbb: {  	s0 =	sor.u32 s3, s0;
	s1 =	sshll.u32 s1, $0x11  }
0xbc: {  	s0 =	sor.u32 s1, s0  }
0xbd: {  	s0 =	sadd.s32 $0x8F2B, s0  }
0xbe: {  	[sflag:s0] =	ssyncadd.remote.s32 $0x1  }
0xbf: {  	_ =	sfence.sel $0xFFFF  }
0xc0: {  	[dreg:$0x0] =	wrdreg $0xFFFFFFFF;
	(pc) =	sbr.abs _section_cstart, $3  }
0xc1: {  	[dreg:$0x1] =	wrdreg $0xFFFFFFFF  }
0xc2: {  	_ =	task.clear_ibuf [dreg:s7], $0x2FFFF;
	_ =	strace $0x9FFFFFFF  }
0xc3: {  	(tm) =	ssettm $0x7FFFFFFF  }
tec
execute0_lowered:
.L_overlay_start_1:
0x0: {  	(tag) =	ssettag $0x1  }
0x1: {  	s0 =	rddreg [dreg:$0x0]  }
0x2: {  	s2 =	rddreg [dreg:$0x1]  }
0x3: {  	s3 =	rddreg [dreg:$0x2];
	s1 =	srdreg.scid  }
0x4: {  	s10 =	stileid.u32;
	s25 =	simm.s32 $0x0;
	s28 =	simm.s32 $0x108C0  }
0x5: {  	s29 =	simm.s32 $0x40;
	s12 =	simm.s32 $0x12A80;
	s13 =	simm.s32 $0x12A40  }
0x6: {  	s14 =	simm.s32 $0x13A80;
	s1 =	sand.u32 $0x1, s1;
	s4 =	smul.u32 $0x1E00, s10  }
0x7: {  	[smem:$0x7FF] =	sst s25;
	s5 =	sadd.s32 $0x2C00, s0;
	s9 =	smul.u32 $0x3C000, s10  }
0x8: {  	s6 =	sadd.s32 $0x2AC00, s0;
	s7 =	sadd.s32 $0xA2C00, s0;
	s10 =	smul.u32 $0x4EC0, s10  }
0x9: {  	s11 =	sadd.s32 $0xACA00, s0;
	s8 =	smul.u32 $0x1E000, s1;
	s9 =	sshrl.u32 s9, $0x2  }
0xa: {  	_ =	strace $0x8000004A;
	[dreg:$0x5] =	wrdreg s11;
	s26 =	sadd.s32 s9, s3  }
0xb: {  	s15 =	ssub.s32 $0x2, s1;
	s17 =	sadd.s32 $0x1800, s26;
	[dreg:$0x6] =	wrdreg s26  }
0xc: {  	s11 =	simm.s32 $0x12A00;
	s18 =	sadd.s32 $0x3000, s26;
	[dreg:$0x7] =	wrdreg s17  }
0xd: {  	s16 =	sshrl.u32 s15, $0x1;
	s19 =	sadd.s32 $0x4800, s26;
	[dreg:$0x8] =	wrdreg s18  }
0xe: {  	s4 =	sadd.s32 s4, s8;
	s20 =	sadd.s32 $0x6000, s26;
	[dreg:$0x9] =	wrdreg s19  }
0xf: {  	s8 =	simm.s32 $0x129C0;
	s21 =	sadd.s32 $0x7800, s26;
	[dreg:$0xa] =	wrdreg s20  }
0x10: {  	s9 =	simm.s32 $0x2;
	s22 =	sadd.s32 $0x9000, s26;
	[dreg:$0xb] =	wrdreg s21  }
0x11: {  	s0 =	sadd.s32 s4, s0;
	s23 =	sadd.s32 $0xA800, s26;
	[dreg:$0xc] =	wrdreg s22  }
0x12: {  	s4 =	ssub.s32 s15, s16;
	s24 =	sadd.s32 $0xC000, s26;
	[dreg:$0xd] =	wrdreg s23  }
0x13: {  	s30 =	sadd.s32 $0xD800, s26;
	s15 =	simm.s32 $0x14A80;
	[dreg:$0xe] =	wrdreg s24  }
0x14: {  	s16 =	simm.s32 $0x14AC0;
	[dreg:$0xf] =	wrdreg s30;
	s20 =	sshll.u32 s1, $0x6  }
0x15: {  	s0 =	sadd.s32 $0x52C00, s0;
	s31 =	smax.u32 s4, $0x1;
	s23 =	simm.s32 $0xF000  }
0x16: {  	s24 =	simm.s32 $0x4;
	s17 =	simm.s32 $0x14B00;
	s18 =	simm.s32 $0x14B80  }
0x17: {  	v0 =	vimm.f32 $0.0e+00;
	vm0 =	vcmask $0x300;
	s19 =	simm.s32 $0x14B40;
	s21 =	simm.s32 $0x15B80;
	[dreg:$0x10] =	wrdreg s0  }
0x18: {  	v2 =	vsel vm0, $0x3F800000, v0;
	v1 =	vmov s1;
	s22 =	simm.s32 $0x1;
	s4 =	simm.s32 $0x3;
	[dreg:$0x11] =	wrdreg s31  }
.LBB2_1:
0x19: {  	s0 =	simm.s32 $0x0  }
0x1a: {  	[tilespmem:s0+$0xF050] =	vst v0  }
0x1b: {  	[tilespmem:s0+$0xF000] =	vst v0  }
0x1c: {  	[tilespmem:s0+$0xF010] =	vst v0  }
0x1d: {  	[tilespmem:s0+$0xF020] =	vst v0  }
0x1e: {  	[dreg:$0x4] =	wrdreg s25;
	s1 =	simm.s32 $0x180;
	[tilespmem:s0+$0xF030] =	vst v0  }
.LBB2_2:
0x1f: {  	p0 =	sne.s32 s1, $0x5E80;
	[tilespmem:s0+$0xF040] =	vst v0;
	s0 =	sshra.s32 s1, $0x2;
	s1 =	sadd.s32 $0x180, s1  }
.Ltmp0:
0x20: {  	[tilespmem:s0+$0xF050] =	vst v0;
	(pc) =	sbr.rel @p0 .LBB2_2-.Ltmp0, $4  }
0x21: {  	[tilespmem:s0+$0xF000] =	vst v0  }
0x22: {  	[tilespmem:s0+$0xF010] =	vst v0  }
0x23: {  	[tilespmem:s0+$0xF020] =	vst v0  }
0x24: {  	[tilespmem:s0+$0xF030] =	vst v0  }
0x25: {  	[tilespmem:s0+$0xF040] =	vst v0  }
0x26: {  	[spmem:s26] =	stream.linear.scatter [tilespmem:s23], [sflag:$0x4], $0x1800, $0x38;
	[tilespmem:$0x16B80] =	vst v63  }
0x27: {  	_ =	swait.ge [sflag:s24], $0x1800  }
0x28: {  	[sflag:s24] =	ssyncset.done $0x0  }
0x29: {  	s26 =	rddreg [dreg:$0x7];
	[sflag:s24] =	ssyncadd.s32 $0xFFFFE800  }
0x2a: {  	[spmem:s26] =	stream.linear.scatter [tilespmem:s23], [sflag:$0x4], $0x1800, $0x38;
	[tilespmem:$0x16B80] =	vst v63  }
0x2b: {  	_ =	swait.ge [sflag:s24], $0x1800  }
0x2c: {  	[sflag:s24] =	ssyncset.done $0x0  }
0x2d: {  	s31 =	rddreg [dreg:$0x8];
	[sflag:s24] =	ssyncadd.s32 $0xFFFFE800  }
0x2e: {  	[spmem:s31] =	stream.linear.scatter [tilespmem:s23], [sflag:$0x4], $0x1800, $0x38;
	[tilespmem:$0x16B80] =	vst v63  }
0x2f: {  	_ =	swait.ge [sflag:s24], $0x1800  }
0x30: {  	[sflag:s24] =	ssyncset.done $0x0  }
0x31: {  	s1 =	rddreg [dreg:$0x9];
	[sflag:s24] =	ssyncadd.s32 $0xFFFFE800  }
0x32: {  	[spmem:s1] =	stream.linear.scatter [tilespmem:s23], [sflag:$0x4], $0x1800, $0x38;
	[tilespmem:$0x16B80] =	vst v63  }
0x33: {  	_ =	swait.ge [sflag:s24], $0x1800  }
0x34: {  	[sflag:s24] =	ssyncset.done $0x0  }
0x35: {  	s25 =	rddreg [dreg:$0xa];
	[sflag:s24] =	ssyncadd.s32 $0xFFFFE800  }
0x36: {  	[spmem:s25] =	stream.linear.scatter [tilespmem:s23], [sflag:$0x4], $0x1800, $0x38;
	[tilespmem:$0x16B80] =	vst v63  }
0x37: {  	_ =	swait.ge [sflag:s24], $0x1800  }
0x38: {  	[sflag:s24] =	ssyncset.done $0x0  }
0x39: {  	s26 =	rddreg [dreg:$0xb];
	[sflag:s24] =	ssyncadd.s32 $0xFFFFE800  }
0x3a: {  	[spmem:s26] =	stream.linear.scatter [tilespmem:s23], [sflag:$0x4], $0x1800, $0x38;
	[tilespmem:$0x16B80] =	vst v63  }
0x3b: {  	_ =	swait.ge [sflag:s24], $0x1800  }
0x3c: {  	[sflag:s24] =	ssyncset.done $0x0  }
0x3d: {  	s31 =	rddreg [dreg:$0xc];
	[sflag:s24] =	ssyncadd.s32 $0xFFFFE800  }
0x3e: {  	[spmem:s31] =	stream.linear.scatter [tilespmem:s23], [sflag:$0x4], $0x1800, $0x38;
	[tilespmem:$0x16B80] =	vst v63  }
0x3f: {  	_ =	swait.ge [sflag:s24], $0x1800  }
0x40: {  	[sflag:s24] =	ssyncset.done $0x0  }
0x41: {  	s1 =	rddreg [dreg:$0xd];
	[sflag:s24] =	ssyncadd.s32 $0xFFFFE800  }
0x42: {  	[spmem:s1] =	stream.linear.scatter [tilespmem:s23], [sflag:$0x4], $0x1800, $0x38;
	[tilespmem:$0x16B80] =	vst v63  }
0x43: {  	_ =	swait.ge [sflag:s24], $0x1800  }
0x44: {  	[sflag:s24] =	ssyncset.done $0x0  }
0x45: {  	s25 =	rddreg [dreg:$0xe];
	[sflag:s24] =	ssyncadd.s32 $0xFFFFE800  }
0x46: {  	[spmem:s25] =	stream.linear.scatter [tilespmem:s23], [sflag:$0x4], $0x1800, $0x38;
	[tilespmem:$0x16B80] =	vst v63  }
0x47: {  	_ =	swait.ge [sflag:s24], $0x1800  }
0x48: {  	[sflag:s24] =	ssyncset.done $0x0  }
0x49: {  	s26 =	rddreg [dreg:$0xf];
	[sflag:s24] =	ssyncadd.s32 $0xFFFFE800  }
0x4a: {  	[spmem:s26] =	stream.linear.scatter [tilespmem:s23], [sflag:$0x4], $0x1800, $0x38;
	[tilespmem:$0x16B80] =	vst v63  }
0x4b: {  	_ =	swait.ge [sflag:s24], $0x1800  }
0x4c: {  	s1 =	simm.s32 $0x10800;
	[sflag:s24] =	ssyncset.done $0x0  }
0x4d: {  	s26 =	simm.s32 $0x0;
	s31 =	rddreg [dreg:$0x5];
	[sflag:s24] =	ssyncadd.s32 $0xFFFFE800  }
0x4e: {  	[tilespmem:s1], [sflag:$0x4] =	stream.linear.gather [hbm4b:s31+s26], $0x80, $0x38;
	[tilespmem:$0x16B80] =	vst v63  }
0x4f: {  	_ =	swait.ge [sflag:s24], $0x80  }
0x50: {  	[sflag:s24] =	ssyncset.done $0x0  }
0x51: {  	[sflag:s24] =	ssyncadd.s32 $0xFFFFFF80  }
0x52: {  	s30 =	simm.s32 $0x0;
	[bflag:$0x0] =	sbarrier.arrive $0xFFFF  }
.LBB2_4:
0x53: {  	s0 =	smul.u32 $0xC0, s30;
	_ =	sdelay $0x1  }
0x54: {  	s0 =	sadd.s32 s10, s0  }
0x55: {  	s0 =	sshrl.u32 s0, $0x3  }
0x56: {  	s25 =	simm.s32 $0x10880;
	s1 =	sadd.s32 s2, s0  }
0x57: {  	[tilespmem:s25], [sflag:$0x4] =	stream.linear.gather [hbm4b:s1+s26], $0x40, $0x38;
	[tilespmem:$0x16B80] =	vst v63  }
0x58: {  	_ =	swait.ge [sflag:s24], $0x40  }
0x59: {  	[sflag:s24] =	ssyncset.done $0x0  }
0x5a: {  	s25 =	sadd.s32 s7, s0;
	[sflag:s24] =	ssyncadd.s32 $0xFFFFFFC0  }
0x5b: {  	[tilespmem:s28], [sflag:$0x4] =	stream.linear.gather [hbm4b:s25+s26], $0x40, $0x38;
	[tilespmem:$0x16B80] =	vst v63  }
0x5c: {  	_ =	swait.ge [sflag:s24], $0x40  }
0x5d: {  	[sflag:s24] =	ssyncset.done $0x0  }
0x5e: {  	[sflag:s24] =	ssyncadd.s32 $0xFFFFFFC0  }
0x5f: {  	v3 =	vld [tilespmem:$0x10880]  }
0x60: {  	v4 =	vld [tilespmem:$0x108C0]  }
0x61: {  	v5 =	vld [tilespmem:$0x10890]  }
0x62: {  	v6 =	vld [tilespmem:$0x108D0]  }
0x63: {  	v7 =	vld [tilespmem:$0x108A0]  }
0x64: {  	v8 =	vld [tilespmem:$0x108E0];
	v3 =	vshll.u32 v3, $0x1  }
0x65: {  	v9 =	vld [tilespmem:$0x108B0];
	v4 =	vshll.u32 v4, $0x1;
	v3 =	vor.u32 v1, v3  }
0x66: {  	[tilespmem:$0x10900] =	vst v3;
	v3 =	vor.u32 v1, v4;
	v4 =	vshll.u32 v5, $0x1;
	v5 =	vld [tilespmem:$0x108F0]  }
0x67: {  	[tilespmem:$0x10940] =	vst v3;
	v3 =	vor.u32 v1, v4;
	v4 =	vshll.u32 v6, $0x1  }
0x68: {  	[tilespmem:$0x10910] =	vst v3;
	v3 =	vor.u32 v1, v4;
	v4 =	vshll.u32 v7, $0x1  }
0x69: {  	[tilespmem:$0x10950] =	vst v3;
	v3 =	vor.u32 v1, v4;
	v4 =	vshll.u32 v8, $0x1  }
0x6a: {  	[tilespmem:$0x10920] =	vst v3;
	v3 =	vor.u32 v1, v4;
	v4 =	vshll.u32 v9, $0x1  }
0x6b: {  	[tilespmem:$0x10960] =	vst v3;
	v3 =	vor.u32 v1, v4;
	v4 =	vshll.u32 v5, $0x1  }
0x6c: {  	[tilespmem:$0x10930] =	vst v3;
	v3 =	vor.u32 v1, v4  }
0x6d: {  	s1 =	simm.s32 $0x10900;
	s25 =	simm.s32 $0x10980;
	[tilespmem:$0x10970] =	vst v3  }
0x6e: {  	[tilespmem:s25], [sflag:$0x1] =	stream.indirect.gather [hbm4b:s5+s29], $0x40, s1, s29, $0xb8;
	[tilespmem:$0x16B80] =	vst v63  }
0x6f: {  	s1 =	simm.s32 $0x10940;
	s25 =	simm.s32 $0x11980  }
0x70: {  	[tilespmem:s25], [sflag:$0x1] =	stream.indirect.gather [hbm4b:s6+s29], $0x40, s1, s29, $0xb8;
	[tilespmem:$0x16B80] =	vst v63  }
0x71: {  	s1 =	sadd.s32 $0x8, s0  }
0x72: {  	s31 =	simm.s32 $0x12980;
	s25 =	sadd.s32 s2, s1  }
0x73: {  	[tilespmem:s31], [sflag:$0x4] =	stream.linear.gather [hbm4b:s25+s26], $0x40, $0x38;
	[tilespmem:$0x16B80] =	vst v63  }
0x74: {  	_ =	swait.ge [sflag:s24], $0x40  }
0x75: {  	[sflag:s24] =	ssyncset.done $0x0  }
0x76: {  	s1 =	sadd.s32 s7, s1;
	[sflag:s24] =	ssyncadd.s32 $0xFFFFFFC0  }
0x77: {  	[tilespmem:s8], [sflag:$0x4] =	stream.linear.gather [hbm4b:s1+s26], $0x40, $0x38;
	[tilespmem:$0x16B80] =	vst v63  }
0x78: {  	_ =	swait.ge [sflag:s24], $0x40  }
0x79: {  	[sflag:s24] =	ssyncset.done $0x0  }
0x7a: {  	[sflag:s24] =	ssyncadd.s32 $0xFFFFFFC0  }
0x7b: {  	v3 =	vld [tilespmem:$0x12980]  }
0x7c: {  	v4 =	vld [tilespmem:$0x129C0]  }
0x7d: {  	v5 =	vld [tilespmem:$0x12990]  }
0x7e: {  	v6 =	vld [tilespmem:$0x129D0]  }
0x7f: {  	v7 =	vld [tilespmem:$0x129A0]  }
0x80: {  	v56 =	vld [tilespmem:$0x129E0];
	v3 =	vshll.u32 v3, $0x1  }
0x81: {  	v57 =	vld [tilespmem:$0x129B0];
	v4 =	vshll.u32 v4, $0x1;
	v3 =	vor.u32 v1, v3  }
0x82: {  	[tilespmem:$0x12A00] =	vst v3;
	v3 =	vor.u32 v1, v4;
	v4 =	vshll.u32 v5, $0x1;
	v5 =	vld [tilespmem:$0x129F0]  }
0x83: {  	[tilespmem:$0x12A40] =	vst v3;
	v3 =	vor.u32 v1, v4;
	v4 =	vshll.u32 v6, $0x1  }
0x84: {  	[tilespmem:$0x12A10] =	vst v3;
	v3 =	vor.u32 v1, v4;
	v4 =	vshll.u32 v7, $0x1  }
0x85: {  	[tilespmem:$0x12A50] =	vst v3;
	v3 =	vor.u32 v1, v4;
	v4 =	vshll.u32 v56, $0x1  }
0x86: {  	[tilespmem:$0x12A20] =	vst v3;
	v3 =	vor.u32 v1, v4;
	v4 =	vshll.u32 v57, $0x1  }
0x87: {  	[tilespmem:$0x12A60] =	vst v3;
	v3 =	vor.u32 v1, v4;
	v4 =	vshll.u32 v5, $0x1  }
0x88: {  	[tilespmem:$0x12A30] =	vst v3;
	v3 =	vor.u32 v1, v4  }
0x89: {  	[tilespmem:$0x12A70] =	vst v3  }
0x8a: {  	[tilespmem:s12], [sflag:$0x2] =	stream.indirect.gather [hbm4b:s5+s29], $0x40, s11, s29, $0xb8;
	[tilespmem:$0x16B80] =	vst v63  }
0x8b: {  	s0 =	sadd.s32 $0x10, s0  }
0x8c: {  	[tilespmem:s14], [sflag:$0x2] =	stream.indirect.gather [hbm4b:s6+s29], $0x40, s13, s29, $0xb8;
	[tilespmem:$0x16B80] =	vst v63  }
0x8d: {  	s25 =	sadd.s32 s2, s0  }
0x8e: {  	[tilespmem:s15], [sflag:$0x4] =	stream.linear.gather [hbm4b:s25+s26], $0x40, $0x38;
	[tilespmem:$0x16B80] =	vst v63  }
0x8f: {  	_ =	swait.ge [sflag:s24], $0x40  }
0x90: {  	[sflag:s24] =	ssyncset.done $0x0  }
0x91: {  	s0 =	sadd.s32 s7, s0;
	[sflag:s24] =	ssyncadd.s32 $0xFFFFFFC0  }
0x92: {  	[tilespmem:s16], [sflag:$0x4] =	stream.linear.gather [hbm4b:s0+s26], $0x40, $0x38;
	[tilespmem:$0x16B80] =	vst v63  }
0x93: {  	_ =	swait.ge [sflag:s24], $0x40  }
0x94: {  	[sflag:s24] =	ssyncset.done $0x0  }
0x95: {  	[sflag:s24] =	ssyncadd.s32 $0xFFFFFFC0  }
0x96: {  	v3 =	vld [tilespmem:$0x14A80]  }
0x97: {  	v4 =	vld [tilespmem:$0x14AC0]  }
0x98: {  	v5 =	vld [tilespmem:$0x14A90]  }
0x99: {  	v6 =	vld [tilespmem:$0x14AD0]  }
0x9a: {  	v7 =	vld [tilespmem:$0x14AA0]  }
0x9b: {  	v58 =	vld [tilespmem:$0x14AE0];
	v3 =	vshll.u32 v3, $0x1  }
0x9c: {  	v59 =	vld [tilespmem:$0x14AB0];
	v4 =	vshll.u32 v4, $0x1;
	v3 =	vor.u32 v1, v3  }
0x9d: {  	[tilespmem:$0x14B00] =	vst v3;
	v3 =	vor.u32 v1, v4;
	v4 =	vshll.u32 v5, $0x1;
	v5 =	vld [tilespmem:$0x14AF0]  }
0x9e: {  	[tilespmem:$0x14B40] =	vst v3;
	v3 =	vor.u32 v1, v4;
	v4 =	vshll.u32 v6, $0x1  }
0x9f: {  	[tilespmem:$0x14B10] =	vst v3;
	v3 =	vor.u32 v1, v4;
	v4 =	vshll.u32 v7, $0x1  }
0xa0: {  	[tilespmem:$0x14B50] =	vst v3;
	v3 =	vor.u32 v1, v4;
	v4 =	vshll.u32 v58, $0x1  }
0xa1: {  	[tilespmem:$0x14B20] =	vst v3;
	v3 =	vor.u32 v1, v4;
	v4 =	vshll.u32 v59, $0x1  }
0xa2: {  	[tilespmem:$0x14B60] =	vst v3;
	v3 =	vor.u32 v1, v4;
	v4 =	vshll.u32 v5, $0x1  }
0xa3: {  	[tilespmem:$0x14B30] =	vst v3;
	v3 =	vor.u32 v1, v4  }
0xa4: {  	[tilespmem:$0x14B70] =	vst v3  }
0xa5: {  	[tilespmem:s18], [sflag:$0x3] =	stream.indirect.gather [hbm4b:s5+s29], $0x40, s17, s29, $0xb8;
	[tilespmem:$0x16B80] =	vst v63  }
0xa6: {  	_ = 	snop  }
0xa7: {  	[tilespmem:s21], [sflag:$0x3] =	stream.indirect.gather [hbm4b:s6+s29], $0x40, s19, s29, $0xb8;
	[tilespmem:$0x16B80] =	vst v63  }
0xa8: {  	_ =	swait.ge [sflag:s22], $0x1000  }
0xa9: {  	[sflag:s22] =	ssyncset.done $0x0  }
0xaa: {  	[sflag:s22] =	ssyncadd.s32 $0xFFFFF000  }
0xab: {  	_ =	swait.ge [sflag:s22], $0x1000  }
0xac: {  	[sflag:s22] =	ssyncset.done $0x0  }
0xad: {  	s25 =	simm.s32 $0x0;
	[sflag:s22] =	ssyncadd.s32 $0xFFFFF000  }
0xae: {  	v3 =	vld [tilespmem:s25+$0x10980]  }
0xaf: {  	v4 =	vld [tilespmem:s25+$0x11980]  }
0xb0: {  	v5 =	vld [tilespmem:s25+$0x11990]  }
0xb1: {  	v6 =	vld [tilespmem:s25+$0x10990];
	_ =	sdelay $0x2  }
0xb2: {  	v7 =	vld [tilespmem:s20+$0x10800];
	v4 =	vadd.f32 v4, v3;
	_ =	sdelay $0x1  }
0xb3: {  	v5 =	vadd.f32 v5, v6;
	v6 =	vld [tilespmem:s20+$0x10810];
	v60 =	vmul.f32 $2.000000030e-01, v4  }
0xb4: {  	vm0 =	vgt.f32 v4, $0.0e+00  }
0xb5: {  	v61 =	vmul.f32 $2.000000030e-01, v5;
	v4 =	vsel vm0, v4, v60  }
0xb6: {  	vm13 =	vgt.f32 v5, $0.0e+00;
	v4 =	vmul.f32 v4, v7  }
0xb7: {  	v5 =	vsel vm13, v5, v61  }
0xb8: {  	v5 =	vmul.f32 v5, v6;
	v4 =	vadd.f32 $0.0e+00, v4;
	_ =	sdelay $0x1  }
0xb9: {  	v4 =	vadd.f32 v5, v4;
	_ =	sdelay $0x1  }
0xba: {  	(xrf2) =	vadd.scan.msk.f32 $0xffff, v4;
	_ =	sdelay $0x9  }
0xbb: {  	v4, _, _ =	vpop (xrf2)  }
0xbc: {  	v4 =	vmul.f32 $1.442695020e+00, v4;
	_ =	sdelay $0x1  }
0xbd: {  	v4 =	vbroadcast v4, $0xF;
	_ =	sdelay $0x1  }
0xbe: {  	(erf) = vpow2.f32 v4;
	_ =	sdelay $0x8  }
0xbf: {  	v4 =	vpop (erf)  }
0xc0: {  	v3 =	vmul.f32 v4, v3  }
0xc1: {  	s31 =	simm.s32 $0xF030  }
0xc2: {  	[tilespmem:s31+$0xFFFFFFD0] =	vst v3  }
0xc3: {  	v3 =	vld [tilespmem:s25+$0x10990];
	_ =	sdelay $0x3  }
0xc4: {  	v5 =	vmul.f32 v2, v4  }
0xc5: {  	v3 =	vmul.f32 v4, v3  }
0xc6: {  	[tilespmem:s31+$0xFFFFFFF0] =	vst v5  }
0xc7: {  	[tilespmem:s31+$0xFFFFFFE0] =	vst v3  }
0xc8: {  	v4 =	vld [tilespmem:s25+$0x109A0]  }
0xc9: {  	v3 =	vld [tilespmem:s25+$0x119A0]  }
0xca: {  	v5 =	vld [tilespmem:s25+$0x119B0]  }
0xcb: {  	v6 =	vld [tilespmem:s25+$0x109B0];
	_ =	sdelay $0x2  }
0xcc: {  	v7 =	vld [tilespmem:s20+$0x10820];
	v3 =	vadd.f32 v3, v4;
	_ =	sdelay $0x1  }
0xcd: {  	v5 =	vadd.f32 v5, v6;
	v6 =	vld [tilespmem:s20+$0x10830];
	v62 =	vmul.f32 $2.000000030e-01, v3  }
0xce: {  	vm14 =	vgt.f32 v3, $0.0e+00  }
0xcf: {  	v63 =	vmul.f32 $2.000000030e-01, v5;
	v3 =	vsel vm14, v3, v62  }
0xd0: {  	vm15 =	vgt.f32 v5, $0.0e+00;
	v3 =	vmul.f32 v3, v7  }
0xd1: {  	v5 =	vsel vm15, v5, v63  }
0xd2: {  	v5 =	vmul.f32 v5, v6;
	v3 =	vadd.f32 $0.0e+00, v3;
	_ =	sdelay $0x1  }
0xd3: {  	v3 =	vadd.f32 v5, v3;
	_ =	sdelay $0x1  }
0xd4: {  	(xrf2) =	vadd.scan.msk.f32 $0xffff, v3;
	_ =	sdelay $0x9  }
0xd5: {  	v3, _, _ =	vpop (xrf2)  }
0xd6: {  	v3 =	vmul.f32 $1.442695020e+00, v3;
	_ =	sdelay $0x1  }
0xd7: {  	v3 =	vbroadcast v3, $0xF;
	_ =	sdelay $0x1  }
0xd8: {  	(erf) = vpow2.f32 v3;
	_ =	sdelay $0x8  }
0xd9: {  	v3 =	vpop (erf)  }
0xda: {  	v4 =	vmul.f32 v3, v4;
	_ =	sdelay $0x1  }
0xdb: {  	v5 =	vmul.f32 v2, v3;
	[tilespmem:s31+$0x0] =	vst v4  }
0xdc: {  	v4 =	vld [tilespmem:s25+$0x109B0]  }
0xdd: {  	s0 =	simm.s32 $0x100;
	[tilespmem:s31+$0x20] =	vst v5;
	s25 =	simm.s32 $0xF030  }
.LBB2_5:
0xde: {  	p0 =	sne.s32 s0, $0x3F00  }
0xdf: {  	s31 =	sadd.s32 $0x60, s31;
	s1 =	smov.u32 s0;
	s0 =	sadd.s32 $0x100, s0  }
0xe0: {  	_ = 	snop  }
0xe1: {  	v3 =	vmul.f32 v3, v4  }
0xe2: {  	s1 =	sshra.s32 s1, $0x2  }
0xe3: {  	[tilespmem:s25+$0x10] =	vst v3;
	s25 =	smov.u32 s31  }
0xe4: {  	v3 =	vld [tilespmem:s1+$0x10980]  }
0xe5: {  	v4 =	vld [tilespmem:s1+$0x11980]  }
0xe6: {  	v5 =	vld [tilespmem:s1+$0x11990]  }
0xe7: {  	v6 =	vld [tilespmem:s1+$0x10990];
	_ =	sdelay $0x2  }
0xe8: {  	v4 =	vadd.f32 v4, v3;
	v7 =	vld [tilespmem:s20+$0x10800];
	_ =	sdelay $0x1  }
0xe9: {  	v8 =	vmul.f32 $2.000000030e-01, v4;
	v5 =	vadd.f32 v5, v6;
	v6 =	vld [tilespmem:s20+$0x10810]  }
0xea: {  	vm0 =	vgt.f32 v4, $0.0e+00  }
0xeb: {  	v4 =	vsel vm0, v4, v8;
	v8 =	vmul.f32 $2.000000030e-01, v5  }
0xec: {  	vm0 =	vgt.f32 v5, $0.0e+00;
	v4 =	vmul.f32 v4, v7  }
0xed: {  	v5 =	vsel vm0, v5, v8  }
0xee: {  	v4 =	vadd.f32 $0.0e+00, v4;
	v5 =	vmul.f32 v5, v6;
	_ =	sdelay $0x1  }
0xef: {  	v4 =	vadd.f32 v5, v4;
	_ =	sdelay $0x1  }
0xf0: {  	(xrf2) =	vadd.scan.msk.f32 $0xffff, v4;
	_ =	sdelay $0x9  }
0xf1: {  	v4, _, _ =	vpop (xrf2)  }
0xf2: {  	v4 =	vmul.f32 $1.442695020e+00, v4;
	_ =	sdelay $0x1  }
0xf3: {  	v4 =	vbroadcast v4, $0xF;
	_ =	sdelay $0x1  }
0xf4: {  	(erf) = vpow2.f32 v4;
	_ =	sdelay $0x8  }
0xf5: {  	v4 =	vpop (erf)  }
0xf6: {  	v3 =	vmul.f32 v4, v3;
	_ =	sdelay $0x1  }
0xf7: {  	[tilespmem:s31+$0xFFFFFFD0] =	vst v3;
	v3 =	vmul.f32 v2, v4  }
0xf8: {  	v5 =	vld [tilespmem:s1+$0x10990]  }
0xf9: {  	[tilespmem:s31+$0xFFFFFFF0] =	vst v3;
	_ =	sdelay $0x3  }
0xfa: {  	v3 =	vmul.f32 v4, v5;
	_ =	sdelay $0x1  }
0xfb: {  	[tilespmem:s31+$0xFFFFFFE0] =	vst v3  }
0xfc: {  	v3 =	vld [tilespmem:s1+$0x119B0]  }
0xfd: {  	v4 =	vld [tilespmem:s1+$0x109A0]  }
0xfe: {  	v5 =	vld [tilespmem:s1+$0x119A0]  }
0xff: {  	v6 =	vld [tilespmem:s1+$0x109B0];
	_ =	sdelay $0x2  }
0x100: {  	v7 =	vld [tilespmem:s20+$0x10820]  }
0x101: {  	v5 =	vadd.f32 v5, v4  }
0x102: {  	v3 =	vadd.f32 v3, v6;
	v6 =	vld [tilespmem:s20+$0x10830]  }
0x103: {  	vm0 =	vgt.f32 v5, $0.0e+00;
	v8 =	vmul.f32 $2.000000030e-01, v5  }
0x104: {  	v9 =	vmul.f32 $2.000000030e-01, v3  }
0x105: {  	v5 =	vsel vm0, v5, v8;
	vm0 =	vgt.f32 v3, $0.0e+00  }
0x106: {  	v5 =	vmul.f32 v5, v7;
	v3 =	vsel vm0, v3, v9  }
0x107: {  	v3 =	vmul.f32 v3, v6  }
0x108: {  	v5 =	vadd.f32 $0.0e+00, v5;
	_ =	sdelay $0x1  }
0x109: {  	v3 =	vadd.f32 v3, v5;
	_ =	sdelay $0x1  }
0x10a: {  	(xrf2) =	vadd.scan.msk.f32 $0xffff, v3;
	_ =	sdelay $0x9  }
0x10b: {  	v3, _, _ =	vpop (xrf2)  }
0x10c: {  	v3 =	vmul.f32 $1.442695020e+00, v3;
	_ =	sdelay $0x1  }
0x10d: {  	v3 =	vbroadcast v3, $0xF;
	_ =	sdelay $0x1  }
0x10e: {  	(erf) = vpow2.f32 v3;
	_ =	sdelay $0x8  }
0x10f: {  	v3 =	vpop (erf)  }
.Ltmp1:
0x110: {  	v4 =	vmul.f32 v3, v4;
	(pc) =	sbr.rel @p0 .LBB2_5-.Ltmp1, $4  }
0x111: {  	_ = 	snop  }
0x112: {  	v5 =	vmul.f32 v2, v3;
	[tilespmem:s31+$0x0] =	vst v4  }
0x113: {  	v4 =	vld [tilespmem:s1+$0x109B0]  }
0x114: {  	[tilespmem:s31+$0x20] =	vst v5  }
0x115: {  	_ =	sdelay $0x2  }
0x116: {  	v3 =	vmul.f32 v3, v4;
	_ =	sdelay $0x1  }
0x117: {  	[tilespmem:s25+$0x10] =	vst v3  }
0x118: {  	[spmem:s3] =	stream.indirect.scatter.add.f32 [tilespmem:s23], [sflag:$0x4], $0x60, s28, s29, $0xb8;
	[tilespmem:$0x16B80] =	vst v63  }
0x119: {  	_ =	swait.ge [sflag:s24], $0x1800  }
0x11a: {  	[sflag:s24] =	ssyncset.done $0x0  }
0x11b: {  	[sflag:s24] =	ssyncadd.s32 $0xFFFFE800  }
0x11c: {  	_ =	swait.ge [sflag:s9], $0x1000  }
0x11d: {  	[sflag:s9] =	ssyncset.done $0x0  }
0x11e: {  	[sflag:s9] =	ssyncadd.s32 $0xFFFFF000  }
0x11f: {  	_ =	swait.ge [sflag:s9], $0x1000  }
0x120: {  	[sflag:s9] =	ssyncset.done $0x0  }
0x121: {  	s0 =	simm.s32 $0x0;
	[sflag:s9] =	ssyncadd.s32 $0xFFFFF000  }
0x122: {  	v3 =	vld [tilespmem:s0+$0x12A80]  }
0x123: {  	v4 =	vld [tilespmem:s0+$0x13A80]  }
0x124: {  	v5 =	vld [tilespmem:s0+$0x13A90]  }
0x125: {  	v6 =	vld [tilespmem:s0+$0x12A90];
	_ =	sdelay $0x2  }
0x126: {  	v7 =	vld [tilespmem:s20+$0x10800];
	v4 =	vadd.f32 v4, v3;
	_ =	sdelay $0x1  }
0x127: {  	v5 =	vadd.f32 v5, v6;
	v6 =	vld [tilespmem:s20+$0x10810];
	v8 =	vmul.f32 $2.000000030e-01, v4  }
0x128: {  	vm0 =	vgt.f32 v4, $0.0e+00  }
0x129: {  	v62 =	vmul.f32 $2.000000030e-01, v5;
	v4 =	vsel vm0, v4, v8  }
0x12a: {  	vm13 =	vgt.f32 v5, $0.0e+00;
	v4 =	vmul.f32 v4, v7  }
0x12b: {  	v5 =	vsel vm13, v5, v62  }
0x12c: {  	v5 =	vmul.f32 v5, v6;
	v4 =	vadd.f32 $0.0e+00, v4;
	_ =	sdelay $0x1  }
0x12d: {  	v4 =	vadd.f32 v5, v4;
	_ =	sdelay $0x1  }
0x12e: {  	(xrf2) =	vadd.scan.msk.f32 $0xffff, v4;
	_ =	sdelay $0x9  }
0x12f: {  	v4, _, _ =	vpop (xrf2)  }
0x130: {  	v4 =	vmul.f32 $1.442695020e+00, v4;
	_ =	sdelay $0x1  }
0x131: {  	v4 =	vbroadcast v4, $0xF;
	_ =	sdelay $0x1  }
0x132: {  	(erf) = vpow2.f32 v4;
	_ =	sdelay $0x8  }
0x133: {  	v4 =	vpop (erf)  }
0x134: {  	v3 =	vmul.f32 v4, v3  }
0x135: {  	s31 =	simm.s32 $0xF030  }
0x136: {  	[tilespmem:s31+$0xFFFFFFD0] =	vst v3  }
0x137: {  	v3 =	vld [tilespmem:s0+$0x12A90];
	_ =	sdelay $0x3  }
0x138: {  	v5 =	vmul.f32 v2, v4  }
0x139: {  	v3 =	vmul.f32 v4, v3  }
0x13a: {  	[tilespmem:s31+$0xFFFFFFF0] =	vst v5  }
0x13b: {  	[tilespmem:s31+$0xFFFFFFE0] =	vst v3  }
0x13c: {  	v4 =	vld [tilespmem:s0+$0x12AA0]  }
0x13d: {  	v3 =	vld [tilespmem:s0+$0x13AA0]  }
0x13e: {  	v5 =	vld [tilespmem:s0+$0x13AB0]  }
0x13f: {  	v6 =	vld [tilespmem:s0+$0x12AB0];
	_ =	sdelay $0x2  }
0x140: {  	v7 =	vld [tilespmem:s20+$0x10820];
	v3 =	vadd.f32 v3, v4;
	_ =	sdelay $0x1  }
0x141: {  	v5 =	vadd.f32 v5, v6;
	v6 =	vld [tilespmem:s20+$0x10830];
	v63 =	vmul.f32 $2.000000030e-01, v3  }
0x142: {  	vm14 =	vgt.f32 v3, $0.0e+00  }
0x143: {  	v9 =	vmul.f32 $2.000000030e-01, v5;
	v3 =	vsel vm14, v3, v63  }
0x144: {  	vm15 =	vgt.f32 v5, $0.0e+00;
	v3 =	vmul.f32 v3, v7  }
0x145: {  	v5 =	vsel vm15, v5, v9  }
0x146: {  	v5 =	vmul.f32 v5, v6;
	v3 =	vadd.f32 $0.0e+00, v3;
	_ =	sdelay $0x1  }
0x147: {  	v3 =	vadd.f32 v5, v3;
	_ =	sdelay $0x1  }
0x148: {  	(xrf2) =	vadd.scan.msk.f32 $0xffff, v3;
	_ =	sdelay $0x9  }
0x149: {  	v3, _, _ =	vpop (xrf2)  }
0x14a: {  	v3 =	vmul.f32 $1.442695020e+00, v3;
	_ =	sdelay $0x1  }
0x14b: {  	v3 =	vbroadcast v3, $0xF;
	_ =	sdelay $0x1  }
0x14c: {  	(erf) = vpow2.f32 v3;
	_ =	sdelay $0x8  }
0x14d: {  	v3 =	vpop (erf)  }
0x14e: {  	v4 =	vmul.f32 v3, v4;
	_ =	sdelay $0x1  }
0x14f: {  	v5 =	vmul.f32 v2, v3;
	[tilespmem:s31+$0x0] =	vst v4  }
0x150: {  	v4 =	vld [tilespmem:s0+$0x12AB0]  }
0x151: {  	s25 =	simm.s32 $0xF030;
	s0 =	simm.s32 $0x100;
	[tilespmem:s31+$0x20] =	vst v5  }
.LBB2_7:
0x152: {  	p0 =	sne.s32 s0, $0x3F00  }
0x153: {  	s31 =	sadd.s32 $0x60, s31;
	s1 =	smov.u32 s0;
	s0 =	sadd.s32 $0x100, s0  }
0x154: {  	_ = 	snop  }
0x155: {  	v3 =	vmul.f32 v3, v4  }
0x156: {  	s1 =	sshra.s32 s1, $0x2  }
0x157: {  	[tilespmem:s25+$0x10] =	vst v3;
	s25 =	smov.u32 s31  }
0x158: {  	v3 =	vld [tilespmem:s1+$0x12A80]  }
0x159: {  	v4 =	vld [tilespmem:s1+$0x13A80]  }
0x15a: {  	v5 =	vld [tilespmem:s1+$0x13A90]  }
0x15b: {  	v6 =	vld [tilespmem:s1+$0x12A90];
	_ =	sdelay $0x2  }
0x15c: {  	v4 =	vadd.f32 v4, v3;
	v7 =	vld [tilespmem:s20+$0x10800];
	_ =	sdelay $0x1  }
0x15d: {  	v8 =	vmul.f32 $2.000000030e-01, v4;
	v5 =	vadd.f32 v5, v6;
	v6 =	vld [tilespmem:s20+$0x10810]  }
0x15e: {  	vm0 =	vgt.f32 v4, $0.0e+00  }
0x15f: {  	v4 =	vsel vm0, v4, v8;
	v8 =	vmul.f32 $2.000000030e-01, v5  }
0x160: {  	vm0 =	vgt.f32 v5, $0.0e+00;
	v4 =	vmul.f32 v4, v7  }
0x161: {  	v5 =	vsel vm0, v5, v8  }
0x162: {  	v4 =	vadd.f32 $0.0e+00, v4;
	v5 =	vmul.f32 v5, v6;
	_ =	sdelay $0x1  }
0x163: {  	v4 =	vadd.f32 v5, v4;
	_ =	sdelay $0x1  }
0x164: {  	(xrf2) =	vadd.scan.msk.f32 $0xffff, v4;
	_ =	sdelay $0x9  }
0x165: {  	v4, _, _ =	vpop (xrf2)  }
0x166: {  	v4 =	vmul.f32 $1.442695020e+00, v4;
	_ =	sdelay $0x1  }
0x167: {  	v4 =	vbroadcast v4, $0xF;
	_ =	sdelay $0x1  }
0x168: {  	(erf) = vpow2.f32 v4;
	_ =	sdelay $0x8  }
0x169: {  	v4 =	vpop (erf)  }
0x16a: {  	v3 =	vmul.f32 v4, v3;
	_ =	sdelay $0x1  }
0x16b: {  	[tilespmem:s31+$0xFFFFFFD0] =	vst v3;
	v3 =	vmul.f32 v2, v4  }
0x16c: {  	v5 =	vld [tilespmem:s1+$0x12A90]  }
0x16d: {  	[tilespmem:s31+$0xFFFFFFF0] =	vst v3;
	_ =	sdelay $0x3  }
0x16e: {  	v3 =	vmul.f32 v4, v5;
	_ =	sdelay $0x1  }
0x16f: {  	[tilespmem:s31+$0xFFFFFFE0] =	vst v3  }
0x170: {  	v3 =	vld [tilespmem:s1+$0x13AB0]  }
0x171: {  	v4 =	vld [tilespmem:s1+$0x12AA0]  }
0x172: {  	v5 =	vld [tilespmem:s1+$0x13AA0]  }
0x173: {  	v6 =	vld [tilespmem:s1+$0x12AB0];
	_ =	sdelay $0x2  }
0x174: {  	v7 =	vld [tilespmem:s20+$0x10820]  }
0x175: {  	v5 =	vadd.f32 v5, v4  }
0x176: {  	v3 =	vadd.f32 v3, v6;
	v6 =	vld [tilespmem:s20+$0x10830]  }
0x177: {  	vm0 =	vgt.f32 v5, $0.0e+00;
	v8 =	vmul.f32 $2.000000030e-01, v5  }
0x178: {  	v9 =	vmul.f32 $2.000000030e-01, v3  }
0x179: {  	v5 =	vsel vm0, v5, v8;
	vm0 =	vgt.f32 v3, $0.0e+00  }
0x17a: {  	v5 =	vmul.f32 v5, v7;
	v3 =	vsel vm0, v3, v9  }
0x17b: {  	v3 =	vmul.f32 v3, v6  }
0x17c: {  	v5 =	vadd.f32 $0.0e+00, v5;
	_ =	sdelay $0x1  }
0x17d: {  	v3 =	vadd.f32 v3, v5;
	_ =	sdelay $0x1  }
0x17e: {  	(xrf2) =	vadd.scan.msk.f32 $0xffff, v3;
	_ =	sdelay $0x9  }
0x17f: {  	v3, _, _ =	vpop (xrf2)  }
0x180: {  	v3 =	vmul.f32 $1.442695020e+00, v3;
	_ =	sdelay $0x1  }
0x181: {  	v3 =	vbroadcast v3, $0xF;
	_ =	sdelay $0x1  }
0x182: {  	(erf) = vpow2.f32 v3;
	_ =	sdelay $0x8  }
0x183: {  	v3 =	vpop (erf)  }
.Ltmp2:
0x184: {  	v4 =	vmul.f32 v3, v4;
	(pc) =	sbr.rel @p0 .LBB2_7-.Ltmp2, $4  }
0x185: {  	_ = 	snop  }
0x186: {  	v5 =	vmul.f32 v2, v3;
	[tilespmem:s31+$0x0] =	vst v4  }
0x187: {  	v4 =	vld [tilespmem:s1+$0x12AB0]  }
0x188: {  	[tilespmem:s31+$0x20] =	vst v5  }
0x189: {  	_ =	sdelay $0x2  }
0x18a: {  	v3 =	vmul.f32 v3, v4;
	_ =	sdelay $0x1  }
0x18b: {  	[tilespmem:s25+$0x10] =	vst v3  }
0x18c: {  	[spmem:s3] =	stream.indirect.scatter.add.f32 [tilespmem:s23], [sflag:$0x4], $0x60, s8, s29, $0xb8;
	[tilespmem:$0x16B80] =	vst v63  }
0x18d: {  	_ =	swait.ge [sflag:s24], $0x1800  }
0x18e: {  	[sflag:s24] =	ssyncset.done $0x0  }
0x18f: {  	[sflag:s24] =	ssyncadd.s32 $0xFFFFE800  }
0x190: {  	_ =	swait.ge [sflag:s4], $0x1000  }
0x191: {  	[sflag:s4] =	ssyncset.done $0x0  }
0x192: {  	[sflag:s4] =	ssyncadd.s32 $0xFFFFF000  }
0x193: {  	_ =	swait.ge [sflag:s4], $0x1000  }
0x194: {  	[sflag:s4] =	ssyncset.done $0x0  }
0x195: {  	s0 =	simm.s32 $0x0;
	[sflag:s4] =	ssyncadd.s32 $0xFFFFF000  }
0x196: {  	v3 =	vld [tilespmem:s0+$0x14B80]  }
0x197: {  	v4 =	vld [tilespmem:s0+$0x15B80]  }
0x198: {  	v5 =	vld [tilespmem:s0+$0x15B90]  }
0x199: {  	v6 =	vld [tilespmem:s0+$0x14B90];
	_ =	sdelay $0x2  }
0x19a: {  	v7 =	vld [tilespmem:s20+$0x10800];
	v4 =	vadd.f32 v4, v3;
	_ =	sdelay $0x1  }
0x19b: {  	v5 =	vadd.f32 v5, v6;
	v6 =	vld [tilespmem:s20+$0x10810];
	v8 =	vmul.f32 $2.000000030e-01, v4  }
0x19c: {  	vm0 =	vgt.f32 v4, $0.0e+00  }
0x19d: {  	v62 =	vmul.f32 $2.000000030e-01, v5;
	v4 =	vsel vm0, v4, v8  }
0x19e: {  	vm13 =	vgt.f32 v5, $0.0e+00;
	v4 =	vmul.f32 v4, v7  }
0x19f: {  	v5 =	vsel vm13, v5, v62  }
0x1a0: {  	v5 =	vmul.f32 v5, v6;
	v4 =	vadd.f32 $0.0e+00, v4;
	_ =	sdelay $0x1  }
0x1a1: {  	v4 =	vadd.f32 v5, v4;
	_ =	sdelay $0x1  }
0x1a2: {  	(xrf2) =	vadd.scan.msk.f32 $0xffff, v4;
	_ =	sdelay $0x9  }
0x1a3: {  	v4, _, _ =	vpop (xrf2)  }
0x1a4: {  	v4 =	vmul.f32 $1.442695020e+00, v4;
	_ =	sdelay $0x1  }
0x1a5: {  	v4 =	vbroadcast v4, $0xF;
	_ =	sdelay $0x1  }
0x1a6: {  	(erf) = vpow2.f32 v4;
	_ =	sdelay $0x8  }
0x1a7: {  	v4 =	vpop (erf)  }
0x1a8: {  	v3 =	vmul.f32 v4, v3  }
0x1a9: {  	s31 =	simm.s32 $0xF030  }
0x1aa: {  	[tilespmem:s31+$0xFFFFFFD0] =	vst v3  }
0x1ab: {  	v3 =	vld [tilespmem:s0+$0x14B90];
	_ =	sdelay $0x3  }
0x1ac: {  	v5 =	vmul.f32 v2, v4  }
0x1ad: {  	v3 =	vmul.f32 v4, v3  }
0x1ae: {  	[tilespmem:s31+$0xFFFFFFF0] =	vst v5  }
0x1af: {  	[tilespmem:s31+$0xFFFFFFE0] =	vst v3  }
0x1b0: {  	v4 =	vld [tilespmem:s0+$0x14BA0]  }
0x1b1: {  	v3 =	vld [tilespmem:s0+$0x15BA0]  }
0x1b2: {  	v5 =	vld [tilespmem:s0+$0x15BB0]  }
0x1b3: {  	v6 =	vld [tilespmem:s0+$0x14BB0];
	_ =	sdelay $0x2  }
0x1b4: {  	v7 =	vld [tilespmem:s20+$0x10820];
	v3 =	vadd.f32 v3, v4;
	_ =	sdelay $0x1  }
0x1b5: {  	v5 =	vadd.f32 v5, v6;
	v6 =	vld [tilespmem:s20+$0x10830];
	v63 =	vmul.f32 $2.000000030e-01, v3  }
0x1b6: {  	vm14 =	vgt.f32 v3, $0.0e+00  }
0x1b7: {  	v9 =	vmul.f32 $2.000000030e-01, v5;
	v3 =	vsel vm14, v3, v63  }
0x1b8: {  	vm15 =	vgt.f32 v5, $0.0e+00;
	v3 =	vmul.f32 v3, v7  }
0x1b9: {  	v5 =	vsel vm15, v5, v9  }
0x1ba: {  	v5 =	vmul.f32 v5, v6;
	v3 =	vadd.f32 $0.0e+00, v3;
	_ =	sdelay $0x1  }
0x1bb: {  	v3 =	vadd.f32 v5, v3;
	_ =	sdelay $0x1  }
0x1bc: {  	(xrf2) =	vadd.scan.msk.f32 $0xffff, v3;
	_ =	sdelay $0x9  }
0x1bd: {  	v3, _, _ =	vpop (xrf2)  }
0x1be: {  	v3 =	vmul.f32 $1.442695020e+00, v3;
	_ =	sdelay $0x1  }
0x1bf: {  	v3 =	vbroadcast v3, $0xF;
	_ =	sdelay $0x1  }
0x1c0: {  	(erf) = vpow2.f32 v3;
	_ =	sdelay $0x8  }
0x1c1: {  	v3 =	vpop (erf)  }
0x1c2: {  	v4 =	vmul.f32 v3, v4;
	_ =	sdelay $0x1  }
0x1c3: {  	v5 =	vmul.f32 v2, v3;
	[tilespmem:s31+$0x0] =	vst v4  }
0x1c4: {  	v4 =	vld [tilespmem:s0+$0x14BB0]  }
0x1c5: {  	s25 =	simm.s32 $0xF030;
	s0 =	simm.s32 $0x100;
	[tilespmem:s31+$0x20] =	vst v5  }
.LBB2_9:
0x1c6: {  	p0 =	sne.s32 s0, $0x3F00  }
0x1c7: {  	s31 =	sadd.s32 $0x60, s31;
	s1 =	smov.u32 s0;
	s0 =	sadd.s32 $0x100, s0  }
0x1c8: {  	_ = 	snop  }
0x1c9: {  	v3 =	vmul.f32 v3, v4  }
0x1ca: {  	s1 =	sshra.s32 s1, $0x2  }
0x1cb: {  	[tilespmem:s25+$0x10] =	vst v3;
	s25 =	smov.u32 s31  }
0x1cc: {  	v3 =	vld [tilespmem:s1+$0x14B80]  }
0x1cd: {  	v4 =	vld [tilespmem:s1+$0x15B80]  }
0x1ce: {  	v5 =	vld [tilespmem:s1+$0x15B90]  }
0x1cf: {  	v6 =	vld [tilespmem:s1+$0x14B90];
	_ =	sdelay $0x2  }
0x1d0: {  	v4 =	vadd.f32 v4, v3;
	v7 =	vld [tilespmem:s20+$0x10800];
	_ =	sdelay $0x1  }
0x1d1: {  	v8 =	vmul.f32 $2.000000030e-01, v4;
	v5 =	vadd.f32 v5, v6;
	v6 =	vld [tilespmem:s20+$0x10810]  }
0x1d2: {  	vm0 =	vgt.f32 v4, $0.0e+00  }
0x1d3: {  	v4 =	vsel vm0, v4, v8;
	v8 =	vmul.f32 $2.000000030e-01, v5  }
0x1d4: {  	vm0 =	vgt.f32 v5, $0.0e+00;
	v4 =	vmul.f32 v4, v7  }
0x1d5: {  	v5 =	vsel vm0, v5, v8  }
0x1d6: {  	v4 =	vadd.f32 $0.0e+00, v4;
	v5 =	vmul.f32 v5, v6;
	_ =	sdelay $0x1  }
0x1d7: {  	v4 =	vadd.f32 v5, v4;
	_ =	sdelay $0x1  }
0x1d8: {  	(xrf2) =	vadd.scan.msk.f32 $0xffff, v4;
	_ =	sdelay $0x9  }
0x1d9: {  	v4, _, _ =	vpop (xrf2)  }
0x1da: {  	v4 =	vmul.f32 $1.442695020e+00, v4;
	_ =	sdelay $0x1  }
0x1db: {  	v4 =	vbroadcast v4, $0xF;
	_ =	sdelay $0x1  }
0x1dc: {  	(erf) = vpow2.f32 v4;
	_ =	sdelay $0x8  }
0x1dd: {  	v4 =	vpop (erf)  }
0x1de: {  	v3 =	vmul.f32 v4, v3;
	_ =	sdelay $0x1  }
0x1df: {  	[tilespmem:s31+$0xFFFFFFD0] =	vst v3;
	v3 =	vmul.f32 v2, v4  }
0x1e0: {  	v5 =	vld [tilespmem:s1+$0x14B90]  }
0x1e1: {  	[tilespmem:s31+$0xFFFFFFF0] =	vst v3;
	_ =	sdelay $0x3  }
0x1e2: {  	v3 =	vmul.f32 v4, v5;
	_ =	sdelay $0x1  }
0x1e3: {  	[tilespmem:s31+$0xFFFFFFE0] =	vst v3  }
0x1e4: {  	v3 =	vld [tilespmem:s1+$0x15BB0]  }
0x1e5: {  	v4 =	vld [tilespmem:s1+$0x14BA0]  }
0x1e6: {  	v5 =	vld [tilespmem:s1+$0x15BA0]  }
0x1e7: {  	v6 =	vld [tilespmem:s1+$0x14BB0];
	_ =	sdelay $0x2  }
0x1e8: {  	v7 =	vld [tilespmem:s20+$0x10820]  }
0x1e9: {  	v5 =	vadd.f32 v5, v4  }
0x1ea: {  	v3 =	vadd.f32 v3, v6;
	v6 =	vld [tilespmem:s20+$0x10830]  }
0x1eb: {  	vm0 =	vgt.f32 v5, $0.0e+00;
	v8 =	vmul.f32 $2.000000030e-01, v5  }
0x1ec: {  	v9 =	vmul.f32 $2.000000030e-01, v3  }
0x1ed: {  	v5 =	vsel vm0, v5, v8;
	vm0 =	vgt.f32 v3, $0.0e+00  }
0x1ee: {  	v5 =	vmul.f32 v5, v7;
	v3 =	vsel vm0, v3, v9  }
0x1ef: {  	v3 =	vmul.f32 v3, v6  }
0x1f0: {  	v5 =	vadd.f32 $0.0e+00, v5;
	_ =	sdelay $0x1  }
0x1f1: {  	v3 =	vadd.f32 v3, v5;
	_ =	sdelay $0x1  }
0x1f2: {  	(xrf2) =	vadd.scan.msk.f32 $0xffff, v3;
	_ =	sdelay $0x9  }
0x1f3: {  	v3, _, _ =	vpop (xrf2)  }
0x1f4: {  	v3 =	vmul.f32 $1.442695020e+00, v3;
	_ =	sdelay $0x1  }
0x1f5: {  	v3 =	vbroadcast v3, $0xF;
	_ =	sdelay $0x1  }
0x1f6: {  	(erf) = vpow2.f32 v3;
	_ =	sdelay $0x8  }
0x1f7: {  	v3 =	vpop (erf)  }
.Ltmp3:
0x1f8: {  	v4 =	vmul.f32 v3, v4;
	(pc) =	sbr.rel @p0 .LBB2_9-.Ltmp3, $4  }
0x1f9: {  	_ = 	snop  }
0x1fa: {  	v5 =	vmul.f32 v2, v3;
	[tilespmem:s31+$0x0] =	vst v4  }
0x1fb: {  	v4 =	vld [tilespmem:s1+$0x14BB0]  }
0x1fc: {  	[tilespmem:s31+$0x20] =	vst v5  }
0x1fd: {  	_ =	sdelay $0x2  }
0x1fe: {  	s30 =	sadd.s32 $0x1, s30;
	v3 =	vmul.f32 v3, v4  }
0x1ff: {  	p0 =	sne.s32 s30, $0x69  }
.Ltmp4:
0x200: {  	[tilespmem:s25+$0x10] =	vst v3;
	(pc) =	sbr.rel @p0 .LBB2_4-.Ltmp4, $4  }
0x201: {  	[spmem:s3] =	stream.indirect.scatter.add.f32 [tilespmem:s23], [sflag:$0x4], $0x60, s16, s29, $0xb8;
	[tilespmem:$0x16B80] =	vst v63  }
0x202: {  	_ =	swait.ge [sflag:s24], $0x1800  }
0x203: {  	[sflag:s24] =	ssyncset.done $0x0  }
0x204: {  	[sflag:s24] =	ssyncadd.s32 $0xFFFFE800  }
0x205: {  	s0 =	stileid.u32;
	[bflag:$0x0] =	sbarrier.arrive $0xFFFF  }
0x206: {  	s0 =	sshll.u32 s0, $0x6;
	s26 =	rddreg [dreg:$0x6]  }
0x207: {  	s25 =	rddreg [dreg:$0x10];
	s0 =	sor.u32 $0x1C04, s0;
	s1 =	sshrl.u32 s26, $0x3  }
0x208: {  	[hbm:s25], [sflag:s0] =	dma.local [spmem:s1], $0x1E00  }
0x209: {  	_ =	swait.ge [sflag:s24], $0x1E00  }
0x20a: {  	s30 =	rddreg [dreg:$0x4]  }
0x20b: {  	s31 =	rddreg [dreg:$0x11];
	s25 =	sadd.s32 $0x1, s30  }
0x20c: {  	p0 =	sne.s32 s25, s31  }
.Ltmp5:
0x20d: {  	_ = 	snop;
	(pc) =	sbr.rel @p0 .LBB2_1-.Ltmp5, $3  }
0x20e: {  	_ =	sdelay $0x1  }
0x20f: {  	[sflag:s24] =	ssyncset.done $0x0  }
0x210: {  	[sflag:s24] =	ssyncadd.s32 $0xFFFFE200  }
0x211: {  	_ =	sfence.sel $0x180000  }
0x212: {  	[bflag:$0x0] =	sbarrier.arrive $0xFFFF  }
0x213: {  	_ =	strace $0x9000004A  }
0x214: {  	s0 =	stileid.u32;
	[bflag:$0x2] =	sbarrier.arrive $0xFFFF  }
0x215: {  	p0 =	sne.s32 s0, $0x0;
	s0 =	rddreg [dreg:$0x3]  }
0x216: {  	s0 =	sadd.s32 @!p0 $0x100000, s0  }
0x217: {  	[sflag:s0] =	ssyncadd.tile.s32 @!p0 $0x1;
	_ =	shalt  }
.Lfunc_end2:
_tile_overlayer_lowered:
.L_overlay_start_2:
0x218: {  	(tag) =	ssettag $0x2  }
0x219: {  	s0 =	rddreg [dreg:$0x0];
	s2 =	stileid.u32  }
0x21a: {  	s1 =	rddreg [dreg:$0x1];
	p0 =	sne.s32 s2, $0x0  }
0x21b: {  	s3 =	rddreg [dreg:$0x2];
	[bflag:$0x3] =	sbarrier.arrive $0xFFFF;
	s2 =	simm.s32 @!p0 $0x1C04  }
0x21c: {  	[timem:s3], [sflag:s2] =	dma.local @!p0 [hbm:s0], s1  }
0x21d: {  	s0 =	simm.s32 @!p0 $0x4  }
0x21e: {  	_ =	swait.ge @!p0 [sflag:s0], s1  }
0x21f: {  	s1 =	ssub.s32 @!p0 $0x0, s1;
	[sflag:s0] =	ssyncset.done @!p0 $0x0  }
0x220: {  	[sflag:s0] =	ssyncadd.s32 @!p0 s1  }
0x221: {  	[bflag:$0x3] =	sbarrier.arrive $0xFFFF  }
0x222: {  	_ =	shalt  }

// kernel: kernel.7.cloned.1.call-start
scs
__scs_entry_jumppad:
0x0: {  	(pc) =	sbr.rel $0x88, $3  }
0x1: {  	(tag) =	ssettag $0x0;
	lr =	simm.s32 $0x1  }
0x2: {  	[smem:$0x3F97] =	sst lr;
	_ =	strace $0xD0000000  }
0x3: {  	_ = 	snop  }
0x4: {  	_ = 	snop  }
0x5: {  	_ = 	snop  }
0x6: {  	_ = 	snop  }
0x7: {  	_ = 	snop  }
__scs_overlays_trampoline_lowered:
0x8: {  	[smem:$0x3FA6] =	sst s0  }
0x9: {  	[smem:$0x3FA7] =	sst s1  }
0xa: {  	[smem:$0x3FA8] =	sst s2  }
0xb: {  	[smem:$0x3FA9] =	sst s3  }
0xc: {  	[smem:$0x3FAA] =	sst s4  }
0xd: {  	[smem:$0x3FAB] =	sst s5  }
0xe: {  	[smem:$0x3FAC] =	sst s6  }
0xf: {  	[smem:$0x3FAD] =	sst s7  }
0x10: {  	[smem:$0x3FAE] =	sst s8  }
0x11: {  	[smem:$0x3FAF] =	sst s9;
	s0 =	simm.s32 @!p0 $0x0  }
0x12: {  	s1 =	sld [smem:$0x3F95];
	s0 =	simm.s32 @p0 $0x1  }
0x13: {  	[smem:$0x3FB0] =	sst s0;
	s0 =	simm.s32 @!p1 $0x0  }
0x14: {  	s2 =	sld [smem:$0x3F94];
	s0 =	simm.s32 @p1 $0x1  }
0x15: {  	[smem:$0x3FB1] =	sst s0;
	s0 =	simm.s32 @!p2 $0x0  }
0x16: {  	s3 =	sld [smem:$0x3FDB];
	s0 =	simm.s32 @p2 $0x1  }
0x17: {  	s4 =	simm.s32 $0x1BF5;
	[smem:$0x3FB3] =	sst s0  }
0x18: {  	s0 =	sld [smem:$0x3F96];
	_ =	swait.ge [sflag:s4], $0x0  }
0x19: {  	s7 =	sld [smem:$0x3F97]  }
0x1a: {  	s8 =	sadd.s32 $0xFFFFE003, lr  }
0x1b: {  	s9 =	sadd.s32 $0xFFFFFEF7, lr;
	s5 =	simm.s32 $0xFFFFFFFF;
	p2 =	slt.u32 s8, $0xFFFFF086  }
0x1c: {  	p1 =	slt.u32 s9, $0xF7A;
	s5 =	simm.s32 @!p2 $0x0  }
0x1d: {  	s5 =	simm.s32 @p1 $0x1;
	p0 =	seq.s32 s7, s2  }
0x1e: {  	s7 =	smul.u32 @!p0 $0xF7A, s2;
	p2 =	seq.s32 @!p0 s5, $0x0  }
0x1f: {  	s9 =	smul.u32 $0xF7A, s1;
	s8 =	simm.s32 @!p0 $0x1BF5;
	p2 =	por !p2, p0  }
0x20: {  	[sflag:s8] =	ssyncset.s32 @!p0 $0xFFFFF086;
	s6 =	sadd.s32 @!p0 s3, s7;
	s7 =	simm.s32 @!p0 $0x108  }
0x21: {  	s3 =	sadd.s32 s3, s9;
	s6 =	sadd.s32 @!p0 $0x88, s6;
	s7 =	simm.s32 @p2 $0x1082  }
0x22: {  	[simem:s7], [sflag:s8] =	dma.local @!p0 [hbm:s6], $0xF7A  }
0x23: {  	s9 =	sor.u32 $0xD0000000, s2;
	s6 =	simm.s32 $0x108;
	_ =	swait.ge @!p0 [sflag:s8], $0x0  }
0x24: {  	s3 =	sadd.s32 $0x88, s3;
	s6 =	simm.s32 @!p1 $0x1082;
	[sflag:s4] =	ssyncset.s32 $0xFFFFF086  }
0x25: {  	[simem:s6], [sflag:s4] =	dma.local [hbm:s3], $0xF7A  }
0x26: {  	[smem:$0x3F97] =	sst s1;
	(tag) =	ssettag s2;
	_ =	strace s9  }
0x27: {  	s1 =	sld [smem:$0x3FA7]  }
0x28: {  	s2 =	sld [smem:$0x3FA8]  }
0x29: {  	s4 =	sld [smem:$0x3FAA]  }
0x2a: {  	p0 =	seq.s32 s5, $0x0;
	s5 =	sld [smem:$0x3FAB]  }
0x2b: {  	s6 =	sld [smem:$0x3FAC]  }
0x2c: {  	s7 =	sld [smem:$0x3FAD]  }
0x2d: {  	s3 =	simm.s32 $0x108;
	s8 =	sld [smem:$0x3FAE]  }
0x2e: {  	s3 =	simm.s32 @!p0 $0x1082;
	s9 =	sld [smem:$0x3FAF]  }
0x2f: {  	lr =	sadd.s32 s0, s3;
	s0 =	sld [smem:$0x3FA6]  }
0x30: {  	s3 =	sld [smem:$0x3FA9]  }
0x31: {  	[smem:$0x3FB2] =	sst s10  }
0x32: {  	s10 =	sld [smem:$0x3FB0];
	_ =	sdelay $0x3  }
0x33: {  	p0 =	seq.s32 s10, $0x1;
	s10 =	sld [smem:$0x3FB2];
	_ =	sdelay $0x3  }
0x34: {  	[smem:$0x3FB2] =	sst s10  }
0x35: {  	s10 =	sld [smem:$0x3FB1];
	_ =	sdelay $0x3  }
0x36: {  	p1 =	seq.s32 s10, $0x1;
	s10 =	sld [smem:$0x3FB2];
	_ =	sdelay $0x3  }
0x37: {  	[smem:$0x3FB2] =	sst s10  }
0x38: {  	s10 =	sld [smem:$0x3FB3]  }
0x39: {  	_ = 	snop;
	(pc) =	sbr.ind lr, $3  }
0x3a: {  	_ = 	snop  }
0x3b: {  	_ = 	snop  }
0x3c: {  	p2 =	seq.s32 s10, $0x1;
	s10 =	sld [smem:$0x3FB2]  }
0x3d: {  	_ =	shalt  }
0x3e: {  	_ =	shalt  }
0x3f: {  	_ =	shalt  }
0x40: {  	_ =	shalt  }
0x41: {  	_ =	shalt  }
0x42: {  	_ =	shalt  }
0x43: {  	_ =	shalt  }
0x44: {  	_ =	shalt  }
0x45: {  	_ =	shalt  }
0x46: {  	_ =	shalt  }
0x47: {  	_ =	shalt  }
0x48: {  	_ =	shalt  }
0x49: {  	_ =	shalt  }
0x4a: {  	_ =	shalt  }
0x4b: {  	_ =	shalt  }
0x4c: {  	_ =	shalt  }
0x4d: {  	_ =	shalt  }
0x4e: {  	_ =	shalt  }
0x4f: {  	_ =	shalt  }
0x50: {  	_ =	shalt  }
0x51: {  	_ =	shalt  }
0x52: {  	_ =	shalt  }
0x53: {  	_ =	shalt  }
0x54: {  	_ =	shalt  }
0x55: {  	_ =	shalt  }
0x56: {  	_ =	shalt  }
0x57: {  	_ =	shalt  }
0x58: {  	_ =	shalt  }
0x59: {  	_ =	shalt  }
0x5a: {  	_ =	shalt  }
0x5b: {  	_ =	shalt  }
0x5c: {  	_ =	shalt  }
0x5d: {  	_ =	shalt  }
0x5e: {  	_ =	shalt  }
0x5f: {  	_ =	shalt  }
0x60: {  	_ =	shalt  }
0x61: {  	_ =	shalt  }
0x62: {  	_ =	shalt  }
0x63: {  	_ =	shalt  }
0x64: {  	_ =	shalt  }
0x65: {  	_ =	shalt  }
0x66: {  	_ =	shalt  }
0x67: {  	_ =	shalt  }
0x68: {  	_ =	shalt  }
0x69: {  	_ =	shalt  }
0x6a: {  	_ =	shalt  }
0x6b: {  	_ =	shalt  }
0x6c: {  	_ =	shalt  }
0x6d: {  	_ =	shalt  }
0x6e: {  	_ =	shalt  }
0x6f: {  	_ =	shalt  }
0x70: {  	_ =	shalt  }
0x71: {  	_ =	shalt  }
0x72: {  	_ =	shalt  }
0x73: {  	_ =	shalt  }
0x74: {  	_ =	shalt  }
0x75: {  	_ =	shalt  }
0x76: {  	_ =	shalt  }
0x77: {  	_ =	shalt  }
0x78: {  	_ =	shalt  }
0x79: {  	_ =	shalt  }
0x7a: {  	_ =	shalt  }
0x7b: {  	_ =	shalt  }
0x7c: {  	_ =	shalt  }
0x7d: {  	_ =	shalt  }
0x7e: {  	_ =	shalt  }
0x7f: {  	_ =	shalt  }
0x80: {  	_ =	shalt  }
0x81: {  	_ =	shalt  }
0x82: {  	_ =	shalt  }
0x83: {  	_ =	shalt  }
0x84: {  	_ =	shalt  }
0x85: {  	_ =	shalt  }
0x86: {  	_ =	shalt  }
0x87: {  	_ =	shalt  }
.Lfunc_end0:
.L_simem_size_0:
called_computation_lowered:
.L_overlay_start_0:
0x88: {  	s2 =	sld [smem:$0x3FD9]  }
0x89: {  	s3 =	sld [smem:$0x3FFE];
	_ =	sdelay $0x1  }
0x8a: {  	s1 =	srdreg.scid  }
0x8b: {  	s0 =	sand.u32 $0x1, s1  }
0x8c: {  	s17 =	sshll.u32 s0, $0xA;
	s2 =	sadd.s32 s3, s2  }
0x8d: {  	s2 =	sadd.s32 s2, s17  }
0x8e: {  	[smem:$0x3FBE] =	sst s2  }
0x8f: {  	_ = 	snop  }
0x90: {  	s2 =	sld [smem:$0x3FC5]  }
0x91: {  	s18 =	sld [smem:$0x3FD0];
	(tm) =	ssettm $0x1  }
0x92: {  	s4 =	sld [smem:$0x3FFB];
	_ =	sdelay $0x3  }
0x93: {  	_ =	strace s4  }
0x94: {  	s4 =	sld [smem:$0x3FFC];
	_ =	sdelay $0x3  }
0x95: {  	_ =	strace s4  }
0x96: {  	s4 =	sld [smem:$0x3FFD];
	_ =	sdelay $0x3  }
0x97: {  	_ =	strace s4  }
0x98: {  	_ =	strace $0x8FFFFFFF  }
0x99: {  	s19 =	sld [smem:$0x3FDB];
	_ =	sdelay $0x1  }
0x9a: {  	s5 =	simm.s32 $_scs_section_size  }
0x9b: {  	s6 =	simm.s32 $_size__tile_overlayer_lowered;
	s7 =	simm.s32 $_tile_overlayer_lowered  }
0x9c: {  	s22 =	simm.s32 $0x1BFF;
	s21 =	sshll.u32 s7, $0x1;
	s4 =	sadd.s32 s5, s19  }
0x9d: {  	s8 =	simm.s32 $0x0;
	s20 =	sshll.u32 s6, $0x1;
	s6 =	sadd.s32 s21, s4  }
0x9e: {  	[timem:s8], [sflag:s22] =	dma.local [hbm:s6], s20  }
0x9f: {  	_ =	swait.ge [sflag:s22], s20  }
0xa0: {  	s5 =	ssub.s32 $0x0, s20;
	[sflag:s22] =	ssyncset.done $0x0  }
0xa1: {  	[sflag:s22] =	ssyncadd.s32 s5;
	_ =	sdelay $0x1  }
0xa2: {  	s23 =	simm.s32 $0x1B8B  }
0xa3: {  	_ =	swait.ge [sflag:s23], $0x1  }
0xa4: {  	[sflag:s23] =	ssyncset.done $0x0  }
0xa5: {  	s25 =	simm.s32 $0x1B8E;
	s24 =	sld [smem:$0x3FFE];
	[sflag:s23] =	ssyncadd.s32 $0xFFFFFFFF  }
0xa6: {  	s26 =	simm.s32 $execute0_lowered;
	[smem:$0x3FD2] =	sst s25  }
0xa7: {  	s6 =	sshll.u32 s26, $0x1;
	_ =	strace $0x80000046;
	[dreg:$0x1] =	wrdreg $0xFFFFFFFF  }
0xa8: {  	s28 =	simm.s32 $_size_execute0_lowered;
	s4 =	sadd.s32 s4, s6;
	[dreg:$0x0] =	wrdreg $0x0  }
0xa9: {  	s6 =	sshll.u32 s28, $0x1;
	[dreg:$0x2] =	wrdreg s4  }
0xaa: {  	[dreg:$0x3] =	wrdreg s6  }
0xab: {  	[dreg:$0x4] =	wrdreg $0xC0  }
0xac: {  	_ =	task [dreg:s8], $0x5FFFF  }
0xad: {  	[dreg:$0x1] =	wrdreg $0xFFFFFFFF  }
0xae: {  	[dreg:$0x0] =	wrdreg $0x60  }
0xaf: {  	[dreg:$0x2] =	wrdreg s24  }
0xb0: {  	[dreg:$0x3] =	wrdreg s18  }
0xb1: {  	[dreg:$0x4] =	wrdreg s2  }
0xb2: {  	[dreg:$0x5] =	wrdreg $0x0  }
0xb3: {  	[dreg:$0x6] =	wrdreg $0x9  }
0xb4: {  	_ =	task.clear_ibuf [dreg:s8], $0x7FFFF;
	_ =	strace $0x90000046  }
0xb5: {  	s29 =	simm.s32 $0x9;
	_ =	strace $0x80000048  }
0xb6: {  	_ =	swait.ge [sflag:s29], $0x1  }
0xb7: {  	[sflag:s29] =	ssyncadd.s32 $0xFFFFFFFF  }
0xb8: {  	_ =	strace $0x90000048  }
0xb9: {  	_ =	sfence  }
0xba: {  	s30 =	sld [smem:$0x0];
	_ =	sdelay $0x2  }
0xbb: {  	s31 =	sshll.u32 s1, $0xD;
	s1 =	sshrl.u32 s1, $0x2  }
0xbc: {  	s3 =	sand.u32 $0x4000, s31;
	s1 =	sadd.s32 s1, s30  }
0xbd: {  	s0 =	sor.u32 s3, s0;
	s1 =	sshll.u32 s1, $0x11  }
0xbe: {  	s0 =	sor.u32 s1, s0  }
0xbf: {  	s0 =	sadd.s32 $0x8F2B, s0  }
0xc0: {  	[sflag:s0] =	ssyncadd.remote.s32 $0x1  }
0xc1: {  	_ =	sfence.sel $0xFFFF  }
0xc2: {  	[dreg:$0x0] =	wrdreg $0xFFFFFFFF;
	(pc) =	sbr.abs _section_cstart, $3  }
0xc3: {  	[dreg:$0x1] =	wrdreg $0xFFFFFFFF  }
0xc4: {  	_ =	task.clear_ibuf [dreg:s8], $0x2FFFF;
	_ =	strace $0x9FFFFFFF  }
0xc5: {  	(tm) =	ssettm $0x7FFFFFFF  }
tec
execute0_lowered:
.L_overlay_start_1:
0x0: {  	(tag) =	ssettag $0x1  }
0x1: {  	s0 =	rddreg [dreg:$0x0]  }
0x2: {  	s1 =	rddreg [dreg:$0x1]  }
0x3: {  	s3 =	rddreg [dreg:$0x3]  }
0x4: {  	s31 =	simm.s32 $0x0;
	s2 =	srdreg.scid;
	s11 =	stileid.u32  }
0x5: {  	s30 =	simm.s32 $0x2;
	[smem:$0x7FF] =	sst s31;
	s6 =	sadd.s32 $0x2C00, s0  }
0x6: {  	s7 =	sadd.s32 $0x142C00, s0;
	s2 =	sand.u32 $0x1, s2;
	s5 =	smul.u32 $0x5A000, s11  }
0x7: {  	s8 =	sadd.s32 $0xA2C00, s0;
	s0 =	sadd.s32 $0x1E2C00, s0;
	s9 =	smul.u32 $0x4EC0, s11  }
0x8: {  	s18 =	smul.u32 $0x280, s11;
	s11 =	simm.s32 $0x17C00;
	s5 =	sshrl.u32 s5, $0x2  }
0x9: {  	_ =	strace $0x80000047;
	s4 =	ssub.s32 $0x2, s2;
	s12 =	sadd.s32 s5, s3  }
0xa: {  	s19 =	smul.u32 $0x5000, s2;
	s20 =	sadd.s32 $0x1200, s12;
	[dreg:$0x6] =	wrdreg s12  }
0xb: {  	s28 =	sshllo.u32 s2, $0x1;
	s13 =	sadd.s32 $0x2400, s12;
	[dreg:$0x7] =	wrdreg s20  }
0xc: {  	s29 =	sshll.u32 s2, $0x1;
	s22 =	sadd.s32 $0x3600, s12;
	[dreg:$0x8] =	wrdreg s13  }
0xd: {  	s10 =	sshrl.u32 s4, $0x1;
	s23 =	sadd.s32 $0x4800, s12;
	[dreg:$0x9] =	wrdreg s22  }
0xe: {  	s21 =	smul.u32 $0x2800, s28;
	s24 =	sadd.s32 $0x5A00, s12;
	[dreg:$0xa] =	wrdreg s23  }
0xf: {  	v1 =	vmov s29;
	s29 =	simm.s32 $0x1;
	s25 =	sadd.s32 $0x6C00, s12;
	[dreg:$0xb] =	wrdreg s24  }
0x10: {  	s4 =	ssub.s32 s4, s10;
	s26 =	sadd.s32 $0x7E00, s12;
	[dreg:$0xc] =	wrdreg s25  }
0x11: {  	s5 =	sadd.s32 s18, s19;
	s14 =	sadd.s32 $0xA200, s12;
	[dreg:$0xd] =	wrdreg s26  }
0x12: {  	s5 =	smul.u32 $0x12, s5;
	s15 =	smax.u32 s4, $0x1;
	[dreg:$0x11] =	wrdreg s14  }
0x13: {  	s10 =	sadd.s32 s18, s21;
	s16 =	sadd.s32 $0xB400, s12;
	[dreg:$0x12] =	wrdreg s15  }
0x14: {  	s17 =	sadd.s32 $0xC600, s12;
	s18 =	sadd.s32 $0xD800, s12;
	[dreg:$0x13] =	wrdreg s16  }
0x15: {  	s19 =	sadd.s32 $0xEA00, s12;
	s21 =	sadd.s32 $0x10E00, s12;
	[dreg:$0x14] =	wrdreg s17  }
0x16: {  	s10 =	smul.u32 $0x12, s10;
	s13 =	sadd.s32 $0x9000, s12;
	[dreg:$0x15] =	wrdreg s18  }
0x17: {  	s22 =	sshll.u32 s2, $0x8;
	[dreg:$0x16] =	wrdreg s19;
	s20 =	sadd.s32 $0xFC00, s12  }
0x18: {  	[dreg:$0x18] =	wrdreg s21;
	s23 =	sadd.s32 $0x12000, s12;
	s24 =	sadd.s32 $0x13200, s12  }
0x19: {  	s25 =	sadd.s32 $0x14400, s12;
	s26 =	sadd.s32 $0x15600, s12;
	[dreg:$0xe] =	wrdreg s13  }
0x1a: {  	s19 =	sshll.u32 s28, $0x7;
	s12 =	simm.s32 $0x17C20;
	[dreg:$0x17] =	wrdreg s20  }
0x1b: {  	s14 =	simm.s32 $0x17C40;
	s15 =	simm.s32 $0x17C80;
	[dreg:$0x19] =	wrdreg s23  }
0x1c: {  	s16 =	simm.s32 $0x17C60;
	s17 =	simm.s32 $0x18C80;
	[dreg:$0x1a] =	wrdreg s24  }
0x1d: {  	s18 =	simm.s32 $0x19C80;
	s21 =	simm.s32 $0x19CA0;
	[dreg:$0x1b] =	wrdreg s25  }
0x1e: {  	v2 =	vmov s28;
	s28 =	simm.s32 $0x1AD00;
	s5 =	sadd.s32 s0, s5;
	[dreg:$0x1c] =	wrdreg s26  }
0x1f: {  	s20 =	simm.s32 $0x16800;
	s23 =	simm.s32 $0x3;
	s13 =	simm.s32 $0x20  }
0x20: {  	v0 =	vimm.f32 $0.0e+00;
	vm0 =	vcmask $0x300;
	s24 =	simm.s32 $0x19CC0;
	[dreg:$0xf] =	wrdreg s5;
	s0 =	sadd.s32 s0, s10  }
0x21: {  	v3 =	vsel vm0, $0x3F800000, v0;
	s25 =	simm.s32 $0x19D00;
	s26 =	simm.s32 $0x19CE0;
	[dreg:$0x10] =	wrdreg s0  }
.LBB2_1:
0x22: {  	[dreg:$0x5] =	wrdreg s31;
	s0 =	simm.s32 $0x0;
	s2 =	simm.s32 $0x240  }
.LBB2_2:
0x23: {  	p0 =	sne.s32 s2, $0x45C0;
	[tilespmem:s0+$0x16880] =	vst v0  }
0x24: {  	[tilespmem:s0+$0x16800] =	vst v0  }
0x25: {  	[tilespmem:s0+$0x16810] =	vst v0  }
0x26: {  	[tilespmem:s0+$0x16820] =	vst v0  }
.Ltmp0:
0x27: {  	[tilespmem:s0+$0x16830] =	vst v0;
	(pc) =	sbr.rel @p0 .LBB2_2-.Ltmp0, $4  }
0x28: {  	[tilespmem:s0+$0x16840] =	vst v0  }
0x29: {  	[tilespmem:s0+$0x16850] =	vst v0  }
0x2a: {  	[tilespmem:s0+$0x16860] =	vst v0  }
0x2b: {  	[tilespmem:s0+$0x16870] =	vst v0;
	s0 =	sshra.s32 s2, $0x2;
	s2 =	sadd.s32 $0x240, s2  }
0x2c: {  	[tilespmem:s0+$0x16880] =	vst v0  }
0x2d: {  	[tilespmem:s0+$0x16800] =	vst v0  }
0x2e: {  	[tilespmem:s0+$0x16810] =	vst v0  }
0x2f: {  	[tilespmem:s0+$0x16820] =	vst v0  }
0x30: {  	[tilespmem:s0+$0x16830] =	vst v0  }
0x31: {  	[tilespmem:s0+$0x16840] =	vst v0  }
0x32: {  	[tilespmem:s0+$0x16850] =	vst v0  }
0x33: {  	[tilespmem:s0+$0x16860] =	vst v0  }
0x34: {  	[tilespmem:s0+$0x16870] =	vst v0;
	s2 =	rddreg [dreg:$0x6]  }
0x35: {  	[spmem:s2] =	stream.linear.scatter [tilespmem:s20], [sflag:$0x3], $0x1200, $0x38;
	[tilespmem:$0x1BD00] =	vst v63  }
0x36: {  	_ =	swait.ge [sflag:s23], $0x1200  }
0x37: {  	[sflag:s23] =	ssyncset.done $0x0  }
0x38: {  	s4 =	rddreg [dreg:$0x7];
	[sflag:s23] =	ssyncadd.s32 $0xFFFFEE00  }
0x39: {  	[spmem:s4] =	stream.linear.scatter [tilespmem:s20], [sflag:$0x3], $0x1200, $0x38;
	[tilespmem:$0x1BD00] =	vst v63  }
0x3a: {  	_ =	swait.ge [sflag:s23], $0x1200  }
0x3b: {  	[sflag:s23] =	ssyncset.done $0x0  }
0x3c: {  	s5 =	rddreg [dreg:$0x8];
	[sflag:s23] =	ssyncadd.s32 $0xFFFFEE00  }
0x3d: {  	[spmem:s5] =	stream.linear.scatter [tilespmem:s20], [sflag:$0x3], $0x1200, $0x38;
	[tilespmem:$0x1BD00] =	vst v63  }
0x3e: {  	_ =	swait.ge [sflag:s23], $0x1200  }
0x3f: {  	[sflag:s23] =	ssyncset.done $0x0  }
0x40: {  	s10 =	rddreg [dreg:$0x9];
	[sflag:s23] =	ssyncadd.s32 $0xFFFFEE00  }
0x41: {  	[spmem:s10] =	stream.linear.scatter [tilespmem:s20], [sflag:$0x3], $0x1200, $0x38;
	[tilespmem:$0x1BD00] =	vst v63  }
0x42: {  	_ =	swait.ge [sflag:s23], $0x1200  }
0x43: {  	[sflag:s23] =	ssyncset.done $0x0  }
0x44: {  	s31 =	rddreg [dreg:$0xa];
	[sflag:s23] =	ssyncadd.s32 $0xFFFFEE00  }
0x45: {  	[spmem:s31] =	stream.linear.scatter [tilespmem:s20], [sflag:$0x3], $0x1200, $0x38;
	[tilespmem:$0x1BD00] =	vst v63  }
0x46: {  	_ =	swait.ge [sflag:s23], $0x1200  }
0x47: {  	[sflag:s23] =	ssyncset.done $0x0  }
0x48: {  	s2 =	rddreg [dreg:$0xb];
	[sflag:s23] =	ssyncadd.s32 $0xFFFFEE00  }
0x49: {  	[spmem:s2] =	stream.linear.scatter [tilespmem:s20], [sflag:$0x3], $0x1200, $0x38;
	[tilespmem:$0x1BD00] =	vst v63  }
0x4a: {  	_ =	swait.ge [sflag:s23], $0x1200  }
0x4b: {  	[sflag:s23] =	ssyncset.done $0x0  }
0x4c: {  	s4 =	rddreg [dreg:$0xc];
	[sflag:s23] =	ssyncadd.s32 $0xFFFFEE00  }
0x4d: {  	[spmem:s4] =	stream.linear.scatter [tilespmem:s20], [sflag:$0x3], $0x1200, $0x38;
	[tilespmem:$0x1BD00] =	vst v63  }
0x4e: {  	_ =	swait.ge [sflag:s23], $0x1200  }
0x4f: {  	[sflag:s23] =	ssyncset.done $0x0  }
0x50: {  	s5 =	rddreg [dreg:$0xd];
	[sflag:s23] =	ssyncadd.s32 $0xFFFFEE00  }
0x51: {  	[spmem:s5] =	stream.linear.scatter [tilespmem:s20], [sflag:$0x3], $0x1200, $0x38;
	[tilespmem:$0x1BD00] =	vst v63  }
0x52: {  	_ =	swait.ge [sflag:s23], $0x1200  }
0x53: {  	[sflag:s23] =	ssyncset.done $0x0  }
0x54: {  	s10 =	rddreg [dreg:$0xe];
	[sflag:s23] =	ssyncadd.s32 $0xFFFFEE00  }
0x55: {  	[spmem:s10] =	stream.linear.scatter [tilespmem:s20], [sflag:$0x3], $0x1200, $0x38;
	[tilespmem:$0x1BD00] =	vst v63  }
0x56: {  	_ =	swait.ge [sflag:s23], $0x1200  }
0x57: {  	[sflag:s23] =	ssyncset.done $0x0  }
0x58: {  	s31 =	rddreg [dreg:$0x11];
	[sflag:s23] =	ssyncadd.s32 $0xFFFFEE00  }
0x59: {  	[spmem:s31] =	stream.linear.scatter [tilespmem:s20], [sflag:$0x3], $0x1200, $0x38;
	[tilespmem:$0x1BD00] =	vst v63  }
0x5a: {  	_ =	swait.ge [sflag:s23], $0x1200  }
0x5b: {  	[sflag:s23] =	ssyncset.done $0x0  }
0x5c: {  	s2 =	rddreg [dreg:$0x13];
	[sflag:s23] =	ssyncadd.s32 $0xFFFFEE00  }
0x5d: {  	[spmem:s2] =	stream.linear.scatter [tilespmem:s20], [sflag:$0x3], $0x1200, $0x38;
	[tilespmem:$0x1BD00] =	vst v63  }
0x5e: {  	_ =	swait.ge [sflag:s23], $0x1200  }
0x5f: {  	[sflag:s23] =	ssyncset.done $0x0  }
0x60: {  	s4 =	rddreg [dreg:$0x14];
	[sflag:s23] =	ssyncadd.s32 $0xFFFFEE00  }
0x61: {  	[spmem:s4] =	stream.linear.scatter [tilespmem:s20], [sflag:$0x3], $0x1200, $0x38;
	[tilespmem:$0x1BD00] =	vst v63  }
0x62: {  	_ =	swait.ge [sflag:s23], $0x1200  }
0x63: {  	[sflag:s23] =	ssyncset.done $0x0  }
0x64: {  	s5 =	rddreg [dreg:$0x15];
	[sflag:s23] =	ssyncadd.s32 $0xFFFFEE00  }
0x65: {  	[spmem:s5] =	stream.linear.scatter [tilespmem:s20], [sflag:$0x3], $0x1200, $0x38;
	[tilespmem:$0x1BD00] =	vst v63  }
0x66: {  	_ =	swait.ge [sflag:s23], $0x1200  }
0x67: {  	[sflag:s23] =	ssyncset.done $0x0  }
0x68: {  	s10 =	rddreg [dreg:$0x16];
	[sflag:s23] =	ssyncadd.s32 $0xFFFFEE00  }
0x69: {  	[spmem:s10] =	stream.linear.scatter [tilespmem:s20], [sflag:$0x3], $0x1200, $0x38;
	[tilespmem:$0x1BD00] =	vst v63  }
0x6a: {  	_ =	swait.ge [sflag:s23], $0x1200  }
0x6b: {  	[sflag:s23] =	ssyncset.done $0x0  }
0x6c: {  	s31 =	rddreg [dreg:$0x17];
	[sflag:s23] =	ssyncadd.s32 $0xFFFFEE00  }
0x6d: {  	[spmem:s31] =	stream.linear.scatter [tilespmem:s20], [sflag:$0x3], $0x1200, $0x38;
	[tilespmem:$0x1BD00] =	vst v63  }
0x6e: {  	_ =	swait.ge [sflag:s23], $0x1200  }
0x6f: {  	[sflag:s23] =	ssyncset.done $0x0  }
0x70: {  	s2 =	rddreg [dreg:$0x18];
	[sflag:s23] =	ssyncadd.s32 $0xFFFFEE00  }
0x71: {  	[spmem:s2] =	stream.linear.scatter [tilespmem:s20], [sflag:$0x3], $0x1200, $0x38;
	[tilespmem:$0x1BD00] =	vst v63  }
0x72: {  	_ =	swait.ge [sflag:s23], $0x1200  }
0x73: {  	[sflag:s23] =	ssyncset.done $0x0  }
0x74: {  	s4 =	rddreg [dreg:$0x19];
	[sflag:s23] =	ssyncadd.s32 $0xFFFFEE00  }
0x75: {  	[spmem:s4] =	stream.linear.scatter [tilespmem:s20], [sflag:$0x3], $0x1200, $0x38;
	[tilespmem:$0x1BD00] =	vst v63  }
0x76: {  	_ =	swait.ge [sflag:s23], $0x1200  }
0x77: {  	[sflag:s23] =	ssyncset.done $0x0  }
0x78: {  	s5 =	rddreg [dreg:$0x1a];
	[sflag:s23] =	ssyncadd.s32 $0xFFFFEE00  }
0x79: {  	[spmem:s5] =	stream.linear.scatter [tilespmem:s20], [sflag:$0x3], $0x1200, $0x38;
	[tilespmem:$0x1BD00] =	vst v63  }
0x7a: {  	_ =	swait.ge [sflag:s23], $0x1200  }
0x7b: {  	[sflag:s23] =	ssyncset.done $0x0  }
0x7c: {  	s10 =	rddreg [dreg:$0x1b];
	[sflag:s23] =	ssyncadd.s32 $0xFFFFEE00  }
0x7d: {  	[spmem:s10] =	stream.linear.scatter [tilespmem:s20], [sflag:$0x3], $0x1200, $0x38;
	[tilespmem:$0x1BD00] =	vst v63  }
0x7e: {  	_ =	swait.ge [sflag:s23], $0x1200  }
0x7f: {  	[sflag:s23] =	ssyncset.done $0x0  }
0x80: {  	s31 =	rddreg [dreg:$0x1c];
	[sflag:s23] =	ssyncadd.s32 $0xFFFFEE00  }
0x81: {  	[spmem:s31] =	stream.linear.scatter [tilespmem:s20], [sflag:$0x3], $0x1200, $0x38;
	[tilespmem:$0x1BD00] =	vst v63  }
0x82: {  	_ =	swait.ge [sflag:s23], $0x1200  }
0x83: {  	[sflag:s23] =	ssyncset.done $0x0  }
0x84: {  	[sflag:s23] =	ssyncadd.s32 $0xFFFFEE00  }
0x85: {  	s0 =	simm.s32 $0x0;
	s4 =	simm.s32 $0x17A00;
	s2 =	rddreg [dreg:$0x2]  }
0x86: {  	[tilespmem:s4], [sflag:$0x3] =	stream.linear.gather [hbm4b:s2+s0], $0x200, $0x38;
	[tilespmem:$0x1BD00] =	vst v63  }
0x87: {  	_ =	swait.ge [sflag:s23], $0x200  }
0x88: {  	[sflag:s23] =	ssyncset.done $0x0  }
0x89: {  	[sflag:s23] =	ssyncadd.s32 $0xFFFFFE00  }
0x8a: {  	s5 =	simm.s32 $0x0;
	[bflag:$0x0] =	sbarrier.arrive $0xFFFF  }
.LBB2_4:
0x8b: {  	s2 =	sshll.u32 s5, $0x6  }
0x8c: {  	s2 =	sadd.s32 s9, s2  }
0x8d: {  	s2 =	sshrl.u32 s2, $0x3  }
0x8e: {  	s4 =	sadd.s32 s1, s2  }
0x8f: {  	[tilespmem:s11], [sflag:$0x3] =	stream.linear.gather [hbm4b:s4+s0], $0x20, $0x38;
	[tilespmem:$0x1BD00] =	vst v63  }
0x90: {  	_ =	swait.ge [sflag:s23], $0x20  }
0x91: {  	[sflag:s23] =	ssyncset.done $0x0  }
0x92: {  	s10 =	sadd.s32 s8, s2;
	[sflag:s23] =	ssyncadd.s32 $0xFFFFFFE0  }
0x93: {  	[tilespmem:s12], [sflag:$0x3] =	stream.linear.gather [hbm4b:s10+s0], $0x20, $0x38;
	[tilespmem:$0x1BD00] =	vst v63  }
0x94: {  	_ =	swait.ge [sflag:s23], $0x20  }
0x95: {  	[sflag:s23] =	ssyncset.done $0x0  }
0x96: {  	[sflag:s23] =	ssyncadd.s32 $0xFFFFFFE0  }
0x97: {  	v4 =	vld [tilespmem:$0x17C00]  }
0x98: {  	v5 =	vld [tilespmem:$0x17C20]  }
0x99: {  	v6 =	vld [tilespmem:$0x17C10]  }
0x9a: {  	v7 =	vld [tilespmem:$0x17C30];
	_ =	sdelay $0x1  }
0x9b: {  	v4 =	vshll.u32 v4, $0x2  }
0x9c: {  	v5 =	vshll.u32 v5, $0x2;
	v4 =	vor.u32 v1, v4  }
0x9d: {  	[tilespmem:$0x17C40] =	vst v4;
	v4 =	vor.u32 v1, v5;
	v5 =	vshll.u32 v6, $0x2  }
0x9e: {  	[tilespmem:$0x17C60] =	vst v4;
	v4 =	vor.u32 v1, v5;
	v5 =	vshll.u32 v7, $0x2  }
0x9f: {  	[tilespmem:$0x17C50] =	vst v4;
	v4 =	vor.u32 v1, v5  }
0xa0: {  	[tilespmem:$0x17C70] =	vst v4  }
0xa1: {  	[tilespmem:s15], [sflag:$0x1] =	stream.indirect.gather [hbm4b:s6+s13], $0x80, s14, s13, $0xb8;
	[tilespmem:$0x1BD00] =	vst v63  }
0xa2: {  	s2 =	sor.u32 $0x4, s2  }
0xa3: {  	[tilespmem:s17], [sflag:$0x1] =	stream.indirect.gather [hbm4b:s7+s13], $0x80, s16, s13, $0xb8;
	[tilespmem:$0x1BD00] =	vst v63  }
0xa4: {  	s10 =	sadd.s32 s1, s2  }
0xa5: {  	[tilespmem:s18], [sflag:$0x3] =	stream.linear.gather [hbm4b:s10+s0], $0x20, $0x38;
	[tilespmem:$0x1BD00] =	vst v63  }
0xa6: {  	_ =	swait.ge [sflag:s23], $0x20  }
0xa7: {  	[sflag:s23] =	ssyncset.done $0x0  }
0xa8: {  	s2 =	sadd.s32 s8, s2;
	[sflag:s23] =	ssyncadd.s32 $0xFFFFFFE0  }
0xa9: {  	[tilespmem:s21], [sflag:$0x3] =	stream.linear.gather [hbm4b:s2+s0], $0x20, $0x38;
	[tilespmem:$0x1BD00] =	vst v63  }
0xaa: {  	_ =	swait.ge [sflag:s23], $0x20  }
0xab: {  	[sflag:s23] =	ssyncset.done $0x0  }
0xac: {  	[sflag:s23] =	ssyncadd.s32 $0xFFFFFFE0  }
0xad: {  	v4 =	vld [tilespmem:$0x19C80]  }
0xae: {  	v5 =	vld [tilespmem:$0x19CA0]  }
0xaf: {  	v6 =	vld [tilespmem:$0x19C90]  }
0xb0: {  	v7 =	vld [tilespmem:$0x19CB0];
	_ =	sdelay $0x1  }
0xb1: {  	v4 =	vshll.u32 v4, $0x2  }
0xb2: {  	v5 =	vshll.u32 v5, $0x2;
	v4 =	vor.u32 v1, v4  }
0xb3: {  	[tilespmem:$0x19CC0] =	vst v4;
	v4 =	vor.u32 v1, v5;
	v5 =	vshll.u32 v6, $0x2  }
0xb4: {  	[tilespmem:$0x19CE0] =	vst v4;
	v4 =	vor.u32 v1, v5;
	v5 =	vshll.u32 v7, $0x2  }
0xb5: {  	[tilespmem:$0x19CD0] =	vst v4;
	v4 =	vor.u32 v1, v5  }
0xb6: {  	[tilespmem:$0x19CF0] =	vst v4  }
0xb7: {  	[tilespmem:s25], [sflag:$0x2] =	stream.indirect.gather [hbm4b:s6+s13], $0x80, s24, s13, $0xb8;
	[tilespmem:$0x1BD00] =	vst v63  }
0xb8: {  	_ = 	snop  }
0xb9: {  	[tilespmem:s28], [sflag:$0x2] =	stream.indirect.gather [hbm4b:s7+s13], $0x80, s26, s13, $0xb8;
	[tilespmem:$0x1BD00] =	vst v63  }
0xba: {  	_ =	swait.ge [sflag:s29], $0x1000  }
0xbb: {  	[sflag:s29] =	ssyncset.done $0x0  }
0xbc: {  	[sflag:s29] =	ssyncadd.s32 $0xFFFFF000  }
0xbd: {  	_ =	swait.ge [sflag:s29], $0x1000  }
0xbe: {  	[sflag:s29] =	ssyncset.done $0x0  }
0xbf: {  	[sflag:s29] =	ssyncadd.s32 $0xFFFFF000  }
0xc0: {  	v4 =	vld [tilespmem:s22+$0x17A40]  }
0xc1: {  	v5 =	vld [tilespmem:s22+$0x17A30]  }
0xc2: {  	s10 =	simm.s32 $0x0;
	v6 =	vld [tilespmem:s22+$0x17A10]  }
0xc3: {  	v7 =	vld [tilespmem:s10+$0x17C90]  }
0xc4: {  	v8 =	vld [tilespmem:s10+$0x18C90]  }
0xc5: {  	v9 =	vld [tilespmem:s10+$0x17C80]  }
0xc6: {  	v10 =	vld [tilespmem:s10+$0x18C80]  }
0xc7: {  	v11 =	vld [tilespmem:s22+$0x17A00]  }
0xc8: {  	v12 =	vld [tilespmem:s10+$0x18CA0]  }
0xc9: {  	v13 =	vld [tilespmem:s10+$0x17CA0]  }
0xca: {  	v14 =	vld [tilespmem:s10+$0x18CB0]  }
0xcb: {  	v15 =	vld [tilespmem:s10+$0x17CB0];
	v10 =	vadd.f32 v10, v9  }
0xcc: {  	v16 =	vld [tilespmem:s10+$0x18CC0]  }
0xcd: {  	v17 =	vld [tilespmem:s10+$0x17CC0];
	v7 =	vadd.f32 v8, v7;
	v47 =	vmul.f32 $2.000000030e-01, v10  }
0xce: {  	v18 =	vld [tilespmem:s22+$0x17A20];
	vm0 =	vgt.f32 v10, $0.0e+00  }
0xcf: {  	v49 =	vld [tilespmem:s10+$0x18CD0];
	v12 =	vadd.f32 v12, v13;
	v48 =	vmul.f32 $2.000000030e-01, v7;
	v8 =	vsel vm0, v10, v47  }
0xd0: {  	v50 =	vld [tilespmem:s10+$0x17CD0];
	vm9 =	vgt.f32 v7, $0.0e+00;
	v8 =	vmul.f32 v8, v11  }
0xd1: {  	v52 =	vld [tilespmem:s10+$0x18CE0];
	v14 =	vadd.f32 v14, v15;
	v51 =	vmul.f32 $2.000000030e-01, v12;
	v7 =	vsel vm9, v7, v48  }
0xd2: {  	v53 =	vld [tilespmem:s10+$0x17CE0];
	vm10 =	vgt.f32 v12, $0.0e+00;
	v6 =	vmul.f32 v7, v6;
	v7 =	vadd.f32 $0.0e+00, v8  }
0xd3: {  	v55 =	vld [tilespmem:s10+$0x18CF0];
	v16 =	vadd.f32 v16, v17;
	v54 =	vmul.f32 $2.000000030e-01, v14;
	v12 =	vsel vm10, v12, v51  }
0xd4: {  	vm11 =	vgt.f32 v14, $0.0e+00;
	v12 =	vmul.f32 v12, v18;
	v6 =	vadd.f32 v6, v7;
	v7 =	vld [tilespmem:s10+$0x17CF0]  }
0xd5: {  	v57 =	vld [tilespmem:s22+$0x17A50];
	v56 =	vmul.f32 $2.000000030e-01, v16;
	v13 =	vsel vm11, v14, v54;
	v10 =	vadd.f32 v49, v50  }
0xd6: {  	vm12 =	vgt.f32 v16, $0.0e+00;
	v5 =	vmul.f32 v13, v5;
	v6 =	vadd.f32 v12, v6  }
0xd7: {  	v60 =	vld [tilespmem:s22+$0x17A60];
	v58 =	vsel vm12, v16, v56;
	v59 =	vmul.f32 $2.000000030e-01, v10;
	v8 =	vadd.f32 v52, v53  }
0xd8: {  	v4 =	vmul.f32 v58, v4;
	vm13 =	vgt.f32 v10, $0.0e+00;
	v5 =	vadd.f32 v5, v6  }
0xd9: {  	v62 =	vld [tilespmem:s22+$0x17A70];
	v61 =	vmul.f32 $2.000000030e-01, v8;
	v6 =	vsel vm13, v10, v59;
	v7 =	vadd.f32 v55, v7  }
0xda: {  	vm14 =	vgt.f32 v8, $0.0e+00;
	v4 =	vadd.f32 v4, v5;
	v5 =	vmul.f32 v6, v57  }
0xdb: {  	v6 =	vsel vm14, v8, v61;
	v63 =	vmul.f32 $2.000000030e-01, v7  }
0xdc: {  	vm15 =	vgt.f32 v7, $0.0e+00;
	v4 =	vadd.f32 v5, v4;
	v5 =	vmul.f32 v6, v60  }
0xdd: {  	v6 =	vsel vm15, v7, v63  }
0xde: {  	v4 =	vadd.f32 v5, v4;
	v5 =	vmul.f32 v6, v62;
	_ =	sdelay $0x1  }
0xdf: {  	v4 =	vadd.f32 v5, v4;
	_ =	sdelay $0x1  }
0xe0: {  	(xrf2) =	vadd.scan.msk.f32 $0xffff, v4;
	_ =	sdelay $0x9  }
0xe1: {  	v4, _, _ =	vpop (xrf2)  }
0xe2: {  	v4 =	vmul.f32 $1.442695020e+00, v4;
	_ =	sdelay $0x1  }
0xe3: {  	v4 =	vbroadcast v4, $0xF;
	_ =	sdelay $0x1  }
0xe4: {  	(erf) = vpow2.f32 v4;
	_ =	sdelay $0x8  }
0xe5: {  	v4 =	vpop (erf)  }
0xe6: {  	v5 =	vmul.f32 v4, v9  }
0xe7: {  	s2 =	simm.s32 $0x16840  }
0xe8: {  	[tilespmem:s2+$0xFFFFFFC0] =	vst v5  }
0xe9: {  	v5 =	vld [tilespmem:s10+$0x17C90];
	_ =	sdelay $0x4  }
0xea: {  	v5 =	vmul.f32 v4, v5;
	_ =	sdelay $0x1  }
0xeb: {  	[tilespmem:s2+$0xFFFFFFD0] =	vst v5  }
0xec: {  	v5 =	vld [tilespmem:s10+$0x17CA0];
	_ =	sdelay $0x4  }
0xed: {  	v5 =	vmul.f32 v4, v5;
	_ =	sdelay $0x1  }
0xee: {  	[tilespmem:s2+$0xFFFFFFE0] =	vst v5  }
0xef: {  	v5 =	vld [tilespmem:s10+$0x17CB0];
	_ =	sdelay $0x4  }
0xf0: {  	v5 =	vmul.f32 v4, v5;
	_ =	sdelay $0x1  }
0xf1: {  	[tilespmem:s2+$0xFFFFFFF0] =	vst v5  }
0xf2: {  	v5 =	vld [tilespmem:s10+$0x17CC0];
	_ =	sdelay $0x4  }
0xf3: {  	v5 =	vmul.f32 v4, v5;
	_ =	sdelay $0x1  }
0xf4: {  	[tilespmem:s2+$0x0] =	vst v5  }
0xf5: {  	v5 =	vld [tilespmem:s10+$0x17CD0];
	_ =	sdelay $0x4  }
0xf6: {  	v5 =	vmul.f32 v5, v4;
	_ =	sdelay $0x1  }
0xf7: {  	[tilespmem:s2+$0x10] =	vst v5  }
0xf8: {  	v5 =	vld [tilespmem:s10+$0x17CE0];
	_ =	sdelay $0x4  }
0xf9: {  	v5 =	vmul.f32 v5, v4;
	_ =	sdelay $0x1  }
0xfa: {  	v6 =	vmul.f32 v3, v4;
	[tilespmem:s2+$0x20] =	vst v5  }
0xfb: {  	v5 =	vld [tilespmem:s10+$0x17CF0]  }
0xfc: {  	s31 =	simm.s32 $0x16840;
	s10 =	simm.s32 $0x200;
	[tilespmem:s2+$0x40] =	vst v6  }
.LBB2_5:
0xfd: {  	_ = 	snop  }
0xfe: {  	p0 =	sne.s32 s10, $0x3E00  }
0xff: {  	s2 =	sadd.s32 $0x90, s2;
	s4 =	smov.u32 s10;
	s10 =	sadd.s32 $0x200, s10  }
0x100: {  	v4 =	vmul.f32 v5, v4;
	_ =	sdelay $0x1  }
0x101: {  	[tilespmem:s31+$0x30] =	vst v4;
	s31 =	smov.u32 s2  }
0x102: {  	v4 =	vld [tilespmem:s22+$0x17A40]  }
0x103: {  	v5 =	vld [tilespmem:s22+$0x17A30]  }
0x104: {  	s4 =	sshra.s32 s4, $0x2;
	v6 =	vld [tilespmem:s22+$0x17A10]  }
0x105: {  	v7 =	vld [tilespmem:s4+$0x17C90]  }
0x106: {  	v8 =	vld [tilespmem:s4+$0x18C90]  }
0x107: {  	v9 =	vld [tilespmem:s4+$0x17C80]  }
0x108: {  	v10 =	vld [tilespmem:s4+$0x18C80]  }
0x109: {  	v11 =	vld [tilespmem:s22+$0x17A00]  }
0x10a: {  	v12 =	vld [tilespmem:s4+$0x18CA0]  }
0x10b: {  	v13 =	vld [tilespmem:s4+$0x17CA0]  }
0x10c: {  	v7 =	vadd.f32 v8, v7;
	v8 =	vld [tilespmem:s4+$0x18CB0]  }
0x10d: {  	v10 =	vadd.f32 v10, v9;
	v14 =	vld [tilespmem:s4+$0x17CB0]  }
0x10e: {  	v15 =	vmul.f32 $2.000000030e-01, v7;
	v16 =	vld [tilespmem:s4+$0x18CC0]  }
0x10f: {  	vm1 =	vgt.f32 v7, $0.0e+00;
	vm0 =	vgt.f32 v10, $0.0e+00;
	v17 =	vmul.f32 $2.000000030e-01, v10;
	v18 =	vld [tilespmem:s4+$0x17CC0]  }
0x110: {  	v7 =	vsel vm1, v7, v15;
	v12 =	vadd.f32 v12, v13;
	v13 =	vld [tilespmem:s22+$0x17A20]  }
0x111: {  	v10 =	vsel vm0, v10, v17;
	v15 =	vld [tilespmem:s4+$0x18CD0]  }
0x112: {  	v10 =	vmul.f32 v10, v11;
	v11 =	vmul.f32 $2.000000030e-01, v12;
	v8 =	vadd.f32 v8, v14;
	v14 =	vld [tilespmem:s4+$0x17CD0]  }
0x113: {  	v6 =	vmul.f32 v7, v6;
	vm0 =	vgt.f32 v12, $0.0e+00;
	v7 =	vld [tilespmem:s4+$0x18CE0]  }
0x114: {  	v10 =	vadd.f32 $0.0e+00, v10;
	v11 =	vsel vm0, v12, v11;
	v12 =	vmul.f32 $2.000000030e-01, v8;
	v17 =	vld [tilespmem:s4+$0x17CE0]  }
0x115: {  	vm0 =	vgt.f32 v8, $0.0e+00;
	v11 =	vmul.f32 v11, v13;
	v13 =	vadd.f32 v16, v18;
	v16 =	vld [tilespmem:s4+$0x18CF0]  }
0x116: {  	v6 =	vadd.f32 v6, v10;
	v8 =	vsel vm0, v8, v12;
	v10 =	vld [tilespmem:s4+$0x17CF0]  }
0x117: {  	v5 =	vmul.f32 v8, v5;
	v8 =	vmul.f32 $2.000000030e-01, v13;
	v12 =	vadd.f32 v15, v14;
	v14 =	vld [tilespmem:s22+$0x17A50]  }
0x118: {  	vm0 =	vgt.f32 v13, $0.0e+00;
	v6 =	vadd.f32 v11, v6  }
0x119: {  	v8 =	vsel vm0, v13, v8;
	v11 =	vmul.f32 $2.000000030e-01, v12;
	v7 =	vadd.f32 v7, v17;
	v13 =	vld [tilespmem:s22+$0x17A60]  }
0x11a: {  	vm0 =	vgt.f32 v12, $0.0e+00;
	v5 =	vadd.f32 v5, v6;
	v4 =	vmul.f32 v8, v4  }
0x11b: {  	v6 =	vsel vm0, v12, v11;
	v8 =	vmul.f32 $2.000000030e-01, v7;
	v10 =	vadd.f32 v16, v10;
	v11 =	vld [tilespmem:s22+$0x17A70]  }
0x11c: {  	vm0 =	vgt.f32 v7, $0.0e+00;
	v4 =	vadd.f32 v4, v5;
	v5 =	vmul.f32 v6, v14  }
0x11d: {  	v6 =	vsel vm0, v7, v8;
	v7 =	vmul.f32 $2.000000030e-01, v10  }
0x11e: {  	vm0 =	vgt.f32 v10, $0.0e+00;
	v4 =	vadd.f32 v5, v4;
	v5 =	vmul.f32 v6, v13  }
0x11f: {  	v6 =	vsel vm0, v10, v7  }
0x120: {  	v4 =	vadd.f32 v5, v4;
	v5 =	vmul.f32 v6, v11;
	_ =	sdelay $0x1  }
0x121: {  	v4 =	vadd.f32 v5, v4;
	_ =	sdelay $0x1  }
0x122: {  	(xrf2) =	vadd.scan.msk.f32 $0xffff, v4;
	_ =	sdelay $0x9  }
0x123: {  	v4, _, _ =	vpop (xrf2)  }
0x124: {  	v4 =	vmul.f32 $1.442695020e+00, v4;
	_ =	sdelay $0x1  }
0x125: {  	v4 =	vbroadcast v4, $0xF;
	_ =	sdelay $0x1  }
0x126: {  	(erf) = vpow2.f32 v4;
	_ =	sdelay $0x8  }
0x127: {  	v4 =	vpop (erf)  }
0x128: {  	v5 =	vmul.f32 v4, v9;
	_ =	sdelay $0x1  }
0x129: {  	[tilespmem:s2+$0xFFFFFFC0] =	vst v5  }
0x12a: {  	v5 =	vld [tilespmem:s4+$0x17C90];
	_ =	sdelay $0x4  }
0x12b: {  	v5 =	vmul.f32 v4, v5;
	_ =	sdelay $0x1  }
0x12c: {  	[tilespmem:s2+$0xFFFFFFD0] =	vst v5  }
0x12d: {  	v5 =	vld [tilespmem:s4+$0x17CA0];
	_ =	sdelay $0x4  }
0x12e: {  	v5 =	vmul.f32 v4, v5;
	_ =	sdelay $0x1  }
0x12f: {  	[tilespmem:s2+$0xFFFFFFE0] =	vst v5  }
0x130: {  	v5 =	vld [tilespmem:s4+$0x17CB0];
	_ =	sdelay $0x4  }
0x131: {  	v5 =	vmul.f32 v4, v5;
	_ =	sdelay $0x1  }
0x132: {  	[tilespmem:s2+$0xFFFFFFF0] =	vst v5  }
0x133: {  	v5 =	vld [tilespmem:s4+$0x17CC0];
	_ =	sdelay $0x4  }
0x134: {  	v5 =	vmul.f32 v4, v5;
	_ =	sdelay $0x1  }
0x135: {  	[tilespmem:s2+$0x0] =	vst v5  }
0x136: {  	v5 =	vld [tilespmem:s4+$0x17CD0];
	_ =	sdelay $0x4  }
0x137: {  	v5 =	vmul.f32 v5, v4;
	_ =	sdelay $0x1  }
0x138: {  	[tilespmem:s2+$0x10] =	vst v5  }
0x139: {  	v5 =	vld [tilespmem:s4+$0x17CE0];
	_ =	sdelay $0x4  }
.Ltmp1:
0x13a: {  	v5 =	vmul.f32 v5, v4;
	(pc) =	sbr.rel @p0 .LBB2_5-.Ltmp1, $4  }
0x13b: {  	_ = 	snop  }
0x13c: {  	v6 =	vmul.f32 v3, v4;
	[tilespmem:s2+$0x20] =	vst v5  }
0x13d: {  	v5 =	vld [tilespmem:s4+$0x17CF0]  }
0x13e: {  	[tilespmem:s2+$0x40] =	vst v6  }
0x13f: {  	_ =	sdelay $0x2  }
0x140: {  	v4 =	vmul.f32 v5, v4;
	_ =	sdelay $0x1  }
0x141: {  	[tilespmem:s31+$0x30] =	vst v4  }
0x142: {  	[spmem:s3] =	stream.indirect.scatter.add.f32 [tilespmem:s20], [sflag:$0x3], $0x90, s12, s13, $0xb8;
	[tilespmem:$0x1BD00] =	vst v63  }
0x143: {  	_ =	swait.ge [sflag:s23], $0x1200  }
0x144: {  	[sflag:s23] =	ssyncset.done $0x0  }
0x145: {  	[sflag:s23] =	ssyncadd.s32 $0xFFFFEE00  }
0x146: {  	_ =	swait.ge [sflag:s30], $0x1000  }
0x147: {  	[sflag:s30] =	ssyncset.done $0x0  }
0x148: {  	[sflag:s30] =	ssyncadd.s32 $0xFFFFF000  }
0x149: {  	_ =	swait.ge [sflag:s30], $0x1000  }
0x14a: {  	[sflag:s30] =	ssyncset.done $0x0  }
0x14b: {  	[sflag:s30] =	ssyncadd.s32 $0xFFFFF000  }
0x14c: {  	v4 =	vld [tilespmem:s22+$0x17A40]  }
0x14d: {  	v5 =	vld [tilespmem:s22+$0x17A30]  }
0x14e: {  	s4 =	simm.s32 $0x0;
	v6 =	vld [tilespmem:s22+$0x17A10]  }
0x14f: {  	v7 =	vld [tilespmem:s4+$0x19D10]  }
0x150: {  	v8 =	vld [tilespmem:s4+$0x1AD10]  }
0x151: {  	v9 =	vld [tilespmem:s4+$0x19D00]  }
0x152: {  	v10 =	vld [tilespmem:s4+$0x1AD00]  }
0x153: {  	v11 =	vld [tilespmem:s22+$0x17A00]  }
0x154: {  	v12 =	vld [tilespmem:s4+$0x1AD20]  }
0x155: {  	v13 =	vld [tilespmem:s4+$0x19D20]  }
0x156: {  	v14 =	vld [tilespmem:s4+$0x1AD30]  }
0x157: {  	v15 =	vld [tilespmem:s4+$0x19D30];
	v10 =	vadd.f32 v10, v9  }
0x158: {  	v16 =	vld [tilespmem:s4+$0x1AD40]  }
0x159: {  	v17 =	vld [tilespmem:s4+$0x19D40];
	v7 =	vadd.f32 v8, v7;
	v47 =	vmul.f32 $2.000000030e-01, v10  }
0x15a: {  	v18 =	vld [tilespmem:s22+$0x17A20];
	vm0 =	vgt.f32 v10, $0.0e+00  }
0x15b: {  	v49 =	vld [tilespmem:s4+$0x1AD50];
	v12 =	vadd.f32 v12, v13;
	v48 =	vmul.f32 $2.000000030e-01, v7;
	v8 =	vsel vm0, v10, v47  }
0x15c: {  	v50 =	vld [tilespmem:s4+$0x19D50];
	vm9 =	vgt.f32 v7, $0.0e+00;
	v8 =	vmul.f32 v8, v11  }
0x15d: {  	v52 =	vld [tilespmem:s4+$0x1AD60];
	v14 =	vadd.f32 v14, v15;
	v51 =	vmul.f32 $2.000000030e-01, v12;
	v7 =	vsel vm9, v7, v48  }
0x15e: {  	v53 =	vld [tilespmem:s4+$0x19D60];
	vm10 =	vgt.f32 v12, $0.0e+00;
	v6 =	vmul.f32 v7, v6;
	v7 =	vadd.f32 $0.0e+00, v8  }
0x15f: {  	v55 =	vld [tilespmem:s4+$0x1AD70];
	v16 =	vadd.f32 v16, v17;
	v54 =	vmul.f32 $2.000000030e-01, v14;
	v12 =	vsel vm10, v12, v51  }
0x160: {  	vm11 =	vgt.f32 v14, $0.0e+00;
	v12 =	vmul.f32 v12, v18;
	v6 =	vadd.f32 v6, v7;
	v7 =	vld [tilespmem:s4+$0x19D70]  }
0x161: {  	v57 =	vld [tilespmem:s22+$0x17A50];
	v56 =	vmul.f32 $2.000000030e-01, v16;
	v13 =	vsel vm11, v14, v54;
	v10 =	vadd.f32 v49, v50  }
0x162: {  	vm12 =	vgt.f32 v16, $0.0e+00;
	v5 =	vmul.f32 v13, v5;
	v6 =	vadd.f32 v12, v6  }
0x163: {  	v60 =	vld [tilespmem:s22+$0x17A60];
	v58 =	vsel vm12, v16, v56;
	v59 =	vmul.f32 $2.000000030e-01, v10;
	v8 =	vadd.f32 v52, v53  }
0x164: {  	v4 =	vmul.f32 v58, v4;
	vm13 =	vgt.f32 v10, $0.0e+00;
	v5 =	vadd.f32 v5, v6  }
0x165: {  	v62 =	vld [tilespmem:s22+$0x17A70];
	v61 =	vmul.f32 $2.000000030e-01, v8;
	v6 =	vsel vm13, v10, v59;
	v7 =	vadd.f32 v55, v7  }
0x166: {  	vm14 =	vgt.f32 v8, $0.0e+00;
	v4 =	vadd.f32 v4, v5;
	v5 =	vmul.f32 v6, v57  }
0x167: {  	v6 =	vsel vm14, v8, v61;
	v63 =	vmul.f32 $2.000000030e-01, v7  }
0x168: {  	vm15 =	vgt.f32 v7, $0.0e+00;
	v4 =	vadd.f32 v5, v4;
	v5 =	vmul.f32 v6, v60  }
0x169: {  	v6 =	vsel vm15, v7, v63  }
0x16a: {  	v4 =	vadd.f32 v5, v4;
	v5 =	vmul.f32 v6, v62;
	_ =	sdelay $0x1  }
0x16b: {  	v4 =	vadd.f32 v5, v4;
	_ =	sdelay $0x1  }
0x16c: {  	(xrf2) =	vadd.scan.msk.f32 $0xffff, v4;
	_ =	sdelay $0x9  }
0x16d: {  	v4, _, _ =	vpop (xrf2)  }
0x16e: {  	v4 =	vmul.f32 $1.442695020e+00, v4;
	_ =	sdelay $0x1  }
0x16f: {  	v4 =	vbroadcast v4, $0xF;
	_ =	sdelay $0x1  }
0x170: {  	(erf) = vpow2.f32 v4;
	_ =	sdelay $0x8  }
0x171: {  	v4 =	vpop (erf)  }
0x172: {  	v5 =	vmul.f32 v4, v9  }
0x173: {  	s2 =	simm.s32 $0x16840  }
0x174: {  	[tilespmem:s2+$0xFFFFFFC0] =	vst v5  }
0x175: {  	v5 =	vld [tilespmem:s4+$0x19D10];
	_ =	sdelay $0x4  }
0x176: {  	v5 =	vmul.f32 v4, v5;
	_ =	sdelay $0x1  }
0x177: {  	[tilespmem:s2+$0xFFFFFFD0] =	vst v5  }
0x178: {  	v5 =	vld [tilespmem:s4+$0x19D20];
	_ =	sdelay $0x4  }
0x179: {  	v5 =	vmul.f32 v4, v5;
	_ =	sdelay $0x1  }
0x17a: {  	[tilespmem:s2+$0xFFFFFFE0] =	vst v5  }
0x17b: {  	v5 =	vld [tilespmem:s4+$0x19D30];
	_ =	sdelay $0x4  }
0x17c: {  	v5 =	vmul.f32 v4, v5;
	_ =	sdelay $0x1  }
0x17d: {  	[tilespmem:s2+$0xFFFFFFF0] =	vst v5  }
0x17e: {  	v5 =	vld [tilespmem:s4+$0x19D40];
	_ =	sdelay $0x4  }
0x17f: {  	v5 =	vmul.f32 v4, v5;
	_ =	sdelay $0x1  }
0x180: {  	[tilespmem:s2+$0x0] =	vst v5  }
0x181: {  	v5 =	vld [tilespmem:s4+$0x19D50];
	_ =	sdelay $0x4  }
0x182: {  	v5 =	vmul.f32 v5, v4;
	_ =	sdelay $0x1  }
0x183: {  	[tilespmem:s2+$0x10] =	vst v5  }
0x184: {  	v5 =	vld [tilespmem:s4+$0x19D60];
	_ =	sdelay $0x4  }
0x185: {  	v5 =	vmul.f32 v5, v4;
	_ =	sdelay $0x1  }
0x186: {  	v6 =	vmul.f32 v3, v4;
	[tilespmem:s2+$0x20] =	vst v5  }
0x187: {  	v5 =	vld [tilespmem:s4+$0x19D70]  }
0x188: {  	s10 =	simm.s32 $0x200;
	s31 =	simm.s32 $0x16840;
	[tilespmem:s2+$0x40] =	vst v6  }
.LBB2_7:
0x189: {  	_ = 	snop  }
0x18a: {  	p0 =	sne.s32 s10, $0x3E00  }
0x18b: {  	s2 =	sadd.s32 $0x90, s2;
	s4 =	smov.u32 s10;
	s10 =	sadd.s32 $0x200, s10  }
0x18c: {  	v4 =	vmul.f32 v5, v4;
	_ =	sdelay $0x1  }
0x18d: {  	[tilespmem:s31+$0x30] =	vst v4;
	s31 =	smov.u32 s2  }
0x18e: {  	v4 =	vld [tilespmem:s22+$0x17A40]  }
0x18f: {  	v5 =	vld [tilespmem:s22+$0x17A30]  }
0x190: {  	s4 =	sshra.s32 s4, $0x2;
	v6 =	vld [tilespmem:s22+$0x17A10]  }
0x191: {  	v7 =	vld [tilespmem:s4+$0x19D10]  }
0x192: {  	v8 =	vld [tilespmem:s4+$0x1AD10]  }
0x193: {  	v9 =	vld [tilespmem:s4+$0x19D00]  }
0x194: {  	v10 =	vld [tilespmem:s4+$0x1AD00]  }
0x195: {  	v11 =	vld [tilespmem:s22+$0x17A00]  }
0x196: {  	v12 =	vld [tilespmem:s4+$0x1AD20]  }
0x197: {  	v13 =	vld [tilespmem:s4+$0x19D20]  }
0x198: {  	v7 =	vadd.f32 v8, v7;
	v8 =	vld [tilespmem:s4+$0x1AD30]  }
0x199: {  	v10 =	vadd.f32 v10, v9;
	v14 =	vld [tilespmem:s4+$0x19D30]  }
0x19a: {  	v15 =	vmul.f32 $2.000000030e-01, v7;
	v16 =	vld [tilespmem:s4+$0x1AD40]  }
0x19b: {  	vm1 =	vgt.f32 v7, $0.0e+00;
	vm0 =	vgt.f32 v10, $0.0e+00;
	v17 =	vmul.f32 $2.000000030e-01, v10;
	v18 =	vld [tilespmem:s4+$0x19D40]  }
0x19c: {  	v7 =	vsel vm1, v7, v15;
	v12 =	vadd.f32 v12, v13;
	v13 =	vld [tilespmem:s22+$0x17A20]  }
0x19d: {  	v10 =	vsel vm0, v10, v17;
	v15 =	vld [tilespmem:s4+$0x1AD50]  }
0x19e: {  	v10 =	vmul.f32 v10, v11;
	v11 =	vmul.f32 $2.000000030e-01, v12;
	v8 =	vadd.f32 v8, v14;
	v14 =	vld [tilespmem:s4+$0x19D50]  }
0x19f: {  	v6 =	vmul.f32 v7, v6;
	vm0 =	vgt.f32 v12, $0.0e+00;
	v7 =	vld [tilespmem:s4+$0x1AD60]  }
0x1a0: {  	v10 =	vadd.f32 $0.0e+00, v10;
	v11 =	vsel vm0, v12, v11;
	v12 =	vmul.f32 $2.000000030e-01, v8;
	v17 =	vld [tilespmem:s4+$0x19D60]  }
0x1a1: {  	vm0 =	vgt.f32 v8, $0.0e+00;
	v11 =	vmul.f32 v11, v13;
	v13 =	vadd.f32 v16, v18;
	v16 =	vld [tilespmem:s4+$0x1AD70]  }
0x1a2: {  	v6 =	vadd.f32 v6, v10;
	v8 =	vsel vm0, v8, v12;
	v10 =	vld [tilespmem:s4+$0x19D70]  }
0x1a3: {  	v5 =	vmul.f32 v8, v5;
	v8 =	vmul.f32 $2.000000030e-01, v13;
	v12 =	vadd.f32 v15, v14;
	v14 =	vld [tilespmem:s22+$0x17A50]  }
0x1a4: {  	vm0 =	vgt.f32 v13, $0.0e+00;
	v6 =	vadd.f32 v11, v6  }
0x1a5: {  	v8 =	vsel vm0, v13, v8;
	v11 =	vmul.f32 $2.000000030e-01, v12;
	v7 =	vadd.f32 v7, v17;
	v13 =	vld [tilespmem:s22+$0x17A60]  }
0x1a6: {  	vm0 =	vgt.f32 v12, $0.0e+00;
	v5 =	vadd.f32 v5, v6;
	v4 =	vmul.f32 v8, v4  }
0x1a7: {  	v6 =	vsel vm0, v12, v11;
	v8 =	vmul.f32 $2.000000030e-01, v7;
	v10 =	vadd.f32 v16, v10;
	v11 =	vld [tilespmem:s22+$0x17A70]  }
0x1a8: {  	vm0 =	vgt.f32 v7, $0.0e+00;
	v4 =	vadd.f32 v4, v5;
	v5 =	vmul.f32 v6, v14  }
0x1a9: {  	v6 =	vsel vm0, v7, v8;
	v7 =	vmul.f32 $2.000000030e-01, v10  }
0x1aa: {  	vm0 =	vgt.f32 v10, $0.0e+00;
	v4 =	vadd.f32 v5, v4;
	v5 =	vmul.f32 v6, v13  }
0x1ab: {  	v6 =	vsel vm0, v10, v7  }
0x1ac: {  	v4 =	vadd.f32 v5, v4;
	v5 =	vmul.f32 v6, v11;
	_ =	sdelay $0x1  }
0x1ad: {  	v4 =	vadd.f32 v5, v4;
	_ =	sdelay $0x1  }
0x1ae: {  	(xrf2) =	vadd.scan.msk.f32 $0xffff, v4;
	_ =	sdelay $0x9  }
0x1af: {  	v4, _, _ =	vpop (xrf2)  }
0x1b0: {  	v4 =	vmul.f32 $1.442695020e+00, v4;
	_ =	sdelay $0x1  }
0x1b1: {  	v4 =	vbroadcast v4, $0xF;
	_ =	sdelay $0x1  }
0x1b2: {  	(erf) = vpow2.f32 v4;
	_ =	sdelay $0x8  }
0x1b3: {  	v4 =	vpop (erf)  }
0x1b4: {  	v5 =	vmul.f32 v4, v9;
	_ =	sdelay $0x1  }
0x1b5: {  	[tilespmem:s2+$0xFFFFFFC0] =	vst v5  }
0x1b6: {  	v5 =	vld [tilespmem:s4+$0x19D10];
	_ =	sdelay $0x4  }
0x1b7: {  	v5 =	vmul.f32 v4, v5;
	_ =	sdelay $0x1  }
0x1b8: {  	[tilespmem:s2+$0xFFFFFFD0] =	vst v5  }
0x1b9: {  	v5 =	vld [tilespmem:s4+$0x19D20];
	_ =	sdelay $0x4  }
0x1ba: {  	v5 =	vmul.f32 v4, v5;
	_ =	sdelay $0x1  }
0x1bb: {  	[tilespmem:s2+$0xFFFFFFE0] =	vst v5  }
0x1bc: {  	v5 =	vld [tilespmem:s4+$0x19D30];
	_ =	sdelay $0x4  }
0x1bd: {  	v5 =	vmul.f32 v4, v5;
	_ =	sdelay $0x1  }
0x1be: {  	[tilespmem:s2+$0xFFFFFFF0] =	vst v5  }
0x1bf: {  	v5 =	vld [tilespmem:s4+$0x19D40];
	_ =	sdelay $0x4  }
0x1c0: {  	v5 =	vmul.f32 v4, v5;
	_ =	sdelay $0x1  }
0x1c1: {  	[tilespmem:s2+$0x0] =	vst v5  }
0x1c2: {  	v5 =	vld [tilespmem:s4+$0x19D50];
	_ =	sdelay $0x4  }
0x1c3: {  	v5 =	vmul.f32 v5, v4;
	_ =	sdelay $0x1  }
0x1c4: {  	[tilespmem:s2+$0x10] =	vst v5  }
0x1c5: {  	v5 =	vld [tilespmem:s4+$0x19D60];
	_ =	sdelay $0x4  }
.Ltmp2:
0x1c6: {  	v5 =	vmul.f32 v5, v4;
	(pc) =	sbr.rel @p0 .LBB2_7-.Ltmp2, $4  }
0x1c7: {  	_ = 	snop  }
0x1c8: {  	v6 =	vmul.f32 v3, v4;
	[tilespmem:s2+$0x20] =	vst v5  }
0x1c9: {  	v5 =	vld [tilespmem:s4+$0x19D70]  }
0x1ca: {  	[tilespmem:s2+$0x40] =	vst v6  }
0x1cb: {  	_ =	sdelay $0x2  }
0x1cc: {  	s5 =	sadd.s32 $0x1, s5;
	v4 =	vmul.f32 v5, v4  }
0x1cd: {  	p0 =	sne.s32 s5, $0x13B  }
.Ltmp3:
0x1ce: {  	[tilespmem:s31+$0x30] =	vst v4;
	(pc) =	sbr.rel @p0 .LBB2_4-.Ltmp3, $4  }
0x1cf: {  	[spmem:s3] =	stream.indirect.scatter.add.f32 [tilespmem:s20], [sflag:$0x3], $0x90, s21, s13, $0xb8;
	[tilespmem:$0x1BD00] =	vst v63  }
0x1d0: {  	_ =	swait.ge [sflag:s23], $0x1200  }
0x1d1: {  	[sflag:s23] =	ssyncset.done $0x0  }
0x1d2: {  	[sflag:s23] =	ssyncadd.s32 $0xFFFFEE00  }
0x1d3: {  	s0 =	stileid.u32;
	[bflag:$0x0] =	sbarrier.arrive $0xFFFF  }
0x1d4: {  	s0 =	sshll.u32 s0, $0x6;
	s10 =	rddreg [dreg:$0x6]  }
0x1d5: {  	s31 =	rddreg [dreg:$0xf];
	s2 =	sor.u32 $0x1C03, s0  }
0x1d6: {  	s4 =	sshrl.u32 s10, $0x3;
	[dreg:$0x1d] =	wrdreg s2  }
0x1d7: {  	[dreg:$0x1e] =	wrdreg s4  }
0x1d8: {  	[hbm:s31], [sflag:s2] =	dma.local [spmem:s4], $0x2D00  }
0x1d9: {  	_ =	swait.ge [sflag:s23], $0x2D00  }
0x1da: {  	[sflag:s23] =	ssyncset.done $0x0  }
0x1db: {  	[sflag:s23] =	ssyncadd.s32 $0xFFFFD300  }
0x1dc: {  	s0 =	simm.s32 $0x0;
	s2 =	simm.s32 $0x240;
	[bflag:$0x0] =	sbarrier.arrive $0xFFFF  }
.LBB2_10:
0x1dd: {  	p0 =	sne.s32 s2, $0x45C0;
	[tilespmem:s0+$0x16880] =	vst v0  }
0x1de: {  	[tilespmem:s0+$0x16800] =	vst v0  }
0x1df: {  	[tilespmem:s0+$0x16810] =	vst v0  }
0x1e0: {  	[tilespmem:s0+$0x16820] =	vst v0  }
.Ltmp4:
0x1e1: {  	[tilespmem:s0+$0x16830] =	vst v0;
	(pc) =	sbr.rel @p0 .LBB2_10-.Ltmp4, $4  }
0x1e2: {  	[tilespmem:s0+$0x16840] =	vst v0  }
0x1e3: {  	[tilespmem:s0+$0x16850] =	vst v0  }
0x1e4: {  	[tilespmem:s0+$0x16860] =	vst v0  }
0x1e5: {  	[tilespmem:s0+$0x16870] =	vst v0;
	s0 =	sshra.s32 s2, $0x2;
	s2 =	sadd.s32 $0x240, s2  }
0x1e6: {  	[tilespmem:s0+$0x16880] =	vst v0  }
0x1e7: {  	[tilespmem:s0+$0x16800] =	vst v0  }
0x1e8: {  	[tilespmem:s0+$0x16810] =	vst v0  }
0x1e9: {  	[tilespmem:s0+$0x16820] =	vst v0  }
0x1ea: {  	[tilespmem:s0+$0x16830] =	vst v0  }
0x1eb: {  	[tilespmem:s0+$0x16840] =	vst v0  }
0x1ec: {  	[tilespmem:s0+$0x16850] =	vst v0  }
0x1ed: {  	[tilespmem:s0+$0x16860] =	vst v0  }
0x1ee: {  	[tilespmem:s0+$0x16870] =	vst v0;
	s31 =	rddreg [dreg:$0x6]  }
0x1ef: {  	[spmem:s31] =	stream.linear.scatter [tilespmem:s20], [sflag:$0x3], $0x1200, $0x38;
	[tilespmem:$0x1BD00] =	vst v63  }
0x1f0: {  	_ =	swait.ge [sflag:s23], $0x1200  }
0x1f1: {  	[sflag:s23] =	ssyncset.done $0x0  }
0x1f2: {  	s2 =	rddreg [dreg:$0x7];
	[sflag:s23] =	ssyncadd.s32 $0xFFFFEE00  }
0x1f3: {  	[spmem:s2] =	stream.linear.scatter [tilespmem:s20], [sflag:$0x3], $0x1200, $0x38;
	[tilespmem:$0x1BD00] =	vst v63  }
0x1f4: {  	_ =	swait.ge [sflag:s23], $0x1200  }
0x1f5: {  	[sflag:s23] =	ssyncset.done $0x0  }
0x1f6: {  	s4 =	rddreg [dreg:$0x8];
	[sflag:s23] =	ssyncadd.s32 $0xFFFFEE00  }
0x1f7: {  	[spmem:s4] =	stream.linear.scatter [tilespmem:s20], [sflag:$0x3], $0x1200, $0x38;
	[tilespmem:$0x1BD00] =	vst v63  }
0x1f8: {  	_ =	swait.ge [sflag:s23], $0x1200  }
0x1f9: {  	[sflag:s23] =	ssyncset.done $0x0  }
0x1fa: {  	s5 =	rddreg [dreg:$0x9];
	[sflag:s23] =	ssyncadd.s32 $0xFFFFEE00  }
0x1fb: {  	[spmem:s5] =	stream.linear.scatter [tilespmem:s20], [sflag:$0x3], $0x1200, $0x38;
	[tilespmem:$0x1BD00] =	vst v63  }
0x1fc: {  	_ =	swait.ge [sflag:s23], $0x1200  }
0x1fd: {  	[sflag:s23] =	ssyncset.done $0x0  }
0x1fe: {  	s10 =	rddreg [dreg:$0xa];
	[sflag:s23] =	ssyncadd.s32 $0xFFFFEE00  }
0x1ff: {  	[spmem:s10] =	stream.linear.scatter [tilespmem:s20], [sflag:$0x3], $0x1200, $0x38;
	[tilespmem:$0x1BD00] =	vst v63  }
0x200: {  	_ =	swait.ge [sflag:s23], $0x1200  }
0x201: {  	[sflag:s23] =	ssyncset.done $0x0  }
0x202: {  	s31 =	rddreg [dreg:$0xb];
	[sflag:s23] =	ssyncadd.s32 $0xFFFFEE00  }
0x203: {  	[spmem:s31] =	stream.linear.scatter [tilespmem:s20], [sflag:$0x3], $0x1200, $0x38;
	[tilespmem:$0x1BD00] =	vst v63  }
0x204: {  	_ =	swait.ge [sflag:s23], $0x1200  }
0x205: {  	[sflag:s23] =	ssyncset.done $0x0  }
0x206: {  	s2 =	rddreg [dreg:$0xc];
	[sflag:s23] =	ssyncadd.s32 $0xFFFFEE00  }
0x207: {  	[spmem:s2] =	stream.linear.scatter [tilespmem:s20], [sflag:$0x3], $0x1200, $0x38;
	[tilespmem:$0x1BD00] =	vst v63  }
0x208: {  	_ =	swait.ge [sflag:s23], $0x1200  }
0x209: {  	[sflag:s23] =	ssyncset.done $0x0  }
0x20a: {  	s4 =	rddreg [dreg:$0xd];
	[sflag:s23] =	ssyncadd.s32 $0xFFFFEE00  }
0x20b: {  	[spmem:s4] =	stream.linear.scatter [tilespmem:s20], [sflag:$0x3], $0x1200, $0x38;
	[tilespmem:$0x1BD00] =	vst v63  }
0x20c: {  	_ =	swait.ge [sflag:s23], $0x1200  }
0x20d: {  	[sflag:s23] =	ssyncset.done $0x0  }
0x20e: {  	s5 =	rddreg [dreg:$0xe];
	[sflag:s23] =	ssyncadd.s32 $0xFFFFEE00  }
0x20f: {  	[spmem:s5] =	stream.linear.scatter [tilespmem:s20], [sflag:$0x3], $0x1200, $0x38;
	[tilespmem:$0x1BD00] =	vst v63  }
0x210: {  	_ =	swait.ge [sflag:s23], $0x1200  }
0x211: {  	[sflag:s23] =	ssyncset.done $0x0  }
0x212: {  	s10 =	rddreg [dreg:$0x11];
	[sflag:s23] =	ssyncadd.s32 $0xFFFFEE00  }
0x213: {  	[spmem:s10] =	stream.linear.scatter [tilespmem:s20], [sflag:$0x3], $0x1200, $0x38;
	[tilespmem:$0x1BD00] =	vst v63  }
0x214: {  	_ =	swait.ge [sflag:s23], $0x1200  }
0x215: {  	[sflag:s23] =	ssyncset.done $0x0  }
0x216: {  	s31 =	rddreg [dreg:$0x13];
	[sflag:s23] =	ssyncadd.s32 $0xFFFFEE00  }
0x217: {  	[spmem:s31] =	stream.linear.scatter [tilespmem:s20], [sflag:$0x3], $0x1200, $0x38;
	[tilespmem:$0x1BD00] =	vst v63  }
0x218: {  	_ =	swait.ge [sflag:s23], $0x1200  }
0x219: {  	[sflag:s23] =	ssyncset.done $0x0  }
0x21a: {  	s2 =	rddreg [dreg:$0x14];
	[sflag:s23] =	ssyncadd.s32 $0xFFFFEE00  }
0x21b: {  	[spmem:s2] =	stream.linear.scatter [tilespmem:s20], [sflag:$0x3], $0x1200, $0x38;
	[tilespmem:$0x1BD00] =	vst v63  }
0x21c: {  	_ =	swait.ge [sflag:s23], $0x1200  }
0x21d: {  	[sflag:s23] =	ssyncset.done $0x0  }
0x21e: {  	s4 =	rddreg [dreg:$0x15];
	[sflag:s23] =	ssyncadd.s32 $0xFFFFEE00  }
0x21f: {  	[spmem:s4] =	stream.linear.scatter [tilespmem:s20], [sflag:$0x3], $0x1200, $0x38;
	[tilespmem:$0x1BD00] =	vst v63  }
0x220: {  	_ =	swait.ge [sflag:s23], $0x1200  }
0x221: {  	[sflag:s23] =	ssyncset.done $0x0  }
0x222: {  	s5 =	rddreg [dreg:$0x16];
	[sflag:s23] =	ssyncadd.s32 $0xFFFFEE00  }
0x223: {  	[spmem:s5] =	stream.linear.scatter [tilespmem:s20], [sflag:$0x3], $0x1200, $0x38;
	[tilespmem:$0x1BD00] =	vst v63  }
0x224: {  	_ =	swait.ge [sflag:s23], $0x1200  }
0x225: {  	[sflag:s23] =	ssyncset.done $0x0  }
0x226: {  	s10 =	rddreg [dreg:$0x17];
	[sflag:s23] =	ssyncadd.s32 $0xFFFFEE00  }
0x227: {  	[spmem:s10] =	stream.linear.scatter [tilespmem:s20], [sflag:$0x3], $0x1200, $0x38;
	[tilespmem:$0x1BD00] =	vst v63  }
0x228: {  	_ =	swait.ge [sflag:s23], $0x1200  }
0x229: {  	[sflag:s23] =	ssyncset.done $0x0  }
0x22a: {  	s31 =	rddreg [dreg:$0x18];
	[sflag:s23] =	ssyncadd.s32 $0xFFFFEE00  }
0x22b: {  	[spmem:s31] =	stream.linear.scatter [tilespmem:s20], [sflag:$0x3], $0x1200, $0x38;
	[tilespmem:$0x1BD00] =	vst v63  }
0x22c: {  	_ =	swait.ge [sflag:s23], $0x1200  }
0x22d: {  	[sflag:s23] =	ssyncset.done $0x0  }
0x22e: {  	s2 =	rddreg [dreg:$0x19];
	[sflag:s23] =	ssyncadd.s32 $0xFFFFEE00  }
0x22f: {  	[spmem:s2] =	stream.linear.scatter [tilespmem:s20], [sflag:$0x3], $0x1200, $0x38;
	[tilespmem:$0x1BD00] =	vst v63  }
0x230: {  	_ =	swait.ge [sflag:s23], $0x1200  }
0x231: {  	[sflag:s23] =	ssyncset.done $0x0  }
0x232: {  	s4 =	rddreg [dreg:$0x1a];
	[sflag:s23] =	ssyncadd.s32 $0xFFFFEE00  }
0x233: {  	[spmem:s4] =	stream.linear.scatter [tilespmem:s20], [sflag:$0x3], $0x1200, $0x38;
	[tilespmem:$0x1BD00] =	vst v63  }
0x234: {  	_ =	swait.ge [sflag:s23], $0x1200  }
0x235: {  	[sflag:s23] =	ssyncset.done $0x0  }
0x236: {  	s5 =	rddreg [dreg:$0x1b];
	[sflag:s23] =	ssyncadd.s32 $0xFFFFEE00  }
0x237: {  	[spmem:s5] =	stream.linear.scatter [tilespmem:s20], [sflag:$0x3], $0x1200, $0x38;
	[tilespmem:$0x1BD00] =	vst v63  }
0x238: {  	_ =	swait.ge [sflag:s23], $0x1200  }
0x239: {  	[sflag:s23] =	ssyncset.done $0x0  }
0x23a: {  	s10 =	rddreg [dreg:$0x1c];
	[sflag:s23] =	ssyncadd.s32 $0xFFFFEE00  }
0x23b: {  	[spmem:s10] =	stream.linear.scatter [tilespmem:s20], [sflag:$0x3], $0x1200, $0x38;
	[tilespmem:$0x1BD00] =	vst v63  }
0x23c: {  	_ =	swait.ge [sflag:s23], $0x1200  }
0x23d: {  	[sflag:s23] =	ssyncset.done $0x0  }
0x23e: {  	[sflag:s23] =	ssyncadd.s32 $0xFFFFEE00  }
0x23f: {  	s2 =	simm.s32 $0x17A00;
	s5 =	simm.s32 $0x0;
	s31 =	rddreg [dreg:$0x2]  }
0x240: {  	[tilespmem:s2], [sflag:$0x3] =	stream.linear.gather [hbm4b:s31+s5], $0x200, $0x38;
	[tilespmem:$0x1BD00] =	vst v63  }
0x241: {  	_ =	swait.ge [sflag:s23], $0x200  }
0x242: {  	[sflag:s23] =	ssyncset.done $0x0  }
0x243: {  	[sflag:s23] =	ssyncadd.s32 $0xFFFFFE00  }
0x244: {  	s2 =	simm.s32 $0x0;
	[bflag:$0x0] =	sbarrier.arrive $0xFFFF  }
.LBB2_12:
0x245: {  	s0 =	sshll.u32 s2, $0x6  }
0x246: {  	s0 =	sadd.s32 s9, s0  }
0x247: {  	s0 =	sshrl.u32 s0, $0x3  }
0x248: {  	s4 =	sadd.s32 s1, s0  }
0x249: {  	[tilespmem:s11], [sflag:$0x3] =	stream.linear.gather [hbm4b:s4+s5], $0x20, $0x38;
	[tilespmem:$0x1BD00] =	vst v63  }
0x24a: {  	_ =	swait.ge [sflag:s23], $0x20  }
0x24b: {  	[sflag:s23] =	ssyncset.done $0x0  }
0x24c: {  	s10 =	sadd.s32 s8, s0;
	[sflag:s23] =	ssyncadd.s32 $0xFFFFFFE0  }
0x24d: {  	[tilespmem:s12], [sflag:$0x3] =	stream.linear.gather [hbm4b:s10+s5], $0x20, $0x38;
	[tilespmem:$0x1BD00] =	vst v63  }
0x24e: {  	_ =	swait.ge [sflag:s23], $0x20  }
0x24f: {  	[sflag:s23] =	ssyncset.done $0x0  }
0x250: {  	[sflag:s23] =	ssyncadd.s32 $0xFFFFFFE0  }
0x251: {  	v4 =	vld [tilespmem:$0x17C00]  }
0x252: {  	v5 =	vld [tilespmem:$0x17C20]  }
0x253: {  	v6 =	vld [tilespmem:$0x17C10]  }
0x254: {  	v7 =	vld [tilespmem:$0x17C30];
	_ =	sdelay $0x1  }
0x255: {  	v4 =	vshll.u32 v4, $0x2  }
0x256: {  	v5 =	vshll.u32 v5, $0x2;
	v4 =	vor.u32 v2, v4  }
0x257: {  	[tilespmem:$0x17C40] =	vst v4;
	v4 =	vor.u32 v2, v5;
	v5 =	vshll.u32 v6, $0x2  }
0x258: {  	[tilespmem:$0x17C60] =	vst v4;
	v4 =	vor.u32 v2, v5;
	v5 =	vshll.u32 v7, $0x2  }
0x259: {  	[tilespmem:$0x17C50] =	vst v4;
	v4 =	vor.u32 v2, v5  }
0x25a: {  	[tilespmem:$0x17C70] =	vst v4  }
0x25b: {  	[tilespmem:s15], [sflag:$0x1] =	stream.indirect.gather [hbm4b:s6+s13], $0x80, s14, s13, $0xb8;
	[tilespmem:$0x1BD00] =	vst v63  }
0x25c: {  	s0 =	sor.u32 $0x4, s0  }
0x25d: {  	[tilespmem:s17], [sflag:$0x1] =	stream.indirect.gather [hbm4b:s7+s13], $0x80, s16, s13, $0xb8;
	[tilespmem:$0x1BD00] =	vst v63  }
0x25e: {  	s10 =	sadd.s32 s1, s0  }
0x25f: {  	[tilespmem:s18], [sflag:$0x3] =	stream.linear.gather [hbm4b:s10+s5], $0x20, $0x38;
	[tilespmem:$0x1BD00] =	vst v63  }
0x260: {  	_ =	swait.ge [sflag:s23], $0x20  }
0x261: {  	[sflag:s23] =	ssyncset.done $0x0  }
0x262: {  	s0 =	sadd.s32 s8, s0;
	[sflag:s23] =	ssyncadd.s32 $0xFFFFFFE0  }
0x263: {  	[tilespmem:s21], [sflag:$0x3] =	stream.linear.gather [hbm4b:s0+s5], $0x20, $0x38;
	[tilespmem:$0x1BD00] =	vst v63  }
0x264: {  	_ =	swait.ge [sflag:s23], $0x20  }
0x265: {  	[sflag:s23] =	ssyncset.done $0x0  }
0x266: {  	[sflag:s23] =	ssyncadd.s32 $0xFFFFFFE0  }
0x267: {  	v4 =	vld [tilespmem:$0x19C80]  }
0x268: {  	v5 =	vld [tilespmem:$0x19CA0]  }
0x269: {  	v6 =	vld [tilespmem:$0x19C90]  }
0x26a: {  	v7 =	vld [tilespmem:$0x19CB0];
	_ =	sdelay $0x1  }
0x26b: {  	v4 =	vshll.u32 v4, $0x2  }
0x26c: {  	v5 =	vshll.u32 v5, $0x2;
	v4 =	vor.u32 v2, v4  }
0x26d: {  	[tilespmem:$0x19CC0] =	vst v4;
	v4 =	vor.u32 v2, v5;
	v5 =	vshll.u32 v6, $0x2  }
0x26e: {  	[tilespmem:$0x19CE0] =	vst v4;
	v4 =	vor.u32 v2, v5;
	v5 =	vshll.u32 v7, $0x2  }
0x26f: {  	[tilespmem:$0x19CD0] =	vst v4;
	v4 =	vor.u32 v2, v5  }
0x270: {  	[tilespmem:$0x19CF0] =	vst v4  }
0x271: {  	[tilespmem:s25], [sflag:$0x2] =	stream.indirect.gather [hbm4b:s6+s13], $0x80, s24, s13, $0xb8;
	[tilespmem:$0x1BD00] =	vst v63  }
0x272: {  	_ = 	snop  }
0x273: {  	[tilespmem:s28], [sflag:$0x2] =	stream.indirect.gather [hbm4b:s7+s13], $0x80, s26, s13, $0xb8;
	[tilespmem:$0x1BD00] =	vst v63  }
0x274: {  	_ =	swait.ge [sflag:s29], $0x1000  }
0x275: {  	[sflag:s29] =	ssyncset.done $0x0  }
0x276: {  	[sflag:s29] =	ssyncadd.s32 $0xFFFFF000  }
0x277: {  	_ =	swait.ge [sflag:s29], $0x1000  }
0x278: {  	[sflag:s29] =	ssyncset.done $0x0  }
0x279: {  	[sflag:s29] =	ssyncadd.s32 $0xFFFFF000  }
0x27a: {  	v4 =	vld [tilespmem:s19+$0x17A40]  }
0x27b: {  	v5 =	vld [tilespmem:s19+$0x17A30]  }
0x27c: {  	s4 =	simm.s32 $0x0;
	v6 =	vld [tilespmem:s19+$0x17A10]  }
0x27d: {  	v7 =	vld [tilespmem:s4+$0x17C90]  }
0x27e: {  	v8 =	vld [tilespmem:s4+$0x18C90]  }
0x27f: {  	v9 =	vld [tilespmem:s4+$0x17C80]  }
0x280: {  	v10 =	vld [tilespmem:s4+$0x18C80]  }
0x281: {  	v11 =	vld [tilespmem:s19+$0x17A00]  }
0x282: {  	v12 =	vld [tilespmem:s4+$0x18CA0]  }
0x283: {  	v13 =	vld [tilespmem:s4+$0x17CA0]  }
0x284: {  	v14 =	vld [tilespmem:s4+$0x18CB0]  }
0x285: {  	v15 =	vld [tilespmem:s4+$0x17CB0];
	v10 =	vadd.f32 v10, v9  }
0x286: {  	v16 =	vld [tilespmem:s4+$0x18CC0]  }
0x287: {  	v17 =	vld [tilespmem:s4+$0x17CC0];
	v7 =	vadd.f32 v8, v7;
	v47 =	vmul.f32 $2.000000030e-01, v10  }
0x288: {  	v18 =	vld [tilespmem:s19+$0x17A20];
	vm0 =	vgt.f32 v10, $0.0e+00  }
0x289: {  	v49 =	vld [tilespmem:s4+$0x18CD0];
	v12 =	vadd.f32 v12, v13;
	v48 =	vmul.f32 $2.000000030e-01, v7;
	v8 =	vsel vm0, v10, v47  }
0x28a: {  	v50 =	vld [tilespmem:s4+$0x17CD0];
	vm9 =	vgt.f32 v7, $0.0e+00;
	v8 =	vmul.f32 v8, v11  }
0x28b: {  	v52 =	vld [tilespmem:s4+$0x18CE0];
	v14 =	vadd.f32 v14, v15;
	v51 =	vmul.f32 $2.000000030e-01, v12;
	v7 =	vsel vm9, v7, v48  }
0x28c: {  	v53 =	vld [tilespmem:s4+$0x17CE0];
	vm10 =	vgt.f32 v12, $0.0e+00;
	v6 =	vmul.f32 v7, v6;
	v7 =	vadd.f32 $0.0e+00, v8  }
0x28d: {  	v55 =	vld [tilespmem:s4+$0x18CF0];
	v16 =	vadd.f32 v16, v17;
	v54 =	vmul.f32 $2.000000030e-01, v14;
	v12 =	vsel vm10, v12, v51  }
0x28e: {  	vm11 =	vgt.f32 v14, $0.0e+00;
	v12 =	vmul.f32 v12, v18;
	v6 =	vadd.f32 v6, v7;
	v7 =	vld [tilespmem:s4+$0x17CF0]  }
0x28f: {  	v57 =	vld [tilespmem:s19+$0x17A50];
	v56 =	vmul.f32 $2.000000030e-01, v16;
	v13 =	vsel vm11, v14, v54;
	v10 =	vadd.f32 v49, v50  }
0x290: {  	vm12 =	vgt.f32 v16, $0.0e+00;
	v5 =	vmul.f32 v13, v5;
	v6 =	vadd.f32 v12, v6  }
0x291: {  	v60 =	vld [tilespmem:s19+$0x17A60];
	v58 =	vsel vm12, v16, v56;
	v59 =	vmul.f32 $2.000000030e-01, v10;
	v8 =	vadd.f32 v52, v53  }
0x292: {  	v4 =	vmul.f32 v58, v4;
	vm13 =	vgt.f32 v10, $0.0e+00;
	v5 =	vadd.f32 v5, v6  }
0x293: {  	v62 =	vld [tilespmem:s19+$0x17A70];
	v61 =	vmul.f32 $2.000000030e-01, v8;
	v6 =	vsel vm13, v10, v59;
	v7 =	vadd.f32 v55, v7  }
0x294: {  	vm14 =	vgt.f32 v8, $0.0e+00;
	v4 =	vadd.f32 v4, v5;
	v5 =	vmul.f32 v6, v57  }
0x295: {  	v6 =	vsel vm14, v8, v61;
	v63 =	vmul.f32 $2.000000030e-01, v7  }
0x296: {  	vm15 =	vgt.f32 v7, $0.0e+00;
	v4 =	vadd.f32 v5, v4;
	v5 =	vmul.f32 v6, v60  }
0x297: {  	v6 =	vsel vm15, v7, v63  }
0x298: {  	v4 =	vadd.f32 v5, v4;
	v5 =	vmul.f32 v6, v62;
	_ =	sdelay $0x1  }
0x299: {  	v4 =	vadd.f32 v5, v4;
	_ =	sdelay $0x1  }
0x29a: {  	(xrf2) =	vadd.scan.msk.f32 $0xffff, v4;
	_ =	sdelay $0x9  }
0x29b: {  	v4, _, _ =	vpop (xrf2)  }
0x29c: {  	v4 =	vmul.f32 $1.442695020e+00, v4;
	_ =	sdelay $0x1  }
0x29d: {  	v4 =	vbroadcast v4, $0xF;
	_ =	sdelay $0x1  }
0x29e: {  	(erf) = vpow2.f32 v4;
	_ =	sdelay $0x8  }
0x29f: {  	v4 =	vpop (erf)  }
0x2a0: {  	v5 =	vmul.f32 v4, v9  }
0x2a1: {  	s10 =	simm.s32 $0x16840  }
0x2a2: {  	[tilespmem:s10+$0xFFFFFFC0] =	vst v5  }
0x2a3: {  	v5 =	vld [tilespmem:s4+$0x17C90];
	_ =	sdelay $0x4  }
0x2a4: {  	v5 =	vmul.f32 v4, v5;
	_ =	sdelay $0x1  }
0x2a5: {  	[tilespmem:s10+$0xFFFFFFD0] =	vst v5  }
0x2a6: {  	v5 =	vld [tilespmem:s4+$0x17CA0];
	_ =	sdelay $0x4  }
0x2a7: {  	v5 =	vmul.f32 v4, v5;
	_ =	sdelay $0x1  }
0x2a8: {  	[tilespmem:s10+$0xFFFFFFE0] =	vst v5  }
0x2a9: {  	v5 =	vld [tilespmem:s4+$0x17CB0];
	_ =	sdelay $0x4  }
0x2aa: {  	v5 =	vmul.f32 v4, v5;
	_ =	sdelay $0x1  }
0x2ab: {  	[tilespmem:s10+$0xFFFFFFF0] =	vst v5  }
0x2ac: {  	v5 =	vld [tilespmem:s4+$0x17CC0];
	_ =	sdelay $0x4  }
0x2ad: {  	v5 =	vmul.f32 v4, v5;
	_ =	sdelay $0x1  }
0x2ae: {  	[tilespmem:s10+$0x0] =	vst v5  }
0x2af: {  	v5 =	vld [tilespmem:s4+$0x17CD0];
	_ =	sdelay $0x4  }
0x2b0: {  	v5 =	vmul.f32 v5, v4;
	_ =	sdelay $0x1  }
0x2b1: {  	[tilespmem:s10+$0x10] =	vst v5  }
0x2b2: {  	v5 =	vld [tilespmem:s4+$0x17CE0];
	_ =	sdelay $0x4  }
0x2b3: {  	v5 =	vmul.f32 v5, v4;
	_ =	sdelay $0x1  }
0x2b4: {  	v6 =	vmul.f32 v3, v4;
	[tilespmem:s10+$0x20] =	vst v5  }
0x2b5: {  	v5 =	vld [tilespmem:s4+$0x17CF0]  }
0x2b6: {  	s31 =	simm.s32 $0x200;
	s0 =	simm.s32 $0x16840;
	[tilespmem:s10+$0x40] =	vst v6  }
.LBB2_13:
0x2b7: {  	_ = 	snop  }
0x2b8: {  	p0 =	sne.s32 s31, $0x3E00  }
0x2b9: {  	s10 =	sadd.s32 $0x90, s10;
	s4 =	smov.u32 s31;
	s31 =	sadd.s32 $0x200, s31  }
0x2ba: {  	v4 =	vmul.f32 v5, v4;
	_ =	sdelay $0x1  }
0x2bb: {  	[tilespmem:s0+$0x30] =	vst v4;
	s0 =	smov.u32 s10  }
0x2bc: {  	v4 =	vld [tilespmem:s19+$0x17A40]  }
0x2bd: {  	v5 =	vld [tilespmem:s19+$0x17A30]  }
0x2be: {  	s4 =	sshra.s32 s4, $0x2;
	v6 =	vld [tilespmem:s19+$0x17A10]  }
0x2bf: {  	v7 =	vld [tilespmem:s4+$0x17C90]  }
0x2c0: {  	v8 =	vld [tilespmem:s4+$0x18C90]  }
0x2c1: {  	v9 =	vld [tilespmem:s4+$0x17C80]  }
0x2c2: {  	v10 =	vld [tilespmem:s4+$0x18C80]  }
0x2c3: {  	v11 =	vld [tilespmem:s19+$0x17A00]  }
0x2c4: {  	v12 =	vld [tilespmem:s4+$0x18CA0]  }
0x2c5: {  	v13 =	vld [tilespmem:s4+$0x17CA0]  }
0x2c6: {  	v7 =	vadd.f32 v8, v7;
	v8 =	vld [tilespmem:s4+$0x18CB0]  }
0x2c7: {  	v10 =	vadd.f32 v10, v9;
	v14 =	vld [tilespmem:s4+$0x17CB0]  }
0x2c8: {  	v15 =	vmul.f32 $2.000000030e-01, v7;
	v16 =	vld [tilespmem:s4+$0x18CC0]  }
0x2c9: {  	vm1 =	vgt.f32 v7, $0.0e+00;
	vm0 =	vgt.f32 v10, $0.0e+00;
	v17 =	vmul.f32 $2.000000030e-01, v10;
	v18 =	vld [tilespmem:s4+$0x17CC0]  }
0x2ca: {  	v7 =	vsel vm1, v7, v15;
	v12 =	vadd.f32 v12, v13;
	v13 =	vld [tilespmem:s19+$0x17A20]  }
0x2cb: {  	v10 =	vsel vm0, v10, v17;
	v15 =	vld [tilespmem:s4+$0x18CD0]  }
0x2cc: {  	v10 =	vmul.f32 v10, v11;
	v11 =	vmul.f32 $2.000000030e-01, v12;
	v8 =	vadd.f32 v8, v14;
	v14 =	vld [tilespmem:s4+$0x17CD0]  }
0x2cd: {  	v6 =	vmul.f32 v7, v6;
	vm0 =	vgt.f32 v12, $0.0e+00;
	v7 =	vld [tilespmem:s4+$0x18CE0]  }
0x2ce: {  	v10 =	vadd.f32 $0.0e+00, v10;
	v11 =	vsel vm0, v12, v11;
	v12 =	vmul.f32 $2.000000030e-01, v8;
	v17 =	vld [tilespmem:s4+$0x17CE0]  }
0x2cf: {  	vm0 =	vgt.f32 v8, $0.0e+00;
	v11 =	vmul.f32 v11, v13;
	v13 =	vadd.f32 v16, v18;
	v16 =	vld [tilespmem:s4+$0x18CF0]  }
0x2d0: {  	v6 =	vadd.f32 v6, v10;
	v8 =	vsel vm0, v8, v12;
	v10 =	vld [tilespmem:s4+$0x17CF0]  }
0x2d1: {  	v5 =	vmul.f32 v8, v5;
	v8 =	vmul.f32 $2.000000030e-01, v13;
	v12 =	vadd.f32 v15, v14;
	v14 =	vld [tilespmem:s19+$0x17A50]  }
0x2d2: {  	vm0 =	vgt.f32 v13, $0.0e+00;
	v6 =	vadd.f32 v11, v6  }
0x2d3: {  	v8 =	vsel vm0, v13, v8;
	v11 =	vmul.f32 $2.000000030e-01, v12;
	v7 =	vadd.f32 v7, v17;
	v13 =	vld [tilespmem:s19+$0x17A60]  }
0x2d4: {  	vm0 =	vgt.f32 v12, $0.0e+00;
	v5 =	vadd.f32 v5, v6;
	v4 =	vmul.f32 v8, v4  }
0x2d5: {  	v6 =	vsel vm0, v12, v11;
	v8 =	vmul.f32 $2.000000030e-01, v7;
	v10 =	vadd.f32 v16, v10;
	v11 =	vld [tilespmem:s19+$0x17A70]  }
0x2d6: {  	vm0 =	vgt.f32 v7, $0.0e+00;
	v4 =	vadd.f32 v4, v5;
	v5 =	vmul.f32 v6, v14  }
0x2d7: {  	v6 =	vsel vm0, v7, v8;
	v7 =	vmul.f32 $2.000000030e-01, v10  }
0x2d8: {  	vm0 =	vgt.f32 v10, $0.0e+00;
	v4 =	vadd.f32 v5, v4;
	v5 =	vmul.f32 v6, v13  }
0x2d9: {  	v6 =	vsel vm0, v10, v7  }
0x2da: {  	v4 =	vadd.f32 v5, v4;
	v5 =	vmul.f32 v6, v11;
	_ =	sdelay $0x1  }
0x2db: {  	v4 =	vadd.f32 v5, v4;
	_ =	sdelay $0x1  }
0x2dc: {  	(xrf2) =	vadd.scan.msk.f32 $0xffff, v4;
	_ =	sdelay $0x9  }
0x2dd: {  	v4, _, _ =	vpop (xrf2)  }
0x2de: {  	v4 =	vmul.f32 $1.442695020e+00, v4;
	_ =	sdelay $0x1  }
0x2df: {  	v4 =	vbroadcast v4, $0xF;
	_ =	sdelay $0x1  }
0x2e0: {  	(erf) = vpow2.f32 v4;
	_ =	sdelay $0x8  }
0x2e1: {  	v4 =	vpop (erf)  }
0x2e2: {  	v5 =	vmul.f32 v4, v9;
	_ =	sdelay $0x1  }
0x2e3: {  	[tilespmem:s10+$0xFFFFFFC0] =	vst v5  }
0x2e4: {  	v5 =	vld [tilespmem:s4+$0x17C90];
	_ =	sdelay $0x4  }
0x2e5: {  	v5 =	vmul.f32 v4, v5;
	_ =	sdelay $0x1  }
0x2e6: {  	[tilespmem:s10+$0xFFFFFFD0] =	vst v5  }
0x2e7: {  	v5 =	vld [tilespmem:s4+$0x17CA0];
	_ =	sdelay $0x4  }
0x2e8: {  	v5 =	vmul.f32 v4, v5;
	_ =	sdelay $0x1  }
0x2e9: {  	[tilespmem:s10+$0xFFFFFFE0] =	vst v5  }
0x2ea: {  	v5 =	vld [tilespmem:s4+$0x17CB0];
	_ =	sdelay $0x4  }
0x2eb: {  	v5 =	vmul.f32 v4, v5;
	_ =	sdelay $0x1  }
0x2ec: {  	[tilespmem:s10+$0xFFFFFFF0] =	vst v5  }
0x2ed: {  	v5 =	vld [tilespmem:s4+$0x17CC0];
	_ =	sdelay $0x4  }
0x2ee: {  	v5 =	vmul.f32 v4, v5;
	_ =	sdelay $0x1  }
0x2ef: {  	[tilespmem:s10+$0x0] =	vst v5  }
0x2f0: {  	v5 =	vld [tilespmem:s4+$0x17CD0];
	_ =	sdelay $0x4  }
0x2f1: {  	v5 =	vmul.f32 v5, v4;
	_ =	sdelay $0x1  }
0x2f2: {  	[tilespmem:s10+$0x10] =	vst v5  }
0x2f3: {  	v5 =	vld [tilespmem:s4+$0x17CE0];
	_ =	sdelay $0x4  }
.Ltmp5:
0x2f4: {  	v5 =	vmul.f32 v5, v4;
	(pc) =	sbr.rel @p0 .LBB2_13-.Ltmp5, $4  }
0x2f5: {  	_ = 	snop  }
0x2f6: {  	v6 =	vmul.f32 v3, v4;
	[tilespmem:s10+$0x20] =	vst v5  }
0x2f7: {  	v5 =	vld [tilespmem:s4+$0x17CF0]  }
0x2f8: {  	[tilespmem:s10+$0x40] =	vst v6  }
0x2f9: {  	_ =	sdelay $0x2  }
0x2fa: {  	v4 =	vmul.f32 v5, v4;
	_ =	sdelay $0x1  }
0x2fb: {  	[tilespmem:s0+$0x30] =	vst v4  }
0x2fc: {  	[spmem:s3] =	stream.indirect.scatter.add.f32 [tilespmem:s20], [sflag:$0x3], $0x90, s12, s13, $0xb8;
	[tilespmem:$0x1BD00] =	vst v63  }
0x2fd: {  	_ =	swait.ge [sflag:s23], $0x1200  }
0x2fe: {  	[sflag:s23] =	ssyncset.done $0x0  }
0x2ff: {  	[sflag:s23] =	ssyncadd.s32 $0xFFFFEE00  }
0x300: {  	_ =	swait.ge [sflag:s30], $0x1000  }
0x301: {  	[sflag:s30] =	ssyncset.done $0x0  }
0x302: {  	[sflag:s30] =	ssyncadd.s32 $0xFFFFF000  }
0x303: {  	_ =	swait.ge [sflag:s30], $0x1000  }
0x304: {  	[sflag:s30] =	ssyncset.done $0x0  }
0x305: {  	[sflag:s30] =	ssyncadd.s32 $0xFFFFF000  }
0x306: {  	v4 =	vld [tilespmem:s19+$0x17A40]  }
0x307: {  	v5 =	vld [tilespmem:s19+$0x17A30]  }
0x308: {  	s4 =	simm.s32 $0x0;
	v6 =	vld [tilespmem:s19+$0x17A10]  }
0x309: {  	v7 =	vld [tilespmem:s4+$0x19D10]  }
0x30a: {  	v8 =	vld [tilespmem:s4+$0x1AD10]  }
0x30b: {  	v9 =	vld [tilespmem:s4+$0x19D00]  }
0x30c: {  	v10 =	vld [tilespmem:s4+$0x1AD00]  }
0x30d: {  	v11 =	vld [tilespmem:s19+$0x17A00]  }
0x30e: {  	v12 =	vld [tilespmem:s4+$0x1AD20]  }
0x30f: {  	v13 =	vld [tilespmem:s4+$0x19D20]  }
0x310: {  	v14 =	vld [tilespmem:s4+$0x1AD30]  }
0x311: {  	v15 =	vld [tilespmem:s4+$0x19D30];
	v10 =	vadd.f32 v10, v9  }
0x312: {  	v16 =	vld [tilespmem:s4+$0x1AD40]  }
0x313: {  	v17 =	vld [tilespmem:s4+$0x19D40];
	v7 =	vadd.f32 v8, v7;
	v47 =	vmul.f32 $2.000000030e-01, v10  }
0x314: {  	v18 =	vld [tilespmem:s19+$0x17A20];
	vm0 =	vgt.f32 v10, $0.0e+00  }
0x315: {  	v49 =	vld [tilespmem:s4+$0x1AD50];
	v12 =	vadd.f32 v12, v13;
	v48 =	vmul.f32 $2.000000030e-01, v7;
	v8 =	vsel vm0, v10, v47  }
0x316: {  	v50 =	vld [tilespmem:s4+$0x19D50];
	vm9 =	vgt.f32 v7, $0.0e+00;
	v8 =	vmul.f32 v8, v11  }
0x317: {  	v52 =	vld [tilespmem:s4+$0x1AD60];
	v14 =	vadd.f32 v14, v15;
	v51 =	vmul.f32 $2.000000030e-01, v12;
	v7 =	vsel vm9, v7, v48  }
0x318: {  	v53 =	vld [tilespmem:s4+$0x19D60];
	vm10 =	vgt.f32 v12, $0.0e+00;
	v6 =	vmul.f32 v7, v6;
	v7 =	vadd.f32 $0.0e+00, v8  }
0x319: {  	v55 =	vld [tilespmem:s4+$0x1AD70];
	v16 =	vadd.f32 v16, v17;
	v54 =	vmul.f32 $2.000000030e-01, v14;
	v12 =	vsel vm10, v12, v51  }
0x31a: {  	vm11 =	vgt.f32 v14, $0.0e+00;
	v12 =	vmul.f32 v12, v18;
	v6 =	vadd.f32 v6, v7;
	v7 =	vld [tilespmem:s4+$0x19D70]  }
0x31b: {  	v57 =	vld [tilespmem:s19+$0x17A50];
	v56 =	vmul.f32 $2.000000030e-01, v16;
	v13 =	vsel vm11, v14, v54;
	v10 =	vadd.f32 v49, v50  }
0x31c: {  	vm12 =	vgt.f32 v16, $0.0e+00;
	v5 =	vmul.f32 v13, v5;
	v6 =	vadd.f32 v12, v6  }
0x31d: {  	v60 =	vld [tilespmem:s19+$0x17A60];
	v58 =	vsel vm12, v16, v56;
	v59 =	vmul.f32 $2.000000030e-01, v10;
	v8 =	vadd.f32 v52, v53  }
0x31e: {  	v4 =	vmul.f32 v58, v4;
	vm13 =	vgt.f32 v10, $0.0e+00;
	v5 =	vadd.f32 v5, v6  }
0x31f: {  	v62 =	vld [tilespmem:s19+$0x17A70];
	v61 =	vmul.f32 $2.000000030e-01, v8;
	v6 =	vsel vm13, v10, v59;
	v7 =	vadd.f32 v55, v7  }
0x320: {  	vm14 =	vgt.f32 v8, $0.0e+00;
	v4 =	vadd.f32 v4, v5;
	v5 =	vmul.f32 v6, v57  }
0x321: {  	v6 =	vsel vm14, v8, v61;
	v63 =	vmul.f32 $2.000000030e-01, v7  }
0x322: {  	vm15 =	vgt.f32 v7, $0.0e+00;
	v4 =	vadd.f32 v5, v4;
	v5 =	vmul.f32 v6, v60  }
0x323: {  	v6 =	vsel vm15, v7, v63  }
0x324: {  	v4 =	vadd.f32 v5, v4;
	v5 =	vmul.f32 v6, v62;
	_ =	sdelay $0x1  }
0x325: {  	v4 =	vadd.f32 v5, v4;
	_ =	sdelay $0x1  }
0x326: {  	(xrf2) =	vadd.scan.msk.f32 $0xffff, v4;
	_ =	sdelay $0x9  }
0x327: {  	v4, _, _ =	vpop (xrf2)  }
0x328: {  	v4 =	vmul.f32 $1.442695020e+00, v4;
	_ =	sdelay $0x1  }
0x329: {  	v4 =	vbroadcast v4, $0xF;
	_ =	sdelay $0x1  }
0x32a: {  	(erf) = vpow2.f32 v4;
	_ =	sdelay $0x8  }
0x32b: {  	v4 =	vpop (erf)  }
0x32c: {  	v5 =	vmul.f32 v4, v9  }
0x32d: {  	s10 =	simm.s32 $0x16840  }
0x32e: {  	[tilespmem:s10+$0xFFFFFFC0] =	vst v5  }
0x32f: {  	v5 =	vld [tilespmem:s4+$0x19D10];
	_ =	sdelay $0x4  }
0x330: {  	v5 =	vmul.f32 v4, v5;
	_ =	sdelay $0x1  }
0x331: {  	[tilespmem:s10+$0xFFFFFFD0] =	vst v5  }
0x332: {  	v5 =	vld [tilespmem:s4+$0x19D20];
	_ =	sdelay $0x4  }
0x333: {  	v5 =	vmul.f32 v4, v5;
	_ =	sdelay $0x1  }
0x334: {  	[tilespmem:s10+$0xFFFFFFE0] =	vst v5  }
0x335: {  	v5 =	vld [tilespmem:s4+$0x19D30];
	_ =	sdelay $0x4  }
0x336: {  	v5 =	vmul.f32 v4, v5;
	_ =	sdelay $0x1  }
0x337: {  	[tilespmem:s10+$0xFFFFFFF0] =	vst v5  }
0x338: {  	v5 =	vld [tilespmem:s4+$0x19D40];
	_ =	sdelay $0x4  }
0x339: {  	v5 =	vmul.f32 v4, v5;
	_ =	sdelay $0x1  }
0x33a: {  	[tilespmem:s10+$0x0] =	vst v5  }
0x33b: {  	v5 =	vld [tilespmem:s4+$0x19D50];
	_ =	sdelay $0x4  }
0x33c: {  	v5 =	vmul.f32 v5, v4;
	_ =	sdelay $0x1  }
0x33d: {  	[tilespmem:s10+$0x10] =	vst v5  }
0x33e: {  	v5 =	vld [tilespmem:s4+$0x19D60];
	_ =	sdelay $0x4  }
0x33f: {  	v5 =	vmul.f32 v5, v4;
	_ =	sdelay $0x1  }
0x340: {  	v6 =	vmul.f32 v3, v4;
	[tilespmem:s10+$0x20] =	vst v5  }
0x341: {  	v5 =	vld [tilespmem:s4+$0x19D70]  }
0x342: {  	s31 =	simm.s32 $0x200;
	s0 =	simm.s32 $0x16840;
	[tilespmem:s10+$0x40] =	vst v6  }
.LBB2_15:
0x343: {  	_ = 	snop  }
0x344: {  	p0 =	sne.s32 s31, $0x3E00  }
0x345: {  	s10 =	sadd.s32 $0x90, s10;
	s4 =	smov.u32 s31;
	s31 =	sadd.s32 $0x200, s31  }
0x346: {  	v4 =	vmul.f32 v5, v4;
	_ =	sdelay $0x1  }
0x347: {  	[tilespmem:s0+$0x30] =	vst v4;
	s0 =	smov.u32 s10  }
0x348: {  	v4 =	vld [tilespmem:s19+$0x17A40]  }
0x349: {  	v5 =	vld [tilespmem:s19+$0x17A30]  }
0x34a: {  	s4 =	sshra.s32 s4, $0x2;
	v6 =	vld [tilespmem:s19+$0x17A10]  }
0x34b: {  	v7 =	vld [tilespmem:s4+$0x19D10]  }
0x34c: {  	v8 =	vld [tilespmem:s4+$0x1AD10]  }
0x34d: {  	v9 =	vld [tilespmem:s4+$0x19D00]  }
0x34e: {  	v10 =	vld [tilespmem:s4+$0x1AD00]  }
0x34f: {  	v11 =	vld [tilespmem:s19+$0x17A00]  }
0x350: {  	v12 =	vld [tilespmem:s4+$0x1AD20]  }
0x351: {  	v13 =	vld [tilespmem:s4+$0x19D20]  }
0x352: {  	v7 =	vadd.f32 v8, v7;
	v8 =	vld [tilespmem:s4+$0x1AD30]  }
0x353: {  	v10 =	vadd.f32 v10, v9;
	v14 =	vld [tilespmem:s4+$0x19D30]  }
0x354: {  	v15 =	vmul.f32 $2.000000030e-01, v7;
	v16 =	vld [tilespmem:s4+$0x1AD40]  }
0x355: {  	vm1 =	vgt.f32 v7, $0.0e+00;
	vm0 =	vgt.f32 v10, $0.0e+00;
	v17 =	vmul.f32 $2.000000030e-01, v10;
	v18 =	vld [tilespmem:s4+$0x19D40]  }
0x356: {  	v7 =	vsel vm1, v7, v15;
	v12 =	vadd.f32 v12, v13;
	v13 =	vld [tilespmem:s19+$0x17A20]  }
0x357: {  	v10 =	vsel vm0, v10, v17;
	v15 =	vld [tilespmem:s4+$0x1AD50]  }
0x358: {  	v10 =	vmul.f32 v10, v11;
	v11 =	vmul.f32 $2.000000030e-01, v12;
	v8 =	vadd.f32 v8, v14;
	v14 =	vld [tilespmem:s4+$0x19D50]  }
0x359: {  	v6 =	vmul.f32 v7, v6;
	vm0 =	vgt.f32 v12, $0.0e+00;
	v7 =	vld [tilespmem:s4+$0x1AD60]  }
0x35a: {  	v10 =	vadd.f32 $0.0e+00, v10;
	v11 =	vsel vm0, v12, v11;
	v12 =	vmul.f32 $2.000000030e-01, v8;
	v17 =	vld [tilespmem:s4+$0x19D60]  }
0x35b: {  	vm0 =	vgt.f32 v8, $0.0e+00;
	v11 =	vmul.f32 v11, v13;
	v13 =	vadd.f32 v16, v18;
	v16 =	vld [tilespmem:s4+$0x1AD70]  }
0x35c: {  	v6 =	vadd.f32 v6, v10;
	v8 =	vsel vm0, v8, v12;
	v10 =	vld [tilespmem:s4+$0x19D70]  }
0x35d: {  	v5 =	vmul.f32 v8, v5;
	v8 =	vmul.f32 $2.000000030e-01, v13;
	v12 =	vadd.f32 v15, v14;
	v14 =	vld [tilespmem:s19+$0x17A50]  }
0x35e: {  	vm0 =	vgt.f32 v13, $0.0e+00;
	v6 =	vadd.f32 v11, v6  }
0x35f: {  	v8 =	vsel vm0, v13, v8;
	v11 =	vmul.f32 $2.000000030e-01, v12;
	v7 =	vadd.f32 v7, v17;
	v13 =	vld [tilespmem:s19+$0x17A60]  }
0x360: {  	vm0 =	vgt.f32 v12, $0.0e+00;
	v5 =	vadd.f32 v5, v6;
	v4 =	vmul.f32 v8, v4  }
0x361: {  	v6 =	vsel vm0, v12, v11;
	v8 =	vmul.f32 $2.000000030e-01, v7;
	v10 =	vadd.f32 v16, v10;
	v11 =	vld [tilespmem:s19+$0x17A70]  }
0x362: {  	vm0 =	vgt.f32 v7, $0.0e+00;
	v4 =	vadd.f32 v4, v5;
	v5 =	vmul.f32 v6, v14  }
0x363: {  	v6 =	vsel vm0, v7, v8;
	v7 =	vmul.f32 $2.000000030e-01, v10  }
0x364: {  	vm0 =	vgt.f32 v10, $0.0e+00;
	v4 =	vadd.f32 v5, v4;
	v5 =	vmul.f32 v6, v13  }
0x365: {  	v6 =	vsel vm0, v10, v7  }
0x366: {  	v4 =	vadd.f32 v5, v4;
	v5 =	vmul.f32 v6, v11;
	_ =	sdelay $0x1  }
0x367: {  	v4 =	vadd.f32 v5, v4;
	_ =	sdelay $0x1  }
0x368: {  	(xrf2) =	vadd.scan.msk.f32 $0xffff, v4;
	_ =	sdelay $0x9  }
0x369: {  	v4, _, _ =	vpop (xrf2)  }
0x36a: {  	v4 =	vmul.f32 $1.442695020e+00, v4;
	_ =	sdelay $0x1  }
0x36b: {  	v4 =	vbroadcast v4, $0xF;
	_ =	sdelay $0x1  }
0x36c: {  	(erf) = vpow2.f32 v4;
	_ =	sdelay $0x8  }
0x36d: {  	v4 =	vpop (erf)  }
0x36e: {  	v5 =	vmul.f32 v4, v9;
	_ =	sdelay $0x1  }
0x36f: {  	[tilespmem:s10+$0xFFFFFFC0] =	vst v5  }
0x370: {  	v5 =	vld [tilespmem:s4+$0x19D10];
	_ =	sdelay $0x4  }
0x371: {  	v5 =	vmul.f32 v4, v5;
	_ =	sdelay $0x1  }
0x372: {  	[tilespmem:s10+$0xFFFFFFD0] =	vst v5  }
0x373: {  	v5 =	vld [tilespmem:s4+$0x19D20];
	_ =	sdelay $0x4  }
0x374: {  	v5 =	vmul.f32 v4, v5;
	_ =	sdelay $0x1  }
0x375: {  	[tilespmem:s10+$0xFFFFFFE0] =	vst v5  }
0x376: {  	v5 =	vld [tilespmem:s4+$0x19D30];
	_ =	sdelay $0x4  }
0x377: {  	v5 =	vmul.f32 v4, v5;
	_ =	sdelay $0x1  }
0x378: {  	[tilespmem:s10+$0xFFFFFFF0] =	vst v5  }
0x379: {  	v5 =	vld [tilespmem:s4+$0x19D40];
	_ =	sdelay $0x4  }
0x37a: {  	v5 =	vmul.f32 v4, v5;
	_ =	sdelay $0x1  }
0x37b: {  	[tilespmem:s10+$0x0] =	vst v5  }
0x37c: {  	v5 =	vld [tilespmem:s4+$0x19D50];
	_ =	sdelay $0x4  }
0x37d: {  	v5 =	vmul.f32 v5, v4;
	_ =	sdelay $0x1  }
0x37e: {  	[tilespmem:s10+$0x10] =	vst v5  }
0x37f: {  	v5 =	vld [tilespmem:s4+$0x19D60];
	_ =	sdelay $0x4  }
.Ltmp6:
0x380: {  	v5 =	vmul.f32 v5, v4;
	(pc) =	sbr.rel @p0 .LBB2_15-.Ltmp6, $4  }
0x381: {  	_ = 	snop  }
0x382: {  	v6 =	vmul.f32 v3, v4;
	[tilespmem:s10+$0x20] =	vst v5  }
0x383: {  	v5 =	vld [tilespmem:s4+$0x19D70]  }
0x384: {  	[tilespmem:s10+$0x40] =	vst v6  }
0x385: {  	_ =	sdelay $0x2  }
0x386: {  	s2 =	sadd.s32 $0x1, s2;
	v4 =	vmul.f32 v5, v4  }
0x387: {  	p0 =	sne.s32 s2, $0x13B  }
.Ltmp7:
0x388: {  	[tilespmem:s0+$0x30] =	vst v4;
	(pc) =	sbr.rel @p0 .LBB2_12-.Ltmp7, $4  }
0x389: {  	[spmem:s3] =	stream.indirect.scatter.add.f32 [tilespmem:s20], [sflag:$0x3], $0x90, s21, s13, $0xb8;
	[tilespmem:$0x1BD00] =	vst v63  }
0x38a: {  	_ =	swait.ge [sflag:s23], $0x1200  }
0x38b: {  	[sflag:s23] =	ssyncset.done $0x0  }
0x38c: {  	[sflag:s23] =	ssyncadd.s32 $0xFFFFEE00  }
0x38d: {  	[bflag:$0x0] =	sbarrier.arrive $0xFFFF  }
0x38e: {  	s0 =	rddreg [dreg:$0x10]  }
0x38f: {  	s2 =	rddreg [dreg:$0x1d]  }
0x390: {  	s4 =	rddreg [dreg:$0x1e]  }
0x391: {  	[hbm:s0], [sflag:s2] =	dma.local [spmem:s4], $0x2D00  }
0x392: {  	_ =	swait.ge [sflag:s23], $0x2D00  }
0x393: {  	s31 =	rddreg [dreg:$0x5]  }
0x394: {  	s10 =	rddreg [dreg:$0x12];
	s31 =	sadd.s32 $0x1, s31  }
0x395: {  	p0 =	sne.s32 s31, s10  }
.Ltmp8:
0x396: {  	_ = 	snop;
	(pc) =	sbr.rel @p0 .LBB2_1-.Ltmp8, $3  }
0x397: {  	[sflag:s23] =	ssyncset.done $0x0  }
0x398: {  	[sflag:s23] =	ssyncadd.s32 $0xFFFFD300  }
0x399: {  	[bflag:$0x0] =	sbarrier.arrive $0xFFFF;
	_ =	sdelay $0x1  }
0x39a: {  	_ =	sfence.sel $0x180000  }
0x39b: {  	[bflag:$0x0] =	sbarrier.arrive $0xFFFF  }
0x39c: {  	_ =	strace $0x90000047  }
0x39d: {  	s0 =	stileid.u32;
	[bflag:$0x2] =	sbarrier.arrive $0xFFFF  }
0x39e: {  	p0 =	sne.s32 s0, $0x0;
	s0 =	rddreg [dreg:$0x4]  }
0x39f: {  	s0 =	sadd.s32 @!p0 $0x100000, s0  }
0x3a0: {  	[sflag:s0] =	ssyncadd.tile.s32 @!p0 $0x1;
	_ =	shalt  }
.Lfunc_end2:
_tile_overlayer_lowered:
.L_overlay_start_2:
0x3a1: {  	(tag) =	ssettag $0x2  }
0x3a2: {  	s0 =	rddreg [dreg:$0x0];
	s2 =	stileid.u32  }
0x3a3: {  	s1 =	rddreg [dreg:$0x1];
	p0 =	sne.s32 s2, $0x0  }
0x3a4: {  	s3 =	rddreg [dreg:$0x2];
	[bflag:$0x3] =	sbarrier.arrive $0xFFFF;
	s2 =	simm.s32 @!p0 $0x1C03  }
0x3a5: {  	[timem:s3], [sflag:s2] =	dma.local @!p0 [hbm:s0], s1  }
0x3a6: {  	s0 =	simm.s32 @!p0 $0x3  }
0x3a7: {  	_ =	swait.ge @!p0 [sflag:s0], s1  }
0x3a8: {  	s1 =	ssub.s32 @!p0 $0x0, s1;
	[sflag:s0] =	ssyncset.done @!p0 $0x0  }
0x3a9: {  	[sflag:s0] =	ssyncadd.s32 @!p0 s1  }
0x3aa: {  	[bflag:$0x3] =	sbarrier.arrive $0xFFFF  }
0x3ab: {  	_ =	shalt  }

</sc_bundles>
